<compile_context>
chip_gen: v7x
topology: tpu7x:2x2x1
jax: 0.10.2.dev20260603
libtpu: 0.0.44.dev20260713+nightly
codegen_flags: <defaults>
</compile_context>

<pallas_src>
import functools

import jax
import jax.numpy as jnp
from jax import lax
from jax.experimental import pallas as pl
from jax.experimental.pallas import tpu as pltpu
from jax.experimental.pallas import tpu_sc as plsc

N = 10000
E = 320000
G = 64
N_PAD = 10240
NC = 2
NS = 16
NW = NC * NS
CHUNK = 128
CH_EDGES = 80
E_PAD = NW * CH_EDGES * CHUNK
CH_COLS = E_PAD // (NS * CHUNK)
N_CHUNKS = E_PAD // CHUNK
ROWS_PER_TILE = N_PAD // NS


def _sc_agg_body(mode, x_a, x_b, epk, out_hbm,
                 acc, ebuf, rows, se0, se1, se2, se3, sg0, sg1, ss0, ss1):
    c = lax.axis_index("c")
    s = lax.axis_index("s")
    r0 = s * ROWS_PER_TILE
    se = (se0, se1, se2, se3)
    sg = (sg0, sg1)
    ss = (ss0, ss1)

    @pl.when(c == 0)
    def _():
        pltpu.sync_copy(x_a.at[pl.ds(r0, ROWS_PER_TILE)],
                        acc.at[pl.ds(r0, ROWS_PER_TILE)])

    @pl.when(c == 1)
    def _():
        pltpu.sync_copy(x_b.at[pl.ds(r0, ROWS_PER_TILE)],
                        acc.at[pl.ds(r0, ROWS_PER_TILE)])

    plsc.subcore_barrier()

    if mode == "cols":
        j0 = s * CH_COLS
        n_ch = CH_COLS
    else:
        j0 = (c * NS + s) * CH_EDGES
        n_ch = CH_EDGES

    def start_gather(b, e):
        if mode == "cols":
            @pl.when(c == 0)
            def _():
                pltpu.async_copy(x_a.at[ebuf.at[e, 0]], rows.at[b], sg[b])

            @pl.when(c == 1)
            def _():
                pltpu.async_copy(x_b.at[ebuf.at[e, 0]], rows.at[b], sg[b])
        else:
            pltpu.async_copy(x_a.at[ebuf.at[e, 0]], rows.at[b], sg[b])

    def start_scatter(b, e):
        pltpu.async_copy(rows.at[b], acc.at[ebuf.at[e, 1]], ss[b], add=True)

    def prefetch(j, e):
        pltpu.async_copy(epk.at[j0 + j], ebuf.at[e], se[e])

    def drain_e(e):
        pltpu.make_async_copy(epk.at[0], ebuf.at[e], se[e]).wait()

    def drain_g(b):
        pltpu.make_async_copy(x_a.at[pl.ds(0, CHUNK)], rows.at[b],
                              sg[b]).wait()

    def drain_s(b):
        pltpu.make_async_copy(x_a.at[pl.ds(0, CHUNK)], rows.at[b],
                              ss[b]).wait()

    def step(t, b, e, first=False):
        nb = 1 - b
        en = (e + 1) % 4
        ep = (e + 3) % 4
        if not first:
            drain_s(nb)
        drain_e(en)
        start_gather(nb, en)
        prefetch(jnp.minimum(t + 3, n_ch - 1), ep)
        drain_g(b)
        start_scatter(b, e)

    for e in range(3):
        prefetch(e, e)
    drain_e(0)
    start_gather(0, 0)
    for t in range(4):
        step(t, t % 2, t % 4, first=(t == 0))

    def quad(q, carry):
        t0 = q * 4
        for i in range(4):
            step(t0 + i, i % 2, i, first=False)
        return carry

    lax.fori_loop(1, n_ch // 4, quad, 0)
    drain_s(1)
    drain_g(0)
    drain_e(1)
    drain_e(2)
    plsc.subcore_barrier()

    pltpu.sync_copy(acc.at[pl.ds(r0, ROWS_PER_TILE)],
                    out_hbm.at[c, pl.ds(r0, ROWS_PER_TILE)])


def _sc_agg(mode, x_a, x_b, epk):
    mesh = plsc.VectorSubcoreMesh(core_axis_name="c", subcore_axis_name="s")
    fn = pl.kernel(
        functools.partial(_sc_agg_body, mode),
        out_type=jax.ShapeDtypeStruct((2, N_PAD, 128), jnp.float32),
        mesh=mesh,
        scratch_types=[
            pltpu.VMEM_SHARED((N_PAD, 128), jnp.float32),
            pltpu.VMEM((4, 2, CHUNK), jnp.int32),
            pltpu.VMEM((2, CHUNK, 128), jnp.float32),
            pltpu.SemaphoreType.DMA,
            pltpu.SemaphoreType.DMA,
            pltpu.SemaphoreType.DMA,
            pltpu.SemaphoreType.DMA,
            pltpu.SemaphoreType.DMA,
            pltpu.SemaphoreType.DMA,
            pltpu.SemaphoreType.DMA,
            pltpu.SemaphoreType.DMA,
        ],
    )
    return fn(x_a, x_b, epk)


def _tc_mlp_body(mode, last, h_ref, W1_ref, b1_ref, gamma_ref, beta_ref,
                 W2_ref, b2_ref, b2d_ref, Wc_ref, part_ref, *out_refs):
    if mode == "cols":
        h1 = (jnp.dot(h_ref[0], W1_ref[:128], preferred_element_type=jnp.float32)
              + jnp.dot(h_ref[1], W1_ref[128:], preferred_element_type=jnp.float32)
              + b1_ref[...])
    else:
        h1 = (jnp.dot(h_ref[0] + h_ref[1], W1_ref[...],
                      preferred_element_type=jnp.float32) + b1_ref[...])
    v = h1[:N]
    mean = jnp.sum(v, axis=0) / N
    cent = v - mean
    var = jnp.sum(cent * cent, axis=0) / N
    hbn = (h1 - mean) * lax.rsqrt(var + 1e-5) * gamma_ref[...] + beta_ref[...]
    h2 = jnp.maximum(hbn, 0.0)
    h3 = jnp.dot(h2, W2_ref[...], preferred_element_type=jnp.float32) + b2_ref[...]
    h3 = jnp.maximum(h3, 0.0)
    gid = lax.broadcasted_iota(jnp.int32, (N, G), 1)
    P = jnp.where(b2d_ref[...] == gid, 1.0, 0.0)
    p = lax.dot_general(P, h3[:N], (((0,), (0,)), ((), ())),
                        preferred_element_type=jnp.float32)
    part = part_ref[...] + jnp.dot(p, Wc_ref[...],
                                   preferred_element_type=jnp.float32)
    if last:
        out_refs[0][...] = part
    else:
        out_refs[0][...] = h3[:, :128]
        out_refs[1][...] = h3[:, 128:]
        out_refs[2][...] = part


def _tc_mlp(mode, last, h2x, W1, b1, gamma, beta, W2, b2, b2d, Wc, part):
    if last:
        shapes = [jax.ShapeDtypeStruct((G, 128), jnp.float32)]
    else:
        shapes = [jax.ShapeDtypeStruct((N_PAD, 128), jnp.float32),
                  jax.ShapeDtypeStruct((N_PAD, 128), jnp.float32),
                  jax.ShapeDtypeStruct((G, 128), jnp.float32)]
    return pl.pallas_call(
        functools.partial(_tc_mlp_body, mode, last),
        out_shape=shapes,
    )(h2x, W1, b1, gamma, beta, W2, b2, b2d, Wc, part)


def kernel(x, edge_index, batch,
           c1_W1, c1_b1, c1_gamma, c1_beta, c1_W2, c1_b2,
           c2_W1, c2_b1, c2_gamma, c2_beta, c2_W2, c2_b2,
           c3_W1, c3_b1, c3_gamma, c3_beta, c3_W2, c3_b2,
           cls_W, cls_b):
    pad_n = E_PAD - E
    pad_i = jnp.arange(pad_n, dtype=jnp.int32)
    src = jnp.concatenate([edge_index[0], pad_i % N])
    dst = jnp.concatenate([edge_index[1], N + pad_i % (N_PAD - N)])
    epk = jnp.stack([src.reshape(-1, CHUNK), dst.reshape(-1, CHUNK)], axis=1)

    xp = jnp.pad(x, ((0, N_PAD - N), (0, 0)))
    zeros = jnp.zeros((N_PAD, 128), jnp.float32)
    b2d = jnp.broadcast_to(batch[:, None], (N, G))
    W_pad = jnp.pad(cls_W, ((0, 0), (0, 118)))
    part0 = jnp.broadcast_to(jnp.pad(cls_b, ((0, 118)))[None, :], (G, 128))

    a1 = _sc_agg("edges", xp, zeros, epk)
    x1l, x1h, part1 = _tc_mlp("edges", False, a1, c1_W1, c1_b1, c1_gamma,
                              c1_beta, c1_W2, c1_b2, b2d, W_pad[:256], part0)

    a2 = _sc_agg("cols", x1l, x1h, epk)
    x2l, x2h, part2 = _tc_mlp("cols", False, a2, c2_W1, c2_b1, c2_gamma,
                              c2_beta, c2_W2, c2_b2, b2d, W_pad[256:512], part1)

    a3 = _sc_agg("cols", x2l, x2h, epk)
    (logits,) = _tc_mlp("cols", True, a3, c3_W1, c3_b1, c3_gamma,
                        c3_beta, c3_W2, c3_b2, b2d, W_pad[512:], part2)
    return logits[:, :10]

# --- scband reference (transcript-rebuilt; emitter-appended) ---
"""Pipeline reference for scband-classifier-33792802685537 (READ-ONLY COPY).

The authoritative reference and input builder live on the scoring server;
editing this copy changes nothing except your own understanding.
"""

import jax, jax.numpy as jnp
import numpy as np


def _bn(h, gamma, beta, eps=1e-5):
    mean = jnp.mean(h, axis=0)
    var = jnp.var(h, axis=0)
    return (h - mean) / jnp.sqrt(var + eps) * gamma + beta


def _gin_block(x, edge_index, W1, b1, gamma, beta, W2, b2):
    # GINConv with eps=0: nn((1+eps)*x + sum_{j->i} x_j)
    src = edge_index[0]
    dst = edge_index[1]
    agg = jax.ops.segment_sum(jnp.take(x, src, axis=0), dst, num_segments=x.shape[0])
    h = x + agg
    h = h @ W1 + b1
    h = _bn(h, gamma, beta)
    h = jax.nn.relu(h)
    h = h @ W2 + b2
    return h


def setup_inputs(seed: int = 0):
    key = jax.random.key(seed)
    ks = jax.random.split(key, 24)
    N, E, D, H, C, G = 10000, 320000, 128, 256, 10, 64
    inp = {}
    inp['x'] = jax.random.normal(ks[0], (N, D), dtype=jnp.float32)
    inp['edge_index'] = jax.random.randint(ks[1], (2, E), 0, N, dtype=jnp.int32)
    inp['batch'] = jnp.sort(jax.random.randint(ks[2], (N,), 0, G, dtype=jnp.int32))
    # conv1 MLP params (in=D)
    inp['c1_W1'] = jax.random.normal(ks[3], (D, H), dtype=jnp.float32) / np.sqrt(D)
    inp['c1_b1'] = jnp.zeros((H,), dtype=jnp.float32)
    inp['c1_gamma'] = jnp.ones((H,), dtype=jnp.float32)
    inp['c1_beta'] = jnp.zeros((H,), dtype=jnp.float32)
    inp['c1_W2'] = jax.random.normal(ks[4], (H, H), dtype=jnp.float32) / np.sqrt(H)
    inp['c1_b2'] = jnp.zeros((H,), dtype=jnp.float32)
    # conv2 MLP params (in=H)
    inp['c2_W1'] = jax.random.normal(ks[5], (H, H), dtype=jnp.float32) / np.sqrt(H)
    inp['c2_b1'] = jnp.zeros((H,), dtype=jnp.float32)
    inp['c2_gamma'] = jnp.ones((H,), dtype=jnp.float32)
    inp['c2_beta'] = jnp.zeros((H,), dtype=jnp.float32)
    inp['c2_W2'] = jax.random.normal(ks[6], (H, H), dtype=jnp.float32) / np.sqrt(H)
    inp['c2_b2'] = jnp.zeros((H,), dtype=jnp.float32)
    # conv3 MLP params (in=H)
    inp['c3_W1'] = jax.random.normal(ks[7], (H, H), dtype=jnp.float32) / np.sqrt(H)
    inp['c3_b1'] = jnp.zeros((H,), dtype=jnp.float32)
    inp['c3_gamma'] = jnp.ones((H,), dtype=jnp.float32)
    inp['c3_beta'] = jnp.zeros((H,), dtype=jnp.float32)
    inp['c3_W2'] = jax.random.normal(ks[8], (H, H), dtype=jnp.float32) / np.sqrt(H)
    inp['c3_b2'] = jnp.zeros((H,), dtype=jnp.float32)
    # classifier over concat(3*H)
    inp['cls_W'] = jax.random.normal(ks[9], (3 * H, C), dtype=jnp.float32) / np.sqrt(3 * H)
    inp['cls_b'] = jnp.zeros((C,), dtype=jnp.float32)
    return inp


def reference(x, edge_index, batch,
              c1_W1, c1_b1, c1_gamma, c1_beta, c1_W2, c1_b2,
              c2_W1, c2_b1, c2_gamma, c2_beta, c2_W2, c2_b2,
              c3_W1, c3_b1, c3_gamma, c3_beta, c3_W2, c3_b2,
              cls_W, cls_b):
    G = 64
    x1 = jax.nn.relu(_gin_block(x, edge_index, c1_W1, c1_b1, c1_gamma, c1_beta, c1_W2, c1_b2))
    x2 = jax.nn.relu(_gin_block(x1, edge_index, c2_W1, c2_b1, c2_gamma, c2_beta, c2_W2, c2_b2))
    x3 = jax.nn.relu(_gin_block(x2, edge_index, c3_W1, c3_b1, c3_gamma, c3_beta, c3_W2, c3_b2))
    p1 = jax.ops.segment_sum(x1, batch, num_segments=G)
    p2 = jax.ops.segment_sum(x2, batch, num_segments=G)
    p3 = jax.ops.segment_sum(x3, batch, num_segments=G)
    graph_embedding = jnp.concatenate([p1, p2, p3], axis=1)
    class_logits = graph_embedding @ cls_W + cls_b
    return class_logits

if __name__ == "__main__":
    import jax
    _d = setup_inputs()
    print(jax.jit(kernel)(*tuple(_d.values())))

</pallas_src>

<mosaic_0001>
#map = affine_map<(d0, d1) -> (0, 0)>
#map1 = affine_map<(d0, d1) -> (0, 0, 0)>
module attributes {stable_mosaic.version = 14 : i64} {
  func.func @_sc_agg_body(%arg0: i32, %arg1: i32, %arg2: memref<10240x128xf32, #tpu.memory_space<hbm>>, %arg3: memref<10240x128xf32, #tpu.memory_space<hbm>>, %arg4: memref<2560x2x128xi32, #tpu.memory_space<hbm>>, %arg5: memref<2x10240x128xf32, #tpu.memory_space<hbm>>, %arg6: memref<10240x128xf32, #tpu.memory_space<vmem_shared>>, %arg7: memref<4x2x128xi32, #tpu.memory_space<vmem>>, %arg8: memref<2x128x128xf32, #tpu.memory_space<vmem>>, %arg9: memref<!tpu.dma_semaphore, #tpu.memory_space<semaphore_mem>>, %arg10: memref<!tpu.dma_semaphore, #tpu.memory_space<semaphore_mem>>, %arg11: memref<!tpu.dma_semaphore, #tpu.memory_space<semaphore_mem>>, %arg12: memref<!tpu.dma_semaphore, #tpu.memory_space<semaphore_mem>>, %arg13: memref<!tpu.dma_semaphore, #tpu.memory_space<semaphore_mem>>, %arg14: memref<!tpu.dma_semaphore, #tpu.memory_space<semaphore_mem>>, %arg15: memref<!tpu.dma_semaphore, #tpu.memory_space<semaphore_mem>>, %arg16: memref<!tpu.dma_semaphore, #tpu.memory_space<semaphore_mem>>) attributes {dimension_semantics = [#tpu.dimension_semantics<core_parallel>, #tpu.dimension_semantics<subcore_parallel>], iteration_bounds = array<i64: 2, 16>, scalar_prefetch = 0 : i64, scratch_operands = 11 : i64, tpu.core_type = #tpu.core_type<sc_vector_subcore>, window_params = [{transform_indices = #map}, {transform_indices = #map}, {transform_indices = #map1}, {transform_indices = #map1}]} {
    %mul3A = arith.constant 640 : i32
    %mul3A_0 = arith.muli %arg1, %mul3A : i32
    %eq3A = arith.constant 0 : i32
    %eq3A_1 = arith.cmpi eq, %arg0, %eq3A : i32
    %convert_element_type3A = arith.extui %eq3A_1 : i1 to i32
    %cond3A = arith.constant 0 : i32
    %cond3A_2 = arith.cmpi ne, %convert_element_type3A, %cond3A : i32
    scf.if %cond3A_2 {
      "tpu.region"() ({
        %run_scoped3A = tpu.sem_alloc : memref<!tpu.dma_semaphore, #tpu.memory_space<semaphore_mem>>
        %dma_start3A_534 = arith.constant 0 : i32
        %dma_start3A_535 = tpu.memref_slice %arg6[%mul3A_0, %dma_start3A_534] : memref<10240x128xf32, #tpu.memory_space<vmem_shared>> -> memref<640x128xf32, #tpu.memory_space<vmem_shared>>
        %dma_start3A_536 = arith.constant 0 : i32
        %dma_start3A_537 = tpu.memref_slice %arg2[%mul3A_0, %dma_start3A_536] : memref<10240x128xf32, #tpu.memory_space<hbm>> -> memref<640x128xf32, #tpu.memory_space<hbm>>
        tpu.enqueue_dma source(%dma_start3A_537 : memref<640x128xf32, #tpu.memory_space<hbm>>) target(%dma_start3A_535 : memref<640x128xf32, #tpu.memory_space<vmem_shared>>) target_semaphore(%run_scoped3A : memref<!tpu.dma_semaphore, #tpu.memory_space<semaphore_mem>>)
        %dma_wait3A_538 = arith.constant 0 : i32
        %dma_wait3A_539 = tpu.memref_slice %arg6[%mul3A_0, %dma_wait3A_538] : memref<10240x128xf32, #tpu.memory_space<vmem_shared>> -> memref<640x128xf32, #tpu.memory_space<vmem_shared>>
        %dma_wait3A_540 = arith.constant 0 : i32
        %dma_wait3A_541 = tpu.memref_slice %arg2[%mul3A_0, %dma_wait3A_540] : memref<10240x128xf32, #tpu.memory_space<hbm>> -> memref<640x128xf32, #tpu.memory_space<hbm>>
        tpu.wait_dma2 semaphore(%run_scoped3A : memref<!tpu.dma_semaphore, #tpu.memory_space<semaphore_mem>>) src(%dma_wait3A_541 : memref<640x128xf32, #tpu.memory_space<hbm>>) dst(%dma_wait3A_539 : memref<640x128xf32, #tpu.memory_space<vmem_shared>>)
        tpu.yield
      }) : () -> ()
    } else {
    }
    %eq3A_3 = arith.constant 1 : i32
    %eq3A_4 = arith.cmpi eq, %arg0, %eq3A_3 : i32
    %convert_element_type3A_5 = arith.extui %eq3A_4 : i1 to i32
    %cond3A_6 = arith.constant 0 : i32
    %cond3A_7 = arith.cmpi ne, %convert_element_type3A_5, %cond3A_6 : i32
    scf.if %cond3A_7 {
      "tpu.region"() ({
        %run_scoped3A = tpu.sem_alloc : memref<!tpu.dma_semaphore, #tpu.memory_space<semaphore_mem>>
        %dma_start3A_534 = arith.constant 0 : i32
        %dma_start3A_535 = tpu.memref_slice %arg6[%mul3A_0, %dma_start3A_534] : memref<10240x128xf32, #tpu.memory_space<vmem_shared>> -> memref<640x128xf32, #tpu.memory_space<vmem_shared>>
        %dma_start3A_536 = arith.constant 0 : i32
        %dma_start3A_537 = tpu.memref_slice %arg3[%mul3A_0, %dma_start3A_536] : memref<10240x128xf32, #tpu.memory_space<hbm>> -> memref<640x128xf32, #tpu.memory_space<hbm>>
        tpu.enqueue_dma source(%dma_start3A_537 : memref<640x128xf32, #tpu.memory_space<hbm>>) target(%dma_start3A_535 : memref<640x128xf32, #tpu.memory_space<vmem_shared>>) target_semaphore(%run_scoped3A : memref<!tpu.dma_semaphore, #tpu.memory_space<semaphore_mem>>)
        %dma_wait3A_538 = arith.constant 0 : i32
        %dma_wait3A_539 = tpu.memref_slice %arg6[%mul3A_0, %dma_wait3A_538] : memref<10240x128xf32, #tpu.memory_space<vmem_shared>> -> memref<640x128xf32, #tpu.memory_space<vmem_shared>>
        %dma_wait3A_540 = arith.constant 0 : i32
        %dma_wait3A_541 = tpu.memref_slice %arg3[%mul3A_0, %dma_wait3A_540] : memref<10240x128xf32, #tpu.memory_space<hbm>> -> memref<640x128xf32, #tpu.memory_space<hbm>>
        tpu.wait_dma2 semaphore(%run_scoped3A : memref<!tpu.dma_semaphore, #tpu.memory_space<semaphore_mem>>) src(%dma_wait3A_541 : memref<640x128xf32, #tpu.memory_space<hbm>>) dst(%dma_wait3A_539 : memref<640x128xf32, #tpu.memory_space<vmem_shared>>)
        tpu.yield
      }) : () -> ()
    } else {
    }
    %barrier3A = arith.constant 0 : index
    tpu.barrier barrier_id(%barrier3A)
    %mul3A_8 = arith.constant 16 : i32
    %mul3A_9 = arith.muli %arg0, %mul3A_8 : i32
    %add3A = arith.addi %mul3A_9, %arg1 : i32
    %mul3A_10 = arith.constant 80 : i32
    %mul3A_11 = arith.muli %add3A, %mul3A_10 : i32
    %add3A_12 = arith.constant 0 : i32
    %add3A_13 = arith.addi %mul3A_11, %add3A_12 : i32
    %dma_start3A = arith.constant 0 : i32
    %dma_start3A_14 = arith.constant 0 : i32
    %dma_start3A_15 = arith.constant 0 : i32
    %dma_start3A_16 = tpu.memref_slice %arg7[%dma_start3A, %dma_start3A_14, %dma_start3A_15] : memref<4x2x128xi32, #tpu.memory_space<vmem>> -> memref<1x2x128xi32, #tpu.memory_space<vmem>>
    %dma_start3A_17 = tpu.memref_squeeze %dma_start3A_16 : memref<1x2x128xi32, #tpu.memory_space<vmem>> -> memref<2x128xi32, #tpu.memory_space<vmem>>
    %dma_start3A_18 = arith.constant 0 : i32
    %dma_start3A_19 = arith.constant 0 : i32
    %dma_start3A_20 = tpu.memref_slice %arg4[%add3A_13, %dma_start3A_18, %dma_start3A_19] : memref<2560x2x128xi32, #tpu.memory_space<hbm>> -> memref<1x2x128xi32, #tpu.memory_space<hbm>>
    %dma_start3A_21 = tpu.memref_squeeze %dma_start3A_20 : memref<1x2x128xi32, #tpu.memory_space<hbm>> -> memref<2x128xi32, #tpu.memory_space<hbm>>
    %dma_start3A_22 = arith.constant 0 : i32
    %dma_start3A_23 = arith.constant 0 : i32
    %dma_start3A_24 = tpu.memref_slice %arg7[%dma_start3A, %dma_start3A_22, %dma_start3A_23] : memref<4x2x128xi32, #tpu.memory_space<vmem>> -> memref<1x2x128xi32, #tpu.memory_space<vmem>>
    %dma_start3A_25 = tpu.memref_squeeze %dma_start3A_24 : memref<1x2x128xi32, #tpu.memory_space<vmem>> -> memref<2x128xi32, #tpu.memory_space<vmem>>
    %dma_start3A_26 = arith.constant 0 : i32
    %dma_start3A_27 = arith.constant 0 : i32
    %dma_start3A_28 = tpu.memref_slice %arg4[%add3A_13, %dma_start3A_26, %dma_start3A_27] : memref<2560x2x128xi32, #tpu.memory_space<hbm>> -> memref<1x2x128xi32, #tpu.memory_space<hbm>>
    %dma_start3A_29 = tpu.memref_squeeze %dma_start3A_28 : memref<1x2x128xi32, #tpu.memory_space<hbm>> -> memref<2x128xi32, #tpu.memory_space<hbm>>
    tpu.enqueue_dma source(%dma_start3A_29 : memref<2x128xi32, #tpu.memory_space<hbm>>) target(%dma_start3A_25 : memref<2x128xi32, #tpu.memory_space<vmem>>) target_semaphore(%arg9 : memref<!tpu.dma_semaphore, #tpu.memory_space<semaphore_mem>>)
    %add3A_30 = arith.constant 1 : i32
    %add3A_31 = arith.addi %mul3A_11, %add3A_30 : i32
    %dma_start3A_32 = arith.constant 1 : i32
    %dma_start3A_33 = arith.constant 0 : i32
    %dma_start3A_34 = arith.constant 0 : i32
    %dma_start3A_35 = tpu.memref_slice %arg7[%dma_start3A_32, %dma_start3A_33, %dma_start3A_34] : memref<4x2x128xi32, #tpu.memory_space<vmem>> -> memref<1x2x128xi32, #tpu.memory_space<vmem>>
    %dma_start3A_36 = tpu.memref_squeeze %dma_start3A_35 : memref<1x2x128xi32, #tpu.memory_space<vmem>> -> memref<2x128xi32, #tpu.memory_space<vmem>>
    %dma_start3A_37 = arith.constant 0 : i32
    %dma_start3A_38 = arith.constant 0 : i32
    %dma_start3A_39 = tpu.memref_slice %arg4[%add3A_31, %dma_start3A_37, %dma_start3A_38] : memref<2560x2x128xi32, #tpu.memory_space<hbm>> -> memref<1x2x128xi32, #tpu.memory_space<hbm>>
    %dma_start3A_40 = tpu.memref_squeeze %dma_start3A_39 : memref<1x2x128xi32, #tpu.memory_space<hbm>> -> memref<2x128xi32, #tpu.memory_space<hbm>>
    %dma_start3A_41 = arith.constant 0 : i32
    %dma_start3A_42 = arith.constant 0 : i32
    %dma_start3A_43 = tpu.memref_slice %arg7[%dma_start3A_32, %dma_start3A_41, %dma_start3A_42] : memref<4x2x128xi32, #tpu.memory_space<vmem>> -> memref<1x2x128xi32, #tpu.memory_space<vmem>>
    %dma_start3A_44 = tpu.memref_squeeze %dma_start3A_43 : memref<1x2x128xi32, #tpu.memory_space<vmem>> -> memref<2x128xi32, #tpu.memory_space<vmem>>
    %dma_start3A_45 = arith.constant 0 : i32
    %dma_start3A_46 = arith.constant 0 : i32
    %dma_start3A_47 = tpu.memref_slice %arg4[%add3A_31, %dma_start3A_45, %dma_start3A_46] : memref<2560x2x128xi32, #tpu.memory_space<hbm>> -> memref<1x2x128xi32, #tpu.memory_space<hbm>>
    %dma_start3A_48 = tpu.memref_squeeze %dma_start3A_47 : memref<1x2x128xi32, #tpu.memory_space<hbm>> -> memref<2x128xi32, #tpu.memory_space<hbm>>
    tpu.enqueue_dma source(%dma_start3A_48 : memref<2x128xi32, #tpu.memory_space<hbm>>) target(%dma_start3A_44 : memref<2x128xi32, #tpu.memory_space<vmem>>) target_semaphore(%arg10 : memref<!tpu.dma_semaphore, #tpu.memory_space<semaphore_mem>>)
    %add3A_49 = arith.constant 2 : i32
    %add3A_50 = arith.addi %mul3A_11, %add3A_49 : i32
    %dma_start3A_51 = arith.constant 2 : i32
    %dma_start3A_52 = arith.constant 0 : i32
    %dma_start3A_53 = arith.constant 0 : i32
    %dma_start3A_54 = tpu.memref_slice %arg7[%dma_start3A_51, %dma_start3A_52, %dma_start3A_53] : memref<4x2x128xi32, #tpu.memory_space<vmem>> -> memref<1x2x128xi32, #tpu.memory_space<vmem>>
    %dma_start3A_55 = tpu.memref_squeeze %dma_start3A_54 : memref<1x2x128xi32, #tpu.memory_space<vmem>> -> memref<2x128xi32, #tpu.memory_space<vmem>>
    %dma_start3A_56 = arith.constant 0 : i32
    %dma_start3A_57 = arith.constant 0 : i32
    %dma_start3A_58 = tpu.memref_slice %arg4[%add3A_50, %dma_start3A_56, %dma_start3A_57] : memref<2560x2x128xi32, #tpu.memory_space<hbm>> -> memref<1x2x128xi32, #tpu.memory_space<hbm>>
    %dma_start3A_59 = tpu.memref_squeeze %dma_start3A_58 : memref<1x2x128xi32, #tpu.memory_space<hbm>> -> memref<2x128xi32, #tpu.memory_space<hbm>>
    %dma_start3A_60 = arith.constant 0 : i32
    %dma_start3A_61 = arith.constant 0 : i32
    %dma_start3A_62 = tpu.memref_slice %arg7[%dma_start3A_51, %dma_start3A_60, %dma_start3A_61] : memref<4x2x128xi32, #tpu.memory_space<vmem>> -> memref<1x2x128xi32, #tpu.memory_space<vmem>>
    %dma_start3A_63 = tpu.memref_squeeze %dma_start3A_62 : memref<1x2x128xi32, #tpu.memory_space<vmem>> -> memref<2x128xi32, #tpu.memory_space<vmem>>
    %dma_start3A_64 = arith.constant 0 : i32
    %dma_start3A_65 = arith.constant 0 : i32
    %dma_start3A_66 = tpu.memref_slice %arg4[%add3A_50, %dma_start3A_64, %dma_start3A_65] : memref<2560x2x128xi32, #tpu.memory_space<hbm>> -> memref<1x2x128xi32, #tpu.memory_space<hbm>>
    %dma_start3A_67 = tpu.memref_squeeze %dma_start3A_66 : memref<1x2x128xi32, #tpu.memory_space<hbm>> -> memref<2x128xi32, #tpu.memory_space<hbm>>
    tpu.enqueue_dma source(%dma_start3A_67 : memref<2x128xi32, #tpu.memory_space<hbm>>) target(%dma_start3A_63 : memref<2x128xi32, #tpu.memory_space<vmem>>) target_semaphore(%arg11 : memref<!tpu.dma_semaphore, #tpu.memory_space<semaphore_mem>>)
    %dma_wait3A = arith.constant 0 : i32
    %dma_wait3A_68 = arith.constant 0 : i32
    %dma_wait3A_69 = arith.constant 0 : i32
    %dma_wait3A_70 = arith.constant 0 : i32
    %dma_wait3A_71 = tpu.memref_slice %arg7[%dma_wait3A_68, %dma_wait3A_69, %dma_wait3A_70] : memref<4x2x128xi32, #tpu.memory_space<vmem>> -> memref<1x2x128xi32, #tpu.memory_space<vmem>>
    %dma_wait3A_72 = tpu.memref_squeeze %dma_wait3A_71 : memref<1x2x128xi32, #tpu.memory_space<vmem>> -> memref<2x128xi32, #tpu.memory_space<vmem>>
    %dma_wait3A_73 = arith.constant 0 : i32
    %dma_wait3A_74 = arith.constant 0 : i32
    %dma_wait3A_75 = tpu.memref_slice %arg4[%dma_wait3A, %dma_wait3A_73, %dma_wait3A_74] : memref<2560x2x128xi32, #tpu.memory_space<hbm>> -> memref<1x2x128xi32, #tpu.memory_space<hbm>>
    %dma_wait3A_76 = tpu.memref_squeeze %dma_wait3A_75 : memref<1x2x128xi32, #tpu.memory_space<hbm>> -> memref<2x128xi32, #tpu.memory_space<hbm>>
    %dma_wait3A_77 = arith.constant 0 : i32
    %dma_wait3A_78 = arith.constant 0 : i32
    %dma_wait3A_79 = tpu.memref_slice %arg7[%dma_wait3A_68, %dma_wait3A_77, %dma_wait3A_78] : memref<4x2x128xi32, #tpu.memory_space<vmem>> -> memref<1x2x128xi32, #tpu.memory_space<vmem>>
    %dma_wait3A_80 = tpu.memref_squeeze %dma_wait3A_79 : memref<1x2x128xi32, #tpu.memory_space<vmem>> -> memref<2x128xi32, #tpu.memory_space<vmem>>
    %dma_wait3A_81 = arith.constant 0 : i32
    %dma_wait3A_82 = arith.constant 0 : i32
    %dma_wait3A_83 = tpu.memref_slice %arg4[%dma_wait3A, %dma_wait3A_81, %dma_wait3A_82] : memref<2560x2x128xi32, #tpu.memory_space<hbm>> -> memref<1x2x128xi32, #tpu.memory_space<hbm>>
    %dma_wait3A_84 = tpu.memref_squeeze %dma_wait3A_83 : memref<1x2x128xi32, #tpu.memory_space<hbm>> -> memref<2x128xi32, #tpu.memory_space<hbm>>
    tpu.wait_dma2 semaphore(%arg9 : memref<!tpu.dma_semaphore, #tpu.memory_space<semaphore_mem>>) src(%dma_wait3A_84 : memref<2x128xi32, #tpu.memory_space<hbm>>) dst(%dma_wait3A_80 : memref<2x128xi32, #tpu.memory_space<vmem>>)
    %dma_start3A_85 = arith.constant 0 : i32
    %dma_start3A_86 = arith.constant 0 : i32
    %dma_start3A_87 = arith.constant 0 : i32
    %dma_start3A_88 = arith.constant 0 : i32
    %dma_start3A_89 = arith.constant 0 : i32
    %dma_start3A_90 = tpu.memref_slice %arg8[%dma_start3A_87, %dma_start3A_88, %dma_start3A_89] : memref<2x128x128xf32, #tpu.memory_space<vmem>> -> memref<1x128x128xf32, #tpu.memory_space<vmem>>
    %dma_start3A_91 = tpu.memref_squeeze %dma_start3A_90 : memref<1x128x128xf32, #tpu.memory_space<vmem>> -> memref<128x128xf32, #tpu.memory_space<vmem>>
    %dma_start3A_92 = arith.constant 0 : i32
    %dma_start3A_93 = tpu.memref_slice %arg7[%dma_start3A_85, %dma_start3A_86, %dma_start3A_92] : memref<4x2x128xi32, #tpu.memory_space<vmem>> -> memref<1x1x128xi32, #tpu.memory_space<vmem>>
    %dma_start3A_94 = tpu.memref_squeeze %dma_start3A_93 : memref<1x1x128xi32, #tpu.memory_space<vmem>> -> memref<128xi32, #tpu.memory_space<vmem>>
    %dma_start3A_95 = arith.constant 0 : i32
    %dma_start3A_96 = arith.constant 0 : i32
    %dma_start3A_97 = tpu.memref_slice %arg2[%dma_start3A_95, %dma_start3A_96] : memref<10240x128xf32, #tpu.memory_space<hbm>> -> memref<10240x128xf32, #tpu.memory_space<hbm>>
    tpu.enqueue_indirect_dma source(%dma_start3A_97 : memref<10240x128xf32, #tpu.memory_space<hbm>>) target(%dma_start3A_91 : memref<128x128xf32, #tpu.memory_space<vmem>>) offsets(%dma_start3A_94 : memref<128xi32, #tpu.memory_space<vmem>>) semaphore(%arg13 : memref<!tpu.dma_semaphore, #tpu.memory_space<semaphore_mem>>)
    %dma_wait3A_98 = arith.constant 0 : i32
    %dma_wait3A_99 = arith.constant 1 : i32
    %dma_wait3A_100 = arith.constant 0 : i32
    %dma_wait3A_101 = arith.constant 0 : i32
    %dma_wait3A_102 = tpu.memref_slice %arg7[%dma_wait3A_99, %dma_wait3A_100, %dma_wait3A_101] : memref<4x2x128xi32, #tpu.memory_space<vmem>> -> memref<1x2x128xi32, #tpu.memory_space<vmem>>
    %dma_wait3A_103 = tpu.memref_squeeze %dma_wait3A_102 : memref<1x2x128xi32, #tpu.memory_space<vmem>> -> memref<2x128xi32, #tpu.memory_space<vmem>>
    %dma_wait3A_104 = arith.constant 0 : i32
    %dma_wait3A_105 = arith.constant 0 : i32
    %dma_wait3A_106 = tpu.memref_slice %arg4[%dma_wait3A_98, %dma_wait3A_104, %dma_wait3A_105] : memref<2560x2x128xi32, #tpu.memory_space<hbm>> -> memref<1x2x128xi32, #tpu.memory_space<hbm>>
    %dma_wait3A_107 = tpu.memref_squeeze %dma_wait3A_106 : memref<1x2x128xi32, #tpu.memory_space<hbm>> -> memref<2x128xi32, #tpu.memory_space<hbm>>
    %dma_wait3A_108 = arith.constant 0 : i32
    %dma_wait3A_109 = arith.constant 0 : i32
    %dma_wait3A_110 = tpu.memref_slice %arg7[%dma_wait3A_99, %dma_wait3A_108, %dma_wait3A_109] : memref<4x2x128xi32, #tpu.memory_space<vmem>> -> memref<1x2x128xi32, #tpu.memory_space<vmem>>
    %dma_wait3A_111 = tpu.memref_squeeze %dma_wait3A_110 : memref<1x2x128xi32, #tpu.memory_space<vmem>> -> memref<2x128xi32, #tpu.memory_space<vmem>>
    %dma_wait3A_112 = arith.constant 0 : i32
    %dma_wait3A_113 = arith.constant 0 : i32
    %dma_wait3A_114 = tpu.memref_slice %arg4[%dma_wait3A_98, %dma_wait3A_112, %dma_wait3A_113] : memref<2560x2x128xi32, #tpu.memory_space<hbm>> -> memref<1x2x128xi32, #tpu.memory_space<hbm>>
    %dma_wait3A_115 = tpu.memref_squeeze %dma_wait3A_114 : memref<1x2x128xi32, #tpu.memory_space<hbm>> -> memref<2x128xi32, #tpu.memory_space<hbm>>
    tpu.wait_dma2 semaphore(%arg10 : memref<!tpu.dma_semaphore, #tpu.memory_space<semaphore_mem>>) src(%dma_wait3A_115 : memref<2x128xi32, #tpu.memory_space<hbm>>) dst(%dma_wait3A_111 : memref<2x128xi32, #tpu.memory_space<vmem>>)
    %dma_start3A_116 = arith.constant 1 : i32
    %dma_start3A_117 = arith.constant 0 : i32
    %dma_start3A_118 = arith.constant 1 : i32
    %dma_start3A_119 = arith.constant 0 : i32
    %dma_start3A_120 = arith.constant 0 : i32
    %dma_start3A_121 = tpu.memref_slice %arg8[%dma_start3A_118, %dma_start3A_119, %dma_start3A_120] : memref<2x128x128xf32, #tpu.memory_space<vmem>> -> memref<1x128x128xf32, #tpu.memory_space<vmem>>
    %dma_start3A_122 = tpu.memref_squeeze %dma_start3A_121 : memref<1x128x128xf32, #tpu.memory_space<vmem>> -> memref<128x128xf32, #tpu.memory_space<vmem>>
    %dma_start3A_123 = arith.constant 0 : i32
    %dma_start3A_124 = tpu.memref_slice %arg7[%dma_start3A_116, %dma_start3A_117, %dma_start3A_123] : memref<4x2x128xi32, #tpu.memory_space<vmem>> -> memref<1x1x128xi32, #tpu.memory_space<vmem>>
    %dma_start3A_125 = tpu.memref_squeeze %dma_start3A_124 : memref<1x1x128xi32, #tpu.memory_space<vmem>> -> memref<128xi32, #tpu.memory_space<vmem>>
    %dma_start3A_126 = arith.constant 0 : i32
    %dma_start3A_127 = arith.constant 0 : i32
    %dma_start3A_128 = tpu.memref_slice %arg2[%dma_start3A_126, %dma_start3A_127] : memref<10240x128xf32, #tpu.memory_space<hbm>> -> memref<10240x128xf32, #tpu.memory_space<hbm>>
    tpu.enqueue_indirect_dma source(%dma_start3A_128 : memref<10240x128xf32, #tpu.memory_space<hbm>>) target(%dma_start3A_122 : memref<128x128xf32, #tpu.memory_space<vmem>>) offsets(%dma_start3A_125 : memref<128xi32, #tpu.memory_space<vmem>>) semaphore(%arg14 : memref<!tpu.dma_semaphore, #tpu.memory_space<semaphore_mem>>)
    %min3A = arith.constant 3 : i32
    %min3A_129 = arith.constant 79 : i32
    %min3A_130 = arith.minsi %min3A, %min3A_129 : i32
    %add3A_131 = arith.addi %mul3A_11, %min3A_130 : i32
    %dma_start3A_132 = arith.constant 3 : i32
    %dma_start3A_133 = arith.constant 0 : i32
    %dma_start3A_134 = arith.constant 0 : i32
    %dma_start3A_135 = tpu.memref_slice %arg7[%dma_start3A_132, %dma_start3A_133, %dma_start3A_134] : memref<4x2x128xi32, #tpu.memory_space<vmem>> -> memref<1x2x128xi32, #tpu.memory_space<vmem>>
    %dma_start3A_136 = tpu.memref_squeeze %dma_start3A_135 : memref<1x2x128xi32, #tpu.memory_space<vmem>> -> memref<2x128xi32, #tpu.memory_space<vmem>>
    %dma_start3A_137 = arith.constant 0 : i32
    %dma_start3A_138 = arith.constant 0 : i32
    %dma_start3A_139 = tpu.memref_slice %arg4[%add3A_131, %dma_start3A_137, %dma_start3A_138] : memref<2560x2x128xi32, #tpu.memory_space<hbm>> -> memref<1x2x128xi32, #tpu.memory_space<hbm>>
    %dma_start3A_140 = tpu.memref_squeeze %dma_start3A_139 : memref<1x2x128xi32, #tpu.memory_space<hbm>> -> memref<2x128xi32, #tpu.memory_space<hbm>>
    %dma_start3A_141 = arith.constant 0 : i32
    %dma_start3A_142 = arith.constant 0 : i32
    %dma_start3A_143 = tpu.memref_slice %arg7[%dma_start3A_132, %dma_start3A_141, %dma_start3A_142] : memref<4x2x128xi32, #tpu.memory_space<vmem>> -> memref<1x2x128xi32, #tpu.memory_space<vmem>>
    %dma_start3A_144 = tpu.memref_squeeze %dma_start3A_143 : memref<1x2x128xi32, #tpu.memory_space<vmem>> -> memref<2x128xi32, #tpu.memory_space<vmem>>
    %dma_start3A_145 = arith.constant 0 : i32
    %dma_start3A_146 = arith.constant 0 : i32
    %dma_start3A_147 = tpu.memref_slice %arg4[%add3A_131, %dma_start3A_145, %dma_start3A_146] : memref<2560x2x128xi32, #tpu.memory_space<hbm>> -> memref<1x2x128xi32, #tpu.memory_space<hbm>>
    %dma_start3A_148 = tpu.memref_squeeze %dma_start3A_147 : memref<1x2x128xi32, #tpu.memory_space<hbm>> -> memref<2x128xi32, #tpu.memory_space<hbm>>
    tpu.enqueue_dma source(%dma_start3A_148 : memref<2x128xi32, #tpu.memory_space<hbm>>) target(%dma_start3A_144 : memref<2x128xi32, #tpu.memory_space<vmem>>) target_semaphore(%arg12 : memref<!tpu.dma_semaphore, #tpu.memory_space<semaphore_mem>>)
    %dma_wait3A_149 = arith.constant 0 : i32
    %dma_wait3A_150 = arith.constant 0 : i32
    %dma_wait3A_151 = arith.constant 0 : i32
    %dma_wait3A_152 = tpu.memref_slice %arg8[%dma_wait3A_149, %dma_wait3A_150, %dma_wait3A_151] : memref<2x128x128xf32, #tpu.memory_space<vmem>> -> memref<1x128x128xf32, #tpu.memory_space<vmem>>
    %dma_wait3A_153 = tpu.memref_squeeze %dma_wait3A_152 : memref<1x128x128xf32, #tpu.memory_space<vmem>> -> memref<128x128xf32, #tpu.memory_space<vmem>>
    %dma_wait3A_154 = arith.constant 0 : i32
    %dma_wait3A_155 = arith.constant 0 : i32
    %dma_wait3A_156 = tpu.memref_slice %arg2[%dma_wait3A_154, %dma_wait3A_155] : memref<10240x128xf32, #tpu.memory_space<hbm>> -> memref<128x128xf32, #tpu.memory_space<hbm>>
    %dma_wait3A_157 = arith.constant 0 : i32
    %dma_wait3A_158 = arith.constant 0 : i32
    %dma_wait3A_159 = tpu.memref_slice %arg8[%dma_wait3A_149, %dma_wait3A_157, %dma_wait3A_158] : memref<2x128x128xf32, #tpu.memory_space<vmem>> -> memref<1x128x128xf32, #tpu.memory_space<vmem>>
    %dma_wait3A_160 = tpu.memref_squeeze %dma_wait3A_159 : memref<1x128x128xf32, #tpu.memory_space<vmem>> -> memref<128x128xf32, #tpu.memory_space<vmem>>
    %dma_wait3A_161 = arith.constant 0 : i32
    %dma_wait3A_162 = arith.constant 0 : i32
    %dma_wait3A_163 = tpu.memref_slice %arg2[%dma_wait3A_161, %dma_wait3A_162] : memref<10240x128xf32, #tpu.memory_space<hbm>> -> memref<128x128xf32, #tpu.memory_space<hbm>>
    tpu.wait_dma2 semaphore(%arg13 : memref<!tpu.dma_semaphore, #tpu.memory_space<semaphore_mem>>) src(%dma_wait3A_163 : memref<128x128xf32, #tpu.memory_space<hbm>>) dst(%dma_wait3A_160 : memref<128x128xf32, #tpu.memory_space<vmem>>)
    %dma_start3A_164 = arith.constant 0 : i32
    %dma_start3A_165 = arith.constant 0 : i32
    %dma_start3A_166 = arith.constant 1 : i32
    %dma_start3A_167 = arith.constant 0 : i32
    %dma_start3A_168 = arith.constant 0 : i32
    %dma_start3A_169 = tpu.memref_slice %arg8[%dma_start3A_164, %dma_start3A_167, %dma_start3A_168] : memref<2x128x128xf32, #tpu.memory_space<vmem>> -> memref<1x128x128xf32, #tpu.memory_space<vmem>>
    %dma_start3A_170 = tpu.memref_squeeze %dma_start3A_169 : memref<1x128x128xf32, #tpu.memory_space<vmem>> -> memref<128x128xf32, #tpu.memory_space<vmem>>
    %dma_start3A_171 = arith.constant 0 : i32
    %dma_start3A_172 = tpu.memref_slice %arg7[%dma_start3A_165, %dma_start3A_166, %dma_start3A_171] : memref<4x2x128xi32, #tpu.memory_space<vmem>> -> memref<1x1x128xi32, #tpu.memory_space<vmem>>
    %dma_start3A_173 = tpu.memref_squeeze %dma_start3A_172 : memref<1x1x128xi32, #tpu.memory_space<vmem>> -> memref<128xi32, #tpu.memory_space<vmem>>
    %dma_start3A_174 = arith.constant 0 : i32
    %dma_start3A_175 = arith.constant 0 : i32
    %dma_start3A_176 = tpu.memref_slice %arg6[%dma_start3A_174, %dma_start3A_175] : memref<10240x128xf32, #tpu.memory_space<vmem_shared>> -> memref<10240x128xf32, #tpu.memory_space<vmem_shared>>
    tpu.enqueue_indirect_dma source(%dma_start3A_170 : memref<128x128xf32, #tpu.memory_space<vmem>>) target(%dma_start3A_176 : memref<10240x128xf32, #tpu.memory_space<vmem_shared>>) offsets(%dma_start3A_173 : memref<128xi32, #tpu.memory_space<vmem>>) semaphore(%arg15 : memref<!tpu.dma_semaphore, #tpu.memory_space<semaphore_mem>>) {add = true}
    %dma_wait3A_177 = arith.constant 0 : i32
    %dma_wait3A_178 = arith.constant 0 : i32
    %dma_wait3A_179 = arith.constant 0 : i32
    %dma_wait3A_180 = tpu.memref_slice %arg8[%dma_wait3A_177, %dma_wait3A_178, %dma_wait3A_179] : memref<2x128x128xf32, #tpu.memory_space<vmem>> -> memref<1x128x128xf32, #tpu.memory_space<vmem>>
    %dma_wait3A_181 = tpu.memref_squeeze %dma_wait3A_180 : memref<1x128x128xf32, #tpu.memory_space<vmem>> -> memref<128x128xf32, #tpu.memory_space<vmem>>
    %dma_wait3A_182 = arith.constant 0 : i32
    %dma_wait3A_183 = arith.constant 0 : i32
    %dma_wait3A_184 = tpu.memref_slice %arg2[%dma_wait3A_182, %dma_wait3A_183] : memref<10240x128xf32, #tpu.memory_space<hbm>> -> memref<128x128xf32, #tpu.memory_space<hbm>>
    %dma_wait3A_185 = arith.constant 0 : i32
    %dma_wait3A_186 = arith.constant 0 : i32
    %dma_wait3A_187 = tpu.memref_slice %arg8[%dma_wait3A_177, %dma_wait3A_185, %dma_wait3A_186] : memref<2x128x128xf32, #tpu.memory_space<vmem>> -> memref<1x128x128xf32, #tpu.memory_space<vmem>>
    %dma_wait3A_188 = tpu.memref_squeeze %dma_wait3A_187 : memref<1x128x128xf32, #tpu.memory_space<vmem>> -> memref<128x128xf32, #tpu.memory_space<vmem>>
    %dma_wait3A_189 = arith.constant 0 : i32
    %dma_wait3A_190 = arith.constant 0 : i32
    %dma_wait3A_191 = tpu.memref_slice %arg2[%dma_wait3A_189, %dma_wait3A_190] : memref<10240x128xf32, #tpu.memory_space<hbm>> -> memref<128x128xf32, #tpu.memory_space<hbm>>
    tpu.wait_dma2 semaphore(%arg15 : memref<!tpu.dma_semaphore, #tpu.memory_space<semaphore_mem>>) src(%dma_wait3A_191 : memref<128x128xf32, #tpu.memory_space<hbm>>) dst(%dma_wait3A_188 : memref<128x128xf32, #tpu.memory_space<vmem>>)
    %dma_wait3A_192 = arith.constant 0 : i32
    %dma_wait3A_193 = arith.constant 2 : i32
    %dma_wait3A_194 = arith.constant 0 : i32
    %dma_wait3A_195 = arith.constant 0 : i32
    %dma_wait3A_196 = tpu.memref_slice %arg7[%dma_wait3A_193, %dma_wait3A_194, %dma_wait3A_195] : memref<4x2x128xi32, #tpu.memory_space<vmem>> -> memref<1x2x128xi32, #tpu.memory_space<vmem>>
    %dma_wait3A_197 = tpu.memref_squeeze %dma_wait3A_196 : memref<1x2x128xi32, #tpu.memory_space<vmem>> -> memref<2x128xi32, #tpu.memory_space<vmem>>
    %dma_wait3A_198 = arith.constant 0 : i32
    %dma_wait3A_199 = arith.constant 0 : i32
    %dma_wait3A_200 = tpu.memref_slice %arg4[%dma_wait3A_192, %dma_wait3A_198, %dma_wait3A_199] : memref<2560x2x128xi32, #tpu.memory_space<hbm>> -> memref<1x2x128xi32, #tpu.memory_space<hbm>>
    %dma_wait3A_201 = tpu.memref_squeeze %dma_wait3A_200 : memref<1x2x128xi32, #tpu.memory_space<hbm>> -> memref<2x128xi32, #tpu.memory_space<hbm>>
    %dma_wait3A_202 = arith.constant 0 : i32
    %dma_wait3A_203 = arith.constant 0 : i32
    %dma_wait3A_204 = tpu.memref_slice %arg7[%dma_wait3A_193, %dma_wait3A_202, %dma_wait3A_203] : memref<4x2x128xi32, #tpu.memory_space<vmem>> -> memref<1x2x128xi32, #tpu.memory_space<vmem>>
    %dma_wait3A_205 = tpu.memref_squeeze %dma_wait3A_204 : memref<1x2x128xi32, #tpu.memory_space<vmem>> -> memref<2x128xi32, #tpu.memory_space<vmem>>
    %dma_wait3A_206 = arith.constant 0 : i32
    %dma_wait3A_207 = arith.constant 0 : i32
    %dma_wait3A_208 = tpu.memref_slice %arg4[%dma_wait3A_192, %dma_wait3A_206, %dma_wait3A_207] : memref<2560x2x128xi32, #tpu.memory_space<hbm>> -> memref<1x2x128xi32, #tpu.memory_space<hbm>>
    %dma_wait3A_209 = tpu.memref_squeeze %dma_wait3A_208 : memref<1x2x128xi32, #tpu.memory_space<hbm>> -> memref<2x128xi32, #tpu.memory_space<hbm>>
    tpu.wait_dma2 semaphore(%arg11 : memref<!tpu.dma_semaphore, #tpu.memory_space<semaphore_mem>>) src(%dma_wait3A_209 : memref<2x128xi32, #tpu.memory_space<hbm>>) dst(%dma_wait3A_205 : memref<2x128xi32, #tpu.memory_space<vmem>>)
    %dma_start3A_210 = arith.constant 2 : i32
    %dma_start3A_211 = arith.constant 0 : i32
    %dma_start3A_212 = arith.constant 0 : i32
    %dma_start3A_213 = arith.constant 0 : i32
    %dma_start3A_214 = arith.constant 0 : i32
    %dma_start3A_215 = tpu.memref_slice %arg8[%dma_start3A_212, %dma_start3A_213, %dma_start3A_214] : memref<2x128x128xf32, #tpu.memory_space<vmem>> -> memref<1x128x128xf32, #tpu.memory_space<vmem>>
    %dma_start3A_216 = tpu.memref_squeeze %dma_start3A_215 : memref<1x128x128xf32, #tpu.memory_space<vmem>> -> memref<128x128xf32, #tpu.memory_space<vmem>>
    %dma_start3A_217 = arith.constant 0 : i32
    %dma_start3A_218 = tpu.memref_slice %arg7[%dma_start3A_210, %dma_start3A_211, %dma_start3A_217] : memref<4x2x128xi32, #tpu.memory_space<vmem>> -> memref<1x1x128xi32, #tpu.memory_space<vmem>>
    %dma_start3A_219 = tpu.memref_squeeze %dma_start3A_218 : memref<1x1x128xi32, #tpu.memory_space<vmem>> -> memref<128xi32, #tpu.memory_space<vmem>>
    %dma_start3A_220 = arith.constant 0 : i32
    %dma_start3A_221 = arith.constant 0 : i32
    %dma_start3A_222 = tpu.memref_slice %arg2[%dma_start3A_220, %dma_start3A_221] : memref<10240x128xf32, #tpu.memory_space<hbm>> -> memref<10240x128xf32, #tpu.memory_space<hbm>>
    tpu.enqueue_indirect_dma source(%dma_start3A_222 : memref<10240x128xf32, #tpu.memory_space<hbm>>) target(%dma_start3A_216 : memref<128x128xf32, #tpu.memory_space<vmem>>) offsets(%dma_start3A_219 : memref<128xi32, #tpu.memory_space<vmem>>) semaphore(%arg13 : memref<!tpu.dma_semaphore, #tpu.memory_space<semaphore_mem>>)
    %min3A_223 = arith.constant 4 : i32
    %min3A_224 = arith.constant 79 : i32
    %min3A_225 = arith.minsi %min3A_223, %min3A_224 : i32
    %add3A_226 = arith.addi %mul3A_11, %min3A_225 : i32
    %dma_start3A_227 = arith.constant 0 : i32
    %dma_start3A_228 = arith.constant 0 : i32
    %dma_start3A_229 = arith.constant 0 : i32
    %dma_start3A_230 = tpu.memref_slice %arg7[%dma_start3A_227, %dma_start3A_228, %dma_start3A_229] : memref<4x2x128xi32, #tpu.memory_space<vmem>> -> memref<1x2x128xi32, #tpu.memory_space<vmem>>
    %dma_start3A_231 = tpu.memref_squeeze %dma_start3A_230 : memref<1x2x128xi32, #tpu.memory_space<vmem>> -> memref<2x128xi32, #tpu.memory_space<vmem>>
    %dma_start3A_232 = arith.constant 0 : i32
    %dma_start3A_233 = arith.constant 0 : i32
    %dma_start3A_234 = tpu.memref_slice %arg4[%add3A_226, %dma_start3A_232, %dma_start3A_233] : memref<2560x2x128xi32, #tpu.memory_space<hbm>> -> memref<1x2x128xi32, #tpu.memory_space<hbm>>
    %dma_start3A_235 = tpu.memref_squeeze %dma_start3A_234 : memref<1x2x128xi32, #tpu.memory_space<hbm>> -> memref<2x128xi32, #tpu.memory_space<hbm>>
    %dma_start3A_236 = arith.constant 0 : i32
    %dma_start3A_237 = arith.constant 0 : i32
    %dma_start3A_238 = tpu.memref_slice %arg7[%dma_start3A_227, %dma_start3A_236, %dma_start3A_237] : memref<4x2x128xi32, #tpu.memory_space<vmem>> -> memref<1x2x128xi32, #tpu.memory_space<vmem>>
    %dma_start3A_239 = tpu.memref_squeeze %dma_start3A_238 : memref<1x2x128xi32, #tpu.memory_space<vmem>> -> memref<2x128xi32, #tpu.memory_space<vmem>>
    %dma_start3A_240 = arith.constant 0 : i32
    %dma_start3A_241 = arith.constant 0 : i32
    %dma_start3A_242 = tpu.memref_slice %arg4[%add3A_226, %dma_start3A_240, %dma_start3A_241] : memref<2560x2x128xi32, #tpu.memory_space<hbm>> -> memref<1x2x128xi32, #tpu.memory_space<hbm>>
    %dma_start3A_243 = tpu.memref_squeeze %dma_start3A_242 : memref<1x2x128xi32, #tpu.memory_space<hbm>> -> memref<2x128xi32, #tpu.memory_space<hbm>>
    tpu.enqueue_dma source(%dma_start3A_243 : memref<2x128xi32, #tpu.memory_space<hbm>>) target(%dma_start3A_239 : memref<2x128xi32, #tpu.memory_space<vmem>>) target_semaphore(%arg9 : memref<!tpu.dma_semaphore, #tpu.memory_space<semaphore_mem>>)
    %dma_wait3A_244 = arith.constant 1 : i32
    %dma_wait3A_245 = arith.constant 0 : i32
    %dma_wait3A_246 = arith.constant 0 : i32
    %dma_wait3A_247 = tpu.memref_slice %arg8[%dma_wait3A_244, %dma_wait3A_245, %dma_wait3A_246] : memref<2x128x128xf32, #tpu.memory_space<vmem>> -> memref<1x128x128xf32, #tpu.memory_space<vmem>>
    %dma_wait3A_248 = tpu.memref_squeeze %dma_wait3A_247 : memref<1x128x128xf32, #tpu.memory_space<vmem>> -> memref<128x128xf32, #tpu.memory_space<vmem>>
    %dma_wait3A_249 = arith.constant 0 : i32
    %dma_wait3A_250 = arith.constant 0 : i32
    %dma_wait3A_251 = tpu.memref_slice %arg2[%dma_wait3A_249, %dma_wait3A_250] : memref<10240x128xf32, #tpu.memory_space<hbm>> -> memref<128x128xf32, #tpu.memory_space<hbm>>
    %dma_wait3A_252 = arith.constant 0 : i32
    %dma_wait3A_253 = arith.constant 0 : i32
    %dma_wait3A_254 = tpu.memref_slice %arg8[%dma_wait3A_244, %dma_wait3A_252, %dma_wait3A_253] : memref<2x128x128xf32, #tpu.memory_space<vmem>> -> memref<1x128x128xf32, #tpu.memory_space<vmem>>
    %dma_wait3A_255 = tpu.memref_squeeze %dma_wait3A_254 : memref<1x128x128xf32, #tpu.memory_space<vmem>> -> memref<128x128xf32, #tpu.memory_space<vmem>>
    %dma_wait3A_256 = arith.constant 0 : i32
    %dma_wait3A_257 = arith.constant 0 : i32
    %dma_wait3A_258 = tpu.memref_slice %arg2[%dma_wait3A_256, %dma_wait3A_257] : memref<10240x128xf32, #tpu.memory_space<hbm>> -> memref<128x128xf32, #tpu.memory_space<hbm>>
    tpu.wait_dma2 semaphore(%arg14 : memref<!tpu.dma_semaphore, #tpu.memory_space<semaphore_mem>>) src(%dma_wait3A_258 : memref<128x128xf32, #tpu.memory_space<hbm>>) dst(%dma_wait3A_255 : memref<128x128xf32, #tpu.memory_space<vmem>>)
    %dma_start3A_259 = arith.constant 1 : i32
    %dma_start3A_260 = arith.constant 1 : i32
    %dma_start3A_261 = arith.constant 1 : i32
    %dma_start3A_262 = arith.constant 0 : i32
    %dma_start3A_263 = arith.constant 0 : i32
    %dma_start3A_264 = tpu.memref_slice %arg8[%dma_start3A_259, %dma_start3A_262, %dma_start3A_263] : memref<2x128x128xf32, #tpu.memory_space<vmem>> -> memref<1x128x128xf32, #tpu.memory_space<vmem>>
    %dma_start3A_265 = tpu.memref_squeeze %dma_start3A_264 : memref<1x128x128xf32, #tpu.memory_space<vmem>> -> memref<128x128xf32, #tpu.memory_space<vmem>>
    %dma_start3A_266 = arith.constant 0 : i32
    %dma_start3A_267 = tpu.memref_slice %arg7[%dma_start3A_260, %dma_start3A_261, %dma_start3A_266] : memref<4x2x128xi32, #tpu.memory_space<vmem>> -> memref<1x1x128xi32, #tpu.memory_space<vmem>>
    %dma_start3A_268 = tpu.memref_squeeze %dma_start3A_267 : memref<1x1x128xi32, #tpu.memory_space<vmem>> -> memref<128xi32, #tpu.memory_space<vmem>>
    %dma_start3A_269 = arith.constant 0 : i32
    %dma_start3A_270 = arith.constant 0 : i32
    %dma_start3A_271 = tpu.memref_slice %arg6[%dma_start3A_269, %dma_start3A_270] : memref<10240x128xf32, #tpu.memory_space<vmem_shared>> -> memref<10240x128xf32, #tpu.memory_space<vmem_shared>>
    tpu.enqueue_indirect_dma source(%dma_start3A_265 : memref<128x128xf32, #tpu.memory_space<vmem>>) target(%dma_start3A_271 : memref<10240x128xf32, #tpu.memory_space<vmem_shared>>) offsets(%dma_start3A_268 : memref<128xi32, #tpu.memory_space<vmem>>) semaphore(%arg16 : memref<!tpu.dma_semaphore, #tpu.memory_space<semaphore_mem>>) {add = true}
    %dma_wait3A_272 = arith.constant 1 : i32
    %dma_wait3A_273 = arith.constant 0 : i32
    %dma_wait3A_274 = arith.constant 0 : i32
    %dma_wait3A_275 = tpu.memref_slice %arg8[%dma_wait3A_272, %dma_wait3A_273, %dma_wait3A_274] : memref<2x128x128xf32, #tpu.memory_space<vmem>> -> memref<1x128x128xf32, #tpu.memory_space<vmem>>
    %dma_wait3A_276 = tpu.memref_squeeze %dma_wait3A_275 : memref<1x128x128xf32, #tpu.memory_space<vmem>> -> memref<128x128xf32, #tpu.memory_space<vmem>>
    %dma_wait3A_277 = arith.constant 0 : i32
    %dma_wait3A_278 = arith.constant 0 : i32
    %dma_wait3A_279 = tpu.memref_slice %arg2[%dma_wait3A_277, %dma_wait3A_278] : memref<10240x128xf32, #tpu.memory_space<hbm>> -> memref<128x128xf32, #tpu.memory_space<hbm>>
    %dma_wait3A_280 = arith.constant 0 : i32
    %dma_wait3A_281 = arith.constant 0 : i32
    %dma_wait3A_282 = tpu.memref_slice %arg8[%dma_wait3A_272, %dma_wait3A_280, %dma_wait3A_281] : memref<2x128x128xf32, #tpu.memory_space<vmem>> -> memref<1x128x128xf32, #tpu.memory_space<vmem>>
    %dma_wait3A_283 = tpu.memref_squeeze %dma_wait3A_282 : memref<1x128x128xf32, #tpu.memory_space<vmem>> -> memref<128x128xf32, #tpu.memory_space<vmem>>
    %dma_wait3A_284 = arith.constant 0 : i32
    %dma_wait3A_285 = arith.constant 0 : i32
    %dma_wait3A_286 = tpu.memref_slice %arg2[%dma_wait3A_284, %dma_wait3A_285] : memref<10240x128xf32, #tpu.memory_space<hbm>> -> memref<128x128xf32, #tpu.memory_space<hbm>>
    tpu.wait_dma2 semaphore(%arg16 : memref<!tpu.dma_semaphore, #tpu.memory_space<semaphore_mem>>) src(%dma_wait3A_286 : memref<128x128xf32, #tpu.memory_space<hbm>>) dst(%dma_wait3A_283 : memref<128x128xf32, #tpu.memory_space<vmem>>)
    %dma_wait3A_287 = arith.constant 0 : i32
    %dma_wait3A_288 = arith.constant 3 : i32
    %dma_wait3A_289 = arith.constant 0 : i32
    %dma_wait3A_290 = arith.constant 0 : i32
    %dma_wait3A_291 = tpu.memref_slice %arg7[%dma_wait3A_288, %dma_wait3A_289, %dma_wait3A_290] : memref<4x2x128xi32, #tpu.memory_space<vmem>> -> memref<1x2x128xi32, #tpu.memory_space<vmem>>
    %dma_wait3A_292 = tpu.memref_squeeze %dma_wait3A_291 : memref<1x2x128xi32, #tpu.memory_space<vmem>> -> memref<2x128xi32, #tpu.memory_space<vmem>>
    %dma_wait3A_293 = arith.constant 0 : i32
    %dma_wait3A_294 = arith.constant 0 : i32
    %dma_wait3A_295 = tpu.memref_slice %arg4[%dma_wait3A_287, %dma_wait3A_293, %dma_wait3A_294] : memref<2560x2x128xi32, #tpu.memory_space<hbm>> -> memref<1x2x128xi32, #tpu.memory_space<hbm>>
    %dma_wait3A_296 = tpu.memref_squeeze %dma_wait3A_295 : memref<1x2x128xi32, #tpu.memory_space<hbm>> -> memref<2x128xi32, #tpu.memory_space<hbm>>
    %dma_wait3A_297 = arith.constant 0 : i32
    %dma_wait3A_298 = arith.constant 0 : i32
    %dma_wait3A_299 = tpu.memref_slice %arg7[%dma_wait3A_288, %dma_wait3A_297, %dma_wait3A_298] : memref<4x2x128xi32, #tpu.memory_space<vmem>> -> memref<1x2x128xi32, #tpu.memory_space<vmem>>
    %dma_wait3A_300 = tpu.memref_squeeze %dma_wait3A_299 : memref<1x2x128xi32, #tpu.memory_space<vmem>> -> memref<2x128xi32, #tpu.memory_space<vmem>>
    %dma_wait3A_301 = arith.constant 0 : i32
    %dma_wait3A_302 = arith.constant 0 : i32
    %dma_wait3A_303 = tpu.memref_slice %arg4[%dma_wait3A_287, %dma_wait3A_301, %dma_wait3A_302] : memref<2560x2x128xi32, #tpu.memory_space<hbm>> -> memref<1x2x128xi32, #tpu.memory_space<hbm>>
    %dma_wait3A_304 = tpu.memref_squeeze %dma_wait3A_303 : memref<1x2x128xi32, #tpu.memory_space<hbm>> -> memref<2x128xi32, #tpu.memory_space<hbm>>
    tpu.wait_dma2 semaphore(%arg12 : memref<!tpu.dma_semaphore, #tpu.memory_space<semaphore_mem>>) src(%dma_wait3A_304 : memref<2x128xi32, #tpu.memory_space<hbm>>) dst(%dma_wait3A_300 : memref<2x128xi32, #tpu.memory_space<vmem>>)
    %dma_start3A_305 = arith.constant 3 : i32
    %dma_start3A_306 = arith.constant 0 : i32
    %dma_start3A_307 = arith.constant 1 : i32
    %dma_start3A_308 = arith.constant 0 : i32
    %dma_start3A_309 = arith.constant 0 : i32
    %dma_start3A_310 = tpu.memref_slice %arg8[%dma_start3A_307, %dma_start3A_308, %dma_start3A_309] : memref<2x128x128xf32, #tpu.memory_space<vmem>> -> memref<1x128x128xf32, #tpu.memory_space<vmem>>
    %dma_start3A_311 = tpu.memref_squeeze %dma_start3A_310 : memref<1x128x128xf32, #tpu.memory_space<vmem>> -> memref<128x128xf32, #tpu.memory_space<vmem>>
    %dma_start3A_312 = arith.constant 0 : i32
    %dma_start3A_313 = tpu.memref_slice %arg7[%dma_start3A_305, %dma_start3A_306, %dma_start3A_312] : memref<4x2x128xi32, #tpu.memory_space<vmem>> -> memref<1x1x128xi32, #tpu.memory_space<vmem>>
    %dma_start3A_314 = tpu.memref_squeeze %dma_start3A_313 : memref<1x1x128xi32, #tpu.memory_space<vmem>> -> memref<128xi32, #tpu.memory_space<vmem>>
    %dma_start3A_315 = arith.constant 0 : i32
    %dma_start3A_316 = arith.constant 0 : i32
    %dma_start3A_317 = tpu.memref_slice %arg2[%dma_start3A_315, %dma_start3A_316] : memref<10240x128xf32, #tpu.memory_space<hbm>> -> memref<10240x128xf32, #tpu.memory_space<hbm>>
    tpu.enqueue_indirect_dma source(%dma_start3A_317 : memref<10240x128xf32, #tpu.memory_space<hbm>>) target(%dma_start3A_311 : memref<128x128xf32, #tpu.memory_space<vmem>>) offsets(%dma_start3A_314 : memref<128xi32, #tpu.memory_space<vmem>>) semaphore(%arg14 : memref<!tpu.dma_semaphore, #tpu.memory_space<semaphore_mem>>)
    %min3A_318 = arith.constant 5 : i32
    %min3A_319 = arith.constant 79 : i32
    %min3A_320 = arith.minsi %min3A_318, %min3A_319 : i32
    %add3A_321 = arith.addi %mul3A_11, %min3A_320 : i32
    %dma_start3A_322 = arith.constant 1 : i32
    %dma_start3A_323 = arith.constant 0 : i32
    %dma_start3A_324 = arith.constant 0 : i32
    %dma_start3A_325 = tpu.memref_slice %arg7[%dma_start3A_322, %dma_start3A_323, %dma_start3A_324] : memref<4x2x128xi32, #tpu.memory_space<vmem>> -> memref<1x2x128xi32, #tpu.memory_space<vmem>>
    %dma_start3A_326 = tpu.memref_squeeze %dma_start3A_325 : memref<1x2x128xi32, #tpu.memory_space<vmem>> -> memref<2x128xi32, #tpu.memory_space<vmem>>
    %dma_start3A_327 = arith.constant 0 : i32
    %dma_start3A_328 = arith.constant 0 : i32
    %dma_start3A_329 = tpu.memref_slice %arg4[%add3A_321, %dma_start3A_327, %dma_start3A_328] : memref<2560x2x128xi32, #tpu.memory_space<hbm>> -> memref<1x2x128xi32, #tpu.memory_space<hbm>>
    %dma_start3A_330 = tpu.memref_squeeze %dma_start3A_329 : memref<1x2x128xi32, #tpu.memory_space<hbm>> -> memref<2x128xi32, #tpu.memory_space<hbm>>
    %dma_start3A_331 = arith.constant 0 : i32
    %dma_start3A_332 = arith.constant 0 : i32
    %dma_start3A_333 = tpu.memref_slice %arg7[%dma_start3A_322, %dma_start3A_331, %dma_start3A_332] : memref<4x2x128xi32, #tpu.memory_space<vmem>> -> memref<1x2x128xi32, #tpu.memory_space<vmem>>
    %dma_start3A_334 = tpu.memref_squeeze %dma_start3A_333 : memref<1x2x128xi32, #tpu.memory_space<vmem>> -> memref<2x128xi32, #tpu.memory_space<vmem>>
    %dma_start3A_335 = arith.constant 0 : i32
    %dma_start3A_336 = arith.constant 0 : i32
    %dma_start3A_337 = tpu.memref_slice %arg4[%add3A_321, %dma_start3A_335, %dma_start3A_336] : memref<2560x2x128xi32, #tpu.memory_space<hbm>> -> memref<1x2x128xi32, #tpu.memory_space<hbm>>
    %dma_start3A_338 = tpu.memref_squeeze %dma_start3A_337 : memref<1x2x128xi32, #tpu.memory_space<hbm>> -> memref<2x128xi32, #tpu.memory_space<hbm>>
    tpu.enqueue_dma source(%dma_start3A_338 : memref<2x128xi32, #tpu.memory_space<hbm>>) target(%dma_start3A_334 : memref<2x128xi32, #tpu.memory_space<vmem>>) target_semaphore(%arg10 : memref<!tpu.dma_semaphore, #tpu.memory_space<semaphore_mem>>)
    %dma_wait3A_339 = arith.constant 0 : i32
    %dma_wait3A_340 = arith.constant 0 : i32
    %dma_wait3A_341 = arith.constant 0 : i32
    %dma_wait3A_342 = tpu.memref_slice %arg8[%dma_wait3A_339, %dma_wait3A_340, %dma_wait3A_341] : memref<2x128x128xf32, #tpu.memory_space<vmem>> -> memref<1x128x128xf32, #tpu.memory_space<vmem>>
    %dma_wait3A_343 = tpu.memref_squeeze %dma_wait3A_342 : memref<1x128x128xf32, #tpu.memory_space<vmem>> -> memref<128x128xf32, #tpu.memory_space<vmem>>
    %dma_wait3A_344 = arith.constant 0 : i32
    %dma_wait3A_345 = arith.constant 0 : i32
    %dma_wait3A_346 = tpu.memref_slice %arg2[%dma_wait3A_344, %dma_wait3A_345] : memref<10240x128xf32, #tpu.memory_space<hbm>> -> memref<128x128xf32, #tpu.memory_space<hbm>>
    %dma_wait3A_347 = arith.constant 0 : i32
    %dma_wait3A_348 = arith.constant 0 : i32
    %dma_wait3A_349 = tpu.memref_slice %arg8[%dma_wait3A_339, %dma_wait3A_347, %dma_wait3A_348] : memref<2x128x128xf32, #tpu.memory_space<vmem>> -> memref<1x128x128xf32, #tpu.memory_space<vmem>>
    %dma_wait3A_350 = tpu.memref_squeeze %dma_wait3A_349 : memref<1x128x128xf32, #tpu.memory_space<vmem>> -> memref<128x128xf32, #tpu.memory_space<vmem>>
    %dma_wait3A_351 = arith.constant 0 : i32
    %dma_wait3A_352 = arith.constant 0 : i32
    %dma_wait3A_353 = tpu.memref_slice %arg2[%dma_wait3A_351, %dma_wait3A_352] : memref<10240x128xf32, #tpu.memory_space<hbm>> -> memref<128x128xf32, #tpu.memory_space<hbm>>
    tpu.wait_dma2 semaphore(%arg13 : memref<!tpu.dma_semaphore, #tpu.memory_space<semaphore_mem>>) src(%dma_wait3A_353 : memref<128x128xf32, #tpu.memory_space<hbm>>) dst(%dma_wait3A_350 : memref<128x128xf32, #tpu.memory_space<vmem>>)
    %dma_start3A_354 = arith.constant 0 : i32
    %dma_start3A_355 = arith.constant 2 : i32
    %dma_start3A_356 = arith.constant 1 : i32
    %dma_start3A_357 = arith.constant 0 : i32
    %dma_start3A_358 = arith.constant 0 : i32
    %dma_start3A_359 = tpu.memref_slice %arg8[%dma_start3A_354, %dma_start3A_357, %dma_start3A_358] : memref<2x128x128xf32, #tpu.memory_space<vmem>> -> memref<1x128x128xf32, #tpu.memory_space<vmem>>
    %dma_start3A_360 = tpu.memref_squeeze %dma_start3A_359 : memref<1x128x128xf32, #tpu.memory_space<vmem>> -> memref<128x128xf32, #tpu.memory_space<vmem>>
    %dma_start3A_361 = arith.constant 0 : i32
    %dma_start3A_362 = tpu.memref_slice %arg7[%dma_start3A_355, %dma_start3A_356, %dma_start3A_361] : memref<4x2x128xi32, #tpu.memory_space<vmem>> -> memref<1x1x128xi32, #tpu.memory_space<vmem>>
    %dma_start3A_363 = tpu.memref_squeeze %dma_start3A_362 : memref<1x1x128xi32, #tpu.memory_space<vmem>> -> memref<128xi32, #tpu.memory_space<vmem>>
    %dma_start3A_364 = arith.constant 0 : i32
    %dma_start3A_365 = arith.constant 0 : i32
    %dma_start3A_366 = tpu.memref_slice %arg6[%dma_start3A_364, %dma_start3A_365] : memref<10240x128xf32, #tpu.memory_space<vmem_shared>> -> memref<10240x128xf32, #tpu.memory_space<vmem_shared>>
    tpu.enqueue_indirect_dma source(%dma_start3A_360 : memref<128x128xf32, #tpu.memory_space<vmem>>) target(%dma_start3A_366 : memref<10240x128xf32, #tpu.memory_space<vmem_shared>>) offsets(%dma_start3A_363 : memref<128xi32, #tpu.memory_space<vmem>>) semaphore(%arg15 : memref<!tpu.dma_semaphore, #tpu.memory_space<semaphore_mem>>) {add = true}
    %dma_wait3A_367 = arith.constant 0 : i32
    %dma_wait3A_368 = arith.constant 0 : i32
    %dma_wait3A_369 = arith.constant 0 : i32
    %dma_wait3A_370 = tpu.memref_slice %arg8[%dma_wait3A_367, %dma_wait3A_368, %dma_wait3A_369] : memref<2x128x128xf32, #tpu.memory_space<vmem>> -> memref<1x128x128xf32, #tpu.memory_space<vmem>>
    %dma_wait3A_371 = tpu.memref_squeeze %dma_wait3A_370 : memref<1x128x128xf32, #tpu.memory_space<vmem>> -> memref<128x128xf32, #tpu.memory_space<vmem>>
    %dma_wait3A_372 = arith.constant 0 : i32
    %dma_wait3A_373 = arith.constant 0 : i32
    %dma_wait3A_374 = tpu.memref_slice %arg2[%dma_wait3A_372, %dma_wait3A_373] : memref<10240x128xf32, #tpu.memory_space<hbm>> -> memref<128x128xf32, #tpu.memory_space<hbm>>
    %dma_wait3A_375 = arith.constant 0 : i32
    %dma_wait3A_376 = arith.constant 0 : i32
    %dma_wait3A_377 = tpu.memref_slice %arg8[%dma_wait3A_367, %dma_wait3A_375, %dma_wait3A_376] : memref<2x128x128xf32, #tpu.memory_space<vmem>> -> memref<1x128x128xf32, #tpu.memory_space<vmem>>
    %dma_wait3A_378 = tpu.memref_squeeze %dma_wait3A_377 : memref<1x128x128xf32, #tpu.memory_space<vmem>> -> memref<128x128xf32, #tpu.memory_space<vmem>>
    %dma_wait3A_379 = arith.constant 0 : i32
    %dma_wait3A_380 = arith.constant 0 : i32
    %dma_wait3A_381 = tpu.memref_slice %arg2[%dma_wait3A_379, %dma_wait3A_380] : memref<10240x128xf32, #tpu.memory_space<hbm>> -> memref<128x128xf32, #tpu.memory_space<hbm>>
    tpu.wait_dma2 semaphore(%arg15 : memref<!tpu.dma_semaphore, #tpu.memory_space<semaphore_mem>>) src(%dma_wait3A_381 : memref<128x128xf32, #tpu.memory_space<hbm>>) dst(%dma_wait3A_378 : memref<128x128xf32, #tpu.memory_space<vmem>>)
    %dma_wait3A_382 = arith.constant 0 : i32
    %dma_wait3A_383 = arith.constant 0 : i32
    %dma_wait3A_384 = arith.constant 0 : i32
    %dma_wait3A_385 = arith.constant 0 : i32
    %dma_wait3A_386 = tpu.memref_slice %arg7[%dma_wait3A_383, %dma_wait3A_384, %dma_wait3A_385] : memref<4x2x128xi32, #tpu.memory_space<vmem>> -> memref<1x2x128xi32, #tpu.memory_space<vmem>>
    %dma_wait3A_387 = tpu.memref_squeeze %dma_wait3A_386 : memref<1x2x128xi32, #tpu.memory_space<vmem>> -> memref<2x128xi32, #tpu.memory_space<vmem>>
    %dma_wait3A_388 = arith.constant 0 : i32
    %dma_wait3A_389 = arith.constant 0 : i32
    %dma_wait3A_390 = tpu.memref_slice %arg4[%dma_wait3A_382, %dma_wait3A_388, %dma_wait3A_389] : memref<2560x2x128xi32, #tpu.memory_space<hbm>> -> memref<1x2x128xi32, #tpu.memory_space<hbm>>
    %dma_wait3A_391 = tpu.memref_squeeze %dma_wait3A_390 : memref<1x2x128xi32, #tpu.memory_space<hbm>> -> memref<2x128xi32, #tpu.memory_space<hbm>>
    %dma_wait3A_392 = arith.constant 0 : i32
    %dma_wait3A_393 = arith.constant 0 : i32
    %dma_wait3A_394 = tpu.memref_slice %arg7[%dma_wait3A_383, %dma_wait3A_392, %dma_wait3A_393] : memref<4x2x128xi32, #tpu.memory_space<vmem>> -> memref<1x2x128xi32, #tpu.memory_space<vmem>>
    %dma_wait3A_395 = tpu.memref_squeeze %dma_wait3A_394 : memref<1x2x128xi32, #tpu.memory_space<vmem>> -> memref<2x128xi32, #tpu.memory_space<vmem>>
    %dma_wait3A_396 = arith.constant 0 : i32
    %dma_wait3A_397 = arith.constant 0 : i32
    %dma_wait3A_398 = tpu.memref_slice %arg4[%dma_wait3A_382, %dma_wait3A_396, %dma_wait3A_397] : memref<2560x2x128xi32, #tpu.memory_space<hbm>> -> memref<1x2x128xi32, #tpu.memory_space<hbm>>
    %dma_wait3A_399 = tpu.memref_squeeze %dma_wait3A_398 : memref<1x2x128xi32, #tpu.memory_space<hbm>> -> memref<2x128xi32, #tpu.memory_space<hbm>>
    tpu.wait_dma2 semaphore(%arg9 : memref<!tpu.dma_semaphore, #tpu.memory_space<semaphore_mem>>) src(%dma_wait3A_399 : memref<2x128xi32, #tpu.memory_space<hbm>>) dst(%dma_wait3A_395 : memref<2x128xi32, #tpu.memory_space<vmem>>)
    %dma_start3A_400 = arith.constant 0 : i32
    %dma_start3A_401 = arith.constant 0 : i32
    %dma_start3A_402 = arith.constant 0 : i32
    %dma_start3A_403 = arith.constant 0 : i32
    %dma_start3A_404 = arith.constant 0 : i32
    %dma_start3A_405 = tpu.memref_slice %arg8[%dma_start3A_402, %dma_start3A_403, %dma_start3A_404] : memref<2x128x128xf32, #tpu.memory_space<vmem>> -> memref<1x128x128xf32, #tpu.memory_space<vmem>>
    %dma_start3A_406 = tpu.memref_squeeze %dma_start3A_405 : memref<1x128x128xf32, #tpu.memory_space<vmem>> -> memref<128x128xf32, #tpu.memory_space<vmem>>
    %dma_start3A_407 = arith.constant 0 : i32
    %dma_start3A_408 = tpu.memref_slice %arg7[%dma_start3A_400, %dma_start3A_401, %dma_start3A_407] : memref<4x2x128xi32, #tpu.memory_space<vmem>> -> memref<1x1x128xi32, #tpu.memory_space<vmem>>
    %dma_start3A_409 = tpu.memref_squeeze %dma_start3A_408 : memref<1x1x128xi32, #tpu.memory_space<vmem>> -> memref<128xi32, #tpu.memory_space<vmem>>
    %dma_start3A_410 = arith.constant 0 : i32
    %dma_start3A_411 = arith.constant 0 : i32
    %dma_start3A_412 = tpu.memref_slice %arg2[%dma_start3A_410, %dma_start3A_411] : memref<10240x128xf32, #tpu.memory_space<hbm>> -> memref<10240x128xf32, #tpu.memory_space<hbm>>
    tpu.enqueue_indirect_dma source(%dma_start3A_412 : memref<10240x128xf32, #tpu.memory_space<hbm>>) target(%dma_start3A_406 : memref<128x128xf32, #tpu.memory_space<vmem>>) offsets(%dma_start3A_409 : memref<128xi32, #tpu.memory_space<vmem>>) semaphore(%arg13 : memref<!tpu.dma_semaphore, #tpu.memory_space<semaphore_mem>>)
    %min3A_413 = arith.constant 6 : i32
    %min3A_414 = arith.constant 79 : i32
    %min3A_415 = arith.minsi %min3A_413, %min3A_414 : i32
    %add3A_416 = arith.addi %mul3A_11, %min3A_415 : i32
    %dma_start3A_417 = arith.constant 2 : i32
    %dma_start3A_418 = arith.constant 0 : i32
    %dma_start3A_419 = arith.constant 0 : i32
    %dma_start3A_420 = tpu.memref_slice %arg7[%dma_start3A_417, %dma_start3A_418, %dma_start3A_419] : memref<4x2x128xi32, #tpu.memory_space<vmem>> -> memref<1x2x128xi32, #tpu.memory_space<vmem>>
    %dma_start3A_421 = tpu.memref_squeeze %dma_start3A_420 : memref<1x2x128xi32, #tpu.memory_space<vmem>> -> memref<2x128xi32, #tpu.memory_space<vmem>>
    %dma_start3A_422 = arith.constant 0 : i32
    %dma_start3A_423 = arith.constant 0 : i32
    %dma_start3A_424 = tpu.memref_slice %arg4[%add3A_416, %dma_start3A_422, %dma_start3A_423] : memref<2560x2x128xi32, #tpu.memory_space<hbm>> -> memref<1x2x128xi32, #tpu.memory_space<hbm>>
    %dma_start3A_425 = tpu.memref_squeeze %dma_start3A_424 : memref<1x2x128xi32, #tpu.memory_space<hbm>> -> memref<2x128xi32, #tpu.memory_space<hbm>>
    %dma_start3A_426 = arith.constant 0 : i32
    %dma_start3A_427 = arith.constant 0 : i32
    %dma_start3A_428 = tpu.memref_slice %arg7[%dma_start3A_417, %dma_start3A_426, %dma_start3A_427] : memref<4x2x128xi32, #tpu.memory_space<vmem>> -> memref<1x2x128xi32, #tpu.memory_space<vmem>>
    %dma_start3A_429 = tpu.memref_squeeze %dma_start3A_428 : memref<1x2x128xi32, #tpu.memory_space<vmem>> -> memref<2x128xi32, #tpu.memory_space<vmem>>
    %dma_start3A_430 = arith.constant 0 : i32
    %dma_start3A_431 = arith.constant 0 : i32
    %dma_start3A_432 = tpu.memref_slice %arg4[%add3A_416, %dma_start3A_430, %dma_start3A_431] : memref<2560x2x128xi32, #tpu.memory_space<hbm>> -> memref<1x2x128xi32, #tpu.memory_space<hbm>>
    %dma_start3A_433 = tpu.memref_squeeze %dma_start3A_432 : memref<1x2x128xi32, #tpu.memory_space<hbm>> -> memref<2x128xi32, #tpu.memory_space<hbm>>
    tpu.enqueue_dma source(%dma_start3A_433 : memref<2x128xi32, #tpu.memory_space<hbm>>) target(%dma_start3A_429 : memref<2x128xi32, #tpu.memory_space<vmem>>) target_semaphore(%arg11 : memref<!tpu.dma_semaphore, #tpu.memory_space<semaphore_mem>>)
    %dma_wait3A_434 = arith.constant 1 : i32
    %dma_wait3A_435 = arith.constant 0 : i32
    %dma_wait3A_436 = arith.constant 0 : i32
    %dma_wait3A_437 = tpu.memref_slice %arg8[%dma_wait3A_434, %dma_wait3A_435, %dma_wait3A_436] : memref<2x128x128xf32, #tpu.memory_space<vmem>> -> memref<1x128x128xf32, #tpu.memory_space<vmem>>
    %dma_wait3A_438 = tpu.memref_squeeze %dma_wait3A_437 : memref<1x128x128xf32, #tpu.memory_space<vmem>> -> memref<128x128xf32, #tpu.memory_space<vmem>>
    %dma_wait3A_439 = arith.constant 0 : i32
    %dma_wait3A_440 = arith.constant 0 : i32
    %dma_wait3A_441 = tpu.memref_slice %arg2[%dma_wait3A_439, %dma_wait3A_440] : memref<10240x128xf32, #tpu.memory_space<hbm>> -> memref<128x128xf32, #tpu.memory_space<hbm>>
    %dma_wait3A_442 = arith.constant 0 : i32
    %dma_wait3A_443 = arith.constant 0 : i32
    %dma_wait3A_444 = tpu.memref_slice %arg8[%dma_wait3A_434, %dma_wait3A_442, %dma_wait3A_443] : memref<2x128x128xf32, #tpu.memory_space<vmem>> -> memref<1x128x128xf32, #tpu.memory_space<vmem>>
    %dma_wait3A_445 = tpu.memref_squeeze %dma_wait3A_444 : memref<1x128x128xf32, #tpu.memory_space<vmem>> -> memref<128x128xf32, #tpu.memory_space<vmem>>
    %dma_wait3A_446 = arith.constant 0 : i32
    %dma_wait3A_447 = arith.constant 0 : i32
    %dma_wait3A_448 = tpu.memref_slice %arg2[%dma_wait3A_446, %dma_wait3A_447] : memref<10240x128xf32, #tpu.memory_space<hbm>> -> memref<128x128xf32, #tpu.memory_space<hbm>>
    tpu.wait_dma2 semaphore(%arg14 : memref<!tpu.dma_semaphore, #tpu.memory_space<semaphore_mem>>) src(%dma_wait3A_448 : memref<128x128xf32, #tpu.memory_space<hbm>>) dst(%dma_wait3A_445 : memref<128x128xf32, #tpu.memory_space<vmem>>)
    %dma_start3A_449 = arith.constant 1 : i32
    %dma_start3A_450 = arith.constant 3 : i32
    %dma_start3A_451 = arith.constant 1 : i32
    %dma_start3A_452 = arith.constant 0 : i32
    %dma_start3A_453 = arith.constant 0 : i32
    %dma_start3A_454 = tpu.memref_slice %arg8[%dma_start3A_449, %dma_start3A_452, %dma_start3A_453] : memref<2x128x128xf32, #tpu.memory_space<vmem>> -> memref<1x128x128xf32, #tpu.memory_space<vmem>>
    %dma_start3A_455 = tpu.memref_squeeze %dma_start3A_454 : memref<1x128x128xf32, #tpu.memory_space<vmem>> -> memref<128x128xf32, #tpu.memory_space<vmem>>
    %dma_start3A_456 = arith.constant 0 : i32
    %dma_start3A_457 = tpu.memref_slice %arg7[%dma_start3A_450, %dma_start3A_451, %dma_start3A_456] : memref<4x2x128xi32, #tpu.memory_space<vmem>> -> memref<1x1x128xi32, #tpu.memory_space<vmem>>
    %dma_start3A_458 = tpu.memref_squeeze %dma_start3A_457 : memref<1x1x128xi32, #tpu.memory_space<vmem>> -> memref<128xi32, #tpu.memory_space<vmem>>
    %dma_start3A_459 = arith.constant 0 : i32
    %dma_start3A_460 = arith.constant 0 : i32
    %dma_start3A_461 = tpu.memref_slice %arg6[%dma_start3A_459, %dma_start3A_460] : memref<10240x128xf32, #tpu.memory_space<vmem_shared>> -> memref<10240x128xf32, #tpu.memory_space<vmem_shared>>
    tpu.enqueue_indirect_dma source(%dma_start3A_455 : memref<128x128xf32, #tpu.memory_space<vmem>>) target(%dma_start3A_461 : memref<10240x128xf32, #tpu.memory_space<vmem_shared>>) offsets(%dma_start3A_458 : memref<128xi32, #tpu.memory_space<vmem>>) semaphore(%arg16 : memref<!tpu.dma_semaphore, #tpu.memory_space<semaphore_mem>>) {add = true}
    %scan3A = arith.constant 0 : i32
    %scan3A_462 = arith.constant 1 : i32
    %scan3A_463 = arith.constant 19 : i32
    %scan3A_464 = arith.addi %scan3A_462, %scan3A_463 : i32
    %scan3A_465 = arith.constant 1 : i32
    scf.for %scan3A_534 = %scan3A_462 to %scan3A_464 step %scan3A_465  : i32 {
      %mul3A_535 = arith.constant 4 : i32
      %mul3A_536 = arith.muli %scan3A_534, %mul3A_535 : i32
      %add3A_537 = arith.constant 0 : i32
      %add3A_538 = arith.addi %mul3A_536, %add3A_537 : i32
      %dma_wait3A_539 = arith.constant 1 : i32
      %dma_wait3A_540 = arith.constant 0 : i32
      %dma_wait3A_541 = arith.constant 0 : i32
      %dma_wait3A_542 = tpu.memref_slice %arg8[%dma_wait3A_539, %dma_wait3A_540, %dma_wait3A_541] : memref<2x128x128xf32, #tpu.memory_space<vmem>> -> memref<1x128x128xf32, #tpu.memory_space<vmem>>
      %dma_wait3A_543 = tpu.memref_squeeze %dma_wait3A_542 : memref<1x128x128xf32, #tpu.memory_space<vmem>> -> memref<128x128xf32, #tpu.memory_space<vmem>>
      %dma_wait3A_544 = arith.constant 0 : i32
      %dma_wait3A_545 = arith.constant 0 : i32
      %dma_wait3A_546 = tpu.memref_slice %arg2[%dma_wait3A_544, %dma_wait3A_545] : memref<10240x128xf32, #tpu.memory_space<hbm>> -> memref<128x128xf32, #tpu.memory_space<hbm>>
      %dma_wait3A_547 = arith.constant 0 : i32
      %dma_wait3A_548 = arith.constant 0 : i32
      %dma_wait3A_549 = tpu.memref_slice %arg8[%dma_wait3A_539, %dma_wait3A_547, %dma_wait3A_548] : memref<2x128x128xf32, #tpu.memory_space<vmem>> -> memref<1x128x128xf32, #tpu.memory_space<vmem>>
      %dma_wait3A_550 = tpu.memref_squeeze %dma_wait3A_549 : memref<1x128x128xf32, #tpu.memory_space<vmem>> -> memref<128x128xf32, #tpu.memory_space<vmem>>
      %dma_wait3A_551 = arith.constant 0 : i32
      %dma_wait3A_552 = arith.constant 0 : i32
      %dma_wait3A_553 = tpu.memref_slice %arg2[%dma_wait3A_551, %dma_wait3A_552] : memref<10240x128xf32, #tpu.memory_space<hbm>> -> memref<128x128xf32, #tpu.memory_space<hbm>>
      tpu.wait_dma2 semaphore(%arg16 : memref<!tpu.dma_semaphore, #tpu.memory_space<semaphore_mem>>) src(%dma_wait3A_553 : memref<128x128xf32, #tpu.memory_space<hbm>>) dst(%dma_wait3A_550 : memref<128x128xf32, #tpu.memory_space<vmem>>)
      %dma_wait3A_554 = arith.constant 0 : i32
      %dma_wait3A_555 = arith.constant 1 : i32
      %dma_wait3A_556 = arith.constant 0 : i32
      %dma_wait3A_557 = arith.constant 0 : i32
      %dma_wait3A_558 = tpu.memref_slice %arg7[%dma_wait3A_555, %dma_wait3A_556, %dma_wait3A_557] : memref<4x2x128xi32, #tpu.memory_space<vmem>> -> memref<1x2x128xi32, #tpu.memory_space<vmem>>
      %dma_wait3A_559 = tpu.memref_squeeze %dma_wait3A_558 : memref<1x2x128xi32, #tpu.memory_space<vmem>> -> memref<2x128xi32, #tpu.memory_space<vmem>>
      %dma_wait3A_560 = arith.constant 0 : i32
      %dma_wait3A_561 = arith.constant 0 : i32
      %dma_wait3A_562 = tpu.memref_slice %arg4[%dma_wait3A_554, %dma_wait3A_560, %dma_wait3A_561] : memref<2560x2x128xi32, #tpu.memory_space<hbm>> -> memref<1x2x128xi32, #tpu.memory_space<hbm>>
      %dma_wait3A_563 = tpu.memref_squeeze %dma_wait3A_562 : memref<1x2x128xi32, #tpu.memory_space<hbm>> -> memref<2x128xi32, #tpu.memory_space<hbm>>
      %dma_wait3A_564 = arith.constant 0 : i32
      %dma_wait3A_565 = arith.constant 0 : i32
      %dma_wait3A_566 = tpu.memref_slice %arg7[%dma_wait3A_555, %dma_wait3A_564, %dma_wait3A_565] : memref<4x2x128xi32, #tpu.memory_space<vmem>> -> memref<1x2x128xi32, #tpu.memory_space<vmem>>
      %dma_wait3A_567 = tpu.memref_squeeze %dma_wait3A_566 : memref<1x2x128xi32, #tpu.memory_space<vmem>> -> memref<2x128xi32, #tpu.memory_space<vmem>>
      %dma_wait3A_568 = arith.constant 0 : i32
      %dma_wait3A_569 = arith.constant 0 : i32
      %dma_wait3A_570 = tpu.memref_slice %arg4[%dma_wait3A_554, %dma_wait3A_568, %dma_wait3A_569] : memref<2560x2x128xi32, #tpu.memory_space<hbm>> -> memref<1x2x128xi32, #tpu.memory_space<hbm>>
      %dma_wait3A_571 = tpu.memref_squeeze %dma_wait3A_570 : memref<1x2x128xi32, #tpu.memory_space<hbm>> -> memref<2x128xi32, #tpu.memory_space<hbm>>
      tpu.wait_dma2 semaphore(%arg10 : memref<!tpu.dma_semaphore, #tpu.memory_space<semaphore_mem>>) src(%dma_wait3A_571 : memref<2x128xi32, #tpu.memory_space<hbm>>) dst(%dma_wait3A_567 : memref<2x128xi32, #tpu.memory_space<vmem>>)
      %dma_start3A_572 = arith.constant 1 : i32
      %dma_start3A_573 = arith.constant 0 : i32
      %dma_start3A_574 = arith.constant 1 : i32
      %dma_start3A_575 = arith.constant 0 : i32
      %dma_start3A_576 = arith.constant 0 : i32
      %dma_start3A_577 = tpu.memref_slice %arg8[%dma_start3A_574, %dma_start3A_575, %dma_start3A_576] : memref<2x128x128xf32, #tpu.memory_space<vmem>> -> memref<1x128x128xf32, #tpu.memory_space<vmem>>
      %dma_start3A_578 = tpu.memref_squeeze %dma_start3A_577 : memref<1x128x128xf32, #tpu.memory_space<vmem>> -> memref<128x128xf32, #tpu.memory_space<vmem>>
      %dma_start3A_579 = arith.constant 0 : i32
      %dma_start3A_580 = tpu.memref_slice %arg7[%dma_start3A_572, %dma_start3A_573, %dma_start3A_579] : memref<4x2x128xi32, #tpu.memory_space<vmem>> -> memref<1x1x128xi32, #tpu.memory_space<vmem>>
      %dma_start3A_581 = tpu.memref_squeeze %dma_start3A_580 : memref<1x1x128xi32, #tpu.memory_space<vmem>> -> memref<128xi32, #tpu.memory_space<vmem>>
      %dma_start3A_582 = arith.constant 0 : i32
      %dma_start3A_583 = arith.constant 0 : i32
      %dma_start3A_584 = tpu.memref_slice %arg2[%dma_start3A_582, %dma_start3A_583] : memref<10240x128xf32, #tpu.memory_space<hbm>> -> memref<10240x128xf32, #tpu.memory_space<hbm>>
      tpu.enqueue_indirect_dma source(%dma_start3A_584 : memref<10240x128xf32, #tpu.memory_space<hbm>>) target(%dma_start3A_578 : memref<128x128xf32, #tpu.memory_space<vmem>>) offsets(%dma_start3A_581 : memref<128xi32, #tpu.memory_space<vmem>>) semaphore(%arg14 : memref<!tpu.dma_semaphore, #tpu.memory_space<semaphore_mem>>)
      %add3A_585 = arith.constant 3 : i32
      %add3A_586 = arith.addi %add3A_538, %add3A_585 : i32
      %min3A_587 = arith.constant 79 : i32
      %min3A_588 = arith.minsi %add3A_586, %min3A_587 : i32
      %add3A_589 = arith.addi %mul3A_11, %min3A_588 : i32
      %dma_start3A_590 = arith.constant 3 : i32
      %dma_start3A_591 = arith.constant 0 : i32
      %dma_start3A_592 = arith.constant 0 : i32
      %dma_start3A_593 = tpu.memref_slice %arg7[%dma_start3A_590, %dma_start3A_591, %dma_start3A_592] : memref<4x2x128xi32, #tpu.memory_space<vmem>> -> memref<1x2x128xi32, #tpu.memory_space<vmem>>
      %dma_start3A_594 = tpu.memref_squeeze %dma_start3A_593 : memref<1x2x128xi32, #tpu.memory_space<vmem>> -> memref<2x128xi32, #tpu.memory_space<vmem>>
      %dma_start3A_595 = arith.constant 0 : i32
      %dma_start3A_596 = arith.constant 0 : i32
      %dma_start3A_597 = tpu.memref_slice %arg4[%add3A_589, %dma_start3A_595, %dma_start3A_596] : memref<2560x2x128xi32, #tpu.memory_space<hbm>> -> memref<1x2x128xi32, #tpu.memory_space<hbm>>
      %dma_start3A_598 = tpu.memref_squeeze %dma_start3A_597 : memref<1x2x128xi32, #tpu.memory_space<hbm>> -> memref<2x128xi32, #tpu.memory_space<hbm>>
      %dma_start3A_599 = arith.constant 0 : i32
      %dma_start3A_600 = arith.constant 0 : i32
      %dma_start3A_601 = tpu.memref_slice %arg7[%dma_start3A_590, %dma_start3A_599, %dma_start3A_600] : memref<4x2x128xi32, #tpu.memory_space<vmem>> -> memref<1x2x128xi32, #tpu.memory_space<vmem>>
      %dma_start3A_602 = tpu.memref_squeeze %dma_start3A_601 : memref<1x2x128xi32, #tpu.memory_space<vmem>> -> memref<2x128xi32, #tpu.memory_space<vmem>>
      %dma_start3A_603 = arith.constant 0 : i32
      %dma_start3A_604 = arith.constant 0 : i32
      %dma_start3A_605 = tpu.memref_slice %arg4[%add3A_589, %dma_start3A_603, %dma_start3A_604] : memref<2560x2x128xi32, #tpu.memory_space<hbm>> -> memref<1x2x128xi32, #tpu.memory_space<hbm>>
      %dma_start3A_606 = tpu.memref_squeeze %dma_start3A_605 : memref<1x2x128xi32, #tpu.memory_space<hbm>> -> memref<2x128xi32, #tpu.memory_space<hbm>>
      tpu.enqueue_dma source(%dma_start3A_606 : memref<2x128xi32, #tpu.memory_space<hbm>>) target(%dma_start3A_602 : memref<2x128xi32, #tpu.memory_space<vmem>>) target_semaphore(%arg12 : memref<!tpu.dma_semaphore, #tpu.memory_space<semaphore_mem>>)
      %dma_wait3A_607 = arith.constant 0 : i32
      %dma_wait3A_608 = arith.constant 0 : i32
      %dma_wait3A_609 = arith.constant 0 : i32
      %dma_wait3A_610 = tpu.memref_slice %arg8[%dma_wait3A_607, %dma_wait3A_608, %dma_wait3A_609] : memref<2x128x128xf32, #tpu.memory_space<vmem>> -> memref<1x128x128xf32, #tpu.memory_space<vmem>>
      %dma_wait3A_611 = tpu.memref_squeeze %dma_wait3A_610 : memref<1x128x128xf32, #tpu.memory_space<vmem>> -> memref<128x128xf32, #tpu.memory_space<vmem>>
      %dma_wait3A_612 = arith.constant 0 : i32
      %dma_wait3A_613 = arith.constant 0 : i32
      %dma_wait3A_614 = tpu.memref_slice %arg2[%dma_wait3A_612, %dma_wait3A_613] : memref<10240x128xf32, #tpu.memory_space<hbm>> -> memref<128x128xf32, #tpu.memory_space<hbm>>
      %dma_wait3A_615 = arith.constant 0 : i32
      %dma_wait3A_616 = arith.constant 0 : i32
      %dma_wait3A_617 = tpu.memref_slice %arg8[%dma_wait3A_607, %dma_wait3A_615, %dma_wait3A_616] : memref<2x128x128xf32, #tpu.memory_space<vmem>> -> memref<1x128x128xf32, #tpu.memory_space<vmem>>
      %dma_wait3A_618 = tpu.memref_squeeze %dma_wait3A_617 : memref<1x128x128xf32, #tpu.memory_space<vmem>> -> memref<128x128xf32, #tpu.memory_space<vmem>>
      %dma_wait3A_619 = arith.constant 0 : i32
      %dma_wait3A_620 = arith.constant 0 : i32
      %dma_wait3A_621 = tpu.memref_slice %arg2[%dma_wait3A_619, %dma_wait3A_620] : memref<10240x128xf32, #tpu.memory_space<hbm>> -> memref<128x128xf32, #tpu.memory_space<hbm>>
      tpu.wait_dma2 semaphore(%arg13 : memref<!tpu.dma_semaphore, #tpu.memory_space<semaphore_mem>>) src(%dma_wait3A_621 : memref<128x128xf32, #tpu.memory_space<hbm>>) dst(%dma_wait3A_618 : memref<128x128xf32, #tpu.memory_space<vmem>>)
      %dma_start3A_622 = arith.constant 0 : i32
      %dma_start3A_623 = arith.constant 0 : i32
      %dma_start3A_624 = arith.constant 1 : i32
      %dma_start3A_625 = arith.constant 0 : i32
      %dma_start3A_626 = arith.constant 0 : i32
      %dma_start3A_627 = tpu.memref_slice %arg8[%dma_start3A_622, %dma_start3A_625, %dma_start3A_626] : memref<2x128x128xf32, #tpu.memory_space<vmem>> -> memref<1x128x128xf32, #tpu.memory_space<vmem>>
      %dma_start3A_628 = tpu.memref_squeeze %dma_start3A_627 : memref<1x128x128xf32, #tpu.memory_space<vmem>> -> memref<128x128xf32, #tpu.memory_space<vmem>>
      %dma_start3A_629 = arith.constant 0 : i32
      %dma_start3A_630 = tpu.memref_slice %arg7[%dma_start3A_623, %dma_start3A_624, %dma_start3A_629] : memref<4x2x128xi32, #tpu.memory_space<vmem>> -> memref<1x1x128xi32, #tpu.memory_space<vmem>>
      %dma_start3A_631 = tpu.memref_squeeze %dma_start3A_630 : memref<1x1x128xi32, #tpu.memory_space<vmem>> -> memref<128xi32, #tpu.memory_space<vmem>>
      %dma_start3A_632 = arith.constant 0 : i32
      %dma_start3A_633 = arith.constant 0 : i32
      %dma_start3A_634 = tpu.memref_slice %arg6[%dma_start3A_632, %dma_start3A_633] : memref<10240x128xf32, #tpu.memory_space<vmem_shared>> -> memref<10240x128xf32, #tpu.memory_space<vmem_shared>>
      tpu.enqueue_indirect_dma source(%dma_start3A_628 : memref<128x128xf32, #tpu.memory_space<vmem>>) target(%dma_start3A_634 : memref<10240x128xf32, #tpu.memory_space<vmem_shared>>) offsets(%dma_start3A_631 : memref<128xi32, #tpu.memory_space<vmem>>) semaphore(%arg15 : memref<!tpu.dma_semaphore, #tpu.memory_space<semaphore_mem>>) {add = true}
      %add3A_635 = arith.constant 1 : i32
      %add3A_636 = arith.addi %mul3A_536, %add3A_635 : i32
      %dma_wait3A_637 = arith.constant 0 : i32
      %dma_wait3A_638 = arith.constant 0 : i32
      %dma_wait3A_639 = arith.constant 0 : i32
      %dma_wait3A_640 = tpu.memref_slice %arg8[%dma_wait3A_637, %dma_wait3A_638, %dma_wait3A_639] : memref<2x128x128xf32, #tpu.memory_space<vmem>> -> memref<1x128x128xf32, #tpu.memory_space<vmem>>
      %dma_wait3A_641 = tpu.memref_squeeze %dma_wait3A_640 : memref<1x128x128xf32, #tpu.memory_space<vmem>> -> memref<128x128xf32, #tpu.memory_space<vmem>>
      %dma_wait3A_642 = arith.constant 0 : i32
      %dma_wait3A_643 = arith.constant 0 : i32
      %dma_wait3A_644 = tpu.memref_slice %arg2[%dma_wait3A_642, %dma_wait3A_643] : memref<10240x128xf32, #tpu.memory_space<hbm>> -> memref<128x128xf32, #tpu.memory_space<hbm>>
      %dma_wait3A_645 = arith.constant 0 : i32
      %dma_wait3A_646 = arith.constant 0 : i32
      %dma_wait3A_647 = tpu.memref_slice %arg8[%dma_wait3A_637, %dma_wait3A_645, %dma_wait3A_646] : memref<2x128x128xf32, #tpu.memory_space<vmem>> -> memref<1x128x128xf32, #tpu.memory_space<vmem>>
      %dma_wait3A_648 = tpu.memref_squeeze %dma_wait3A_647 : memref<1x128x128xf32, #tpu.memory_space<vmem>> -> memref<128x128xf32, #tpu.memory_space<vmem>>
      %dma_wait3A_649 = arith.constant 0 : i32
      %dma_wait3A_650 = arith.constant 0 : i32
      %dma_wait3A_651 = tpu.memref_slice %arg2[%dma_wait3A_649, %dma_wait3A_650] : memref<10240x128xf32, #tpu.memory_space<hbm>> -> memref<128x128xf32, #tpu.memory_space<hbm>>
      tpu.wait_dma2 semaphore(%arg15 : memref<!tpu.dma_semaphore, #tpu.memory_space<semaphore_mem>>) src(%dma_wait3A_651 : memref<128x128xf32, #tpu.memory_space<hbm>>) dst(%dma_wait3A_648 : memref<128x128xf32, #tpu.memory_space<vmem>>)
      %dma_wait3A_652 = arith.constant 0 : i32
      %dma_wait3A_653 = arith.constant 2 : i32
      %dma_wait3A_654 = arith.constant 0 : i32
      %dma_wait3A_655 = arith.constant 0 : i32
      %dma_wait3A_656 = tpu.memref_slice %arg7[%dma_wait3A_653, %dma_wait3A_654, %dma_wait3A_655] : memref<4x2x128xi32, #tpu.memory_space<vmem>> -> memref<1x2x128xi32, #tpu.memory_space<vmem>>
      %dma_wait3A_657 = tpu.memref_squeeze %dma_wait3A_656 : memref<1x2x128xi32, #tpu.memory_space<vmem>> -> memref<2x128xi32, #tpu.memory_space<vmem>>
      %dma_wait3A_658 = arith.constant 0 : i32
      %dma_wait3A_659 = arith.constant 0 : i32
      %dma_wait3A_660 = tpu.memref_slice %arg4[%dma_wait3A_652, %dma_wait3A_658, %dma_wait3A_659] : memref<2560x2x128xi32, #tpu.memory_space<hbm>> -> memref<1x2x128xi32, #tpu.memory_space<hbm>>
      %dma_wait3A_661 = tpu.memref_squeeze %dma_wait3A_660 : memref<1x2x128xi32, #tpu.memory_space<hbm>> -> memref<2x128xi32, #tpu.memory_space<hbm>>
      %dma_wait3A_662 = arith.constant 0 : i32
      %dma_wait3A_663 = arith.constant 0 : i32
      %dma_wait3A_664 = tpu.memref_slice %arg7[%dma_wait3A_653, %dma_wait3A_662, %dma_wait3A_663] : memref<4x2x128xi32, #tpu.memory_space<vmem>> -> memref<1x2x128xi32, #tpu.memory_space<vmem>>
      %dma_wait3A_665 = tpu.memref_squeeze %dma_wait3A_664 : memref<1x2x128xi32, #tpu.memory_space<vmem>> -> memref<2x128xi32, #tpu.memory_space<vmem>>
      %dma_wait3A_666 = arith.constant 0 : i32
      %dma_wait3A_667 = arith.constant 0 : i32
      %dma_wait3A_668 = tpu.memref_slice %arg4[%dma_wait3A_652, %dma_wait3A_666, %dma_wait3A_667] : memref<2560x2x128xi32, #tpu.memory_space<hbm>> -> memref<1x2x128xi32, #tpu.memory_space<hbm>>
      %dma_wait3A_669 = tpu.memref_squeeze %dma_wait3A_668 : memref<1x2x128xi32, #tpu.memory_space<hbm>> -> memref<2x128xi32, #tpu.memory_space<hbm>>
      tpu.wait_dma2 semaphore(%arg11 : memref<!tpu.dma_semaphore, #tpu.memory_space<semaphore_mem>>) src(%dma_wait3A_669 : memref<2x128xi32, #tpu.memory_space<hbm>>) dst(%dma_wait3A_665 : memref<2x128xi32, #tpu.memory_space<vmem>>)
      %dma_start3A_670 = arith.constant 2 : i32
      %dma_start3A_671 = arith.constant 0 : i32
      %dma_start3A_672 = arith.constant 0 : i32
      %dma_start3A_673 = arith.constant 0 : i32
      %dma_start3A_674 = arith.constant 0 : i32
      %dma_start3A_675 = tpu.memref_slice %arg8[%dma_start3A_672, %dma_start3A_673, %dma_start3A_674] : memref<2x128x128xf32, #tpu.memory_space<vmem>> -> memref<1x128x128xf32, #tpu.memory_space<vmem>>
      %dma_start3A_676 = tpu.memref_squeeze %dma_start3A_675 : memref<1x128x128xf32, #tpu.memory_space<vmem>> -> memref<128x128xf32, #tpu.memory_space<vmem>>
      %dma_start3A_677 = arith.constant 0 : i32
      %dma_start3A_678 = tpu.memref_slice %arg7[%dma_start3A_670, %dma_start3A_671, %dma_start3A_677] : memref<4x2x128xi32, #tpu.memory_space<vmem>> -> memref<1x1x128xi32, #tpu.memory_space<vmem>>
      %dma_start3A_679 = tpu.memref_squeeze %dma_start3A_678 : memref<1x1x128xi32, #tpu.memory_space<vmem>> -> memref<128xi32, #tpu.memory_space<vmem>>
      %dma_start3A_680 = arith.constant 0 : i32
      %dma_start3A_681 = arith.constant 0 : i32
      %dma_start3A_682 = tpu.memref_slice %arg2[%dma_start3A_680, %dma_start3A_681] : memref<10240x128xf32, #tpu.memory_space<hbm>> -> memref<10240x128xf32, #tpu.memory_space<hbm>>
      tpu.enqueue_indirect_dma source(%dma_start3A_682 : memref<10240x128xf32, #tpu.memory_space<hbm>>) target(%dma_start3A_676 : memref<128x128xf32, #tpu.memory_space<vmem>>) offsets(%dma_start3A_679 : memref<128xi32, #tpu.memory_space<vmem>>) semaphore(%arg13 : memref<!tpu.dma_semaphore, #tpu.memory_space<semaphore_mem>>)
      %add3A_683 = arith.constant 3 : i32
      %add3A_684 = arith.addi %add3A_636, %add3A_683 : i32
      %min3A_685 = arith.constant 79 : i32
      %min3A_686 = arith.minsi %add3A_684, %min3A_685 : i32
      %add3A_687 = arith.addi %mul3A_11, %min3A_686 : i32
      %dma_start3A_688 = arith.constant 0 : i32
      %dma_start3A_689 = arith.constant 0 : i32
      %dma_start3A_690 = arith.constant 0 : i32
      %dma_start3A_691 = tpu.memref_slice %arg7[%dma_start3A_688, %dma_start3A_689, %dma_start3A_690] : memref<4x2x128xi32, #tpu.memory_space<vmem>> -> memref<1x2x128xi32, #tpu.memory_space<vmem>>
      %dma_start3A_692 = tpu.memref_squeeze %dma_start3A_691 : memref<1x2x128xi32, #tpu.memory_space<vmem>> -> memref<2x128xi32, #tpu.memory_space<vmem>>
      %dma_start3A_693 = arith.constant 0 : i32
      %dma_start3A_694 = arith.constant 0 : i32
      %dma_start3A_695 = tpu.memref_slice %arg4[%add3A_687, %dma_start3A_693, %dma_start3A_694] : memref<2560x2x128xi32, #tpu.memory_space<hbm>> -> memref<1x2x128xi32, #tpu.memory_space<hbm>>
      %dma_start3A_696 = tpu.memref_squeeze %dma_start3A_695 : memref<1x2x128xi32, #tpu.memory_space<hbm>> -> memref<2x128xi32, #tpu.memory_space<hbm>>
      %dma_start3A_697 = arith.constant 0 : i32
      %dma_start3A_698 = arith.constant 0 : i32
      %dma_start3A_699 = tpu.memref_slice %arg7[%dma_start3A_688, %dma_start3A_697, %dma_start3A_698] : memref<4x2x128xi32, #tpu.memory_space<vmem>> -> memref<1x2x128xi32, #tpu.memory_space<vmem>>
      %dma_start3A_700 = tpu.memref_squeeze %dma_start3A_699 : memref<1x2x128xi32, #tpu.memory_space<vmem>> -> memref<2x128xi32, #tpu.memory_space<vmem>>
      %dma_start3A_701 = arith.constant 0 : i32
      %dma_start3A_702 = arith.constant 0 : i32
      %dma_start3A_703 = tpu.memref_slice %arg4[%add3A_687, %dma_start3A_701, %dma_start3A_702] : memref<2560x2x128xi32, #tpu.memory_space<hbm>> -> memref<1x2x128xi32, #tpu.memory_space<hbm>>
      %dma_start3A_704 = tpu.memref_squeeze %dma_start3A_703 : memref<1x2x128xi32, #tpu.memory_space<hbm>> -> memref<2x128xi32, #tpu.memory_space<hbm>>
      tpu.enqueue_dma source(%dma_start3A_704 : memref<2x128xi32, #tpu.memory_space<hbm>>) target(%dma_start3A_700 : memref<2x128xi32, #tpu.memory_space<vmem>>) target_semaphore(%arg9 : memref<!tpu.dma_semaphore, #tpu.memory_space<semaphore_mem>>)
      %dma_wait3A_705 = arith.constant 1 : i32
      %dma_wait3A_706 = arith.constant 0 : i32
      %dma_wait3A_707 = arith.constant 0 : i32
      %dma_wait3A_708 = tpu.memref_slice %arg8[%dma_wait3A_705, %dma_wait3A_706, %dma_wait3A_707] : memref<2x128x128xf32, #tpu.memory_space<vmem>> -> memref<1x128x128xf32, #tpu.memory_space<vmem>>
      %dma_wait3A_709 = tpu.memref_squeeze %dma_wait3A_708 : memref<1x128x128xf32, #tpu.memory_space<vmem>> -> memref<128x128xf32, #tpu.memory_space<vmem>>
      %dma_wait3A_710 = arith.constant 0 : i32
      %dma_wait3A_711 = arith.constant 0 : i32
      %dma_wait3A_712 = tpu.memref_slice %arg2[%dma_wait3A_710, %dma_wait3A_711] : memref<10240x128xf32, #tpu.memory_space<hbm>> -> memref<128x128xf32, #tpu.memory_space<hbm>>
      %dma_wait3A_713 = arith.constant 0 : i32
      %dma_wait3A_714 = arith.constant 0 : i32
      %dma_wait3A_715 = tpu.memref_slice %arg8[%dma_wait3A_705, %dma_wait3A_713, %dma_wait3A_714] : memref<2x128x128xf32, #tpu.memory_space<vmem>> -> memref<1x128x128xf32, #tpu.memory_space<vmem>>
      %dma_wait3A_716 = tpu.memref_squeeze %dma_wait3A_715 : memref<1x128x128xf32, #tpu.memory_space<vmem>> -> memref<128x128xf32, #tpu.memory_space<vmem>>
      %dma_wait3A_717 = arith.constant 0 : i32
      %dma_wait3A_718 = arith.constant 0 : i32
      %dma_wait3A_719 = tpu.memref_slice %arg2[%dma_wait3A_717, %dma_wait3A_718] : memref<10240x128xf32, #tpu.memory_space<hbm>> -> memref<128x128xf32, #tpu.memory_space<hbm>>
      tpu.wait_dma2 semaphore(%arg14 : memref<!tpu.dma_semaphore, #tpu.memory_space<semaphore_mem>>) src(%dma_wait3A_719 : memref<128x128xf32, #tpu.memory_space<hbm>>) dst(%dma_wait3A_716 : memref<128x128xf32, #tpu.memory_space<vmem>>)
      %dma_start3A_720 = arith.constant 1 : i32
      %dma_start3A_721 = arith.constant 1 : i32
      %dma_start3A_722 = arith.constant 1 : i32
      %dma_start3A_723 = arith.constant 0 : i32
      %dma_start3A_724 = arith.constant 0 : i32
      %dma_start3A_725 = tpu.memref_slice %arg8[%dma_start3A_720, %dma_start3A_723, %dma_start3A_724] : memref<2x128x128xf32, #tpu.memory_space<vmem>> -> memref<1x128x128xf32, #tpu.memory_space<vmem>>
      %dma_start3A_726 = tpu.memref_squeeze %dma_start3A_725 : memref<1x128x128xf32, #tpu.memory_space<vmem>> -> memref<128x128xf32, #tpu.memory_space<vmem>>
      %dma_start3A_727 = arith.constant 0 : i32
      %dma_start3A_728 = tpu.memref_slice %arg7[%dma_start3A_721, %dma_start3A_722, %dma_start3A_727] : memref<4x2x128xi32, #tpu.memory_space<vmem>> -> memref<1x1x128xi32, #tpu.memory_space<vmem>>
      %dma_start3A_729 = tpu.memref_squeeze %dma_start3A_728 : memref<1x1x128xi32, #tpu.memory_space<vmem>> -> memref<128xi32, #tpu.memory_space<vmem>>
      %dma_start3A_730 = arith.constant 0 : i32
      %dma_start3A_731 = arith.constant 0 : i32
      %dma_start3A_732 = tpu.memref_slice %arg6[%dma_start3A_730, %dma_start3A_731] : memref<10240x128xf32, #tpu.memory_space<vmem_shared>> -> memref<10240x128xf32, #tpu.memory_space<vmem_shared>>
      tpu.enqueue_indirect_dma source(%dma_start3A_726 : memref<128x128xf32, #tpu.memory_space<vmem>>) target(%dma_start3A_732 : memref<10240x128xf32, #tpu.memory_space<vmem_shared>>) offsets(%dma_start3A_729 : memref<128xi32, #tpu.memory_space<vmem>>) semaphore(%arg16 : memref<!tpu.dma_semaphore, #tpu.memory_space<semaphore_mem>>) {add = true}
      %add3A_733 = arith.constant 2 : i32
      %add3A_734 = arith.addi %mul3A_536, %add3A_733 : i32
      %dma_wait3A_735 = arith.constant 1 : i32
      %dma_wait3A_736 = arith.constant 0 : i32
      %dma_wait3A_737 = arith.constant 0 : i32
      %dma_wait3A_738 = tpu.memref_slice %arg8[%dma_wait3A_735, %dma_wait3A_736, %dma_wait3A_737] : memref<2x128x128xf32, #tpu.memory_space<vmem>> -> memref<1x128x128xf32, #tpu.memory_space<vmem>>
      %dma_wait3A_739 = tpu.memref_squeeze %dma_wait3A_738 : memref<1x128x128xf32, #tpu.memory_space<vmem>> -> memref<128x128xf32, #tpu.memory_space<vmem>>
      %dma_wait3A_740 = arith.constant 0 : i32
      %dma_wait3A_741 = arith.constant 0 : i32
      %dma_wait3A_742 = tpu.memref_slice %arg2[%dma_wait3A_740, %dma_wait3A_741] : memref<10240x128xf32, #tpu.memory_space<hbm>> -> memref<128x128xf32, #tpu.memory_space<hbm>>
      %dma_wait3A_743 = arith.constant 0 : i32
      %dma_wait3A_744 = arith.constant 0 : i32
      %dma_wait3A_745 = tpu.memref_slice %arg8[%dma_wait3A_735, %dma_wait3A_743, %dma_wait3A_744] : memref<2x128x128xf32, #tpu.memory_space<vmem>> -> memref<1x128x128xf32, #tpu.memory_space<vmem>>
      %dma_wait3A_746 = tpu.memref_squeeze %dma_wait3A_745 : memref<1x128x128xf32, #tpu.memory_space<vmem>> -> memref<128x128xf32, #tpu.memory_space<vmem>>
      %dma_wait3A_747 = arith.constant 0 : i32
      %dma_wait3A_748 = arith.constant 0 : i32
      %dma_wait3A_749 = tpu.memref_slice %arg2[%dma_wait3A_747, %dma_wait3A_748] : memref<10240x128xf32, #tpu.memory_space<hbm>> -> memref<128x128xf32, #tpu.memory_space<hbm>>
      tpu.wait_dma2 semaphore(%arg16 : memref<!tpu.dma_semaphore, #tpu.memory_space<semaphore_mem>>) src(%dma_wait3A_749 : memref<128x128xf32, #tpu.memory_space<hbm>>) dst(%dma_wait3A_746 : memref<128x128xf32, #tpu.memory_space<vmem>>)
      %dma_wait3A_750 = arith.constant 0 : i32
      %dma_wait3A_751 = arith.constant 3 : i32
      %dma_wait3A_752 = arith.constant 0 : i32
      %dma_wait3A_753 = arith.constant 0 : i32
      %dma_wait3A_754 = tpu.memref_slice %arg7[%dma_wait3A_751, %dma_wait3A_752, %dma_wait3A_753] : memref<4x2x128xi32, #tpu.memory_space<vmem>> -> memref<1x2x128xi32, #tpu.memory_space<vmem>>
      %dma_wait3A_755 = tpu.memref_squeeze %dma_wait3A_754 : memref<1x2x128xi32, #tpu.memory_space<vmem>> -> memref<2x128xi32, #tpu.memory_space<vmem>>
      %dma_wait3A_756 = arith.constant 0 : i32
      %dma_wait3A_757 = arith.constant 0 : i32
      %dma_wait3A_758 = tpu.memref_slice %arg4[%dma_wait3A_750, %dma_wait3A_756, %dma_wait3A_757] : memref<2560x2x128xi32, #tpu.memory_space<hbm>> -> memref<1x2x128xi32, #tpu.memory_space<hbm>>
      %dma_wait3A_759 = tpu.memref_squeeze %dma_wait3A_758 : memref<1x2x128xi32, #tpu.memory_space<hbm>> -> memref<2x128xi32, #tpu.memory_space<hbm>>
      %dma_wait3A_760 = arith.constant 0 : i32
      %dma_wait3A_761 = arith.constant 0 : i32
      %dma_wait3A_762 = tpu.memref_slice %arg7[%dma_wait3A_751, %dma_wait3A_760, %dma_wait3A_761] : memref<4x2x128xi32, #tpu.memory_space<vmem>> -> memref<1x2x128xi32, #tpu.memory_space<vmem>>
      %dma_wait3A_763 = tpu.memref_squeeze %dma_wait3A_762 : memref<1x2x128xi32, #tpu.memory_space<vmem>> -> memref<2x128xi32, #tpu.memory_space<vmem>>
      %dma_wait3A_764 = arith.constant 0 : i32
      %dma_wait3A_765 = arith.constant 0 : i32
      %dma_wait3A_766 = tpu.memref_slice %arg4[%dma_wait3A_750, %dma_wait3A_764, %dma_wait3A_765] : memref<2560x2x128xi32, #tpu.memory_space<hbm>> -> memref<1x2x128xi32, #tpu.memory_space<hbm>>
      %dma_wait3A_767 = tpu.memref_squeeze %dma_wait3A_766 : memref<1x2x128xi32, #tpu.memory_space<hbm>> -> memref<2x128xi32, #tpu.memory_space<hbm>>
      tpu.wait_dma2 semaphore(%arg12 : memref<!tpu.dma_semaphore, #tpu.memory_space<semaphore_mem>>) src(%dma_wait3A_767 : memref<2x128xi32, #tpu.memory_space<hbm>>) dst(%dma_wait3A_763 : memref<2x128xi32, #tpu.memory_space<vmem>>)
      %dma_start3A_768 = arith.constant 3 : i32
      %dma_start3A_769 = arith.constant 0 : i32
      %dma_start3A_770 = arith.constant 1 : i32
      %dma_start3A_771 = arith.constant 0 : i32
      %dma_start3A_772 = arith.constant 0 : i32
      %dma_start3A_773 = tpu.memref_slice %arg8[%dma_start3A_770, %dma_start3A_771, %dma_start3A_772] : memref<2x128x128xf32, #tpu.memory_space<vmem>> -> memref<1x128x128xf32, #tpu.memory_space<vmem>>
      %dma_start3A_774 = tpu.memref_squeeze %dma_start3A_773 : memref<1x128x128xf32, #tpu.memory_space<vmem>> -> memref<128x128xf32, #tpu.memory_space<vmem>>
      %dma_start3A_775 = arith.constant 0 : i32
      %dma_start3A_776 = tpu.memref_slice %arg7[%dma_start3A_768, %dma_start3A_769, %dma_start3A_775] : memref<4x2x128xi32, #tpu.memory_space<vmem>> -> memref<1x1x128xi32, #tpu.memory_space<vmem>>
      %dma_start3A_777 = tpu.memref_squeeze %dma_start3A_776 : memref<1x1x128xi32, #tpu.memory_space<vmem>> -> memref<128xi32, #tpu.memory_space<vmem>>
      %dma_start3A_778 = arith.constant 0 : i32
      %dma_start3A_779 = arith.constant 0 : i32
      %dma_start3A_780 = tpu.memref_slice %arg2[%dma_start3A_778, %dma_start3A_779] : memref<10240x128xf32, #tpu.memory_space<hbm>> -> memref<10240x128xf32, #tpu.memory_space<hbm>>
      tpu.enqueue_indirect_dma source(%dma_start3A_780 : memref<10240x128xf32, #tpu.memory_space<hbm>>) target(%dma_start3A_774 : memref<128x128xf32, #tpu.memory_space<vmem>>) offsets(%dma_start3A_777 : memref<128xi32, #tpu.memory_space<vmem>>) semaphore(%arg14 : memref<!tpu.dma_semaphore, #tpu.memory_space<semaphore_mem>>)
      %add3A_781 = arith.constant 3 : i32
      %add3A_782 = arith.addi %add3A_734, %add3A_781 : i32
      %min3A_783 = arith.constant 79 : i32
      %min3A_784 = arith.minsi %add3A_782, %min3A_783 : i32
      %add3A_785 = arith.addi %mul3A_11, %min3A_784 : i32
      %dma_start3A_786 = arith.constant 1 : i32
      %dma_start3A_787 = arith.constant 0 : i32
      %dma_start3A_788 = arith.constant 0 : i32
      %dma_start3A_789 = tpu.memref_slice %arg7[%dma_start3A_786, %dma_start3A_787, %dma_start3A_788] : memref<4x2x128xi32, #tpu.memory_space<vmem>> -> memref<1x2x128xi32, #tpu.memory_space<vmem>>
      %dma_start3A_790 = tpu.memref_squeeze %dma_start3A_789 : memref<1x2x128xi32, #tpu.memory_space<vmem>> -> memref<2x128xi32, #tpu.memory_space<vmem>>
      %dma_start3A_791 = arith.constant 0 : i32
      %dma_start3A_792 = arith.constant 0 : i32
      %dma_start3A_793 = tpu.memref_slice %arg4[%add3A_785, %dma_start3A_791, %dma_start3A_792] : memref<2560x2x128xi32, #tpu.memory_space<hbm>> -> memref<1x2x128xi32, #tpu.memory_space<hbm>>
      %dma_start3A_794 = tpu.memref_squeeze %dma_start3A_793 : memref<1x2x128xi32, #tpu.memory_space<hbm>> -> memref<2x128xi32, #tpu.memory_space<hbm>>
      %dma_start3A_795 = arith.constant 0 : i32
      %dma_start3A_796 = arith.constant 0 : i32
      %dma_start3A_797 = tpu.memref_slice %arg7[%dma_start3A_786, %dma_start3A_795, %dma_start3A_796] : memref<4x2x128xi32, #tpu.memory_space<vmem>> -> memref<1x2x128xi32, #tpu.memory_space<vmem>>
      %dma_start3A_798 = tpu.memref_squeeze %dma_start3A_797 : memref<1x2x128xi32, #tpu.memory_space<vmem>> -> memref<2x128xi32, #tpu.memory_space<vmem>>
      %dma_start3A_799 = arith.constant 0 : i32
      %dma_start3A_800 = arith.constant 0 : i32
      %dma_start3A_801 = tpu.memref_slice %arg4[%add3A_785, %dma_start3A_799, %dma_start3A_800] : memref<2560x2x128xi32, #tpu.memory_space<hbm>> -> memref<1x2x128xi32, #tpu.memory_space<hbm>>
      %dma_start3A_802 = tpu.memref_squeeze %dma_start3A_801 : memref<1x2x128xi32, #tpu.memory_space<hbm>> -> memref<2x128xi32, #tpu.memory_space<hbm>>
      tpu.enqueue_dma source(%dma_start3A_802 : memref<2x128xi32, #tpu.memory_space<hbm>>) target(%dma_start3A_798 : memref<2x128xi32, #tpu.memory_space<vmem>>) target_semaphore(%arg10 : memref<!tpu.dma_semaphore, #tpu.memory_space<semaphore_mem>>)
      %dma_wait3A_803 = arith.constant 0 : i32
      %dma_wait3A_804 = arith.constant 0 : i32
      %dma_wait3A_805 = arith.constant 0 : i32
      %dma_wait3A_806 = tpu.memref_slice %arg8[%dma_wait3A_803, %dma_wait3A_804, %dma_wait3A_805] : memref<2x128x128xf32, #tpu.memory_space<vmem>> -> memref<1x128x128xf32, #tpu.memory_space<vmem>>
      %dma_wait3A_807 = tpu.memref_squeeze %dma_wait3A_806 : memref<1x128x128xf32, #tpu.memory_space<vmem>> -> memref<128x128xf32, #tpu.memory_space<vmem>>
      %dma_wait3A_808 = arith.constant 0 : i32
      %dma_wait3A_809 = arith.constant 0 : i32
      %dma_wait3A_810 = tpu.memref_slice %arg2[%dma_wait3A_808, %dma_wait3A_809] : memref<10240x128xf32, #tpu.memory_space<hbm>> -> memref<128x128xf32, #tpu.memory_space<hbm>>
      %dma_wait3A_811 = arith.constant 0 : i32
      %dma_wait3A_812 = arith.constant 0 : i32
      %dma_wait3A_813 = tpu.memref_slice %arg8[%dma_wait3A_803, %dma_wait3A_811, %dma_wait3A_812] : memref<2x128x128xf32, #tpu.memory_space<vmem>> -> memref<1x128x128xf32, #tpu.memory_space<vmem>>
      %dma_wait3A_814 = tpu.memref_squeeze %dma_wait3A_813 : memref<1x128x128xf32, #tpu.memory_space<vmem>> -> memref<128x128xf32, #tpu.memory_space<vmem>>
      %dma_wait3A_815 = arith.constant 0 : i32
      %dma_wait3A_816 = arith.constant 0 : i32
      %dma_wait3A_817 = tpu.memref_slice %arg2[%dma_wait3A_815, %dma_wait3A_816] : memref<10240x128xf32, #tpu.memory_space<hbm>> -> memref<128x128xf32, #tpu.memory_space<hbm>>
      tpu.wait_dma2 semaphore(%arg13 : memref<!tpu.dma_semaphore, #tpu.memory_space<semaphore_mem>>) src(%dma_wait3A_817 : memref<128x128xf32, #tpu.memory_space<hbm>>) dst(%dma_wait3A_814 : memref<128x128xf32, #tpu.memory_space<vmem>>)
      %dma_start3A_818 = arith.constant 0 : i32
      %dma_start3A_819 = arith.constant 2 : i32
      %dma_start3A_820 = arith.constant 1 : i32
      %dma_start3A_821 = arith.constant 0 : i32
      %dma_start3A_822 = arith.constant 0 : i32
      %dma_start3A_823 = tpu.memref_slice %arg8[%dma_start3A_818, %dma_start3A_821, %dma_start3A_822] : memref<2x128x128xf32, #tpu.memory_space<vmem>> -> memref<1x128x128xf32, #tpu.memory_space<vmem>>
      %dma_start3A_824 = tpu.memref_squeeze %dma_start3A_823 : memref<1x128x128xf32, #tpu.memory_space<vmem>> -> memref<128x128xf32, #tpu.memory_space<vmem>>
      %dma_start3A_825 = arith.constant 0 : i32
      %dma_start3A_826 = tpu.memref_slice %arg7[%dma_start3A_819, %dma_start3A_820, %dma_start3A_825] : memref<4x2x128xi32, #tpu.memory_space<vmem>> -> memref<1x1x128xi32, #tpu.memory_space<vmem>>
      %dma_start3A_827 = tpu.memref_squeeze %dma_start3A_826 : memref<1x1x128xi32, #tpu.memory_space<vmem>> -> memref<128xi32, #tpu.memory_space<vmem>>
      %dma_start3A_828 = arith.constant 0 : i32
      %dma_start3A_829 = arith.constant 0 : i32
      %dma_start3A_830 = tpu.memref_slice %arg6[%dma_start3A_828, %dma_start3A_829] : memref<10240x128xf32, #tpu.memory_space<vmem_shared>> -> memref<10240x128xf32, #tpu.memory_space<vmem_shared>>
      tpu.enqueue_indirect_dma source(%dma_start3A_824 : memref<128x128xf32, #tpu.memory_space<vmem>>) target(%dma_start3A_830 : memref<10240x128xf32, #tpu.memory_space<vmem_shared>>) offsets(%dma_start3A_827 : memref<128xi32, #tpu.memory_space<vmem>>) semaphore(%arg15 : memref<!tpu.dma_semaphore, #tpu.memory_space<semaphore_mem>>) {add = true}
      %add3A_831 = arith.constant 3 : i32
      %add3A_832 = arith.addi %mul3A_536, %add3A_831 : i32
      %dma_wait3A_833 = arith.constant 0 : i32
      %dma_wait3A_834 = arith.constant 0 : i32
      %dma_wait3A_835 = arith.constant 0 : i32
      %dma_wait3A_836 = tpu.memref_slice %arg8[%dma_wait3A_833, %dma_wait3A_834, %dma_wait3A_835] : memref<2x128x128xf32, #tpu.memory_space<vmem>> -> memref<1x128x128xf32, #tpu.memory_space<vmem>>
      %dma_wait3A_837 = tpu.memref_squeeze %dma_wait3A_836 : memref<1x128x128xf32, #tpu.memory_space<vmem>> -> memref<128x128xf32, #tpu.memory_space<vmem>>
      %dma_wait3A_838 = arith.constant 0 : i32
      %dma_wait3A_839 = arith.constant 0 : i32
      %dma_wait3A_840 = tpu.memref_slice %arg2[%dma_wait3A_838, %dma_wait3A_839] : memref<10240x128xf32, #tpu.memory_space<hbm>> -> memref<128x128xf32, #tpu.memory_space<hbm>>
      %dma_wait3A_841 = arith.constant 0 : i32
      %dma_wait3A_842 = arith.constant 0 : i32
      %dma_wait3A_843 = tpu.memref_slice %arg8[%dma_wait3A_833, %dma_wait3A_841, %dma_wait3A_842] : memref<2x128x128xf32, #tpu.memory_space<vmem>> -> memref<1x128x128xf32, #tpu.memory_space<vmem>>
      %dma_wait3A_844 = tpu.memref_squeeze %dma_wait3A_843 : memref<1x128x128xf32, #tpu.memory_space<vmem>> -> memref<128x128xf32, #tpu.memory_space<vmem>>
      %dma_wait3A_845 = arith.constant 0 : i32
      %dma_wait3A_846 = arith.constant 0 : i32
      %dma_wait3A_847 = tpu.memref_slice %arg2[%dma_wait3A_845, %dma_wait3A_846] : memref<10240x128xf32, #tpu.memory_space<hbm>> -> memref<128x128xf32, #tpu.memory_space<hbm>>
      tpu.wait_dma2 semaphore(%arg15 : memref<!tpu.dma_semaphore, #tpu.memory_space<semaphore_mem>>) src(%dma_wait3A_847 : memref<128x128xf32, #tpu.memory_space<hbm>>) dst(%dma_wait3A_844 : memref<128x128xf32, #tpu.memory_space<vmem>>)
      %dma_wait3A_848 = arith.constant 0 : i32
      %dma_wait3A_849 = arith.constant 0 : i32
      %dma_wait3A_850 = arith.constant 0 : i32
      %dma_wait3A_851 = arith.constant 0 : i32
      %dma_wait3A_852 = tpu.memref_slice %arg7[%dma_wait3A_849, %dma_wait3A_850, %dma_wait3A_851] : memref<4x2x128xi32, #tpu.memory_space<vmem>> -> memref<1x2x128xi32, #tpu.memory_space<vmem>>
      %dma_wait3A_853 = tpu.memref_squeeze %dma_wait3A_852 : memref<1x2x128xi32, #tpu.memory_space<vmem>> -> memref<2x128xi32, #tpu.memory_space<vmem>>
      %dma_wait3A_854 = arith.constant 0 : i32
      %dma_wait3A_855 = arith.constant 0 : i32
      %dma_wait3A_856 = tpu.memref_slice %arg4[%dma_wait3A_848, %dma_wait3A_854, %dma_wait3A_855] : memref<2560x2x128xi32, #tpu.memory_space<hbm>> -> memref<1x2x128xi32, #tpu.memory_space<hbm>>
      %dma_wait3A_857 = tpu.memref_squeeze %dma_wait3A_856 : memref<1x2x128xi32, #tpu.memory_space<hbm>> -> memref<2x128xi32, #tpu.memory_space<hbm>>
      %dma_wait3A_858 = arith.constant 0 : i32
      %dma_wait3A_859 = arith.constant 0 : i32
      %dma_wait3A_860 = tpu.memref_slice %arg7[%dma_wait3A_849, %dma_wait3A_858, %dma_wait3A_859] : memref<4x2x128xi32, #tpu.memory_space<vmem>> -> memref<1x2x128xi32, #tpu.memory_space<vmem>>
      %dma_wait3A_861 = tpu.memref_squeeze %dma_wait3A_860 : memref<1x2x128xi32, #tpu.memory_space<vmem>> -> memref<2x128xi32, #tpu.memory_space<vmem>>
      %dma_wait3A_862 = arith.constant 0 : i32
      %dma_wait3A_863 = arith.constant 0 : i32
      %dma_wait3A_864 = tpu.memref_slice %arg4[%dma_wait3A_848, %dma_wait3A_862, %dma_wait3A_863] : memref<2560x2x128xi32, #tpu.memory_space<hbm>> -> memref<1x2x128xi32, #tpu.memory_space<hbm>>
      %dma_wait3A_865 = tpu.memref_squeeze %dma_wait3A_864 : memref<1x2x128xi32, #tpu.memory_space<hbm>> -> memref<2x128xi32, #tpu.memory_space<hbm>>
      tpu.wait_dma2 semaphore(%arg9 : memref<!tpu.dma_semaphore, #tpu.memory_space<semaphore_mem>>) src(%dma_wait3A_865 : memref<2x128xi32, #tpu.memory_space<hbm>>) dst(%dma_wait3A_861 : memref<2x128xi32, #tpu.memory_space<vmem>>)
      %dma_start3A_866 = arith.constant 0 : i32
      %dma_start3A_867 = arith.constant 0 : i32
      %dma_start3A_868 = arith.constant 0 : i32
      %dma_start3A_869 = arith.constant 0 : i32
      %dma_start3A_870 = arith.constant 0 : i32
      %dma_start3A_871 = tpu.memref_slice %arg8[%dma_start3A_868, %dma_start3A_869, %dma_start3A_870] : memref<2x128x128xf32, #tpu.memory_space<vmem>> -> memref<1x128x128xf32, #tpu.memory_space<vmem>>
      %dma_start3A_872 = tpu.memref_squeeze %dma_start3A_871 : memref<1x128x128xf32, #tpu.memory_space<vmem>> -> memref<128x128xf32, #tpu.memory_space<vmem>>
      %dma_start3A_873 = arith.constant 0 : i32
      %dma_start3A_874 = tpu.memref_slice %arg7[%dma_start3A_866, %dma_start3A_867, %dma_start3A_873] : memref<4x2x128xi32, #tpu.memory_space<vmem>> -> memref<1x1x128xi32, #tpu.memory_space<vmem>>
      %dma_start3A_875 = tpu.memref_squeeze %dma_start3A_874 : memref<1x1x128xi32, #tpu.memory_space<vmem>> -> memref<128xi32, #tpu.memory_space<vmem>>
      %dma_start3A_876 = arith.constant 0 : i32
      %dma_start3A_877 = arith.constant 0 : i32
      %dma_start3A_878 = tpu.memref_slice %arg2[%dma_start3A_876, %dma_start3A_877] : memref<10240x128xf32, #tpu.memory_space<hbm>> -> memref<10240x128xf32, #tpu.memory_space<hbm>>
      tpu.enqueue_indirect_dma source(%dma_start3A_878 : memref<10240x128xf32, #tpu.memory_space<hbm>>) target(%dma_start3A_872 : memref<128x128xf32, #tpu.memory_space<vmem>>) offsets(%dma_start3A_875 : memref<128xi32, #tpu.memory_space<vmem>>) semaphore(%arg13 : memref<!tpu.dma_semaphore, #tpu.memory_space<semaphore_mem>>)
      %add3A_879 = arith.constant 3 : i32
      %add3A_880 = arith.addi %add3A_832, %add3A_879 : i32
      %min3A_881 = arith.constant 79 : i32
      %min3A_882 = arith.minsi %add3A_880, %min3A_881 : i32
      %add3A_883 = arith.addi %mul3A_11, %min3A_882 : i32
      %dma_start3A_884 = arith.constant 2 : i32
      %dma_start3A_885 = arith.constant 0 : i32
      %dma_start3A_886 = arith.constant 0 : i32
      %dma_start3A_887 = tpu.memref_slice %arg7[%dma_start3A_884, %dma_start3A_885, %dma_start3A_886] : memref<4x2x128xi32, #tpu.memory_space<vmem>> -> memref<1x2x128xi32, #tpu.memory_space<vmem>>
      %dma_start3A_888 = tpu.memref_squeeze %dma_start3A_887 : memref<1x2x128xi32, #tpu.memory_space<vmem>> -> memref<2x128xi32, #tpu.memory_space<vmem>>
      %dma_start3A_889 = arith.constant 0 : i32
      %dma_start3A_890 = arith.constant 0 : i32
      %dma_start3A_891 = tpu.memref_slice %arg4[%add3A_883, %dma_start3A_889, %dma_start3A_890] : memref<2560x2x128xi32, #tpu.memory_space<hbm>> -> memref<1x2x128xi32, #tpu.memory_space<hbm>>
      %dma_start3A_892 = tpu.memref_squeeze %dma_start3A_891 : memref<1x2x128xi32, #tpu.memory_space<hbm>> -> memref<2x128xi32, #tpu.memory_space<hbm>>
      %dma_start3A_893 = arith.constant 0 : i32
      %dma_start3A_894 = arith.constant 0 : i32
      %dma_start3A_895 = tpu.memref_slice %arg7[%dma_start3A_884, %dma_start3A_893, %dma_start3A_894] : memref<4x2x128xi32, #tpu.memory_space<vmem>> -> memref<1x2x128xi32, #tpu.memory_space<vmem>>
      %dma_start3A_896 = tpu.memref_squeeze %dma_start3A_895 : memref<1x2x128xi32, #tpu.memory_space<vmem>> -> memref<2x128xi32, #tpu.memory_space<vmem>>
      %dma_start3A_897 = arith.constant 0 : i32
      %dma_start3A_898 = arith.constant 0 : i32
      %dma_start3A_899 = tpu.memref_slice %arg4[%add3A_883, %dma_start3A_897, %dma_start3A_898] : memref<2560x2x128xi32, #tpu.memory_space<hbm>> -> memref<1x2x128xi32, #tpu.memory_space<hbm>>
      %dma_start3A_900 = tpu.memref_squeeze %dma_start3A_899 : memref<1x2x128xi32, #tpu.memory_space<hbm>> -> memref<2x128xi32, #tpu.memory_space<hbm>>
      tpu.enqueue_dma source(%dma_start3A_900 : memref<2x128xi32, #tpu.memory_space<hbm>>) target(%dma_start3A_896 : memref<2x128xi32, #tpu.memory_space<vmem>>) target_semaphore(%arg11 : memref<!tpu.dma_semaphore, #tpu.memory_space<semaphore_mem>>)
      %dma_wait3A_901 = arith.constant 1 : i32
      %dma_wait3A_902 = arith.constant 0 : i32
      %dma_wait3A_903 = arith.constant 0 : i32
      %dma_wait3A_904 = tpu.memref_slice %arg8[%dma_wait3A_901, %dma_wait3A_902, %dma_wait3A_903] : memref<2x128x128xf32, #tpu.memory_space<vmem>> -> memref<1x128x128xf32, #tpu.memory_space<vmem>>
      %dma_wait3A_905 = tpu.memref_squeeze %dma_wait3A_904 : memref<1x128x128xf32, #tpu.memory_space<vmem>> -> memref<128x128xf32, #tpu.memory_space<vmem>>
      %dma_wait3A_906 = arith.constant 0 : i32
      %dma_wait3A_907 = arith.constant 0 : i32
      %dma_wait3A_908 = tpu.memref_slice %arg2[%dma_wait3A_906, %dma_wait3A_907] : memref<10240x128xf32, #tpu.memory_space<hbm>> -> memref<128x128xf32, #tpu.memory_space<hbm>>
      %dma_wait3A_909 = arith.constant 0 : i32
      %dma_wait3A_910 = arith.constant 0 : i32
      %dma_wait3A_911 = tpu.memref_slice %arg8[%dma_wait3A_901, %dma_wait3A_909, %dma_wait3A_910] : memref<2x128x128xf32, #tpu.memory_space<vmem>> -> memref<1x128x128xf32, #tpu.memory_space<vmem>>
      %dma_wait3A_912 = tpu.memref_squeeze %dma_wait3A_911 : memref<1x128x128xf32, #tpu.memory_space<vmem>> -> memref<128x128xf32, #tpu.memory_space<vmem>>
      %dma_wait3A_913 = arith.constant 0 : i32
      %dma_wait3A_914 = arith.constant 0 : i32
      %dma_wait3A_915 = tpu.memref_slice %arg2[%dma_wait3A_913, %dma_wait3A_914] : memref<10240x128xf32, #tpu.memory_space<hbm>> -> memref<128x128xf32, #tpu.memory_space<hbm>>
      tpu.wait_dma2 semaphore(%arg14 : memref<!tpu.dma_semaphore, #tpu.memory_space<semaphore_mem>>) src(%dma_wait3A_915 : memref<128x128xf32, #tpu.memory_space<hbm>>) dst(%dma_wait3A_912 : memref<128x128xf32, #tpu.memory_space<vmem>>)
      %dma_start3A_916 = arith.constant 1 : i32
      %dma_start3A_917 = arith.constant 3 : i32
      %dma_start3A_918 = arith.constant 1 : i32
      %dma_start3A_919 = arith.constant 0 : i32
      %dma_start3A_920 = arith.constant 0 : i32
      %dma_start3A_921 = tpu.memref_slice %arg8[%dma_start3A_916, %dma_start3A_919, %dma_start3A_920] : memref<2x128x128xf32, #tpu.memory_space<vmem>> -> memref<1x128x128xf32, #tpu.memory_space<vmem>>
      %dma_start3A_922 = tpu.memref_squeeze %dma_start3A_921 : memref<1x128x128xf32, #tpu.memory_space<vmem>> -> memref<128x128xf32, #tpu.memory_space<vmem>>
      %dma_start3A_923 = arith.constant 0 : i32
      %dma_start3A_924 = tpu.memref_slice %arg7[%dma_start3A_917, %dma_start3A_918, %dma_start3A_923] : memref<4x2x128xi32, #tpu.memory_space<vmem>> -> memref<1x1x128xi32, #tpu.memory_space<vmem>>
      %dma_start3A_925 = tpu.memref_squeeze %dma_start3A_924 : memref<1x1x128xi32, #tpu.memory_space<vmem>> -> memref<128xi32, #tpu.memory_space<vmem>>
      %dma_start3A_926 = arith.constant 0 : i32
      %dma_start3A_927 = arith.constant 0 : i32
      %dma_start3A_928 = tpu.memref_slice %arg6[%dma_start3A_926, %dma_start3A_927] : memref<10240x128xf32, #tpu.memory_space<vmem_shared>> -> memref<10240x128xf32, #tpu.memory_space<vmem_shared>>
      tpu.enqueue_indirect_dma source(%dma_start3A_922 : memref<128x128xf32, #tpu.memory_space<vmem>>) target(%dma_start3A_928 : memref<10240x128xf32, #tpu.memory_space<vmem_shared>>) offsets(%dma_start3A_925 : memref<128xi32, #tpu.memory_space<vmem>>) semaphore(%arg16 : memref<!tpu.dma_semaphore, #tpu.memory_space<semaphore_mem>>) {add = true}
    }
    %scan3A_466 = arith.constant 19 : i32
    %dma_wait3A_467 = arith.constant 1 : i32
    %dma_wait3A_468 = arith.constant 0 : i32
    %dma_wait3A_469 = arith.constant 0 : i32
    %dma_wait3A_470 = tpu.memref_slice %arg8[%dma_wait3A_467, %dma_wait3A_468, %dma_wait3A_469] : memref<2x128x128xf32, #tpu.memory_space<vmem>> -> memref<1x128x128xf32, #tpu.memory_space<vmem>>
    %dma_wait3A_471 = tpu.memref_squeeze %dma_wait3A_470 : memref<1x128x128xf32, #tpu.memory_space<vmem>> -> memref<128x128xf32, #tpu.memory_space<vmem>>
    %dma_wait3A_472 = arith.constant 0 : i32
    %dma_wait3A_473 = arith.constant 0 : i32
    %dma_wait3A_474 = tpu.memref_slice %arg2[%dma_wait3A_472, %dma_wait3A_473] : memref<10240x128xf32, #tpu.memory_space<hbm>> -> memref<128x128xf32, #tpu.memory_space<hbm>>
    %dma_wait3A_475 = arith.constant 0 : i32
    %dma_wait3A_476 = arith.constant 0 : i32
    %dma_wait3A_477 = tpu.memref_slice %arg8[%dma_wait3A_467, %dma_wait3A_475, %dma_wait3A_476] : memref<2x128x128xf32, #tpu.memory_space<vmem>> -> memref<1x128x128xf32, #tpu.memory_space<vmem>>
    %dma_wait3A_478 = tpu.memref_squeeze %dma_wait3A_477 : memref<1x128x128xf32, #tpu.memory_space<vmem>> -> memref<128x128xf32, #tpu.memory_space<vmem>>
    %dma_wait3A_479 = arith.constant 0 : i32
    %dma_wait3A_480 = arith.constant 0 : i32
    %dma_wait3A_481 = tpu.memref_slice %arg2[%dma_wait3A_479, %dma_wait3A_480] : memref<10240x128xf32, #tpu.memory_space<hbm>> -> memref<128x128xf32, #tpu.memory_space<hbm>>
    tpu.wait_dma2 semaphore(%arg16 : memref<!tpu.dma_semaphore, #tpu.memory_space<semaphore_mem>>) src(%dma_wait3A_481 : memref<128x128xf32, #tpu.memory_space<hbm>>) dst(%dma_wait3A_478 : memref<128x128xf32, #tpu.memory_space<vmem>>)
    %dma_wait3A_482 = arith.constant 0 : i32
    %dma_wait3A_483 = arith.constant 0 : i32
    %dma_wait3A_484 = arith.constant 0 : i32
    %dma_wait3A_485 = tpu.memref_slice %arg8[%dma_wait3A_482, %dma_wait3A_483, %dma_wait3A_484] : memref<2x128x128xf32, #tpu.memory_space<vmem>> -> memref<1x128x128xf32, #tpu.memory_space<vmem>>
    %dma_wait3A_486 = tpu.memref_squeeze %dma_wait3A_485 : memref<1x128x128xf32, #tpu.memory_space<vmem>> -> memref<128x128xf32, #tpu.memory_space<vmem>>
    %dma_wait3A_487 = arith.constant 0 : i32
    %dma_wait3A_488 = arith.constant 0 : i32
    %dma_wait3A_489 = tpu.memref_slice %arg2[%dma_wait3A_487, %dma_wait3A_488] : memref<10240x128xf32, #tpu.memory_space<hbm>> -> memref<128x128xf32, #tpu.memory_space<hbm>>
    %dma_wait3A_490 = arith.constant 0 : i32
    %dma_wait3A_491 = arith.constant 0 : i32
    %dma_wait3A_492 = tpu.memref_slice %arg8[%dma_wait3A_482, %dma_wait3A_490, %dma_wait3A_491] : memref<2x128x128xf32, #tpu.memory_space<vmem>> -> memref<1x128x128xf32, #tpu.memory_space<vmem>>
    %dma_wait3A_493 = tpu.memref_squeeze %dma_wait3A_492 : memref<1x128x128xf32, #tpu.memory_space<vmem>> -> memref<128x128xf32, #tpu.memory_space<vmem>>
    %dma_wait3A_494 = arith.constant 0 : i32
    %dma_wait3A_495 = arith.constant 0 : i32
    %dma_wait3A_496 = tpu.memref_slice %arg2[%dma_wait3A_494, %dma_wait3A_495] : memref<10240x128xf32, #tpu.memory_space<hbm>> -> memref<128x128xf32, #tpu.memory_space<hbm>>
    tpu.wait_dma2 semaphore(%arg13 : memref<!tpu.dma_semaphore, #tpu.memory_space<semaphore_mem>>) src(%dma_wait3A_496 : memref<128x128xf32, #tpu.memory_space<hbm>>) dst(%dma_wait3A_493 : memref<128x128xf32, #tpu.memory_space<vmem>>)
    %dma_wait3A_497 = arith.constant 0 : i32
    %dma_wait3A_498 = arith.constant 1 : i32
    %dma_wait3A_499 = arith.constant 0 : i32
    %dma_wait3A_500 = arith.constant 0 : i32
    %dma_wait3A_501 = tpu.memref_slice %arg7[%dma_wait3A_498, %dma_wait3A_499, %dma_wait3A_500] : memref<4x2x128xi32, #tpu.memory_space<vmem>> -> memref<1x2x128xi32, #tpu.memory_space<vmem>>
    %dma_wait3A_502 = tpu.memref_squeeze %dma_wait3A_501 : memref<1x2x128xi32, #tpu.memory_space<vmem>> -> memref<2x128xi32, #tpu.memory_space<vmem>>
    %dma_wait3A_503 = arith.constant 0 : i32
    %dma_wait3A_504 = arith.constant 0 : i32
    %dma_wait3A_505 = tpu.memref_slice %arg4[%dma_wait3A_497, %dma_wait3A_503, %dma_wait3A_504] : memref<2560x2x128xi32, #tpu.memory_space<hbm>> -> memref<1x2x128xi32, #tpu.memory_space<hbm>>
    %dma_wait3A_506 = tpu.memref_squeeze %dma_wait3A_505 : memref<1x2x128xi32, #tpu.memory_space<hbm>> -> memref<2x128xi32, #tpu.memory_space<hbm>>
    %dma_wait3A_507 = arith.constant 0 : i32
    %dma_wait3A_508 = arith.constant 0 : i32
    %dma_wait3A_509 = tpu.memref_slice %arg7[%dma_wait3A_498, %dma_wait3A_507, %dma_wait3A_508] : memref<4x2x128xi32, #tpu.memory_space<vmem>> -> memref<1x2x128xi32, #tpu.memory_space<vmem>>
    %dma_wait3A_510 = tpu.memref_squeeze %dma_wait3A_509 : memref<1x2x128xi32, #tpu.memory_space<vmem>> -> memref<2x128xi32, #tpu.memory_space<vmem>>
    %dma_wait3A_511 = arith.constant 0 : i32
    %dma_wait3A_512 = arith.constant 0 : i32
    %dma_wait3A_513 = tpu.memref_slice %arg4[%dma_wait3A_497, %dma_wait3A_511, %dma_wait3A_512] : memref<2560x2x128xi32, #tpu.memory_space<hbm>> -> memref<1x2x128xi32, #tpu.memory_space<hbm>>
    %dma_wait3A_514 = tpu.memref_squeeze %dma_wait3A_513 : memref<1x2x128xi32, #tpu.memory_space<hbm>> -> memref<2x128xi32, #tpu.memory_space<hbm>>
    tpu.wait_dma2 semaphore(%arg10 : memref<!tpu.dma_semaphore, #tpu.memory_space<semaphore_mem>>) src(%dma_wait3A_514 : memref<2x128xi32, #tpu.memory_space<hbm>>) dst(%dma_wait3A_510 : memref<2x128xi32, #tpu.memory_space<vmem>>)
    %dma_wait3A_515 = arith.constant 0 : i32
    %dma_wait3A_516 = arith.constant 2 : i32
    %dma_wait3A_517 = arith.constant 0 : i32
    %dma_wait3A_518 = arith.constant 0 : i32
    %dma_wait3A_519 = tpu.memref_slice %arg7[%dma_wait3A_516, %dma_wait3A_517, %dma_wait3A_518] : memref<4x2x128xi32, #tpu.memory_space<vmem>> -> memref<1x2x128xi32, #tpu.memory_space<vmem>>
    %dma_wait3A_520 = tpu.memref_squeeze %dma_wait3A_519 : memref<1x2x128xi32, #tpu.memory_space<vmem>> -> memref<2x128xi32, #tpu.memory_space<vmem>>
    %dma_wait3A_521 = arith.constant 0 : i32
    %dma_wait3A_522 = arith.constant 0 : i32
    %dma_wait3A_523 = tpu.memref_slice %arg4[%dma_wait3A_515, %dma_wait3A_521, %dma_wait3A_522] : memref<2560x2x128xi32, #tpu.memory_space<hbm>> -> memref<1x2x128xi32, #tpu.memory_space<hbm>>
    %dma_wait3A_524 = tpu.memref_squeeze %dma_wait3A_523 : memref<1x2x128xi32, #tpu.memory_space<hbm>> -> memref<2x128xi32, #tpu.memory_space<hbm>>
    %dma_wait3A_525 = arith.constant 0 : i32
    %dma_wait3A_526 = arith.constant 0 : i32
    %dma_wait3A_527 = tpu.memref_slice %arg7[%dma_wait3A_516, %dma_wait3A_525, %dma_wait3A_526] : memref<4x2x128xi32, #tpu.memory_space<vmem>> -> memref<1x2x128xi32, #tpu.memory_space<vmem>>
    %dma_wait3A_528 = tpu.memref_squeeze %dma_wait3A_527 : memref<1x2x128xi32, #tpu.memory_space<vmem>> -> memref<2x128xi32, #tpu.memory_space<vmem>>
    %dma_wait3A_529 = arith.constant 0 : i32
    %dma_wait3A_530 = arith.constant 0 : i32
    %dma_wait3A_531 = tpu.memref_slice %arg4[%dma_wait3A_515, %dma_wait3A_529, %dma_wait3A_530] : memref<2560x2x128xi32, #tpu.memory_space<hbm>> -> memref<1x2x128xi32, #tpu.memory_space<hbm>>
    %dma_wait3A_532 = tpu.memref_squeeze %dma_wait3A_531 : memref<1x2x128xi32, #tpu.memory_space<hbm>> -> memref<2x128xi32, #tpu.memory_space<hbm>>
    tpu.wait_dma2 semaphore(%arg11 : memref<!tpu.dma_semaphore, #tpu.memory_space<semaphore_mem>>) src(%dma_wait3A_532 : memref<2x128xi32, #tpu.memory_space<hbm>>) dst(%dma_wait3A_528 : memref<2x128xi32, #tpu.memory_space<vmem>>)
    %barrier3A_533 = arith.constant 0 : index
    tpu.barrier barrier_id(%barrier3A_533)
    "tpu.region"() ({
      %run_scoped3A = tpu.sem_alloc : memref<!tpu.dma_semaphore, #tpu.memory_space<semaphore_mem>>
      %dma_start3A_534 = arith.constant 0 : i32
      %dma_start3A_535 = tpu.memref_slice %arg5[%arg0, %mul3A_0, %dma_start3A_534] : memref<2x10240x128xf32, #tpu.memory_space<hbm>> -> memref<1x640x128xf32, #tpu.memory_space<hbm>>
      %dma_start3A_536 = tpu.memref_squeeze %dma_start3A_535 : memref<1x640x128xf32, #tpu.memory_space<hbm>> -> memref<640x128xf32, #tpu.memory_space<hbm>>
      %dma_start3A_537 = arith.constant 0 : i32
      %dma_start3A_538 = tpu.memref_slice %arg6[%mul3A_0, %dma_start3A_537] : memref<10240x128xf32, #tpu.memory_space<vmem_shared>> -> memref<640x128xf32, #tpu.memory_space<vmem_shared>>
      tpu.enqueue_dma source(%dma_start3A_538 : memref<640x128xf32, #tpu.memory_space<vmem_shared>>) target(%dma_start3A_536 : memref<640x128xf32, #tpu.memory_space<hbm>>) target_semaphore(%run_scoped3A : memref<!tpu.dma_semaphore, #tpu.memory_space<semaphore_mem>>)
      %dma_wait3A_539 = arith.constant 0 : i32
      %dma_wait3A_540 = tpu.memref_slice %arg5[%arg0, %mul3A_0, %dma_wait3A_539] : memref<2x10240x128xf32, #tpu.memory_space<hbm>> -> memref<1x640x128xf32, #tpu.memory_space<hbm>>
      %dma_wait3A_541 = tpu.memref_squeeze %dma_wait3A_540 : memref<1x640x128xf32, #tpu.memory_space<hbm>> -> memref<640x128xf32, #tpu.memory_space<hbm>>
      %dma_wait3A_542 = arith.constant 0 : i32
      %dma_wait3A_543 = tpu.memref_slice %arg6[%mul3A_0, %dma_wait3A_542] : memref<10240x128xf32, #tpu.memory_space<vmem_shared>> -> memref<640x128xf32, #tpu.memory_space<vmem_shared>>
      tpu.wait_dma2 semaphore(%run_scoped3A : memref<!tpu.dma_semaphore, #tpu.memory_space<semaphore_mem>>) src(%dma_wait3A_543 : memref<640x128xf32, #tpu.memory_space<vmem_shared>>) dst(%dma_wait3A_541 : memref<640x128xf32, #tpu.memory_space<hbm>>)
      tpu.yield
    }) : () -> ()
    return
  }
}

#map = affine_map<(d0, d1) -> (0, 0)>
#map1 = affine_map<(d0, d1) -> (0, 0, 0)>
module attributes {stable_mosaic.version = 14 : i64} {
  func.func @_sc_agg_body(%arg0: i32, %arg1: i32, %arg2: memref<10240x128xf32, #tpu.memory_space<hbm>>, %arg3: memref<10240x128xf32, #tpu.memory_space<hbm>>, %arg4: memref<2560x2x128xi32, #tpu.memory_space<hbm>>, %arg5: memref<2x10240x128xf32, #tpu.memory_space<hbm>>, %arg6: memref<10240x128xf32, #tpu.memory_space<vmem_shared>>, %arg7: memref<4x2x128xi32, #tpu.memory_space<vmem>>, %arg8: memref<2x128x128xf32, #tpu.memory_space<vmem>>, %arg9: memref<!tpu.dma_semaphore, #tpu.memory_space<semaphore_mem>>, %arg10: memref<!tpu.dma_semaphore, #tpu.memory_space<semaphore_mem>>, %arg11: memref<!tpu.dma_semaphore, #tpu.memory_space<semaphore_mem>>, %arg12: memref<!tpu.dma_semaphore, #tpu.memory_space<semaphore_mem>>, %arg13: memref<!tpu.dma_semaphore, #tpu.memory_space<semaphore_mem>>, %arg14: memref<!tpu.dma_semaphore, #tpu.memory_space<semaphore_mem>>, %arg15: memref<!tpu.dma_semaphore, #tpu.memory_space<semaphore_mem>>, %arg16: memref<!tpu.dma_semaphore, #tpu.memory_space<semaphore_mem>>) attributes {dimension_semantics = [#tpu.dimension_semantics<core_parallel>, #tpu.dimension_semantics<subcore_parallel>], iteration_bounds = array<i64: 2, 16>, scalar_prefetch = 0 : i64, scratch_operands = 11 : i64, tpu.core_type = #tpu.core_type<sc_vector_subcore>, window_params = [{transform_indices = #map}, {transform_indices = #map}, {transform_indices = #map1}, {transform_indices = #map1}]} {
    %mul3A = arith.constant 640 : i32
    %mul3A_0 = arith.muli %arg1, %mul3A : i32
    %eq3A = arith.constant 0 : i32
    %eq3A_1 = arith.cmpi eq, %arg0, %eq3A : i32
    %convert_element_type3A = arith.extui %eq3A_1 : i1 to i32
    %cond3A = arith.constant 0 : i32
    %cond3A_2 = arith.cmpi ne, %convert_element_type3A, %cond3A : i32
    scf.if %cond3A_2 {
      "tpu.region"() ({
        %run_scoped3A = tpu.sem_alloc : memref<!tpu.dma_semaphore, #tpu.memory_space<semaphore_mem>>
        %dma_start3A_516 = arith.constant 0 : i32
        %dma_start3A_517 = tpu.memref_slice %arg6[%mul3A_0, %dma_start3A_516] : memref<10240x128xf32, #tpu.memory_space<vmem_shared>> -> memref<640x128xf32, #tpu.memory_space<vmem_shared>>
        %dma_start3A_518 = arith.constant 0 : i32
        %dma_start3A_519 = tpu.memref_slice %arg2[%mul3A_0, %dma_start3A_518] : memref<10240x128xf32, #tpu.memory_space<hbm>> -> memref<640x128xf32, #tpu.memory_space<hbm>>
        tpu.enqueue_dma source(%dma_start3A_519 : memref<640x128xf32, #tpu.memory_space<hbm>>) target(%dma_start3A_517 : memref<640x128xf32, #tpu.memory_space<vmem_shared>>) target_semaphore(%run_scoped3A : memref<!tpu.dma_semaphore, #tpu.memory_space<semaphore_mem>>)
        %dma_wait3A_520 = arith.constant 0 : i32
        %dma_wait3A_521 = tpu.memref_slice %arg6[%mul3A_0, %dma_wait3A_520] : memref<10240x128xf32, #tpu.memory_space<vmem_shared>> -> memref<640x128xf32, #tpu.memory_space<vmem_shared>>
        %dma_wait3A_522 = arith.constant 0 : i32
        %dma_wait3A_523 = tpu.memref_slice %arg2[%mul3A_0, %dma_wait3A_522] : memref<10240x128xf32, #tpu.memory_space<hbm>> -> memref<640x128xf32, #tpu.memory_space<hbm>>
        tpu.wait_dma2 semaphore(%run_scoped3A : memref<!tpu.dma_semaphore, #tpu.memory_space<semaphore_mem>>) src(%dma_wait3A_523 : memref<640x128xf32, #tpu.memory_space<hbm>>) dst(%dma_wait3A_521 : memref<640x128xf32, #tpu.memory_space<vmem_shared>>)
        tpu.yield
      }) : () -> ()
    } else {
    }
    %eq3A_3 = arith.constant 1 : i32
    %eq3A_4 = arith.cmpi eq, %arg0, %eq3A_3 : i32
    %convert_element_type3A_5 = arith.extui %eq3A_4 : i1 to i32
    %cond3A_6 = arith.constant 0 : i32
    %cond3A_7 = arith.cmpi ne, %convert_element_type3A_5, %cond3A_6 : i32
    scf.if %cond3A_7 {
      "tpu.region"() ({
        %run_scoped3A = tpu.sem_alloc : memref<!tpu.dma_semaphore, #tpu.memory_space<semaphore_mem>>
        %dma_start3A_516 = arith.constant 0 : i32
        %dma_start3A_517 = tpu.memref_slice %arg6[%mul3A_0, %dma_start3A_516] : memref<10240x128xf32, #tpu.memory_space<vmem_shared>> -> memref<640x128xf32, #tpu.memory_space<vmem_shared>>
        %dma_start3A_518 = arith.constant 0 : i32
        %dma_start3A_519 = tpu.memref_slice %arg3[%mul3A_0, %dma_start3A_518] : memref<10240x128xf32, #tpu.memory_space<hbm>> -> memref<640x128xf32, #tpu.memory_space<hbm>>
        tpu.enqueue_dma source(%dma_start3A_519 : memref<640x128xf32, #tpu.memory_space<hbm>>) target(%dma_start3A_517 : memref<640x128xf32, #tpu.memory_space<vmem_shared>>) target_semaphore(%run_scoped3A : memref<!tpu.dma_semaphore, #tpu.memory_space<semaphore_mem>>)
        %dma_wait3A_520 = arith.constant 0 : i32
        %dma_wait3A_521 = tpu.memref_slice %arg6[%mul3A_0, %dma_wait3A_520] : memref<10240x128xf32, #tpu.memory_space<vmem_shared>> -> memref<640x128xf32, #tpu.memory_space<vmem_shared>>
        %dma_wait3A_522 = arith.constant 0 : i32
        %dma_wait3A_523 = tpu.memref_slice %arg3[%mul3A_0, %dma_wait3A_522] : memref<10240x128xf32, #tpu.memory_space<hbm>> -> memref<640x128xf32, #tpu.memory_space<hbm>>
        tpu.wait_dma2 semaphore(%run_scoped3A : memref<!tpu.dma_semaphore, #tpu.memory_space<semaphore_mem>>) src(%dma_wait3A_523 : memref<640x128xf32, #tpu.memory_space<hbm>>) dst(%dma_wait3A_521 : memref<640x128xf32, #tpu.memory_space<vmem_shared>>)
        tpu.yield
      }) : () -> ()
    } else {
    }
    %barrier3A = arith.constant 0 : index
    tpu.barrier barrier_id(%barrier3A)
    %mul3A_8 = arith.constant 160 : i32
    %mul3A_9 = arith.muli %arg1, %mul3A_8 : i32
    %add3A = arith.constant 0 : i32
    %add3A_10 = arith.addi %mul3A_9, %add3A : i32
    %dma_start3A = arith.constant 0 : i32
    %dma_start3A_11 = arith.constant 0 : i32
    %dma_start3A_12 = arith.constant 0 : i32
    %dma_start3A_13 = tpu.memref_slice %arg7[%dma_start3A, %dma_start3A_11, %dma_start3A_12] : memref<4x2x128xi32, #tpu.memory_space<vmem>> -> memref<1x2x128xi32, #tpu.memory_space<vmem>>
    %dma_start3A_14 = tpu.memref_squeeze %dma_start3A_13 : memref<1x2x128xi32, #tpu.memory_space<vmem>> -> memref<2x128xi32, #tpu.memory_space<vmem>>
    %dma_start3A_15 = arith.constant 0 : i32
    %dma_start3A_16 = arith.constant 0 : i32
    %dma_start3A_17 = tpu.memref_slice %arg4[%add3A_10, %dma_start3A_15, %dma_start3A_16] : memref<2560x2x128xi32, #tpu.memory_space<hbm>> -> memref<1x2x128xi32, #tpu.memory_space<hbm>>
    %dma_start3A_18 = tpu.memref_squeeze %dma_start3A_17 : memref<1x2x128xi32, #tpu.memory_space<hbm>> -> memref<2x128xi32, #tpu.memory_space<hbm>>
    %dma_start3A_19 = arith.constant 0 : i32
    %dma_start3A_20 = arith.constant 0 : i32
    %dma_start3A_21 = tpu.memref_slice %arg7[%dma_start3A, %dma_start3A_19, %dma_start3A_20] : memref<4x2x128xi32, #tpu.memory_space<vmem>> -> memref<1x2x128xi32, #tpu.memory_space<vmem>>
    %dma_start3A_22 = tpu.memref_squeeze %dma_start3A_21 : memref<1x2x128xi32, #tpu.memory_space<vmem>> -> memref<2x128xi32, #tpu.memory_space<vmem>>
    %dma_start3A_23 = arith.constant 0 : i32
    %dma_start3A_24 = arith.constant 0 : i32
    %dma_start3A_25 = tpu.memref_slice %arg4[%add3A_10, %dma_start3A_23, %dma_start3A_24] : memref<2560x2x128xi32, #tpu.memory_space<hbm>> -> memref<1x2x128xi32, #tpu.memory_space<hbm>>
    %dma_start3A_26 = tpu.memref_squeeze %dma_start3A_25 : memref<1x2x128xi32, #tpu.memory_space<hbm>> -> memref<2x128xi32, #tpu.memory_space<hbm>>
    tpu.enqueue_dma source(%dma_start3A_26 : memref<2x128xi32, #tpu.memory_space<hbm>>) target(%dma_start3A_22 : memref<2x128xi32, #tpu.memory_space<vmem>>) target_semaphore(%arg9 : memref<!tpu.dma_semaphore, #tpu.memory_space<semaphore_mem>>)
    %add3A_27 = arith.constant 1 : i32
    %add3A_28 = arith.addi %mul3A_9, %add3A_27 : i32
    %dma_start3A_29 = arith.constant 1 : i32
    %dma_start3A_30 = arith.constant 0 : i32
    %dma_start3A_31 = arith.constant 0 : i32
    %dma_start3A_32 = tpu.memref_slice %arg7[%dma_start3A_29, %dma_start3A_30, %dma_start3A_31] : memref<4x2x128xi32, #tpu.memory_space<vmem>> -> memref<1x2x128xi32, #tpu.memory_space<vmem>>
    %dma_start3A_33 = tpu.memref_squeeze %dma_start3A_32 : memref<1x2x128xi32, #tpu.memory_space<vmem>> -> memref<2x128xi32, #tpu.memory_space<vmem>>
    %dma_start3A_34 = arith.constant 0 : i32
    %dma_start3A_35 = arith.constant 0 : i32
    %dma_start3A_36 = tpu.memref_slice %arg4[%add3A_28, %dma_start3A_34, %dma_start3A_35] : memref<2560x2x128xi32, #tpu.memory_space<hbm>> -> memref<1x2x128xi32, #tpu.memory_space<hbm>>
    %dma_start3A_37 = tpu.memref_squeeze %dma_start3A_36 : memref<1x2x128xi32, #tpu.memory_space<hbm>> -> memref<2x128xi32, #tpu.memory_space<hbm>>
    %dma_start3A_38 = arith.constant 0 : i32
    %dma_start3A_39 = arith.constant 0 : i32
    %dma_start3A_40 = tpu.memref_slice %arg7[%dma_start3A_29, %dma_start3A_38, %dma_start3A_39] : memref<4x2x128xi32, #tpu.memory_space<vmem>> -> memref<1x2x128xi32, #tpu.memory_space<vmem>>
    %dma_start3A_41 = tpu.memref_squeeze %dma_start3A_40 : memref<1x2x128xi32, #tpu.memory_space<vmem>> -> memref<2x128xi32, #tpu.memory_space<vmem>>
    %dma_start3A_42 = arith.constant 0 : i32
    %dma_start3A_43 = arith.constant 0 : i32
    %dma_start3A_44 = tpu.memref_slice %arg4[%add3A_28, %dma_start3A_42, %dma_start3A_43] : memref<2560x2x128xi32, #tpu.memory_space<hbm>> -> memref<1x2x128xi32, #tpu.memory_space<hbm>>
    %dma_start3A_45 = tpu.memref_squeeze %dma_start3A_44 : memref<1x2x128xi32, #tpu.memory_space<hbm>> -> memref<2x128xi32, #tpu.memory_space<hbm>>
    tpu.enqueue_dma source(%dma_start3A_45 : memref<2x128xi32, #tpu.memory_space<hbm>>) target(%dma_start3A_41 : memref<2x128xi32, #tpu.memory_space<vmem>>) target_semaphore(%arg10 : memref<!tpu.dma_semaphore, #tpu.memory_space<semaphore_mem>>)
    %add3A_46 = arith.constant 2 : i32
    %add3A_47 = arith.addi %mul3A_9, %add3A_46 : i32
    %dma_start3A_48 = arith.constant 2 : i32
    %dma_start3A_49 = arith.constant 0 : i32
    %dma_start3A_50 = arith.constant 0 : i32
    %dma_start3A_51 = tpu.memref_slice %arg7[%dma_start3A_48, %dma_start3A_49, %dma_start3A_50] : memref<4x2x128xi32, #tpu.memory_space<vmem>> -> memref<1x2x128xi32, #tpu.memory_space<vmem>>
    %dma_start3A_52 = tpu.memref_squeeze %dma_start3A_51 : memref<1x2x128xi32, #tpu.memory_space<vmem>> -> memref<2x128xi32, #tpu.memory_space<vmem>>
    %dma_start3A_53 = arith.constant 0 : i32
    %dma_start3A_54 = arith.constant 0 : i32
    %dma_start3A_55 = tpu.memref_slice %arg4[%add3A_47, %dma_start3A_53, %dma_start3A_54] : memref<2560x2x128xi32, #tpu.memory_space<hbm>> -> memref<1x2x128xi32, #tpu.memory_space<hbm>>
    %dma_start3A_56 = tpu.memref_squeeze %dma_start3A_55 : memref<1x2x128xi32, #tpu.memory_space<hbm>> -> memref<2x128xi32, #tpu.memory_space<hbm>>
    %dma_start3A_57 = arith.constant 0 : i32
    %dma_start3A_58 = arith.constant 0 : i32
    %dma_start3A_59 = tpu.memref_slice %arg7[%dma_start3A_48, %dma_start3A_57, %dma_start3A_58] : memref<4x2x128xi32, #tpu.memory_space<vmem>> -> memref<1x2x128xi32, #tpu.memory_space<vmem>>
    %dma_start3A_60 = tpu.memref_squeeze %dma_start3A_59 : memref<1x2x128xi32, #tpu.memory_space<vmem>> -> memref<2x128xi32, #tpu.memory_space<vmem>>
    %dma_start3A_61 = arith.constant 0 : i32
    %dma_start3A_62 = arith.constant 0 : i32
    %dma_start3A_63 = tpu.memref_slice %arg4[%add3A_47, %dma_start3A_61, %dma_start3A_62] : memref<2560x2x128xi32, #tpu.memory_space<hbm>> -> memref<1x2x128xi32, #tpu.memory_space<hbm>>
    %dma_start3A_64 = tpu.memref_squeeze %dma_start3A_63 : memref<1x2x128xi32, #tpu.memory_space<hbm>> -> memref<2x128xi32, #tpu.memory_space<hbm>>
    tpu.enqueue_dma source(%dma_start3A_64 : memref<2x128xi32, #tpu.memory_space<hbm>>) target(%dma_start3A_60 : memref<2x128xi32, #tpu.memory_space<vmem>>) target_semaphore(%arg11 : memref<!tpu.dma_semaphore, #tpu.memory_space<semaphore_mem>>)
    %dma_wait3A = arith.constant 0 : i32
    %dma_wait3A_65 = arith.constant 0 : i32
    %dma_wait3A_66 = arith.constant 0 : i32
    %dma_wait3A_67 = arith.constant 0 : i32
    %dma_wait3A_68 = tpu.memref_slice %arg7[%dma_wait3A_65, %dma_wait3A_66, %dma_wait3A_67] : memref<4x2x128xi32, #tpu.memory_space<vmem>> -> memref<1x2x128xi32, #tpu.memory_space<vmem>>
    %dma_wait3A_69 = tpu.memref_squeeze %dma_wait3A_68 : memref<1x2x128xi32, #tpu.memory_space<vmem>> -> memref<2x128xi32, #tpu.memory_space<vmem>>
    %dma_wait3A_70 = arith.constant 0 : i32
    %dma_wait3A_71 = arith.constant 0 : i32
    %dma_wait3A_72 = tpu.memref_slice %arg4[%dma_wait3A, %dma_wait3A_70, %dma_wait3A_71] : memref<2560x2x128xi32, #tpu.memory_space<hbm>> -> memref<1x2x128xi32, #tpu.memory_space<hbm>>
    %dma_wait3A_73 = tpu.memref_squeeze %dma_wait3A_72 : memref<1x2x128xi32, #tpu.memory_space<hbm>> -> memref<2x128xi32, #tpu.memory_space<hbm>>
    %dma_wait3A_74 = arith.constant 0 : i32
    %dma_wait3A_75 = arith.constant 0 : i32
    %dma_wait3A_76 = tpu.memref_slice %arg7[%dma_wait3A_65, %dma_wait3A_74, %dma_wait3A_75] : memref<4x2x128xi32, #tpu.memory_space<vmem>> -> memref<1x2x128xi32, #tpu.memory_space<vmem>>
    %dma_wait3A_77 = tpu.memref_squeeze %dma_wait3A_76 : memref<1x2x128xi32, #tpu.memory_space<vmem>> -> memref<2x128xi32, #tpu.memory_space<vmem>>
    %dma_wait3A_78 = arith.constant 0 : i32
    %dma_wait3A_79 = arith.constant 0 : i32
    %dma_wait3A_80 = tpu.memref_slice %arg4[%dma_wait3A, %dma_wait3A_78, %dma_wait3A_79] : memref<2560x2x128xi32, #tpu.memory_space<hbm>> -> memref<1x2x128xi32, #tpu.memory_space<hbm>>
    %dma_wait3A_81 = tpu.memref_squeeze %dma_wait3A_80 : memref<1x2x128xi32, #tpu.memory_space<hbm>> -> memref<2x128xi32, #tpu.memory_space<hbm>>
    tpu.wait_dma2 semaphore(%arg9 : memref<!tpu.dma_semaphore, #tpu.memory_space<semaphore_mem>>) src(%dma_wait3A_81 : memref<2x128xi32, #tpu.memory_space<hbm>>) dst(%dma_wait3A_77 : memref<2x128xi32, #tpu.memory_space<vmem>>)
    %eq3A_82 = arith.constant 0 : i32
    %eq3A_83 = arith.cmpi eq, %arg0, %eq3A_82 : i32
    %convert_element_type3A_84 = arith.extui %eq3A_83 : i1 to i32
    %cond3A_85 = arith.constant 0 : i32
    %cond3A_86 = arith.cmpi ne, %convert_element_type3A_84, %cond3A_85 : i32
    scf.if %cond3A_86 {
      %dma_start3A_516 = arith.constant 0 : i32
      %dma_start3A_517 = arith.constant 0 : i32
      %dma_start3A_518 = arith.constant 0 : i32
      %dma_start3A_519 = arith.constant 0 : i32
      %dma_start3A_520 = arith.constant 0 : i32
      %dma_start3A_521 = tpu.memref_slice %arg8[%dma_start3A_518, %dma_start3A_519, %dma_start3A_520] : memref<2x128x128xf32, #tpu.memory_space<vmem>> -> memref<1x128x128xf32, #tpu.memory_space<vmem>>
      %dma_start3A_522 = tpu.memref_squeeze %dma_start3A_521 : memref<1x128x128xf32, #tpu.memory_space<vmem>> -> memref<128x128xf32, #tpu.memory_space<vmem>>
      %dma_start3A_523 = arith.constant 0 : i32
      %dma_start3A_524 = tpu.memref_slice %arg7[%dma_start3A_516, %dma_start3A_517, %dma_start3A_523] : memref<4x2x128xi32, #tpu.memory_space<vmem>> -> memref<1x1x128xi32, #tpu.memory_space<vmem>>
      %dma_start3A_525 = tpu.memref_squeeze %dma_start3A_524 : memref<1x1x128xi32, #tpu.memory_space<vmem>> -> memref<128xi32, #tpu.memory_space<vmem>>
      %dma_start3A_526 = arith.constant 0 : i32
      %dma_start3A_527 = arith.constant 0 : i32
      %dma_start3A_528 = tpu.memref_slice %arg2[%dma_start3A_526, %dma_start3A_527] : memref<10240x128xf32, #tpu.memory_space<hbm>> -> memref<10240x128xf32, #tpu.memory_space<hbm>>
      tpu.enqueue_indirect_dma source(%dma_start3A_528 : memref<10240x128xf32, #tpu.memory_space<hbm>>) target(%dma_start3A_522 : memref<128x128xf32, #tpu.memory_space<vmem>>) offsets(%dma_start3A_525 : memref<128xi32, #tpu.memory_space<vmem>>) semaphore(%arg13 : memref<!tpu.dma_semaphore, #tpu.memory_space<semaphore_mem>>)
    } else {
    }
    %eq3A_87 = arith.constant 1 : i32
    %eq3A_88 = arith.cmpi eq, %arg0, %eq3A_87 : i32
    %convert_element_type3A_89 = arith.extui %eq3A_88 : i1 to i32
    %cond3A_90 = arith.constant 0 : i32
    %cond3A_91 = arith.cmpi ne, %convert_element_type3A_89, %cond3A_90 : i32
    scf.if %cond3A_91 {
      %dma_start3A_516 = arith.constant 0 : i32
      %dma_start3A_517 = arith.constant 0 : i32
      %dma_start3A_518 = arith.constant 0 : i32
      %dma_start3A_519 = arith.constant 0 : i32
      %dma_start3A_520 = arith.constant 0 : i32
      %dma_start3A_521 = tpu.memref_slice %arg8[%dma_start3A_518, %dma_start3A_519, %dma_start3A_520] : memref<2x128x128xf32, #tpu.memory_space<vmem>> -> memref<1x128x128xf32, #tpu.memory_space<vmem>>
      %dma_start3A_522 = tpu.memref_squeeze %dma_start3A_521 : memref<1x128x128xf32, #tpu.memory_space<vmem>> -> memref<128x128xf32, #tpu.memory_space<vmem>>
      %dma_start3A_523 = arith.constant 0 : i32
      %dma_start3A_524 = tpu.memref_slice %arg7[%dma_start3A_516, %dma_start3A_517, %dma_start3A_523] : memref<4x2x128xi32, #tpu.memory_space<vmem>> -> memref<1x1x128xi32, #tpu.memory_space<vmem>>
      %dma_start3A_525 = tpu.memref_squeeze %dma_start3A_524 : memref<1x1x128xi32, #tpu.memory_space<vmem>> -> memref<128xi32, #tpu.memory_space<vmem>>
      %dma_start3A_526 = arith.constant 0 : i32
      %dma_start3A_527 = arith.constant 0 : i32
      %dma_start3A_528 = tpu.memref_slice %arg3[%dma_start3A_526, %dma_start3A_527] : memref<10240x128xf32, #tpu.memory_space<hbm>> -> memref<10240x128xf32, #tpu.memory_space<hbm>>
      tpu.enqueue_indirect_dma source(%dma_start3A_528 : memref<10240x128xf32, #tpu.memory_space<hbm>>) target(%dma_start3A_522 : memref<128x128xf32, #tpu.memory_space<vmem>>) offsets(%dma_start3A_525 : memref<128xi32, #tpu.memory_space<vmem>>) semaphore(%arg13 : memref<!tpu.dma_semaphore, #tpu.memory_space<semaphore_mem>>)
    } else {
    }
    %dma_wait3A_92 = arith.constant 0 : i32
    %dma_wait3A_93 = arith.constant 1 : i32
    %dma_wait3A_94 = arith.constant 0 : i32
    %dma_wait3A_95 = arith.constant 0 : i32
    %dma_wait3A_96 = tpu.memref_slice %arg7[%dma_wait3A_93, %dma_wait3A_94, %dma_wait3A_95] : memref<4x2x128xi32, #tpu.memory_space<vmem>> -> memref<1x2x128xi32, #tpu.memory_space<vmem>>
    %dma_wait3A_97 = tpu.memref_squeeze %dma_wait3A_96 : memref<1x2x128xi32, #tpu.memory_space<vmem>> -> memref<2x128xi32, #tpu.memory_space<vmem>>
    %dma_wait3A_98 = arith.constant 0 : i32
    %dma_wait3A_99 = arith.constant 0 : i32
    %dma_wait3A_100 = tpu.memref_slice %arg4[%dma_wait3A_92, %dma_wait3A_98, %dma_wait3A_99] : memref<2560x2x128xi32, #tpu.memory_space<hbm>> -> memref<1x2x128xi32, #tpu.memory_space<hbm>>
    %dma_wait3A_101 = tpu.memref_squeeze %dma_wait3A_100 : memref<1x2x128xi32, #tpu.memory_space<hbm>> -> memref<2x128xi32, #tpu.memory_space<hbm>>
    %dma_wait3A_102 = arith.constant 0 : i32
    %dma_wait3A_103 = arith.constant 0 : i32
    %dma_wait3A_104 = tpu.memref_slice %arg7[%dma_wait3A_93, %dma_wait3A_102, %dma_wait3A_103] : memref<4x2x128xi32, #tpu.memory_space<vmem>> -> memref<1x2x128xi32, #tpu.memory_space<vmem>>
    %dma_wait3A_105 = tpu.memref_squeeze %dma_wait3A_104 : memref<1x2x128xi32, #tpu.memory_space<vmem>> -> memref<2x128xi32, #tpu.memory_space<vmem>>
    %dma_wait3A_106 = arith.constant 0 : i32
    %dma_wait3A_107 = arith.constant 0 : i32
    %dma_wait3A_108 = tpu.memref_slice %arg4[%dma_wait3A_92, %dma_wait3A_106, %dma_wait3A_107] : memref<2560x2x128xi32, #tpu.memory_space<hbm>> -> memref<1x2x128xi32, #tpu.memory_space<hbm>>
    %dma_wait3A_109 = tpu.memref_squeeze %dma_wait3A_108 : memref<1x2x128xi32, #tpu.memory_space<hbm>> -> memref<2x128xi32, #tpu.memory_space<hbm>>
    tpu.wait_dma2 semaphore(%arg10 : memref<!tpu.dma_semaphore, #tpu.memory_space<semaphore_mem>>) src(%dma_wait3A_109 : memref<2x128xi32, #tpu.memory_space<hbm>>) dst(%dma_wait3A_105 : memref<2x128xi32, #tpu.memory_space<vmem>>)
    %eq3A_110 = arith.constant 0 : i32
    %eq3A_111 = arith.cmpi eq, %arg0, %eq3A_110 : i32
    %convert_element_type3A_112 = arith.extui %eq3A_111 : i1 to i32
    %cond3A_113 = arith.constant 0 : i32
    %cond3A_114 = arith.cmpi ne, %convert_element_type3A_112, %cond3A_113 : i32
    scf.if %cond3A_114 {
      %dma_start3A_516 = arith.constant 1 : i32
      %dma_start3A_517 = arith.constant 0 : i32
      %dma_start3A_518 = arith.constant 1 : i32
      %dma_start3A_519 = arith.constant 0 : i32
      %dma_start3A_520 = arith.constant 0 : i32
      %dma_start3A_521 = tpu.memref_slice %arg8[%dma_start3A_518, %dma_start3A_519, %dma_start3A_520] : memref<2x128x128xf32, #tpu.memory_space<vmem>> -> memref<1x128x128xf32, #tpu.memory_space<vmem>>
      %dma_start3A_522 = tpu.memref_squeeze %dma_start3A_521 : memref<1x128x128xf32, #tpu.memory_space<vmem>> -> memref<128x128xf32, #tpu.memory_space<vmem>>
      %dma_start3A_523 = arith.constant 0 : i32
      %dma_start3A_524 = tpu.memref_slice %arg7[%dma_start3A_516, %dma_start3A_517, %dma_start3A_523] : memref<4x2x128xi32, #tpu.memory_space<vmem>> -> memref<1x1x128xi32, #tpu.memory_space<vmem>>
      %dma_start3A_525 = tpu.memref_squeeze %dma_start3A_524 : memref<1x1x128xi32, #tpu.memory_space<vmem>> -> memref<128xi32, #tpu.memory_space<vmem>>
      %dma_start3A_526 = arith.constant 0 : i32
      %dma_start3A_527 = arith.constant 0 : i32
      %dma_start3A_528 = tpu.memref_slice %arg2[%dma_start3A_526, %dma_start3A_527] : memref<10240x128xf32, #tpu.memory_space<hbm>> -> memref<10240x128xf32, #tpu.memory_space<hbm>>
      tpu.enqueue_indirect_dma source(%dma_start3A_528 : memref<10240x128xf32, #tpu.memory_space<hbm>>) target(%dma_start3A_522 : memref<128x128xf32, #tpu.memory_space<vmem>>) offsets(%dma_start3A_525 : memref<128xi32, #tpu.memory_space<vmem>>) semaphore(%arg14 : memref<!tpu.dma_semaphore, #tpu.memory_space<semaphore_mem>>)
    } else {
    }
    %eq3A_115 = arith.constant 1 : i32
    %eq3A_116 = arith.cmpi eq, %arg0, %eq3A_115 : i32
    %convert_element_type3A_117 = arith.extui %eq3A_116 : i1 to i32
    %cond3A_118 = arith.constant 0 : i32
    %cond3A_119 = arith.cmpi ne, %convert_element_type3A_117, %cond3A_118 : i32
    scf.if %cond3A_119 {
      %dma_start3A_516 = arith.constant 1 : i32
      %dma_start3A_517 = arith.constant 0 : i32
      %dma_start3A_518 = arith.constant 1 : i32
      %dma_start3A_519 = arith.constant 0 : i32
      %dma_start3A_520 = arith.constant 0 : i32
      %dma_start3A_521 = tpu.memref_slice %arg8[%dma_start3A_518, %dma_start3A_519, %dma_start3A_520] : memref<2x128x128xf32, #tpu.memory_space<vmem>> -> memref<1x128x128xf32, #tpu.memory_space<vmem>>
      %dma_start3A_522 = tpu.memref_squeeze %dma_start3A_521 : memref<1x128x128xf32, #tpu.memory_space<vmem>> -> memref<128x128xf32, #tpu.memory_space<vmem>>
      %dma_start3A_523 = arith.constant 0 : i32
      %dma_start3A_524 = tpu.memref_slice %arg7[%dma_start3A_516, %dma_start3A_517, %dma_start3A_523] : memref<4x2x128xi32, #tpu.memory_space<vmem>> -> memref<1x1x128xi32, #tpu.memory_space<vmem>>
      %dma_start3A_525 = tpu.memref_squeeze %dma_start3A_524 : memref<1x1x128xi32, #tpu.memory_space<vmem>> -> memref<128xi32, #tpu.memory_space<vmem>>
      %dma_start3A_526 = arith.constant 0 : i32
      %dma_start3A_527 = arith.constant 0 : i32
      %dma_start3A_528 = tpu.memref_slice %arg3[%dma_start3A_526, %dma_start3A_527] : memref<10240x128xf32, #tpu.memory_space<hbm>> -> memref<10240x128xf32, #tpu.memory_space<hbm>>
      tpu.enqueue_indirect_dma source(%dma_start3A_528 : memref<10240x128xf32, #tpu.memory_space<hbm>>) target(%dma_start3A_522 : memref<128x128xf32, #tpu.memory_space<vmem>>) offsets(%dma_start3A_525 : memref<128xi32, #tpu.memory_space<vmem>>) semaphore(%arg14 : memref<!tpu.dma_semaphore, #tpu.memory_space<semaphore_mem>>)
    } else {
    }
    %min3A = arith.constant 3 : i32
    %min3A_120 = arith.constant 159 : i32
    %min3A_121 = arith.minsi %min3A, %min3A_120 : i32
    %add3A_122 = arith.addi %mul3A_9, %min3A_121 : i32
    %dma_start3A_123 = arith.constant 3 : i32
    %dma_start3A_124 = arith.constant 0 : i32
    %dma_start3A_125 = arith.constant 0 : i32
    %dma_start3A_126 = tpu.memref_slice %arg7[%dma_start3A_123, %dma_start3A_124, %dma_start3A_125] : memref<4x2x128xi32, #tpu.memory_space<vmem>> -> memref<1x2x128xi32, #tpu.memory_space<vmem>>
    %dma_start3A_127 = tpu.memref_squeeze %dma_start3A_126 : memref<1x2x128xi32, #tpu.memory_space<vmem>> -> memref<2x128xi32, #tpu.memory_space<vmem>>
    %dma_start3A_128 = arith.constant 0 : i32
    %dma_start3A_129 = arith.constant 0 : i32
    %dma_start3A_130 = tpu.memref_slice %arg4[%add3A_122, %dma_start3A_128, %dma_start3A_129] : memref<2560x2x128xi32, #tpu.memory_space<hbm>> -> memref<1x2x128xi32, #tpu.memory_space<hbm>>
    %dma_start3A_131 = tpu.memref_squeeze %dma_start3A_130 : memref<1x2x128xi32, #tpu.memory_space<hbm>> -> memref<2x128xi32, #tpu.memory_space<hbm>>
    %dma_start3A_132 = arith.constant 0 : i32
    %dma_start3A_133 = arith.constant 0 : i32
    %dma_start3A_134 = tpu.memref_slice %arg7[%dma_start3A_123, %dma_start3A_132, %dma_start3A_133] : memref<4x2x128xi32, #tpu.memory_space<vmem>> -> memref<1x2x128xi32, #tpu.memory_space<vmem>>
    %dma_start3A_135 = tpu.memref_squeeze %dma_start3A_134 : memref<1x2x128xi32, #tpu.memory_space<vmem>> -> memref<2x128xi32, #tpu.memory_space<vmem>>
    %dma_start3A_136 = arith.constant 0 : i32
    %dma_start3A_137 = arith.constant 0 : i32
    %dma_start3A_138 = tpu.memref_slice %arg4[%add3A_122, %dma_start3A_136, %dma_start3A_137] : memref<2560x2x128xi32, #tpu.memory_space<hbm>> -> memref<1x2x128xi32, #tpu.memory_space<hbm>>
    %dma_start3A_139 = tpu.memref_squeeze %dma_start3A_138 : memref<1x2x128xi32, #tpu.memory_space<hbm>> -> memref<2x128xi32, #tpu.memory_space<hbm>>
    tpu.enqueue_dma source(%dma_start3A_139 : memref<2x128xi32, #tpu.memory_space<hbm>>) target(%dma_start3A_135 : memref<2x128xi32, #tpu.memory_space<vmem>>) target_semaphore(%arg12 : memref<!tpu.dma_semaphore, #tpu.memory_space<semaphore_mem>>)
    %dma_wait3A_140 = arith.constant 0 : i32
    %dma_wait3A_141 = arith.constant 0 : i32
    %dma_wait3A_142 = arith.constant 0 : i32
    %dma_wait3A_143 = tpu.memref_slice %arg8[%dma_wait3A_140, %dma_wait3A_141, %dma_wait3A_142] : memref<2x128x128xf32, #tpu.memory_space<vmem>> -> memref<1x128x128xf32, #tpu.memory_space<vmem>>
    %dma_wait3A_144 = tpu.memref_squeeze %dma_wait3A_143 : memref<1x128x128xf32, #tpu.memory_space<vmem>> -> memref<128x128xf32, #tpu.memory_space<vmem>>
    %dma_wait3A_145 = arith.constant 0 : i32
    %dma_wait3A_146 = arith.constant 0 : i32
    %dma_wait3A_147 = tpu.memref_slice %arg2[%dma_wait3A_145, %dma_wait3A_146] : memref<10240x128xf32, #tpu.memory_space<hbm>> -> memref<128x128xf32, #tpu.memory_space<hbm>>
    %dma_wait3A_148 = arith.constant 0 : i32
    %dma_wait3A_149 = arith.constant 0 : i32
    %dma_wait3A_150 = tpu.memref_slice %arg8[%dma_wait3A_140, %dma_wait3A_148, %dma_wait3A_149] : memref<2x128x128xf32, #tpu.memory_space<vmem>> -> memref<1x128x128xf32, #tpu.memory_space<vmem>>
    %dma_wait3A_151 = tpu.memref_squeeze %dma_wait3A_150 : memref<1x128x128xf32, #tpu.memory_space<vmem>> -> memref<128x128xf32, #tpu.memory_space<vmem>>
    %dma_wait3A_152 = arith.constant 0 : i32
    %dma_wait3A_153 = arith.constant 0 : i32
    %dma_wait3A_154 = tpu.memref_slice %arg2[%dma_wait3A_152, %dma_wait3A_153] : memref<10240x128xf32, #tpu.memory_space<hbm>> -> memref<128x128xf32, #tpu.memory_space<hbm>>
    tpu.wait_dma2 semaphore(%arg13 : memref<!tpu.dma_semaphore, #tpu.memory_space<semaphore_mem>>) src(%dma_wait3A_154 : memref<128x128xf32, #tpu.memory_space<hbm>>) dst(%dma_wait3A_151 : memref<128x128xf32, #tpu.memory_space<vmem>>)
    %dma_start3A_155 = arith.constant 0 : i32
    %dma_start3A_156 = arith.constant 0 : i32
    %dma_start3A_157 = arith.constant 1 : i32
    %dma_start3A_158 = arith.constant 0 : i32
    %dma_start3A_159 = arith.constant 0 : i32
    %dma_start3A_160 = tpu.memref_slice %arg8[%dma_start3A_155, %dma_start3A_158, %dma_start3A_159] : memref<2x128x128xf32, #tpu.memory_space<vmem>> -> memref<1x128x128xf32, #tpu.memory_space<vmem>>
    %dma_start3A_161 = tpu.memref_squeeze %dma_start3A_160 : memref<1x128x128xf32, #tpu.memory_space<vmem>> -> memref<128x128xf32, #tpu.memory_space<vmem>>
    %dma_start3A_162 = arith.constant 0 : i32
    %dma_start3A_163 = tpu.memref_slice %arg7[%dma_start3A_156, %dma_start3A_157, %dma_start3A_162] : memref<4x2x128xi32, #tpu.memory_space<vmem>> -> memref<1x1x128xi32, #tpu.memory_space<vmem>>
    %dma_start3A_164 = tpu.memref_squeeze %dma_start3A_163 : memref<1x1x128xi32, #tpu.memory_space<vmem>> -> memref<128xi32, #tpu.memory_space<vmem>>
    %dma_start3A_165 = arith.constant 0 : i32
    %dma_start3A_166 = arith.constant 0 : i32
    %dma_start3A_167 = tpu.memref_slice %arg6[%dma_start3A_165, %dma_start3A_166] : memref<10240x128xf32, #tpu.memory_space<vmem_shared>> -> memref<10240x128xf32, #tpu.memory_space<vmem_shared>>
    tpu.enqueue_indirect_dma source(%dma_start3A_161 : memref<128x128xf32, #tpu.memory_space<vmem>>) target(%dma_start3A_167 : memref<10240x128xf32, #tpu.memory_space<vmem_shared>>) offsets(%dma_start3A_164 : memref<128xi32, #tpu.memory_space<vmem>>) semaphore(%arg15 : memref<!tpu.dma_semaphore, #tpu.memory_space<semaphore_mem>>) {add = true}
    %dma_wait3A_168 = arith.constant 0 : i32
    %dma_wait3A_169 = arith.constant 0 : i32
    %dma_wait3A_170 = arith.constant 0 : i32
    %dma_wait3A_171 = tpu.memref_slice %arg8[%dma_wait3A_168, %dma_wait3A_169, %dma_wait3A_170] : memref<2x128x128xf32, #tpu.memory_space<vmem>> -> memref<1x128x128xf32, #tpu.memory_space<vmem>>
    %dma_wait3A_172 = tpu.memref_squeeze %dma_wait3A_171 : memref<1x128x128xf32, #tpu.memory_space<vmem>> -> memref<128x128xf32, #tpu.memory_space<vmem>>
    %dma_wait3A_173 = arith.constant 0 : i32
    %dma_wait3A_174 = arith.constant 0 : i32
    %dma_wait3A_175 = tpu.memref_slice %arg2[%dma_wait3A_173, %dma_wait3A_174] : memref<10240x128xf32, #tpu.memory_space<hbm>> -> memref<128x128xf32, #tpu.memory_space<hbm>>
    %dma_wait3A_176 = arith.constant 0 : i32
    %dma_wait3A_177 = arith.constant 0 : i32
    %dma_wait3A_178 = tpu.memref_slice %arg8[%dma_wait3A_168, %dma_wait3A_176, %dma_wait3A_177] : memref<2x128x128xf32, #tpu.memory_space<vmem>> -> memref<1x128x128xf32, #tpu.memory_space<vmem>>
    %dma_wait3A_179 = tpu.memref_squeeze %dma_wait3A_178 : memref<1x128x128xf32, #tpu.memory_space<vmem>> -> memref<128x128xf32, #tpu.memory_space<vmem>>
    %dma_wait3A_180 = arith.constant 0 : i32
    %dma_wait3A_181 = arith.constant 0 : i32
    %dma_wait3A_182 = tpu.memref_slice %arg2[%dma_wait3A_180, %dma_wait3A_181] : memref<10240x128xf32, #tpu.memory_space<hbm>> -> memref<128x128xf32, #tpu.memory_space<hbm>>
    tpu.wait_dma2 semaphore(%arg15 : memref<!tpu.dma_semaphore, #tpu.memory_space<semaphore_mem>>) src(%dma_wait3A_182 : memref<128x128xf32, #tpu.memory_space<hbm>>) dst(%dma_wait3A_179 : memref<128x128xf32, #tpu.memory_space<vmem>>)
    %dma_wait3A_183 = arith.constant 0 : i32
    %dma_wait3A_184 = arith.constant 2 : i32
    %dma_wait3A_185 = arith.constant 0 : i32
    %dma_wait3A_186 = arith.constant 0 : i32
    %dma_wait3A_187 = tpu.memref_slice %arg7[%dma_wait3A_184, %dma_wait3A_185, %dma_wait3A_186] : memref<4x2x128xi32, #tpu.memory_space<vmem>> -> memref<1x2x128xi32, #tpu.memory_space<vmem>>
    %dma_wait3A_188 = tpu.memref_squeeze %dma_wait3A_187 : memref<1x2x128xi32, #tpu.memory_space<vmem>> -> memref<2x128xi32, #tpu.memory_space<vmem>>
    %dma_wait3A_189 = arith.constant 0 : i32
    %dma_wait3A_190 = arith.constant 0 : i32
    %dma_wait3A_191 = tpu.memref_slice %arg4[%dma_wait3A_183, %dma_wait3A_189, %dma_wait3A_190] : memref<2560x2x128xi32, #tpu.memory_space<hbm>> -> memref<1x2x128xi32, #tpu.memory_space<hbm>>
    %dma_wait3A_192 = tpu.memref_squeeze %dma_wait3A_191 : memref<1x2x128xi32, #tpu.memory_space<hbm>> -> memref<2x128xi32, #tpu.memory_space<hbm>>
    %dma_wait3A_193 = arith.constant 0 : i32
    %dma_wait3A_194 = arith.constant 0 : i32
    %dma_wait3A_195 = tpu.memref_slice %arg7[%dma_wait3A_184, %dma_wait3A_193, %dma_wait3A_194] : memref<4x2x128xi32, #tpu.memory_space<vmem>> -> memref<1x2x128xi32, #tpu.memory_space<vmem>>
    %dma_wait3A_196 = tpu.memref_squeeze %dma_wait3A_195 : memref<1x2x128xi32, #tpu.memory_space<vmem>> -> memref<2x128xi32, #tpu.memory_space<vmem>>
    %dma_wait3A_197 = arith.constant 0 : i32
    %dma_wait3A_198 = arith.constant 0 : i32
    %dma_wait3A_199 = tpu.memref_slice %arg4[%dma_wait3A_183, %dma_wait3A_197, %dma_wait3A_198] : memref<2560x2x128xi32, #tpu.memory_space<hbm>> -> memref<1x2x128xi32, #tpu.memory_space<hbm>>
    %dma_wait3A_200 = tpu.memref_squeeze %dma_wait3A_199 : memref<1x2x128xi32, #tpu.memory_space<hbm>> -> memref<2x128xi32, #tpu.memory_space<hbm>>
    tpu.wait_dma2 semaphore(%arg11 : memref<!tpu.dma_semaphore, #tpu.memory_space<semaphore_mem>>) src(%dma_wait3A_200 : memref<2x128xi32, #tpu.memory_space<hbm>>) dst(%dma_wait3A_196 : memref<2x128xi32, #tpu.memory_space<vmem>>)
    %eq3A_201 = arith.constant 0 : i32
    %eq3A_202 = arith.cmpi eq, %arg0, %eq3A_201 : i32
    %convert_element_type3A_203 = arith.extui %eq3A_202 : i1 to i32
    %cond3A_204 = arith.constant 0 : i32
    %cond3A_205 = arith.cmpi ne, %convert_element_type3A_203, %cond3A_204 : i32
    scf.if %cond3A_205 {
      %dma_start3A_516 = arith.constant 2 : i32
      %dma_start3A_517 = arith.constant 0 : i32
      %dma_start3A_518 = arith.constant 0 : i32
      %dma_start3A_519 = arith.constant 0 : i32
      %dma_start3A_520 = arith.constant 0 : i32
      %dma_start3A_521 = tpu.memref_slice %arg8[%dma_start3A_518, %dma_start3A_519, %dma_start3A_520] : memref<2x128x128xf32, #tpu.memory_space<vmem>> -> memref<1x128x128xf32, #tpu.memory_space<vmem>>
      %dma_start3A_522 = tpu.memref_squeeze %dma_start3A_521 : memref<1x128x128xf32, #tpu.memory_space<vmem>> -> memref<128x128xf32, #tpu.memory_space<vmem>>
      %dma_start3A_523 = arith.constant 0 : i32
      %dma_start3A_524 = tpu.memref_slice %arg7[%dma_start3A_516, %dma_start3A_517, %dma_start3A_523] : memref<4x2x128xi32, #tpu.memory_space<vmem>> -> memref<1x1x128xi32, #tpu.memory_space<vmem>>
      %dma_start3A_525 = tpu.memref_squeeze %dma_start3A_524 : memref<1x1x128xi32, #tpu.memory_space<vmem>> -> memref<128xi32, #tpu.memory_space<vmem>>
      %dma_start3A_526 = arith.constant 0 : i32
      %dma_start3A_527 = arith.constant 0 : i32
      %dma_start3A_528 = tpu.memref_slice %arg2[%dma_start3A_526, %dma_start3A_527] : memref<10240x128xf32, #tpu.memory_space<hbm>> -> memref<10240x128xf32, #tpu.memory_space<hbm>>
      tpu.enqueue_indirect_dma source(%dma_start3A_528 : memref<10240x128xf32, #tpu.memory_space<hbm>>) target(%dma_start3A_522 : memref<128x128xf32, #tpu.memory_space<vmem>>) offsets(%dma_start3A_525 : memref<128xi32, #tpu.memory_space<vmem>>) semaphore(%arg13 : memref<!tpu.dma_semaphore, #tpu.memory_space<semaphore_mem>>)
    } else {
    }
    %eq3A_206 = arith.constant 1 : i32
    %eq3A_207 = arith.cmpi eq, %arg0, %eq3A_206 : i32
    %convert_element_type3A_208 = arith.extui %eq3A_207 : i1 to i32
    %cond3A_209 = arith.constant 0 : i32
    %cond3A_210 = arith.cmpi ne, %convert_element_type3A_208, %cond3A_209 : i32
    scf.if %cond3A_210 {
      %dma_start3A_516 = arith.constant 2 : i32
      %dma_start3A_517 = arith.constant 0 : i32
      %dma_start3A_518 = arith.constant 0 : i32
      %dma_start3A_519 = arith.constant 0 : i32
      %dma_start3A_520 = arith.constant 0 : i32
      %dma_start3A_521 = tpu.memref_slice %arg8[%dma_start3A_518, %dma_start3A_519, %dma_start3A_520] : memref<2x128x128xf32, #tpu.memory_space<vmem>> -> memref<1x128x128xf32, #tpu.memory_space<vmem>>
      %dma_start3A_522 = tpu.memref_squeeze %dma_start3A_521 : memref<1x128x128xf32, #tpu.memory_space<vmem>> -> memref<128x128xf32, #tpu.memory_space<vmem>>
      %dma_start3A_523 = arith.constant 0 : i32
      %dma_start3A_524 = tpu.memref_slice %arg7[%dma_start3A_516, %dma_start3A_517, %dma_start3A_523] : memref<4x2x128xi32, #tpu.memory_space<vmem>> -> memref<1x1x128xi32, #tpu.memory_space<vmem>>
      %dma_start3A_525 = tpu.memref_squeeze %dma_start3A_524 : memref<1x1x128xi32, #tpu.memory_space<vmem>> -> memref<128xi32, #tpu.memory_space<vmem>>
      %dma_start3A_526 = arith.constant 0 : i32
      %dma_start3A_527 = arith.constant 0 : i32
      %dma_start3A_528 = tpu.memref_slice %arg3[%dma_start3A_526, %dma_start3A_527] : memref<10240x128xf32, #tpu.memory_space<hbm>> -> memref<10240x128xf32, #tpu.memory_space<hbm>>
      tpu.enqueue_indirect_dma source(%dma_start3A_528 : memref<10240x128xf32, #tpu.memory_space<hbm>>) target(%dma_start3A_522 : memref<128x128xf32, #tpu.memory_space<vmem>>) offsets(%dma_start3A_525 : memref<128xi32, #tpu.memory_space<vmem>>) semaphore(%arg13 : memref<!tpu.dma_semaphore, #tpu.memory_space<semaphore_mem>>)
    } else {
    }
    %min3A_211 = arith.constant 4 : i32
    %min3A_212 = arith.constant 159 : i32
    %min3A_213 = arith.minsi %min3A_211, %min3A_212 : i32
    %add3A_214 = arith.addi %mul3A_9, %min3A_213 : i32
    %dma_start3A_215 = arith.constant 0 : i32
    %dma_start3A_216 = arith.constant 0 : i32
    %dma_start3A_217 = arith.constant 0 : i32
    %dma_start3A_218 = tpu.memref_slice %arg7[%dma_start3A_215, %dma_start3A_216, %dma_start3A_217] : memref<4x2x128xi32, #tpu.memory_space<vmem>> -> memref<1x2x128xi32, #tpu.memory_space<vmem>>
    %dma_start3A_219 = tpu.memref_squeeze %dma_start3A_218 : memref<1x2x128xi32, #tpu.memory_space<vmem>> -> memref<2x128xi32, #tpu.memory_space<vmem>>
    %dma_start3A_220 = arith.constant 0 : i32
    %dma_start3A_221 = arith.constant 0 : i32
    %dma_start3A_222 = tpu.memref_slice %arg4[%add3A_214, %dma_start3A_220, %dma_start3A_221] : memref<2560x2x128xi32, #tpu.memory_space<hbm>> -> memref<1x2x128xi32, #tpu.memory_space<hbm>>
    %dma_start3A_223 = tpu.memref_squeeze %dma_start3A_222 : memref<1x2x128xi32, #tpu.memory_space<hbm>> -> memref<2x128xi32, #tpu.memory_space<hbm>>
    %dma_start3A_224 = arith.constant 0 : i32
    %dma_start3A_225 = arith.constant 0 : i32
    %dma_start3A_226 = tpu.memref_slice %arg7[%dma_start3A_215, %dma_start3A_224, %dma_start3A_225] : memref<4x2x128xi32, #tpu.memory_space<vmem>> -> memref<1x2x128xi32, #tpu.memory_space<vmem>>
    %dma_start3A_227 = tpu.memref_squeeze %dma_start3A_226 : memref<1x2x128xi32, #tpu.memory_space<vmem>> -> memref<2x128xi32, #tpu.memory_space<vmem>>
    %dma_start3A_228 = arith.constant 0 : i32
    %dma_start3A_229 = arith.constant 0 : i32
    %dma_start3A_230 = tpu.memref_slice %arg4[%add3A_214, %dma_start3A_228, %dma_start3A_229] : memref<2560x2x128xi32, #tpu.memory_space<hbm>> -> memref<1x2x128xi32, #tpu.memory_space<hbm>>
    %dma_start3A_231 = tpu.memref_squeeze %dma_start3A_230 : memref<1x2x128xi32, #tpu.memory_space<hbm>> -> memref<2x128xi32, #tpu.memory_space<hbm>>
    tpu.enqueue_dma source(%dma_start3A_231 : memref<2x128xi32, #tpu.memory_space<hbm>>) target(%dma_start3A_227 : memref<2x128xi32, #tpu.memory_space<vmem>>) target_semaphore(%arg9 : memref<!tpu.dma_semaphore, #tpu.memory_space<semaphore_mem>>)
    %dma_wait3A_232 = arith.constant 1 : i32
    %dma_wait3A_233 = arith.constant 0 : i32
    %dma_wait3A_234 = arith.constant 0 : i32
    %dma_wait3A_235 = tpu.memref_slice %arg8[%dma_wait3A_232, %dma_wait3A_233, %dma_wait3A_234] : memref<2x128x128xf32, #tpu.memory_space<vmem>> -> memref<1x128x128xf32, #tpu.memory_space<vmem>>
    %dma_wait3A_236 = tpu.memref_squeeze %dma_wait3A_235 : memref<1x128x128xf32, #tpu.memory_space<vmem>> -> memref<128x128xf32, #tpu.memory_space<vmem>>
    %dma_wait3A_237 = arith.constant 0 : i32
    %dma_wait3A_238 = arith.constant 0 : i32
    %dma_wait3A_239 = tpu.memref_slice %arg2[%dma_wait3A_237, %dma_wait3A_238] : memref<10240x128xf32, #tpu.memory_space<hbm>> -> memref<128x128xf32, #tpu.memory_space<hbm>>
    %dma_wait3A_240 = arith.constant 0 : i32
    %dma_wait3A_241 = arith.constant 0 : i32
    %dma_wait3A_242 = tpu.memref_slice %arg8[%dma_wait3A_232, %dma_wait3A_240, %dma_wait3A_241] : memref<2x128x128xf32, #tpu.memory_space<vmem>> -> memref<1x128x128xf32, #tpu.memory_space<vmem>>
    %dma_wait3A_243 = tpu.memref_squeeze %dma_wait3A_242 : memref<1x128x128xf32, #tpu.memory_space<vmem>> -> memref<128x128xf32, #tpu.memory_space<vmem>>
    %dma_wait3A_244 = arith.constant 0 : i32
    %dma_wait3A_245 = arith.constant 0 : i32
    %dma_wait3A_246 = tpu.memref_slice %arg2[%dma_wait3A_244, %dma_wait3A_245] : memref<10240x128xf32, #tpu.memory_space<hbm>> -> memref<128x128xf32, #tpu.memory_space<hbm>>
    tpu.wait_dma2 semaphore(%arg14 : memref<!tpu.dma_semaphore, #tpu.memory_space<semaphore_mem>>) src(%dma_wait3A_246 : memref<128x128xf32, #tpu.memory_space<hbm>>) dst(%dma_wait3A_243 : memref<128x128xf32, #tpu.memory_space<vmem>>)
    %dma_start3A_247 = arith.constant 1 : i32
    %dma_start3A_248 = arith.constant 1 : i32
    %dma_start3A_249 = arith.constant 1 : i32
    %dma_start3A_250 = arith.constant 0 : i32
    %dma_start3A_251 = arith.constant 0 : i32
    %dma_start3A_252 = tpu.memref_slice %arg8[%dma_start3A_247, %dma_start3A_250, %dma_start3A_251] : memref<2x128x128xf32, #tpu.memory_space<vmem>> -> memref<1x128x128xf32, #tpu.memory_space<vmem>>
    %dma_start3A_253 = tpu.memref_squeeze %dma_start3A_252 : memref<1x128x128xf32, #tpu.memory_space<vmem>> -> memref<128x128xf32, #tpu.memory_space<vmem>>
    %dma_start3A_254 = arith.constant 0 : i32
    %dma_start3A_255 = tpu.memref_slice %arg7[%dma_start3A_248, %dma_start3A_249, %dma_start3A_254] : memref<4x2x128xi32, #tpu.memory_space<vmem>> -> memref<1x1x128xi32, #tpu.memory_space<vmem>>
    %dma_start3A_256 = tpu.memref_squeeze %dma_start3A_255 : memref<1x1x128xi32, #tpu.memory_space<vmem>> -> memref<128xi32, #tpu.memory_space<vmem>>
    %dma_start3A_257 = arith.constant 0 : i32
    %dma_start3A_258 = arith.constant 0 : i32
    %dma_start3A_259 = tpu.memref_slice %arg6[%dma_start3A_257, %dma_start3A_258] : memref<10240x128xf32, #tpu.memory_space<vmem_shared>> -> memref<10240x128xf32, #tpu.memory_space<vmem_shared>>
    tpu.enqueue_indirect_dma source(%dma_start3A_253 : memref<128x128xf32, #tpu.memory_space<vmem>>) target(%dma_start3A_259 : memref<10240x128xf32, #tpu.memory_space<vmem_shared>>) offsets(%dma_start3A_256 : memref<128xi32, #tpu.memory_space<vmem>>) semaphore(%arg16 : memref<!tpu.dma_semaphore, #tpu.memory_space<semaphore_mem>>) {add = true}
    %dma_wait3A_260 = arith.constant 1 : i32
    %dma_wait3A_261 = arith.constant 0 : i32
    %dma_wait3A_262 = arith.constant 0 : i32
    %dma_wait3A_263 = tpu.memref_slice %arg8[%dma_wait3A_260, %dma_wait3A_261, %dma_wait3A_262] : memref<2x128x128xf32, #tpu.memory_space<vmem>> -> memref<1x128x128xf32, #tpu.memory_space<vmem>>
    %dma_wait3A_264 = tpu.memref_squeeze %dma_wait3A_263 : memref<1x128x128xf32, #tpu.memory_space<vmem>> -> memref<128x128xf32, #tpu.memory_space<vmem>>
    %dma_wait3A_265 = arith.constant 0 : i32
    %dma_wait3A_266 = arith.constant 0 : i32
    %dma_wait3A_267 = tpu.memref_slice %arg2[%dma_wait3A_265, %dma_wait3A_266] : memref<10240x128xf32, #tpu.memory_space<hbm>> -> memref<128x128xf32, #tpu.memory_space<hbm>>
    %dma_wait3A_268 = arith.constant 0 : i32
    %dma_wait3A_269 = arith.constant 0 : i32
    %dma_wait3A_270 = tpu.memref_slice %arg8[%dma_wait3A_260, %dma_wait3A_268, %dma_wait3A_269] : memref<2x128x128xf32, #tpu.memory_space<vmem>> -> memref<1x128x128xf32, #tpu.memory_space<vmem>>
    %dma_wait3A_271 = tpu.memref_squeeze %dma_wait3A_270 : memref<1x128x128xf32, #tpu.memory_space<vmem>> -> memref<128x128xf32, #tpu.memory_space<vmem>>
    %dma_wait3A_272 = arith.constant 0 : i32
    %dma_wait3A_273 = arith.constant 0 : i32
    %dma_wait3A_274 = tpu.memref_slice %arg2[%dma_wait3A_272, %dma_wait3A_273] : memref<10240x128xf32, #tpu.memory_space<hbm>> -> memref<128x128xf32, #tpu.memory_space<hbm>>
    tpu.wait_dma2 semaphore(%arg16 : memref<!tpu.dma_semaphore, #tpu.memory_space<semaphore_mem>>) src(%dma_wait3A_274 : memref<128x128xf32, #tpu.memory_space<hbm>>) dst(%dma_wait3A_271 : memref<128x128xf32, #tpu.memory_space<vmem>>)
    %dma_wait3A_275 = arith.constant 0 : i32
    %dma_wait3A_276 = arith.constant 3 : i32
    %dma_wait3A_277 = arith.constant 0 : i32
    %dma_wait3A_278 = arith.constant 0 : i32
    %dma_wait3A_279 = tpu.memref_slice %arg7[%dma_wait3A_276, %dma_wait3A_277, %dma_wait3A_278] : memref<4x2x128xi32, #tpu.memory_space<vmem>> -> memref<1x2x128xi32, #tpu.memory_space<vmem>>
    %dma_wait3A_280 = tpu.memref_squeeze %dma_wait3A_279 : memref<1x2x128xi32, #tpu.memory_space<vmem>> -> memref<2x128xi32, #tpu.memory_space<vmem>>
    %dma_wait3A_281 = arith.constant 0 : i32
    %dma_wait3A_282 = arith.constant 0 : i32
    %dma_wait3A_283 = tpu.memref_slice %arg4[%dma_wait3A_275, %dma_wait3A_281, %dma_wait3A_282] : memref<2560x2x128xi32, #tpu.memory_space<hbm>> -> memref<1x2x128xi32, #tpu.memory_space<hbm>>
    %dma_wait3A_284 = tpu.memref_squeeze %dma_wait3A_283 : memref<1x2x128xi32, #tpu.memory_space<hbm>> -> memref<2x128xi32, #tpu.memory_space<hbm>>
    %dma_wait3A_285 = arith.constant 0 : i32
    %dma_wait3A_286 = arith.constant 0 : i32
    %dma_wait3A_287 = tpu.memref_slice %arg7[%dma_wait3A_276, %dma_wait3A_285, %dma_wait3A_286] : memref<4x2x128xi32, #tpu.memory_space<vmem>> -> memref<1x2x128xi32, #tpu.memory_space<vmem>>
    %dma_wait3A_288 = tpu.memref_squeeze %dma_wait3A_287 : memref<1x2x128xi32, #tpu.memory_space<vmem>> -> memref<2x128xi32, #tpu.memory_space<vmem>>
    %dma_wait3A_289 = arith.constant 0 : i32
    %dma_wait3A_290 = arith.constant 0 : i32
    %dma_wait3A_291 = tpu.memref_slice %arg4[%dma_wait3A_275, %dma_wait3A_289, %dma_wait3A_290] : memref<2560x2x128xi32, #tpu.memory_space<hbm>> -> memref<1x2x128xi32, #tpu.memory_space<hbm>>
    %dma_wait3A_292 = tpu.memref_squeeze %dma_wait3A_291 : memref<1x2x128xi32, #tpu.memory_space<hbm>> -> memref<2x128xi32, #tpu.memory_space<hbm>>
    tpu.wait_dma2 semaphore(%arg12 : memref<!tpu.dma_semaphore, #tpu.memory_space<semaphore_mem>>) src(%dma_wait3A_292 : memref<2x128xi32, #tpu.memory_space<hbm>>) dst(%dma_wait3A_288 : memref<2x128xi32, #tpu.memory_space<vmem>>)
    %eq3A_293 = arith.constant 0 : i32
    %eq3A_294 = arith.cmpi eq, %arg0, %eq3A_293 : i32
    %convert_element_type3A_295 = arith.extui %eq3A_294 : i1 to i32
    %cond3A_296 = arith.constant 0 : i32
    %cond3A_297 = arith.cmpi ne, %convert_element_type3A_295, %cond3A_296 : i32
    scf.if %cond3A_297 {
      %dma_start3A_516 = arith.constant 3 : i32
      %dma_start3A_517 = arith.constant 0 : i32
      %dma_start3A_518 = arith.constant 1 : i32
      %dma_start3A_519 = arith.constant 0 : i32
      %dma_start3A_520 = arith.constant 0 : i32
      %dma_start3A_521 = tpu.memref_slice %arg8[%dma_start3A_518, %dma_start3A_519, %dma_start3A_520] : memref<2x128x128xf32, #tpu.memory_space<vmem>> -> memref<1x128x128xf32, #tpu.memory_space<vmem>>
      %dma_start3A_522 = tpu.memref_squeeze %dma_start3A_521 : memref<1x128x128xf32, #tpu.memory_space<vmem>> -> memref<128x128xf32, #tpu.memory_space<vmem>>
      %dma_start3A_523 = arith.constant 0 : i32
      %dma_start3A_524 = tpu.memref_slice %arg7[%dma_start3A_516, %dma_start3A_517, %dma_start3A_523] : memref<4x2x128xi32, #tpu.memory_space<vmem>> -> memref<1x1x128xi32, #tpu.memory_space<vmem>>
      %dma_start3A_525 = tpu.memref_squeeze %dma_start3A_524 : memref<1x1x128xi32, #tpu.memory_space<vmem>> -> memref<128xi32, #tpu.memory_space<vmem>>
      %dma_start3A_526 = arith.constant 0 : i32
      %dma_start3A_527 = arith.constant 0 : i32
      %dma_start3A_528 = tpu.memref_slice %arg2[%dma_start3A_526, %dma_start3A_527] : memref<10240x128xf32, #tpu.memory_space<hbm>> -> memref<10240x128xf32, #tpu.memory_space<hbm>>
      tpu.enqueue_indirect_dma source(%dma_start3A_528 : memref<10240x128xf32, #tpu.memory_space<hbm>>) target(%dma_start3A_522 : memref<128x128xf32, #tpu.memory_space<vmem>>) offsets(%dma_start3A_525 : memref<128xi32, #tpu.memory_space<vmem>>) semaphore(%arg14 : memref<!tpu.dma_semaphore, #tpu.memory_space<semaphore_mem>>)
    } else {
    }
    %eq3A_298 = arith.constant 1 : i32
    %eq3A_299 = arith.cmpi eq, %arg0, %eq3A_298 : i32
    %convert_element_type3A_300 = arith.extui %eq3A_299 : i1 to i32
    %cond3A_301 = arith.constant 0 : i32
    %cond3A_302 = arith.cmpi ne, %convert_element_type3A_300, %cond3A_301 : i32
    scf.if %cond3A_302 {
      %dma_start3A_516 = arith.constant 3 : i32
      %dma_start3A_517 = arith.constant 0 : i32
      %dma_start3A_518 = arith.constant 1 : i32
      %dma_start3A_519 = arith.constant 0 : i32
      %dma_start3A_520 = arith.constant 0 : i32
      %dma_start3A_521 = tpu.memref_slice %arg8[%dma_start3A_518, %dma_start3A_519, %dma_start3A_520] : memref<2x128x128xf32, #tpu.memory_space<vmem>> -> memref<1x128x128xf32, #tpu.memory_space<vmem>>
      %dma_start3A_522 = tpu.memref_squeeze %dma_start3A_521 : memref<1x128x128xf32, #tpu.memory_space<vmem>> -> memref<128x128xf32, #tpu.memory_space<vmem>>
      %dma_start3A_523 = arith.constant 0 : i32
      %dma_start3A_524 = tpu.memref_slice %arg7[%dma_start3A_516, %dma_start3A_517, %dma_start3A_523] : memref<4x2x128xi32, #tpu.memory_space<vmem>> -> memref<1x1x128xi32, #tpu.memory_space<vmem>>
      %dma_start3A_525 = tpu.memref_squeeze %dma_start3A_524 : memref<1x1x128xi32, #tpu.memory_space<vmem>> -> memref<128xi32, #tpu.memory_space<vmem>>
      %dma_start3A_526 = arith.constant 0 : i32
      %dma_start3A_527 = arith.constant 0 : i32
      %dma_start3A_528 = tpu.memref_slice %arg3[%dma_start3A_526, %dma_start3A_527] : memref<10240x128xf32, #tpu.memory_space<hbm>> -> memref<10240x128xf32, #tpu.memory_space<hbm>>
      tpu.enqueue_indirect_dma source(%dma_start3A_528 : memref<10240x128xf32, #tpu.memory_space<hbm>>) target(%dma_start3A_522 : memref<128x128xf32, #tpu.memory_space<vmem>>) offsets(%dma_start3A_525 : memref<128xi32, #tpu.memory_space<vmem>>) semaphore(%arg14 : memref<!tpu.dma_semaphore, #tpu.memory_space<semaphore_mem>>)
    } else {
    }
    %min3A_303 = arith.constant 5 : i32
    %min3A_304 = arith.constant 159 : i32
    %min3A_305 = arith.minsi %min3A_303, %min3A_304 : i32
    %add3A_306 = arith.addi %mul3A_9, %min3A_305 : i32
    %dma_start3A_307 = arith.constant 1 : i32
    %dma_start3A_308 = arith.constant 0 : i32
    %dma_start3A_309 = arith.constant 0 : i32
    %dma_start3A_310 = tpu.memref_slice %arg7[%dma_start3A_307, %dma_start3A_308, %dma_start3A_309] : memref<4x2x128xi32, #tpu.memory_space<vmem>> -> memref<1x2x128xi32, #tpu.memory_space<vmem>>
    %dma_start3A_311 = tpu.memref_squeeze %dma_start3A_310 : memref<1x2x128xi32, #tpu.memory_space<vmem>> -> memref<2x128xi32, #tpu.memory_space<vmem>>
    %dma_start3A_312 = arith.constant 0 : i32
    %dma_start3A_313 = arith.constant 0 : i32
    %dma_start3A_314 = tpu.memref_slice %arg4[%add3A_306, %dma_start3A_312, %dma_start3A_313] : memref<2560x2x128xi32, #tpu.memory_space<hbm>> -> memref<1x2x128xi32, #tpu.memory_space<hbm>>
    %dma_start3A_315 = tpu.memref_squeeze %dma_start3A_314 : memref<1x2x128xi32, #tpu.memory_space<hbm>> -> memref<2x128xi32, #tpu.memory_space<hbm>>
    %dma_start3A_316 = arith.constant 0 : i32
    %dma_start3A_317 = arith.constant 0 : i32
    %dma_start3A_318 = tpu.memref_slice %arg7[%dma_start3A_307, %dma_start3A_316, %dma_start3A_317] : memref<4x2x128xi32, #tpu.memory_space<vmem>> -> memref<1x2x128xi32, #tpu.memory_space<vmem>>
    %dma_start3A_319 = tpu.memref_squeeze %dma_start3A_318 : memref<1x2x128xi32, #tpu.memory_space<vmem>> -> memref<2x128xi32, #tpu.memory_space<vmem>>
    %dma_start3A_320 = arith.constant 0 : i32
    %dma_start3A_321 = arith.constant 0 : i32
    %dma_start3A_322 = tpu.memref_slice %arg4[%add3A_306, %dma_start3A_320, %dma_start3A_321] : memref<2560x2x128xi32, #tpu.memory_space<hbm>> -> memref<1x2x128xi32, #tpu.memory_space<hbm>>
    %dma_start3A_323 = tpu.memref_squeeze %dma_start3A_322 : memref<1x2x128xi32, #tpu.memory_space<hbm>> -> memref<2x128xi32, #tpu.memory_space<hbm>>
    tpu.enqueue_dma source(%dma_start3A_323 : memref<2x128xi32, #tpu.memory_space<hbm>>) target(%dma_start3A_319 : memref<2x128xi32, #tpu.memory_space<vmem>>) target_semaphore(%arg10 : memref<!tpu.dma_semaphore, #tpu.memory_space<semaphore_mem>>)
    %dma_wait3A_324 = arith.constant 0 : i32
    %dma_wait3A_325 = arith.constant 0 : i32
    %dma_wait3A_326 = arith.constant 0 : i32
    %dma_wait3A_327 = tpu.memref_slice %arg8[%dma_wait3A_324, %dma_wait3A_325, %dma_wait3A_326] : memref<2x128x128xf32, #tpu.memory_space<vmem>> -> memref<1x128x128xf32, #tpu.memory_space<vmem>>
    %dma_wait3A_328 = tpu.memref_squeeze %dma_wait3A_327 : memref<1x128x128xf32, #tpu.memory_space<vmem>> -> memref<128x128xf32, #tpu.memory_space<vmem>>
    %dma_wait3A_329 = arith.constant 0 : i32
    %dma_wait3A_330 = arith.constant 0 : i32
    %dma_wait3A_331 = tpu.memref_slice %arg2[%dma_wait3A_329, %dma_wait3A_330] : memref<10240x128xf32, #tpu.memory_space<hbm>> -> memref<128x128xf32, #tpu.memory_space<hbm>>
    %dma_wait3A_332 = arith.constant 0 : i32
    %dma_wait3A_333 = arith.constant 0 : i32
    %dma_wait3A_334 = tpu.memref_slice %arg8[%dma_wait3A_324, %dma_wait3A_332, %dma_wait3A_333] : memref<2x128x128xf32, #tpu.memory_space<vmem>> -> memref<1x128x128xf32, #tpu.memory_space<vmem>>
    %dma_wait3A_335 = tpu.memref_squeeze %dma_wait3A_334 : memref<1x128x128xf32, #tpu.memory_space<vmem>> -> memref<128x128xf32, #tpu.memory_space<vmem>>
    %dma_wait3A_336 = arith.constant 0 : i32
    %dma_wait3A_337 = arith.constant 0 : i32
    %dma_wait3A_338 = tpu.memref_slice %arg2[%dma_wait3A_336, %dma_wait3A_337] : memref<10240x128xf32, #tpu.memory_space<hbm>> -> memref<128x128xf32, #tpu.memory_space<hbm>>
    tpu.wait_dma2 semaphore(%arg13 : memref<!tpu.dma_semaphore, #tpu.memory_space<semaphore_mem>>) src(%dma_wait3A_338 : memref<128x128xf32, #tpu.memory_space<hbm>>) dst(%dma_wait3A_335 : memref<128x128xf32, #tpu.memory_space<vmem>>)
    %dma_start3A_339 = arith.constant 0 : i32
    %dma_start3A_340 = arith.constant 2 : i32
    %dma_start3A_341 = arith.constant 1 : i32
    %dma_start3A_342 = arith.constant 0 : i32
    %dma_start3A_343 = arith.constant 0 : i32
    %dma_start3A_344 = tpu.memref_slice %arg8[%dma_start3A_339, %dma_start3A_342, %dma_start3A_343] : memref<2x128x128xf32, #tpu.memory_space<vmem>> -> memref<1x128x128xf32, #tpu.memory_space<vmem>>
    %dma_start3A_345 = tpu.memref_squeeze %dma_start3A_344 : memref<1x128x128xf32, #tpu.memory_space<vmem>> -> memref<128x128xf32, #tpu.memory_space<vmem>>
    %dma_start3A_346 = arith.constant 0 : i32
    %dma_start3A_347 = tpu.memref_slice %arg7[%dma_start3A_340, %dma_start3A_341, %dma_start3A_346] : memref<4x2x128xi32, #tpu.memory_space<vmem>> -> memref<1x1x128xi32, #tpu.memory_space<vmem>>
    %dma_start3A_348 = tpu.memref_squeeze %dma_start3A_347 : memref<1x1x128xi32, #tpu.memory_space<vmem>> -> memref<128xi32, #tpu.memory_space<vmem>>
    %dma_start3A_349 = arith.constant 0 : i32
    %dma_start3A_350 = arith.constant 0 : i32
    %dma_start3A_351 = tpu.memref_slice %arg6[%dma_start3A_349, %dma_start3A_350] : memref<10240x128xf32, #tpu.memory_space<vmem_shared>> -> memref<10240x128xf32, #tpu.memory_space<vmem_shared>>
    tpu.enqueue_indirect_dma source(%dma_start3A_345 : memref<128x128xf32, #tpu.memory_space<vmem>>) target(%dma_start3A_351 : memref<10240x128xf32, #tpu.memory_space<vmem_shared>>) offsets(%dma_start3A_348 : memref<128xi32, #tpu.memory_space<vmem>>) semaphore(%arg15 : memref<!tpu.dma_semaphore, #tpu.memory_space<semaphore_mem>>) {add = true}
    %dma_wait3A_352 = arith.constant 0 : i32
    %dma_wait3A_353 = arith.constant 0 : i32
    %dma_wait3A_354 = arith.constant 0 : i32
    %dma_wait3A_355 = tpu.memref_slice %arg8[%dma_wait3A_352, %dma_wait3A_353, %dma_wait3A_354] : memref<2x128x128xf32, #tpu.memory_space<vmem>> -> memref<1x128x128xf32, #tpu.memory_space<vmem>>
    %dma_wait3A_356 = tpu.memref_squeeze %dma_wait3A_355 : memref<1x128x128xf32, #tpu.memory_space<vmem>> -> memref<128x128xf32, #tpu.memory_space<vmem>>
    %dma_wait3A_357 = arith.constant 0 : i32
    %dma_wait3A_358 = arith.constant 0 : i32
    %dma_wait3A_359 = tpu.memref_slice %arg2[%dma_wait3A_357, %dma_wait3A_358] : memref<10240x128xf32, #tpu.memory_space<hbm>> -> memref<128x128xf32, #tpu.memory_space<hbm>>
    %dma_wait3A_360 = arith.constant 0 : i32
    %dma_wait3A_361 = arith.constant 0 : i32
    %dma_wait3A_362 = tpu.memref_slice %arg8[%dma_wait3A_352, %dma_wait3A_360, %dma_wait3A_361] : memref<2x128x128xf32, #tpu.memory_space<vmem>> -> memref<1x128x128xf32, #tpu.memory_space<vmem>>
    %dma_wait3A_363 = tpu.memref_squeeze %dma_wait3A_362 : memref<1x128x128xf32, #tpu.memory_space<vmem>> -> memref<128x128xf32, #tpu.memory_space<vmem>>
    %dma_wait3A_364 = arith.constant 0 : i32
    %dma_wait3A_365 = arith.constant 0 : i32
    %dma_wait3A_366 = tpu.memref_slice %arg2[%dma_wait3A_364, %dma_wait3A_365] : memref<10240x128xf32, #tpu.memory_space<hbm>> -> memref<128x128xf32, #tpu.memory_space<hbm>>
    tpu.wait_dma2 semaphore(%arg15 : memref<!tpu.dma_semaphore, #tpu.memory_space<semaphore_mem>>) src(%dma_wait3A_366 : memref<128x128xf32, #tpu.memory_space<hbm>>) dst(%dma_wait3A_363 : memref<128x128xf32, #tpu.memory_space<vmem>>)
    %dma_wait3A_367 = arith.constant 0 : i32
    %dma_wait3A_368 = arith.constant 0 : i32
    %dma_wait3A_369 = arith.constant 0 : i32
    %dma_wait3A_370 = arith.constant 0 : i32
    %dma_wait3A_371 = tpu.memref_slice %arg7[%dma_wait3A_368, %dma_wait3A_369, %dma_wait3A_370] : memref<4x2x128xi32, #tpu.memory_space<vmem>> -> memref<1x2x128xi32, #tpu.memory_space<vmem>>
    %dma_wait3A_372 = tpu.memref_squeeze %dma_wait3A_371 : memref<1x2x128xi32, #tpu.memory_space<vmem>> -> memref<2x128xi32, #tpu.memory_space<vmem>>
    %dma_wait3A_373 = arith.constant 0 : i32
    %dma_wait3A_374 = arith.constant 0 : i32
    %dma_wait3A_375 = tpu.memref_slice %arg4[%dma_wait3A_367, %dma_wait3A_373, %dma_wait3A_374] : memref<2560x2x128xi32, #tpu.memory_space<hbm>> -> memref<1x2x128xi32, #tpu.memory_space<hbm>>
    %dma_wait3A_376 = tpu.memref_squeeze %dma_wait3A_375 : memref<1x2x128xi32, #tpu.memory_space<hbm>> -> memref<2x128xi32, #tpu.memory_space<hbm>>
    %dma_wait3A_377 = arith.constant 0 : i32
    %dma_wait3A_378 = arith.constant 0 : i32
    %dma_wait3A_379 = tpu.memref_slice %arg7[%dma_wait3A_368, %dma_wait3A_377, %dma_wait3A_378] : memref<4x2x128xi32, #tpu.memory_space<vmem>> -> memref<1x2x128xi32, #tpu.memory_space<vmem>>
    %dma_wait3A_380 = tpu.memref_squeeze %dma_wait3A_379 : memref<1x2x128xi32, #tpu.memory_space<vmem>> -> memref<2x128xi32, #tpu.memory_space<vmem>>
    %dma_wait3A_381 = arith.constant 0 : i32
    %dma_wait3A_382 = arith.constant 0 : i32
    %dma_wait3A_383 = tpu.memref_slice %arg4[%dma_wait3A_367, %dma_wait3A_381, %dma_wait3A_382] : memref<2560x2x128xi32, #tpu.memory_space<hbm>> -> memref<1x2x128xi32, #tpu.memory_space<hbm>>
    %dma_wait3A_384 = tpu.memref_squeeze %dma_wait3A_383 : memref<1x2x128xi32, #tpu.memory_space<hbm>> -> memref<2x128xi32, #tpu.memory_space<hbm>>
    tpu.wait_dma2 semaphore(%arg9 : memref<!tpu.dma_semaphore, #tpu.memory_space<semaphore_mem>>) src(%dma_wait3A_384 : memref<2x128xi32, #tpu.memory_space<hbm>>) dst(%dma_wait3A_380 : memref<2x128xi32, #tpu.memory_space<vmem>>)
    %eq3A_385 = arith.constant 0 : i32
    %eq3A_386 = arith.cmpi eq, %arg0, %eq3A_385 : i32
    %convert_element_type3A_387 = arith.extui %eq3A_386 : i1 to i32
    %cond3A_388 = arith.constant 0 : i32
    %cond3A_389 = arith.cmpi ne, %convert_element_type3A_387, %cond3A_388 : i32
    scf.if %cond3A_389 {
      %dma_start3A_516 = arith.constant 0 : i32
      %dma_start3A_517 = arith.constant 0 : i32
      %dma_start3A_518 = arith.constant 0 : i32
      %dma_start3A_519 = arith.constant 0 : i32
      %dma_start3A_520 = arith.constant 0 : i32
      %dma_start3A_521 = tpu.memref_slice %arg8[%dma_start3A_518, %dma_start3A_519, %dma_start3A_520] : memref<2x128x128xf32, #tpu.memory_space<vmem>> -> memref<1x128x128xf32, #tpu.memory_space<vmem>>
      %dma_start3A_522 = tpu.memref_squeeze %dma_start3A_521 : memref<1x128x128xf32, #tpu.memory_space<vmem>> -> memref<128x128xf32, #tpu.memory_space<vmem>>
      %dma_start3A_523 = arith.constant 0 : i32
      %dma_start3A_524 = tpu.memref_slice %arg7[%dma_start3A_516, %dma_start3A_517, %dma_start3A_523] : memref<4x2x128xi32, #tpu.memory_space<vmem>> -> memref<1x1x128xi32, #tpu.memory_space<vmem>>
      %dma_start3A_525 = tpu.memref_squeeze %dma_start3A_524 : memref<1x1x128xi32, #tpu.memory_space<vmem>> -> memref<128xi32, #tpu.memory_space<vmem>>
      %dma_start3A_526 = arith.constant 0 : i32
      %dma_start3A_527 = arith.constant 0 : i32
      %dma_start3A_528 = tpu.memref_slice %arg2[%dma_start3A_526, %dma_start3A_527] : memref<10240x128xf32, #tpu.memory_space<hbm>> -> memref<10240x128xf32, #tpu.memory_space<hbm>>
      tpu.enqueue_indirect_dma source(%dma_start3A_528 : memref<10240x128xf32, #tpu.memory_space<hbm>>) target(%dma_start3A_522 : memref<128x128xf32, #tpu.memory_space<vmem>>) offsets(%dma_start3A_525 : memref<128xi32, #tpu.memory_space<vmem>>) semaphore(%arg13 : memref<!tpu.dma_semaphore, #tpu.memory_space<semaphore_mem>>)
    } else {
    }
    %eq3A_390 = arith.constant 1 : i32
    %eq3A_391 = arith.cmpi eq, %arg0, %eq3A_390 : i32
    %convert_element_type3A_392 = arith.extui %eq3A_391 : i1 to i32
    %cond3A_393 = arith.constant 0 : i32
    %cond3A_394 = arith.cmpi ne, %convert_element_type3A_392, %cond3A_393 : i32
    scf.if %cond3A_394 {
      %dma_start3A_516 = arith.constant 0 : i32
      %dma_start3A_517 = arith.constant 0 : i32
      %dma_start3A_518 = arith.constant 0 : i32
      %dma_start3A_519 = arith.constant 0 : i32
      %dma_start3A_520 = arith.constant 0 : i32
      %dma_start3A_521 = tpu.memref_slice %arg8[%dma_start3A_518, %dma_start3A_519, %dma_start3A_520] : memref<2x128x128xf32, #tpu.memory_space<vmem>> -> memref<1x128x128xf32, #tpu.memory_space<vmem>>
      %dma_start3A_522 = tpu.memref_squeeze %dma_start3A_521 : memref<1x128x128xf32, #tpu.memory_space<vmem>> -> memref<128x128xf32, #tpu.memory_space<vmem>>
      %dma_start3A_523 = arith.constant 0 : i32
      %dma_start3A_524 = tpu.memref_slice %arg7[%dma_start3A_516, %dma_start3A_517, %dma_start3A_523] : memref<4x2x128xi32, #tpu.memory_space<vmem>> -> memref<1x1x128xi32, #tpu.memory_space<vmem>>
      %dma_start3A_525 = tpu.memref_squeeze %dma_start3A_524 : memref<1x1x128xi32, #tpu.memory_space<vmem>> -> memref<128xi32, #tpu.memory_space<vmem>>
      %dma_start3A_526 = arith.constant 0 : i32
      %dma_start3A_527 = arith.constant 0 : i32
      %dma_start3A_528 = tpu.memref_slice %arg3[%dma_start3A_526, %dma_start3A_527] : memref<10240x128xf32, #tpu.memory_space<hbm>> -> memref<10240x128xf32, #tpu.memory_space<hbm>>
      tpu.enqueue_indirect_dma source(%dma_start3A_528 : memref<10240x128xf32, #tpu.memory_space<hbm>>) target(%dma_start3A_522 : memref<128x128xf32, #tpu.memory_space<vmem>>) offsets(%dma_start3A_525 : memref<128xi32, #tpu.memory_space<vmem>>) semaphore(%arg13 : memref<!tpu.dma_semaphore, #tpu.memory_space<semaphore_mem>>)
    } else {
    }
    %min3A_395 = arith.constant 6 : i32
    %min3A_396 = arith.constant 159 : i32
    %min3A_397 = arith.minsi %min3A_395, %min3A_396 : i32
    %add3A_398 = arith.addi %mul3A_9, %min3A_397 : i32
    %dma_start3A_399 = arith.constant 2 : i32
    %dma_start3A_400 = arith.constant 0 : i32
    %dma_start3A_401 = arith.constant 0 : i32
    %dma_start3A_402 = tpu.memref_slice %arg7[%dma_start3A_399, %dma_start3A_400, %dma_start3A_401] : memref<4x2x128xi32, #tpu.memory_space<vmem>> -> memref<1x2x128xi32, #tpu.memory_space<vmem>>
    %dma_start3A_403 = tpu.memref_squeeze %dma_start3A_402 : memref<1x2x128xi32, #tpu.memory_space<vmem>> -> memref<2x128xi32, #tpu.memory_space<vmem>>
    %dma_start3A_404 = arith.constant 0 : i32
    %dma_start3A_405 = arith.constant 0 : i32
    %dma_start3A_406 = tpu.memref_slice %arg4[%add3A_398, %dma_start3A_404, %dma_start3A_405] : memref<2560x2x128xi32, #tpu.memory_space<hbm>> -> memref<1x2x128xi32, #tpu.memory_space<hbm>>
    %dma_start3A_407 = tpu.memref_squeeze %dma_start3A_406 : memref<1x2x128xi32, #tpu.memory_space<hbm>> -> memref<2x128xi32, #tpu.memory_space<hbm>>
    %dma_start3A_408 = arith.constant 0 : i32
    %dma_start3A_409 = arith.constant 0 : i32
    %dma_start3A_410 = tpu.memref_slice %arg7[%dma_start3A_399, %dma_start3A_408, %dma_start3A_409] : memref<4x2x128xi32, #tpu.memory_space<vmem>> -> memref<1x2x128xi32, #tpu.memory_space<vmem>>
    %dma_start3A_411 = tpu.memref_squeeze %dma_start3A_410 : memref<1x2x128xi32, #tpu.memory_space<vmem>> -> memref<2x128xi32, #tpu.memory_space<vmem>>
    %dma_start3A_412 = arith.constant 0 : i32
    %dma_start3A_413 = arith.constant 0 : i32
    %dma_start3A_414 = tpu.memref_slice %arg4[%add3A_398, %dma_start3A_412, %dma_start3A_413] : memref<2560x2x128xi32, #tpu.memory_space<hbm>> -> memref<1x2x128xi32, #tpu.memory_space<hbm>>
    %dma_start3A_415 = tpu.memref_squeeze %dma_start3A_414 : memref<1x2x128xi32, #tpu.memory_space<hbm>> -> memref<2x128xi32, #tpu.memory_space<hbm>>
    tpu.enqueue_dma source(%dma_start3A_415 : memref<2x128xi32, #tpu.memory_space<hbm>>) target(%dma_start3A_411 : memref<2x128xi32, #tpu.memory_space<vmem>>) target_semaphore(%arg11 : memref<!tpu.dma_semaphore, #tpu.memory_space<semaphore_mem>>)
    %dma_wait3A_416 = arith.constant 1 : i32
    %dma_wait3A_417 = arith.constant 0 : i32
    %dma_wait3A_418 = arith.constant 0 : i32
    %dma_wait3A_419 = tpu.memref_slice %arg8[%dma_wait3A_416, %dma_wait3A_417, %dma_wait3A_418] : memref<2x128x128xf32, #tpu.memory_space<vmem>> -> memref<1x128x128xf32, #tpu.memory_space<vmem>>
    %dma_wait3A_420 = tpu.memref_squeeze %dma_wait3A_419 : memref<1x128x128xf32, #tpu.memory_space<vmem>> -> memref<128x128xf32, #tpu.memory_space<vmem>>
    %dma_wait3A_421 = arith.constant 0 : i32
    %dma_wait3A_422 = arith.constant 0 : i32
    %dma_wait3A_423 = tpu.memref_slice %arg2[%dma_wait3A_421, %dma_wait3A_422] : memref<10240x128xf32, #tpu.memory_space<hbm>> -> memref<128x128xf32, #tpu.memory_space<hbm>>
    %dma_wait3A_424 = arith.constant 0 : i32
    %dma_wait3A_425 = arith.constant 0 : i32
    %dma_wait3A_426 = tpu.memref_slice %arg8[%dma_wait3A_416, %dma_wait3A_424, %dma_wait3A_425] : memref<2x128x128xf32, #tpu.memory_space<vmem>> -> memref<1x128x128xf32, #tpu.memory_space<vmem>>
    %dma_wait3A_427 = tpu.memref_squeeze %dma_wait3A_426 : memref<1x128x128xf32, #tpu.memory_space<vmem>> -> memref<128x128xf32, #tpu.memory_space<vmem>>
    %dma_wait3A_428 = arith.constant 0 : i32
    %dma_wait3A_429 = arith.constant 0 : i32
    %dma_wait3A_430 = tpu.memref_slice %arg2[%dma_wait3A_428, %dma_wait3A_429] : memref<10240x128xf32, #tpu.memory_space<hbm>> -> memref<128x128xf32, #tpu.memory_space<hbm>>
    tpu.wait_dma2 semaphore(%arg14 : memref<!tpu.dma_semaphore, #tpu.memory_space<semaphore_mem>>) src(%dma_wait3A_430 : memref<128x128xf32, #tpu.memory_space<hbm>>) dst(%dma_wait3A_427 : memref<128x128xf32, #tpu.memory_space<vmem>>)
    %dma_start3A_431 = arith.constant 1 : i32
    %dma_start3A_432 = arith.constant 3 : i32
    %dma_start3A_433 = arith.constant 1 : i32
    %dma_start3A_434 = arith.constant 0 : i32
    %dma_start3A_435 = arith.constant 0 : i32
    %dma_start3A_436 = tpu.memref_slice %arg8[%dma_start3A_431, %dma_start3A_434, %dma_start3A_435] : memref<2x128x128xf32, #tpu.memory_space<vmem>> -> memref<1x128x128xf32, #tpu.memory_space<vmem>>
    %dma_start3A_437 = tpu.memref_squeeze %dma_start3A_436 : memref<1x128x128xf32, #tpu.memory_space<vmem>> -> memref<128x128xf32, #tpu.memory_space<vmem>>
    %dma_start3A_438 = arith.constant 0 : i32
    %dma_start3A_439 = tpu.memref_slice %arg7[%dma_start3A_432, %dma_start3A_433, %dma_start3A_438] : memref<4x2x128xi32, #tpu.memory_space<vmem>> -> memref<1x1x128xi32, #tpu.memory_space<vmem>>
    %dma_start3A_440 = tpu.memref_squeeze %dma_start3A_439 : memref<1x1x128xi32, #tpu.memory_space<vmem>> -> memref<128xi32, #tpu.memory_space<vmem>>
    %dma_start3A_441 = arith.constant 0 : i32
    %dma_start3A_442 = arith.constant 0 : i32
    %dma_start3A_443 = tpu.memref_slice %arg6[%dma_start3A_441, %dma_start3A_442] : memref<10240x128xf32, #tpu.memory_space<vmem_shared>> -> memref<10240x128xf32, #tpu.memory_space<vmem_shared>>
    tpu.enqueue_indirect_dma source(%dma_start3A_437 : memref<128x128xf32, #tpu.memory_space<vmem>>) target(%dma_start3A_443 : memref<10240x128xf32, #tpu.memory_space<vmem_shared>>) offsets(%dma_start3A_440 : memref<128xi32, #tpu.memory_space<vmem>>) semaphore(%arg16 : memref<!tpu.dma_semaphore, #tpu.memory_space<semaphore_mem>>) {add = true}
    %scan3A = arith.constant 0 : i32
    %scan3A_444 = arith.constant 1 : i32
    %scan3A_445 = arith.constant 39 : i32
    %scan3A_446 = arith.addi %scan3A_444, %scan3A_445 : i32
    %scan3A_447 = arith.constant 1 : i32
    scf.for %scan3A_516 = %scan3A_444 to %scan3A_446 step %scan3A_447  : i32 {
      %mul3A_517 = arith.constant 4 : i32
      %mul3A_518 = arith.muli %scan3A_516, %mul3A_517 : i32
      %add3A_519 = arith.constant 0 : i32
      %add3A_520 = arith.addi %mul3A_518, %add3A_519 : i32
      %dma_wait3A_521 = arith.constant 1 : i32
      %dma_wait3A_522 = arith.constant 0 : i32
      %dma_wait3A_523 = arith.constant 0 : i32
      %dma_wait3A_524 = tpu.memref_slice %arg8[%dma_wait3A_521, %dma_wait3A_522, %dma_wait3A_523] : memref<2x128x128xf32, #tpu.memory_space<vmem>> -> memref<1x128x128xf32, #tpu.memory_space<vmem>>
      %dma_wait3A_525 = tpu.memref_squeeze %dma_wait3A_524 : memref<1x128x128xf32, #tpu.memory_space<vmem>> -> memref<128x128xf32, #tpu.memory_space<vmem>>
      %dma_wait3A_526 = arith.constant 0 : i32
      %dma_wait3A_527 = arith.constant 0 : i32
      %dma_wait3A_528 = tpu.memref_slice %arg2[%dma_wait3A_526, %dma_wait3A_527] : memref<10240x128xf32, #tpu.memory_space<hbm>> -> memref<128x128xf32, #tpu.memory_space<hbm>>
      %dma_wait3A_529 = arith.constant 0 : i32
      %dma_wait3A_530 = arith.constant 0 : i32
      %dma_wait3A_531 = tpu.memref_slice %arg8[%dma_wait3A_521, %dma_wait3A_529, %dma_wait3A_530] : memref<2x128x128xf32, #tpu.memory_space<vmem>> -> memref<1x128x128xf32, #tpu.memory_space<vmem>>
      %dma_wait3A_532 = tpu.memref_squeeze %dma_wait3A_531 : memref<1x128x128xf32, #tpu.memory_space<vmem>> -> memref<128x128xf32, #tpu.memory_space<vmem>>
      %dma_wait3A_533 = arith.constant 0 : i32
      %dma_wait3A_534 = arith.constant 0 : i32
      %dma_wait3A_535 = tpu.memref_slice %arg2[%dma_wait3A_533, %dma_wait3A_534] : memref<10240x128xf32, #tpu.memory_space<hbm>> -> memref<128x128xf32, #tpu.memory_space<hbm>>
      tpu.wait_dma2 semaphore(%arg16 : memref<!tpu.dma_semaphore, #tpu.memory_space<semaphore_mem>>) src(%dma_wait3A_535 : memref<128x128xf32, #tpu.memory_space<hbm>>) dst(%dma_wait3A_532 : memref<128x128xf32, #tpu.memory_space<vmem>>)
      %dma_wait3A_536 = arith.constant 0 : i32
      %dma_wait3A_537 = arith.constant 1 : i32
      %dma_wait3A_538 = arith.constant 0 : i32
      %dma_wait3A_539 = arith.constant 0 : i32
      %dma_wait3A_540 = tpu.memref_slice %arg7[%dma_wait3A_537, %dma_wait3A_538, %dma_wait3A_539] : memref<4x2x128xi32, #tpu.memory_space<vmem>> -> memref<1x2x128xi32, #tpu.memory_space<vmem>>
      %dma_wait3A_541 = tpu.memref_squeeze %dma_wait3A_540 : memref<1x2x128xi32, #tpu.memory_space<vmem>> -> memref<2x128xi32, #tpu.memory_space<vmem>>
      %dma_wait3A_542 = arith.constant 0 : i32
      %dma_wait3A_543 = arith.constant 0 : i32
      %dma_wait3A_544 = tpu.memref_slice %arg4[%dma_wait3A_536, %dma_wait3A_542, %dma_wait3A_543] : memref<2560x2x128xi32, #tpu.memory_space<hbm>> -> memref<1x2x128xi32, #tpu.memory_space<hbm>>
      %dma_wait3A_545 = tpu.memref_squeeze %dma_wait3A_544 : memref<1x2x128xi32, #tpu.memory_space<hbm>> -> memref<2x128xi32, #tpu.memory_space<hbm>>
      %dma_wait3A_546 = arith.constant 0 : i32
      %dma_wait3A_547 = arith.constant 0 : i32
      %dma_wait3A_548 = tpu.memref_slice %arg7[%dma_wait3A_537, %dma_wait3A_546, %dma_wait3A_547] : memref<4x2x128xi32, #tpu.memory_space<vmem>> -> memref<1x2x128xi32, #tpu.memory_space<vmem>>
      %dma_wait3A_549 = tpu.memref_squeeze %dma_wait3A_548 : memref<1x2x128xi32, #tpu.memory_space<vmem>> -> memref<2x128xi32, #tpu.memory_space<vmem>>
      %dma_wait3A_550 = arith.constant 0 : i32
      %dma_wait3A_551 = arith.constant 0 : i32
      %dma_wait3A_552 = tpu.memref_slice %arg4[%dma_wait3A_536, %dma_wait3A_550, %dma_wait3A_551] : memref<2560x2x128xi32, #tpu.memory_space<hbm>> -> memref<1x2x128xi32, #tpu.memory_space<hbm>>
      %dma_wait3A_553 = tpu.memref_squeeze %dma_wait3A_552 : memref<1x2x128xi32, #tpu.memory_space<hbm>> -> memref<2x128xi32, #tpu.memory_space<hbm>>
      tpu.wait_dma2 semaphore(%arg10 : memref<!tpu.dma_semaphore, #tpu.memory_space<semaphore_mem>>) src(%dma_wait3A_553 : memref<2x128xi32, #tpu.memory_space<hbm>>) dst(%dma_wait3A_549 : memref<2x128xi32, #tpu.memory_space<vmem>>)
      %eq3A_554 = arith.constant 0 : i32
      %eq3A_555 = arith.cmpi eq, %arg0, %eq3A_554 : i32
      %convert_element_type3A_556 = arith.extui %eq3A_555 : i1 to i32
      %cond3A_557 = arith.constant 0 : i32
      %cond3A_558 = arith.cmpi ne, %convert_element_type3A_556, %cond3A_557 : i32
      scf.if %cond3A_558 {
        %dma_start3A_899 = arith.constant 1 : i32
        %dma_start3A_900 = arith.constant 0 : i32
        %dma_start3A_901 = arith.constant 1 : i32
        %dma_start3A_902 = arith.constant 0 : i32
        %dma_start3A_903 = arith.constant 0 : i32
        %dma_start3A_904 = tpu.memref_slice %arg8[%dma_start3A_901, %dma_start3A_902, %dma_start3A_903] : memref<2x128x128xf32, #tpu.memory_space<vmem>> -> memref<1x128x128xf32, #tpu.memory_space<vmem>>
        %dma_start3A_905 = tpu.memref_squeeze %dma_start3A_904 : memref<1x128x128xf32, #tpu.memory_space<vmem>> -> memref<128x128xf32, #tpu.memory_space<vmem>>
        %dma_start3A_906 = arith.constant 0 : i32
        %dma_start3A_907 = tpu.memref_slice %arg7[%dma_start3A_899, %dma_start3A_900, %dma_start3A_906] : memref<4x2x128xi32, #tpu.memory_space<vmem>> -> memref<1x1x128xi32, #tpu.memory_space<vmem>>
        %dma_start3A_908 = tpu.memref_squeeze %dma_start3A_907 : memref<1x1x128xi32, #tpu.memory_space<vmem>> -> memref<128xi32, #tpu.memory_space<vmem>>
        %dma_start3A_909 = arith.constant 0 : i32
        %dma_start3A_910 = arith.constant 0 : i32
        %dma_start3A_911 = tpu.memref_slice %arg2[%dma_start3A_909, %dma_start3A_910] : memref<10240x128xf32, #tpu.memory_space<hbm>> -> memref<10240x128xf32, #tpu.memory_space<hbm>>
        tpu.enqueue_indirect_dma source(%dma_start3A_911 : memref<10240x128xf32, #tpu.memory_space<hbm>>) target(%dma_start3A_905 : memref<128x128xf32, #tpu.memory_space<vmem>>) offsets(%dma_start3A_908 : memref<128xi32, #tpu.memory_space<vmem>>) semaphore(%arg14 : memref<!tpu.dma_semaphore, #tpu.memory_space<semaphore_mem>>)
      } else {
      }
      %eq3A_559 = arith.constant 1 : i32
      %eq3A_560 = arith.cmpi eq, %arg0, %eq3A_559 : i32
      %convert_element_type3A_561 = arith.extui %eq3A_560 : i1 to i32
      %cond3A_562 = arith.constant 0 : i32
      %cond3A_563 = arith.cmpi ne, %convert_element_type3A_561, %cond3A_562 : i32
      scf.if %cond3A_563 {
        %dma_start3A_899 = arith.constant 1 : i32
        %dma_start3A_900 = arith.constant 0 : i32
        %dma_start3A_901 = arith.constant 1 : i32
        %dma_start3A_902 = arith.constant 0 : i32
        %dma_start3A_903 = arith.constant 0 : i32
        %dma_start3A_904 = tpu.memref_slice %arg8[%dma_start3A_901, %dma_start3A_902, %dma_start3A_903] : memref<2x128x128xf32, #tpu.memory_space<vmem>> -> memref<1x128x128xf32, #tpu.memory_space<vmem>>
        %dma_start3A_905 = tpu.memref_squeeze %dma_start3A_904 : memref<1x128x128xf32, #tpu.memory_space<vmem>> -> memref<128x128xf32, #tpu.memory_space<vmem>>
        %dma_start3A_906 = arith.constant 0 : i32
        %dma_start3A_907 = tpu.memref_slice %arg7[%dma_start3A_899, %dma_start3A_900, %dma_start3A_906] : memref<4x2x128xi32, #tpu.memory_space<vmem>> -> memref<1x1x128xi32, #tpu.memory_space<vmem>>
        %dma_start3A_908 = tpu.memref_squeeze %dma_start3A_907 : memref<1x1x128xi32, #tpu.memory_space<vmem>> -> memref<128xi32, #tpu.memory_space<vmem>>
        %dma_start3A_909 = arith.constant 0 : i32
        %dma_start3A_910 = arith.constant 0 : i32
        %dma_start3A_911 = tpu.memref_slice %arg3[%dma_start3A_909, %dma_start3A_910] : memref<10240x128xf32, #tpu.memory_space<hbm>> -> memref<10240x128xf32, #tpu.memory_space<hbm>>
        tpu.enqueue_indirect_dma source(%dma_start3A_911 : memref<10240x128xf32, #tpu.memory_space<hbm>>) target(%dma_start3A_905 : memref<128x128xf32, #tpu.memory_space<vmem>>) offsets(%dma_start3A_908 : memref<128xi32, #tpu.memory_space<vmem>>) semaphore(%arg14 : memref<!tpu.dma_semaphore, #tpu.memory_space<semaphore_mem>>)
      } else {
      }
      %add3A_564 = arith.constant 3 : i32
      %add3A_565 = arith.addi %add3A_520, %add3A_564 : i32
      %min3A_566 = arith.constant 159 : i32
      %min3A_567 = arith.minsi %add3A_565, %min3A_566 : i32
      %add3A_568 = arith.addi %mul3A_9, %min3A_567 : i32
      %dma_start3A_569 = arith.constant 3 : i32
      %dma_start3A_570 = arith.constant 0 : i32
      %dma_start3A_571 = arith.constant 0 : i32
      %dma_start3A_572 = tpu.memref_slice %arg7[%dma_start3A_569, %dma_start3A_570, %dma_start3A_571] : memref<4x2x128xi32, #tpu.memory_space<vmem>> -> memref<1x2x128xi32, #tpu.memory_space<vmem>>
      %dma_start3A_573 = tpu.memref_squeeze %dma_start3A_572 : memref<1x2x128xi32, #tpu.memory_space<vmem>> -> memref<2x128xi32, #tpu.memory_space<vmem>>
      %dma_start3A_574 = arith.constant 0 : i32
      %dma_start3A_575 = arith.constant 0 : i32
      %dma_start3A_576 = tpu.memref_slice %arg4[%add3A_568, %dma_start3A_574, %dma_start3A_575] : memref<2560x2x128xi32, #tpu.memory_space<hbm>> -> memref<1x2x128xi32, #tpu.memory_space<hbm>>
      %dma_start3A_577 = tpu.memref_squeeze %dma_start3A_576 : memref<1x2x128xi32, #tpu.memory_space<hbm>> -> memref<2x128xi32, #tpu.memory_space<hbm>>
      %dma_start3A_578 = arith.constant 0 : i32
      %dma_start3A_579 = arith.constant 0 : i32
      %dma_start3A_580 = tpu.memref_slice %arg7[%dma_start3A_569, %dma_start3A_578, %dma_start3A_579] : memref<4x2x128xi32, #tpu.memory_space<vmem>> -> memref<1x2x128xi32, #tpu.memory_space<vmem>>
      %dma_start3A_581 = tpu.memref_squeeze %dma_start3A_580 : memref<1x2x128xi32, #tpu.memory_space<vmem>> -> memref<2x128xi32, #tpu.memory_space<vmem>>
      %dma_start3A_582 = arith.constant 0 : i32
      %dma_start3A_583 = arith.constant 0 : i32
      %dma_start3A_584 = tpu.memref_slice %arg4[%add3A_568, %dma_start3A_582, %dma_start3A_583] : memref<2560x2x128xi32, #tpu.memory_space<hbm>> -> memref<1x2x128xi32, #tpu.memory_space<hbm>>
      %dma_start3A_585 = tpu.memref_squeeze %dma_start3A_584 : memref<1x2x128xi32, #tpu.memory_space<hbm>> -> memref<2x128xi32, #tpu.memory_space<hbm>>
      tpu.enqueue_dma source(%dma_start3A_585 : memref<2x128xi32, #tpu.memory_space<hbm>>) target(%dma_start3A_581 : memref<2x128xi32, #tpu.memory_space<vmem>>) target_semaphore(%arg12 : memref<!tpu.dma_semaphore, #tpu.memory_space<semaphore_mem>>)
      %dma_wait3A_586 = arith.constant 0 : i32
      %dma_wait3A_587 = arith.constant 0 : i32
      %dma_wait3A_588 = arith.constant 0 : i32
      %dma_wait3A_589 = tpu.memref_slice %arg8[%dma_wait3A_586, %dma_wait3A_587, %dma_wait3A_588] : memref<2x128x128xf32, #tpu.memory_space<vmem>> -> memref<1x128x128xf32, #tpu.memory_space<vmem>>
      %dma_wait3A_590 = tpu.memref_squeeze %dma_wait3A_589 : memref<1x128x128xf32, #tpu.memory_space<vmem>> -> memref<128x128xf32, #tpu.memory_space<vmem>>
      %dma_wait3A_591 = arith.constant 0 : i32
      %dma_wait3A_592 = arith.constant 0 : i32
      %dma_wait3A_593 = tpu.memref_slice %arg2[%dma_wait3A_591, %dma_wait3A_592] : memref<10240x128xf32, #tpu.memory_space<hbm>> -> memref<128x128xf32, #tpu.memory_space<hbm>>
      %dma_wait3A_594 = arith.constant 0 : i32
      %dma_wait3A_595 = arith.constant 0 : i32
      %dma_wait3A_596 = tpu.memref_slice %arg8[%dma_wait3A_586, %dma_wait3A_594, %dma_wait3A_595] : memref<2x128x128xf32, #tpu.memory_space<vmem>> -> memref<1x128x128xf32, #tpu.memory_space<vmem>>
      %dma_wait3A_597 = tpu.memref_squeeze %dma_wait3A_596 : memref<1x128x128xf32, #tpu.memory_space<vmem>> -> memref<128x128xf32, #tpu.memory_space<vmem>>
      %dma_wait3A_598 = arith.constant 0 : i32
      %dma_wait3A_599 = arith.constant 0 : i32
      %dma_wait3A_600 = tpu.memref_slice %arg2[%dma_wait3A_598, %dma_wait3A_599] : memref<10240x128xf32, #tpu.memory_space<hbm>> -> memref<128x128xf32, #tpu.memory_space<hbm>>
      tpu.wait_dma2 semaphore(%arg13 : memref<!tpu.dma_semaphore, #tpu.memory_space<semaphore_mem>>) src(%dma_wait3A_600 : memref<128x128xf32, #tpu.memory_space<hbm>>) dst(%dma_wait3A_597 : memref<128x128xf32, #tpu.memory_space<vmem>>)
      %dma_start3A_601 = arith.constant 0 : i32
      %dma_start3A_602 = arith.constant 0 : i32
      %dma_start3A_603 = arith.constant 1 : i32
      %dma_start3A_604 = arith.constant 0 : i32
      %dma_start3A_605 = arith.constant 0 : i32
      %dma_start3A_606 = tpu.memref_slice %arg8[%dma_start3A_601, %dma_start3A_604, %dma_start3A_605] : memref<2x128x128xf32, #tpu.memory_space<vmem>> -> memref<1x128x128xf32, #tpu.memory_space<vmem>>
      %dma_start3A_607 = tpu.memref_squeeze %dma_start3A_606 : memref<1x128x128xf32, #tpu.memory_space<vmem>> -> memref<128x128xf32, #tpu.memory_space<vmem>>
      %dma_start3A_608 = arith.constant 0 : i32
      %dma_start3A_609 = tpu.memref_slice %arg7[%dma_start3A_602, %dma_start3A_603, %dma_start3A_608] : memref<4x2x128xi32, #tpu.memory_space<vmem>> -> memref<1x1x128xi32, #tpu.memory_space<vmem>>
      %dma_start3A_610 = tpu.memref_squeeze %dma_start3A_609 : memref<1x1x128xi32, #tpu.memory_space<vmem>> -> memref<128xi32, #tpu.memory_space<vmem>>
      %dma_start3A_611 = arith.constant 0 : i32
      %dma_start3A_612 = arith.constant 0 : i32
      %dma_start3A_613 = tpu.memref_slice %arg6[%dma_start3A_611, %dma_start3A_612] : memref<10240x128xf32, #tpu.memory_space<vmem_shared>> -> memref<10240x128xf32, #tpu.memory_space<vmem_shared>>
      tpu.enqueue_indirect_dma source(%dma_start3A_607 : memref<128x128xf32, #tpu.memory_space<vmem>>) target(%dma_start3A_613 : memref<10240x128xf32, #tpu.memory_space<vmem_shared>>) offsets(%dma_start3A_610 : memref<128xi32, #tpu.memory_space<vmem>>) semaphore(%arg15 : memref<!tpu.dma_semaphore, #tpu.memory_space<semaphore_mem>>) {add = true}
      %add3A_614 = arith.constant 1 : i32
      %add3A_615 = arith.addi %mul3A_518, %add3A_614 : i32
      %dma_wait3A_616 = arith.constant 0 : i32
      %dma_wait3A_617 = arith.constant 0 : i32
      %dma_wait3A_618 = arith.constant 0 : i32
      %dma_wait3A_619 = tpu.memref_slice %arg8[%dma_wait3A_616, %dma_wait3A_617, %dma_wait3A_618] : memref<2x128x128xf32, #tpu.memory_space<vmem>> -> memref<1x128x128xf32, #tpu.memory_space<vmem>>
      %dma_wait3A_620 = tpu.memref_squeeze %dma_wait3A_619 : memref<1x128x128xf32, #tpu.memory_space<vmem>> -> memref<128x128xf32, #tpu.memory_space<vmem>>
      %dma_wait3A_621 = arith.constant 0 : i32
      %dma_wait3A_622 = arith.constant 0 : i32
      %dma_wait3A_623 = tpu.memref_slice %arg2[%dma_wait3A_621, %dma_wait3A_622] : memref<10240x128xf32, #tpu.memory_space<hbm>> -> memref<128x128xf32, #tpu.memory_space<hbm>>
      %dma_wait3A_624 = arith.constant 0 : i32
      %dma_wait3A_625 = arith.constant 0 : i32
      %dma_wait3A_626 = tpu.memref_slice %arg8[%dma_wait3A_616, %dma_wait3A_624, %dma_wait3A_625] : memref<2x128x128xf32, #tpu.memory_space<vmem>> -> memref<1x128x128xf32, #tpu.memory_space<vmem>>
      %dma_wait3A_627 = tpu.memref_squeeze %dma_wait3A_626 : memref<1x128x128xf32, #tpu.memory_space<vmem>> -> memref<128x128xf32, #tpu.memory_space<vmem>>
      %dma_wait3A_628 = arith.constant 0 : i32
      %dma_wait3A_629 = arith.constant 0 : i32
      %dma_wait3A_630 = tpu.memref_slice %arg2[%dma_wait3A_628, %dma_wait3A_629] : memref<10240x128xf32, #tpu.memory_space<hbm>> -> memref<128x128xf32, #tpu.memory_space<hbm>>
      tpu.wait_dma2 semaphore(%arg15 : memref<!tpu.dma_semaphore, #tpu.memory_space<semaphore_mem>>) src(%dma_wait3A_630 : memref<128x128xf32, #tpu.memory_space<hbm>>) dst(%dma_wait3A_627 : memref<128x128xf32, #tpu.memory_space<vmem>>)
      %dma_wait3A_631 = arith.constant 0 : i32
      %dma_wait3A_632 = arith.constant 2 : i32
      %dma_wait3A_633 = arith.constant 0 : i32
      %dma_wait3A_634 = arith.constant 0 : i32
      %dma_wait3A_635 = tpu.memref_slice %arg7[%dma_wait3A_632, %dma_wait3A_633, %dma_wait3A_634] : memref<4x2x128xi32, #tpu.memory_space<vmem>> -> memref<1x2x128xi32, #tpu.memory_space<vmem>>
      %dma_wait3A_636 = tpu.memref_squeeze %dma_wait3A_635 : memref<1x2x128xi32, #tpu.memory_space<vmem>> -> memref<2x128xi32, #tpu.memory_space<vmem>>
      %dma_wait3A_637 = arith.constant 0 : i32
      %dma_wait3A_638 = arith.constant 0 : i32
      %dma_wait3A_639 = tpu.memref_slice %arg4[%dma_wait3A_631, %dma_wait3A_637, %dma_wait3A_638] : memref<2560x2x128xi32, #tpu.memory_space<hbm>> -> memref<1x2x128xi32, #tpu.memory_space<hbm>>
      %dma_wait3A_640 = tpu.memref_squeeze %dma_wait3A_639 : memref<1x2x128xi32, #tpu.memory_space<hbm>> -> memref<2x128xi32, #tpu.memory_space<hbm>>
      %dma_wait3A_641 = arith.constant 0 : i32
      %dma_wait3A_642 = arith.constant 0 : i32
      %dma_wait3A_643 = tpu.memref_slice %arg7[%dma_wait3A_632, %dma_wait3A_641, %dma_wait3A_642] : memref<4x2x128xi32, #tpu.memory_space<vmem>> -> memref<1x2x128xi32, #tpu.memory_space<vmem>>
      %dma_wait3A_644 = tpu.memref_squeeze %dma_wait3A_643 : memref<1x2x128xi32, #tpu.memory_space<vmem>> -> memref<2x128xi32, #tpu.memory_space<vmem>>
      %dma_wait3A_645 = arith.constant 0 : i32
      %dma_wait3A_646 = arith.constant 0 : i32
      %dma_wait3A_647 = tpu.memref_slice %arg4[%dma_wait3A_631, %dma_wait3A_645, %dma_wait3A_646] : memref<2560x2x128xi32, #tpu.memory_space<hbm>> -> memref<1x2x128xi32, #tpu.memory_space<hbm>>
      %dma_wait3A_648 = tpu.memref_squeeze %dma_wait3A_647 : memref<1x2x128xi32, #tpu.memory_space<hbm>> -> memref<2x128xi32, #tpu.memory_space<hbm>>
      tpu.wait_dma2 semaphore(%arg11 : memref<!tpu.dma_semaphore, #tpu.memory_space<semaphore_mem>>) src(%dma_wait3A_648 : memref<2x128xi32, #tpu.memory_space<hbm>>) dst(%dma_wait3A_644 : memref<2x128xi32, #tpu.memory_space<vmem>>)
      %eq3A_649 = arith.constant 0 : i32
      %eq3A_650 = arith.cmpi eq, %arg0, %eq3A_649 : i32
      %convert_element_type3A_651 = arith.extui %eq3A_650 : i1 to i32
      %cond3A_652 = arith.constant 0 : i32
      %cond3A_653 = arith.cmpi ne, %convert_element_type3A_651, %cond3A_652 : i32
      scf.if %cond3A_653 {
        %dma_start3A_899 = arith.constant 2 : i32
        %dma_start3A_900 = arith.constant 0 : i32
        %dma_start3A_901 = arith.constant 0 : i32
        %dma_start3A_902 = arith.constant 0 : i32
        %dma_start3A_903 = arith.constant 0 : i32
        %dma_start3A_904 = tpu.memref_slice %arg8[%dma_start3A_901, %dma_start3A_902, %dma_start3A_903] : memref<2x128x128xf32, #tpu.memory_space<vmem>> -> memref<1x128x128xf32, #tpu.memory_space<vmem>>
        %dma_start3A_905 = tpu.memref_squeeze %dma_start3A_904 : memref<1x128x128xf32, #tpu.memory_space<vmem>> -> memref<128x128xf32, #tpu.memory_space<vmem>>
        %dma_start3A_906 = arith.constant 0 : i32
        %dma_start3A_907 = tpu.memref_slice %arg7[%dma_start3A_899, %dma_start3A_900, %dma_start3A_906] : memref<4x2x128xi32, #tpu.memory_space<vmem>> -> memref<1x1x128xi32, #tpu.memory_space<vmem>>
        %dma_start3A_908 = tpu.memref_squeeze %dma_start3A_907 : memref<1x1x128xi32, #tpu.memory_space<vmem>> -> memref<128xi32, #tpu.memory_space<vmem>>
        %dma_start3A_909 = arith.constant 0 : i32
        %dma_start3A_910 = arith.constant 0 : i32
        %dma_start3A_911 = tpu.memref_slice %arg2[%dma_start3A_909, %dma_start3A_910] : memref<10240x128xf32, #tpu.memory_space<hbm>> -> memref<10240x128xf32, #tpu.memory_space<hbm>>
        tpu.enqueue_indirect_dma source(%dma_start3A_911 : memref<10240x128xf32, #tpu.memory_space<hbm>>) target(%dma_start3A_905 : memref<128x128xf32, #tpu.memory_space<vmem>>) offsets(%dma_start3A_908 : memref<128xi32, #tpu.memory_space<vmem>>) semaphore(%arg13 : memref<!tpu.dma_semaphore, #tpu.memory_space<semaphore_mem>>)
      } else {
      }
      %eq3A_654 = arith.constant 1 : i32
      %eq3A_655 = arith.cmpi eq, %arg0, %eq3A_654 : i32
      %convert_element_type3A_656 = arith.extui %eq3A_655 : i1 to i32
      %cond3A_657 = arith.constant 0 : i32
      %cond3A_658 = arith.cmpi ne, %convert_element_type3A_656, %cond3A_657 : i32
      scf.if %cond3A_658 {
        %dma_start3A_899 = arith.constant 2 : i32
        %dma_start3A_900 = arith.constant 0 : i32
        %dma_start3A_901 = arith.constant 0 : i32
        %dma_start3A_902 = arith.constant 0 : i32
        %dma_start3A_903 = arith.constant 0 : i32
        %dma_start3A_904 = tpu.memref_slice %arg8[%dma_start3A_901, %dma_start3A_902, %dma_start3A_903] : memref<2x128x128xf32, #tpu.memory_space<vmem>> -> memref<1x128x128xf32, #tpu.memory_space<vmem>>
        %dma_start3A_905 = tpu.memref_squeeze %dma_start3A_904 : memref<1x128x128xf32, #tpu.memory_space<vmem>> -> memref<128x128xf32, #tpu.memory_space<vmem>>
        %dma_start3A_906 = arith.constant 0 : i32
        %dma_start3A_907 = tpu.memref_slice %arg7[%dma_start3A_899, %dma_start3A_900, %dma_start3A_906] : memref<4x2x128xi32, #tpu.memory_space<vmem>> -> memref<1x1x128xi32, #tpu.memory_space<vmem>>
        %dma_start3A_908 = tpu.memref_squeeze %dma_start3A_907 : memref<1x1x128xi32, #tpu.memory_space<vmem>> -> memref<128xi32, #tpu.memory_space<vmem>>
        %dma_start3A_909 = arith.constant 0 : i32
        %dma_start3A_910 = arith.constant 0 : i32
        %dma_start3A_911 = tpu.memref_slice %arg3[%dma_start3A_909, %dma_start3A_910] : memref<10240x128xf32, #tpu.memory_space<hbm>> -> memref<10240x128xf32, #tpu.memory_space<hbm>>
        tpu.enqueue_indirect_dma source(%dma_start3A_911 : memref<10240x128xf32, #tpu.memory_space<hbm>>) target(%dma_start3A_905 : memref<128x128xf32, #tpu.memory_space<vmem>>) offsets(%dma_start3A_908 : memref<128xi32, #tpu.memory_space<vmem>>) semaphore(%arg13 : memref<!tpu.dma_semaphore, #tpu.memory_space<semaphore_mem>>)
      } else {
      }
      %add3A_659 = arith.constant 3 : i32
      %add3A_660 = arith.addi %add3A_615, %add3A_659 : i32
      %min3A_661 = arith.constant 159 : i32
      %min3A_662 = arith.minsi %add3A_660, %min3A_661 : i32
      %add3A_663 = arith.addi %mul3A_9, %min3A_662 : i32
      %dma_start3A_664 = arith.constant 0 : i32
      %dma_start3A_665 = arith.constant 0 : i32
      %dma_start3A_666 = arith.constant 0 : i32
      %dma_start3A_667 = tpu.memref_slice %arg7[%dma_start3A_664, %dma_start3A_665, %dma_start3A_666] : memref<4x2x128xi32, #tpu.memory_space<vmem>> -> memref<1x2x128xi32, #tpu.memory_space<vmem>>
      %dma_start3A_668 = tpu.memref_squeeze %dma_start3A_667 : memref<1x2x128xi32, #tpu.memory_space<vmem>> -> memref<2x128xi32, #tpu.memory_space<vmem>>
      %dma_start3A_669 = arith.constant 0 : i32
      %dma_start3A_670 = arith.constant 0 : i32
      %dma_start3A_671 = tpu.memref_slice %arg4[%add3A_663, %dma_start3A_669, %dma_start3A_670] : memref<2560x2x128xi32, #tpu.memory_space<hbm>> -> memref<1x2x128xi32, #tpu.memory_space<hbm>>
      %dma_start3A_672 = tpu.memref_squeeze %dma_start3A_671 : memref<1x2x128xi32, #tpu.memory_space<hbm>> -> memref<2x128xi32, #tpu.memory_space<hbm>>
      %dma_start3A_673 = arith.constant 0 : i32
      %dma_start3A_674 = arith.constant 0 : i32
      %dma_start3A_675 = tpu.memref_slice %arg7[%dma_start3A_664, %dma_start3A_673, %dma_start3A_674] : memref<4x2x128xi32, #tpu.memory_space<vmem>> -> memref<1x2x128xi32, #tpu.memory_space<vmem>>
      %dma_start3A_676 = tpu.memref_squeeze %dma_start3A_675 : memref<1x2x128xi32, #tpu.memory_space<vmem>> -> memref<2x128xi32, #tpu.memory_space<vmem>>
      %dma_start3A_677 = arith.constant 0 : i32
      %dma_start3A_678 = arith.constant 0 : i32
      %dma_start3A_679 = tpu.memref_slice %arg4[%add3A_663, %dma_start3A_677, %dma_start3A_678] : memref<2560x2x128xi32, #tpu.memory_space<hbm>> -> memref<1x2x128xi32, #tpu.memory_space<hbm>>
      %dma_start3A_680 = tpu.memref_squeeze %dma_start3A_679 : memref<1x2x128xi32, #tpu.memory_space<hbm>> -> memref<2x128xi32, #tpu.memory_space<hbm>>
      tpu.enqueue_dma source(%dma_start3A_680 : memref<2x128xi32, #tpu.memory_space<hbm>>) target(%dma_start3A_676 : memref<2x128xi32, #tpu.memory_space<vmem>>) target_semaphore(%arg9 : memref<!tpu.dma_semaphore, #tpu.memory_space<semaphore_mem>>)
      %dma_wait3A_681 = arith.constant 1 : i32
      %dma_wait3A_682 = arith.constant 0 : i32
      %dma_wait3A_683 = arith.constant 0 : i32
      %dma_wait3A_684 = tpu.memref_slice %arg8[%dma_wait3A_681, %dma_wait3A_682, %dma_wait3A_683] : memref<2x128x128xf32, #tpu.memory_space<vmem>> -> memref<1x128x128xf32, #tpu.memory_space<vmem>>
      %dma_wait3A_685 = tpu.memref_squeeze %dma_wait3A_684 : memref<1x128x128xf32, #tpu.memory_space<vmem>> -> memref<128x128xf32, #tpu.memory_space<vmem>>
      %dma_wait3A_686 = arith.constant 0 : i32
      %dma_wait3A_687 = arith.constant 0 : i32
      %dma_wait3A_688 = tpu.memref_slice %arg2[%dma_wait3A_686, %dma_wait3A_687] : memref<10240x128xf32, #tpu.memory_space<hbm>> -> memref<128x128xf32, #tpu.memory_space<hbm>>
      %dma_wait3A_689 = arith.constant 0 : i32
      %dma_wait3A_690 = arith.constant 0 : i32
      %dma_wait3A_691 = tpu.memref_slice %arg8[%dma_wait3A_681, %dma_wait3A_689, %dma_wait3A_690] : memref<2x128x128xf32, #tpu.memory_space<vmem>> -> memref<1x128x128xf32, #tpu.memory_space<vmem>>
      %dma_wait3A_692 = tpu.memref_squeeze %dma_wait3A_691 : memref<1x128x128xf32, #tpu.memory_space<vmem>> -> memref<128x128xf32, #tpu.memory_space<vmem>>
      %dma_wait3A_693 = arith.constant 0 : i32
      %dma_wait3A_694 = arith.constant 0 : i32
      %dma_wait3A_695 = tpu.memref_slice %arg2[%dma_wait3A_693, %dma_wait3A_694] : memref<10240x128xf32, #tpu.memory_space<hbm>> -> memref<128x128xf32, #tpu.memory_space<hbm>>
      tpu.wait_dma2 semaphore(%arg14 : memref<!tpu.dma_semaphore, #tpu.memory_space<semaphore_mem>>) src(%dma_wait3A_695 : memref<128x128xf32, #tpu.memory_space<hbm>>) dst(%dma_wait3A_692 : memref<128x128xf32, #tpu.memory_space<vmem>>)
      %dma_start3A_696 = arith.constant 1 : i32
      %dma_start3A_697 = arith.constant 1 : i32
      %dma_start3A_698 = arith.constant 1 : i32
      %dma_start3A_699 = arith.constant 0 : i32
      %dma_start3A_700 = arith.constant 0 : i32
      %dma_start3A_701 = tpu.memref_slice %arg8[%dma_start3A_696, %dma_start3A_699, %dma_start3A_700] : memref<2x128x128xf32, #tpu.memory_space<vmem>> -> memref<1x128x128xf32, #tpu.memory_space<vmem>>
      %dma_start3A_702 = tpu.memref_squeeze %dma_start3A_701 : memref<1x128x128xf32, #tpu.memory_space<vmem>> -> memref<128x128xf32, #tpu.memory_space<vmem>>
      %dma_start3A_703 = arith.constant 0 : i32
      %dma_start3A_704 = tpu.memref_slice %arg7[%dma_start3A_697, %dma_start3A_698, %dma_start3A_703] : memref<4x2x128xi32, #tpu.memory_space<vmem>> -> memref<1x1x128xi32, #tpu.memory_space<vmem>>
      %dma_start3A_705 = tpu.memref_squeeze %dma_start3A_704 : memref<1x1x128xi32, #tpu.memory_space<vmem>> -> memref<128xi32, #tpu.memory_space<vmem>>
      %dma_start3A_706 = arith.constant 0 : i32
      %dma_start3A_707 = arith.constant 0 : i32
      %dma_start3A_708 = tpu.memref_slice %arg6[%dma_start3A_706, %dma_start3A_707] : memref<10240x128xf32, #tpu.memory_space<vmem_shared>> -> memref<10240x128xf32, #tpu.memory_space<vmem_shared>>
      tpu.enqueue_indirect_dma source(%dma_start3A_702 : memref<128x128xf32, #tpu.memory_space<vmem>>) target(%dma_start3A_708 : memref<10240x128xf32, #tpu.memory_space<vmem_shared>>) offsets(%dma_start3A_705 : memref<128xi32, #tpu.memory_space<vmem>>) semaphore(%arg16 : memref<!tpu.dma_semaphore, #tpu.memory_space<semaphore_mem>>) {add = true}
      %add3A_709 = arith.constant 2 : i32
      %add3A_710 = arith.addi %mul3A_518, %add3A_709 : i32
      %dma_wait3A_711 = arith.constant 1 : i32
      %dma_wait3A_712 = arith.constant 0 : i32
      %dma_wait3A_713 = arith.constant 0 : i32
      %dma_wait3A_714 = tpu.memref_slice %arg8[%dma_wait3A_711, %dma_wait3A_712, %dma_wait3A_713] : memref<2x128x128xf32, #tpu.memory_space<vmem>> -> memref<1x128x128xf32, #tpu.memory_space<vmem>>
      %dma_wait3A_715 = tpu.memref_squeeze %dma_wait3A_714 : memref<1x128x128xf32, #tpu.memory_space<vmem>> -> memref<128x128xf32, #tpu.memory_space<vmem>>
      %dma_wait3A_716 = arith.constant 0 : i32
      %dma_wait3A_717 = arith.constant 0 : i32
      %dma_wait3A_718 = tpu.memref_slice %arg2[%dma_wait3A_716, %dma_wait3A_717] : memref<10240x128xf32, #tpu.memory_space<hbm>> -> memref<128x128xf32, #tpu.memory_space<hbm>>
      %dma_wait3A_719 = arith.constant 0 : i32
      %dma_wait3A_720 = arith.constant 0 : i32
      %dma_wait3A_721 = tpu.memref_slice %arg8[%dma_wait3A_711, %dma_wait3A_719, %dma_wait3A_720] : memref<2x128x128xf32, #tpu.memory_space<vmem>> -> memref<1x128x128xf32, #tpu.memory_space<vmem>>
      %dma_wait3A_722 = tpu.memref_squeeze %dma_wait3A_721 : memref<1x128x128xf32, #tpu.memory_space<vmem>> -> memref<128x128xf32, #tpu.memory_space<vmem>>
      %dma_wait3A_723 = arith.constant 0 : i32
      %dma_wait3A_724 = arith.constant 0 : i32
      %dma_wait3A_725 = tpu.memref_slice %arg2[%dma_wait3A_723, %dma_wait3A_724] : memref<10240x128xf32, #tpu.memory_space<hbm>> -> memref<128x128xf32, #tpu.memory_space<hbm>>
      tpu.wait_dma2 semaphore(%arg16 : memref<!tpu.dma_semaphore, #tpu.memory_space<semaphore_mem>>) src(%dma_wait3A_725 : memref<128x128xf32, #tpu.memory_space<hbm>>) dst(%dma_wait3A_722 : memref<128x128xf32, #tpu.memory_space<vmem>>)
      %dma_wait3A_726 = arith.constant 0 : i32
      %dma_wait3A_727 = arith.constant 3 : i32
      %dma_wait3A_728 = arith.constant 0 : i32
      %dma_wait3A_729 = arith.constant 0 : i32
      %dma_wait3A_730 = tpu.memref_slice %arg7[%dma_wait3A_727, %dma_wait3A_728, %dma_wait3A_729] : memref<4x2x128xi32, #tpu.memory_space<vmem>> -> memref<1x2x128xi32, #tpu.memory_space<vmem>>
      %dma_wait3A_731 = tpu.memref_squeeze %dma_wait3A_730 : memref<1x2x128xi32, #tpu.memory_space<vmem>> -> memref<2x128xi32, #tpu.memory_space<vmem>>
      %dma_wait3A_732 = arith.constant 0 : i32
      %dma_wait3A_733 = arith.constant 0 : i32
      %dma_wait3A_734 = tpu.memref_slice %arg4[%dma_wait3A_726, %dma_wait3A_732, %dma_wait3A_733] : memref<2560x2x128xi32, #tpu.memory_space<hbm>> -> memref<1x2x128xi32, #tpu.memory_space<hbm>>
      %dma_wait3A_735 = tpu.memref_squeeze %dma_wait3A_734 : memref<1x2x128xi32, #tpu.memory_space<hbm>> -> memref<2x128xi32, #tpu.memory_space<hbm>>
      %dma_wait3A_736 = arith.constant 0 : i32
      %dma_wait3A_737 = arith.constant 0 : i32
      %dma_wait3A_738 = tpu.memref_slice %arg7[%dma_wait3A_727, %dma_wait3A_736, %dma_wait3A_737] : memref<4x2x128xi32, #tpu.memory_space<vmem>> -> memref<1x2x128xi32, #tpu.memory_space<vmem>>
      %dma_wait3A_739 = tpu.memref_squeeze %dma_wait3A_738 : memref<1x2x128xi32, #tpu.memory_space<vmem>> -> memref<2x128xi32, #tpu.memory_space<vmem>>
      %dma_wait3A_740 = arith.constant 0 : i32
      %dma_wait3A_741 = arith.constant 0 : i32
      %dma_wait3A_742 = tpu.memref_slice %arg4[%dma_wait3A_726, %dma_wait3A_740, %dma_wait3A_741] : memref<2560x2x128xi32, #tpu.memory_space<hbm>> -> memref<1x2x128xi32, #tpu.memory_space<hbm>>
      %dma_wait3A_743 = tpu.memref_squeeze %dma_wait3A_742 : memref<1x2x128xi32, #tpu.memory_space<hbm>> -> memref<2x128xi32, #tpu.memory_space<hbm>>
      tpu.wait_dma2 semaphore(%arg12 : memref<!tpu.dma_semaphore, #tpu.memory_space<semaphore_mem>>) src(%dma_wait3A_743 : memref<2x128xi32, #tpu.memory_space<hbm>>) dst(%dma_wait3A_739 : memref<2x128xi32, #tpu.memory_space<vmem>>)
      %eq3A_744 = arith.constant 0 : i32
      %eq3A_745 = arith.cmpi eq, %arg0, %eq3A_744 : i32
      %convert_element_type3A_746 = arith.extui %eq3A_745 : i1 to i32
      %cond3A_747 = arith.constant 0 : i32
      %cond3A_748 = arith.cmpi ne, %convert_element_type3A_746, %cond3A_747 : i32
      scf.if %cond3A_748 {
        %dma_start3A_899 = arith.constant 3 : i32
        %dma_start3A_900 = arith.constant 0 : i32
        %dma_start3A_901 = arith.constant 1 : i32
        %dma_start3A_902 = arith.constant 0 : i32
        %dma_start3A_903 = arith.constant 0 : i32
        %dma_start3A_904 = tpu.memref_slice %arg8[%dma_start3A_901, %dma_start3A_902, %dma_start3A_903] : memref<2x128x128xf32, #tpu.memory_space<vmem>> -> memref<1x128x128xf32, #tpu.memory_space<vmem>>
        %dma_start3A_905 = tpu.memref_squeeze %dma_start3A_904 : memref<1x128x128xf32, #tpu.memory_space<vmem>> -> memref<128x128xf32, #tpu.memory_space<vmem>>
        %dma_start3A_906 = arith.constant 0 : i32
        %dma_start3A_907 = tpu.memref_slice %arg7[%dma_start3A_899, %dma_start3A_900, %dma_start3A_906] : memref<4x2x128xi32, #tpu.memory_space<vmem>> -> memref<1x1x128xi32, #tpu.memory_space<vmem>>
        %dma_start3A_908 = tpu.memref_squeeze %dma_start3A_907 : memref<1x1x128xi32, #tpu.memory_space<vmem>> -> memref<128xi32, #tpu.memory_space<vmem>>
        %dma_start3A_909 = arith.constant 0 : i32
        %dma_start3A_910 = arith.constant 0 : i32
        %dma_start3A_911 = tpu.memref_slice %arg2[%dma_start3A_909, %dma_start3A_910] : memref<10240x128xf32, #tpu.memory_space<hbm>> -> memref<10240x128xf32, #tpu.memory_space<hbm>>
        tpu.enqueue_indirect_dma source(%dma_start3A_911 : memref<10240x128xf32, #tpu.memory_space<hbm>>) target(%dma_start3A_905 : memref<128x128xf32, #tpu.memory_space<vmem>>) offsets(%dma_start3A_908 : memref<128xi32, #tpu.memory_space<vmem>>) semaphore(%arg14 : memref<!tpu.dma_semaphore, #tpu.memory_space<semaphore_mem>>)
      } else {
      }
      %eq3A_749 = arith.constant 1 : i32
      %eq3A_750 = arith.cmpi eq, %arg0, %eq3A_749 : i32
      %convert_element_type3A_751 = arith.extui %eq3A_750 : i1 to i32
      %cond3A_752 = arith.constant 0 : i32
      %cond3A_753 = arith.cmpi ne, %convert_element_type3A_751, %cond3A_752 : i32
      scf.if %cond3A_753 {
        %dma_start3A_899 = arith.constant 3 : i32
        %dma_start3A_900 = arith.constant 0 : i32
        %dma_start3A_901 = arith.constant 1 : i32
        %dma_start3A_902 = arith.constant 0 : i32
        %dma_start3A_903 = arith.constant 0 : i32
        %dma_start3A_904 = tpu.memref_slice %arg8[%dma_start3A_901, %dma_start3A_902, %dma_start3A_903] : memref<2x128x128xf32, #tpu.memory_space<vmem>> -> memref<1x128x128xf32, #tpu.memory_space<vmem>>
        %dma_start3A_905 = tpu.memref_squeeze %dma_start3A_904 : memref<1x128x128xf32, #tpu.memory_space<vmem>> -> memref<128x128xf32, #tpu.memory_space<vmem>>
        %dma_start3A_906 = arith.constant 0 : i32
        %dma_start3A_907 = tpu.memref_slice %arg7[%dma_start3A_899, %dma_start3A_900, %dma_start3A_906] : memref<4x2x128xi32, #tpu.memory_space<vmem>> -> memref<1x1x128xi32, #tpu.memory_space<vmem>>
        %dma_start3A_908 = tpu.memref_squeeze %dma_start3A_907 : memref<1x1x128xi32, #tpu.memory_space<vmem>> -> memref<128xi32, #tpu.memory_space<vmem>>
        %dma_start3A_909 = arith.constant 0 : i32
        %dma_start3A_910 = arith.constant 0 : i32
        %dma_start3A_911 = tpu.memref_slice %arg3[%dma_start3A_909, %dma_start3A_910] : memref<10240x128xf32, #tpu.memory_space<hbm>> -> memref<10240x128xf32, #tpu.memory_space<hbm>>
        tpu.enqueue_indirect_dma source(%dma_start3A_911 : memref<10240x128xf32, #tpu.memory_space<hbm>>) target(%dma_start3A_905 : memref<128x128xf32, #tpu.memory_space<vmem>>) offsets(%dma_start3A_908 : memref<128xi32, #tpu.memory_space<vmem>>) semaphore(%arg14 : memref<!tpu.dma_semaphore, #tpu.memory_space<semaphore_mem>>)
      } else {
      }
      %add3A_754 = arith.constant 3 : i32
      %add3A_755 = arith.addi %add3A_710, %add3A_754 : i32
      %min3A_756 = arith.constant 159 : i32
      %min3A_757 = arith.minsi %add3A_755, %min3A_756 : i32
      %add3A_758 = arith.addi %mul3A_9, %min3A_757 : i32
      %dma_start3A_759 = arith.constant 1 : i32
      %dma_start3A_760 = arith.constant 0 : i32
      %dma_start3A_761 = arith.constant 0 : i32
      %dma_start3A_762 = tpu.memref_slice %arg7[%dma_start3A_759, %dma_start3A_760, %dma_start3A_761] : memref<4x2x128xi32, #tpu.memory_space<vmem>> -> memref<1x2x128xi32, #tpu.memory_space<vmem>>
      %dma_start3A_763 = tpu.memref_squeeze %dma_start3A_762 : memref<1x2x128xi32, #tpu.memory_space<vmem>> -> memref<2x128xi32, #tpu.memory_space<vmem>>
      %dma_start3A_764 = arith.constant 0 : i32
      %dma_start3A_765 = arith.constant 0 : i32
      %dma_start3A_766 = tpu.memref_slice %arg4[%add3A_758, %dma_start3A_764, %dma_start3A_765] : memref<2560x2x128xi32, #tpu.memory_space<hbm>> -> memref<1x2x128xi32, #tpu.memory_space<hbm>>
      %dma_start3A_767 = tpu.memref_squeeze %dma_start3A_766 : memref<1x2x128xi32, #tpu.memory_space<hbm>> -> memref<2x128xi32, #tpu.memory_space<hbm>>
      %dma_start3A_768 = arith.constant 0 : i32
      %dma_start3A_769 = arith.constant 0 : i32
      %dma_start3A_770 = tpu.memref_slice %arg7[%dma_start3A_759, %dma_start3A_768, %dma_start3A_769] : memref<4x2x128xi32, #tpu.memory_space<vmem>> -> memref<1x2x128xi32, #tpu.memory_space<vmem>>
      %dma_start3A_771 = tpu.memref_squeeze %dma_start3A_770 : memref<1x2x128xi32, #tpu.memory_space<vmem>> -> memref<2x128xi32, #tpu.memory_space<vmem>>
      %dma_start3A_772 = arith.constant 0 : i32
      %dma_start3A_773 = arith.constant 0 : i32
      %dma_start3A_774 = tpu.memref_slice %arg4[%add3A_758, %dma_start3A_772, %dma_start3A_773] : memref<2560x2x128xi32, #tpu.memory_space<hbm>> -> memref<1x2x128xi32, #tpu.memory_space<hbm>>
      %dma_start3A_775 = tpu.memref_squeeze %dma_start3A_774 : memref<1x2x128xi32, #tpu.memory_space<hbm>> -> memref<2x128xi32, #tpu.memory_space<hbm>>
      tpu.enqueue_dma source(%dma_start3A_775 : memref<2x128xi32, #tpu.memory_space<hbm>>) target(%dma_start3A_771 : memref<2x128xi32, #tpu.memory_space<vmem>>) target_semaphore(%arg10 : memref<!tpu.dma_semaphore, #tpu.memory_space<semaphore_mem>>)
      %dma_wait3A_776 = arith.constant 0 : i32
      %dma_wait3A_777 = arith.constant 0 : i32
      %dma_wait3A_778 = arith.constant 0 : i32
      %dma_wait3A_779 = tpu.memref_slice %arg8[%dma_wait3A_776, %dma_wait3A_777, %dma_wait3A_778] : memref<2x128x128xf32, #tpu.memory_space<vmem>> -> memref<1x128x128xf32, #tpu.memory_space<vmem>>
      %dma_wait3A_780 = tpu.memref_squeeze %dma_wait3A_779 : memref<1x128x128xf32, #tpu.memory_space<vmem>> -> memref<128x128xf32, #tpu.memory_space<vmem>>
      %dma_wait3A_781 = arith.constant 0 : i32
      %dma_wait3A_782 = arith.constant 0 : i32
      %dma_wait3A_783 = tpu.memref_slice %arg2[%dma_wait3A_781, %dma_wait3A_782] : memref<10240x128xf32, #tpu.memory_space<hbm>> -> memref<128x128xf32, #tpu.memory_space<hbm>>
      %dma_wait3A_784 = arith.constant 0 : i32
      %dma_wait3A_785 = arith.constant 0 : i32
      %dma_wait3A_786 = tpu.memref_slice %arg8[%dma_wait3A_776, %dma_wait3A_784, %dma_wait3A_785] : memref<2x128x128xf32, #tpu.memory_space<vmem>> -> memref<1x128x128xf32, #tpu.memory_space<vmem>>
      %dma_wait3A_787 = tpu.memref_squeeze %dma_wait3A_786 : memref<1x128x128xf32, #tpu.memory_space<vmem>> -> memref<128x128xf32, #tpu.memory_space<vmem>>
      %dma_wait3A_788 = arith.constant 0 : i32
      %dma_wait3A_789 = arith.constant 0 : i32
      %dma_wait3A_790 = tpu.memref_slice %arg2[%dma_wait3A_788, %dma_wait3A_789] : memref<10240x128xf32, #tpu.memory_space<hbm>> -> memref<128x128xf32, #tpu.memory_space<hbm>>
      tpu.wait_dma2 semaphore(%arg13 : memref<!tpu.dma_semaphore, #tpu.memory_space<semaphore_mem>>) src(%dma_wait3A_790 : memref<128x128xf32, #tpu.memory_space<hbm>>) dst(%dma_wait3A_787 : memref<128x128xf32, #tpu.memory_space<vmem>>)
      %dma_start3A_791 = arith.constant 0 : i32
      %dma_start3A_792 = arith.constant 2 : i32
      %dma_start3A_793 = arith.constant 1 : i32
      %dma_start3A_794 = arith.constant 0 : i32
      %dma_start3A_795 = arith.constant 0 : i32
      %dma_start3A_796 = tpu.memref_slice %arg8[%dma_start3A_791, %dma_start3A_794, %dma_start3A_795] : memref<2x128x128xf32, #tpu.memory_space<vmem>> -> memref<1x128x128xf32, #tpu.memory_space<vmem>>
      %dma_start3A_797 = tpu.memref_squeeze %dma_start3A_796 : memref<1x128x128xf32, #tpu.memory_space<vmem>> -> memref<128x128xf32, #tpu.memory_space<vmem>>
      %dma_start3A_798 = arith.constant 0 : i32
      %dma_start3A_799 = tpu.memref_slice %arg7[%dma_start3A_792, %dma_start3A_793, %dma_start3A_798] : memref<4x2x128xi32, #tpu.memory_space<vmem>> -> memref<1x1x128xi32, #tpu.memory_space<vmem>>
      %dma_start3A_800 = tpu.memref_squeeze %dma_start3A_799 : memref<1x1x128xi32, #tpu.memory_space<vmem>> -> memref<128xi32, #tpu.memory_space<vmem>>
      %dma_start3A_801 = arith.constant 0 : i32
      %dma_start3A_802 = arith.constant 0 : i32
      %dma_start3A_803 = tpu.memref_slice %arg6[%dma_start3A_801, %dma_start3A_802] : memref<10240x128xf32, #tpu.memory_space<vmem_shared>> -> memref<10240x128xf32, #tpu.memory_space<vmem_shared>>
      tpu.enqueue_indirect_dma source(%dma_start3A_797 : memref<128x128xf32, #tpu.memory_space<vmem>>) target(%dma_start3A_803 : memref<10240x128xf32, #tpu.memory_space<vmem_shared>>) offsets(%dma_start3A_800 : memref<128xi32, #tpu.memory_space<vmem>>) semaphore(%arg15 : memref<!tpu.dma_semaphore, #tpu.memory_space<semaphore_mem>>) {add = true}
      %add3A_804 = arith.constant 3 : i32
      %add3A_805 = arith.addi %mul3A_518, %add3A_804 : i32
      %dma_wait3A_806 = arith.constant 0 : i32
      %dma_wait3A_807 = arith.constant 0 : i32
      %dma_wait3A_808 = arith.constant 0 : i32
      %dma_wait3A_809 = tpu.memref_slice %arg8[%dma_wait3A_806, %dma_wait3A_807, %dma_wait3A_808] : memref<2x128x128xf32, #tpu.memory_space<vmem>> -> memref<1x128x128xf32, #tpu.memory_space<vmem>>
      %dma_wait3A_810 = tpu.memref_squeeze %dma_wait3A_809 : memref<1x128x128xf32, #tpu.memory_space<vmem>> -> memref<128x128xf32, #tpu.memory_space<vmem>>
      %dma_wait3A_811 = arith.constant 0 : i32
      %dma_wait3A_812 = arith.constant 0 : i32
      %dma_wait3A_813 = tpu.memref_slice %arg2[%dma_wait3A_811, %dma_wait3A_812] : memref<10240x128xf32, #tpu.memory_space<hbm>> -> memref<128x128xf32, #tpu.memory_space<hbm>>
      %dma_wait3A_814 = arith.constant 0 : i32
      %dma_wait3A_815 = arith.constant 0 : i32
      %dma_wait3A_816 = tpu.memref_slice %arg8[%dma_wait3A_806, %dma_wait3A_814, %dma_wait3A_815] : memref<2x128x128xf32, #tpu.memory_space<vmem>> -> memref<1x128x128xf32, #tpu.memory_space<vmem>>
      %dma_wait3A_817 = tpu.memref_squeeze %dma_wait3A_816 : memref<1x128x128xf32, #tpu.memory_space<vmem>> -> memref<128x128xf32, #tpu.memory_space<vmem>>
      %dma_wait3A_818 = arith.constant 0 : i32
      %dma_wait3A_819 = arith.constant 0 : i32
      %dma_wait3A_820 = tpu.memref_slice %arg2[%dma_wait3A_818, %dma_wait3A_819] : memref<10240x128xf32, #tpu.memory_space<hbm>> -> memref<128x128xf32, #tpu.memory_space<hbm>>
      tpu.wait_dma2 semaphore(%arg15 : memref<!tpu.dma_semaphore, #tpu.memory_space<semaphore_mem>>) src(%dma_wait3A_820 : memref<128x128xf32, #tpu.memory_space<hbm>>) dst(%dma_wait3A_817 : memref<128x128xf32, #tpu.memory_space<vmem>>)
      %dma_wait3A_821 = arith.constant 0 : i32
      %dma_wait3A_822 = arith.constant 0 : i32
      %dma_wait3A_823 = arith.constant 0 : i32
      %dma_wait3A_824 = arith.constant 0 : i32
      %dma_wait3A_825 = tpu.memref_slice %arg7[%dma_wait3A_822, %dma_wait3A_823, %dma_wait3A_824] : memref<4x2x128xi32, #tpu.memory_space<vmem>> -> memref<1x2x128xi32, #tpu.memory_space<vmem>>
      %dma_wait3A_826 = tpu.memref_squeeze %dma_wait3A_825 : memref<1x2x128xi32, #tpu.memory_space<vmem>> -> memref<2x128xi32, #tpu.memory_space<vmem>>
      %dma_wait3A_827 = arith.constant 0 : i32
      %dma_wait3A_828 = arith.constant 0 : i32
      %dma_wait3A_829 = tpu.memref_slice %arg4[%dma_wait3A_821, %dma_wait3A_827, %dma_wait3A_828] : memref<2560x2x128xi32, #tpu.memory_space<hbm>> -> memref<1x2x128xi32, #tpu.memory_space<hbm>>
      %dma_wait3A_830 = tpu.memref_squeeze %dma_wait3A_829 : memref<1x2x128xi32, #tpu.memory_space<hbm>> -> memref<2x128xi32, #tpu.memory_space<hbm>>
      %dma_wait3A_831 = arith.constant 0 : i32
      %dma_wait3A_832 = arith.constant 0 : i32
      %dma_wait3A_833 = tpu.memref_slice %arg7[%dma_wait3A_822, %dma_wait3A_831, %dma_wait3A_832] : memref<4x2x128xi32, #tpu.memory_space<vmem>> -> memref<1x2x128xi32, #tpu.memory_space<vmem>>
      %dma_wait3A_834 = tpu.memref_squeeze %dma_wait3A_833 : memref<1x2x128xi32, #tpu.memory_space<vmem>> -> memref<2x128xi32, #tpu.memory_space<vmem>>
      %dma_wait3A_835 = arith.constant 0 : i32
      %dma_wait3A_836 = arith.constant 0 : i32
      %dma_wait3A_837 = tpu.memref_slice %arg4[%dma_wait3A_821, %dma_wait3A_835, %dma_wait3A_836] : memref<2560x2x128xi32, #tpu.memory_space<hbm>> -> memref<1x2x128xi32, #tpu.memory_space<hbm>>
      %dma_wait3A_838 = tpu.memref_squeeze %dma_wait3A_837 : memref<1x2x128xi32, #tpu.memory_space<hbm>> -> memref<2x128xi32, #tpu.memory_space<hbm>>
      tpu.wait_dma2 semaphore(%arg9 : memref<!tpu.dma_semaphore, #tpu.memory_space<semaphore_mem>>) src(%dma_wait3A_838 : memref<2x128xi32, #tpu.memory_space<hbm>>) dst(%dma_wait3A_834 : memref<2x128xi32, #tpu.memory_space<vmem>>)
      %eq3A_839 = arith.constant 0 : i32
      %eq3A_840 = arith.cmpi eq, %arg0, %eq3A_839 : i32
      %convert_element_type3A_841 = arith.extui %eq3A_840 : i1 to i32
      %cond3A_842 = arith.constant 0 : i32
      %cond3A_843 = arith.cmpi ne, %convert_element_type3A_841, %cond3A_842 : i32
      scf.if %cond3A_843 {
        %dma_start3A_899 = arith.constant 0 : i32
        %dma_start3A_900 = arith.constant 0 : i32
        %dma_start3A_901 = arith.constant 0 : i32
        %dma_start3A_902 = arith.constant 0 : i32
        %dma_start3A_903 = arith.constant 0 : i32
        %dma_start3A_904 = tpu.memref_slice %arg8[%dma_start3A_901, %dma_start3A_902, %dma_start3A_903] : memref<2x128x128xf32, #tpu.memory_space<vmem>> -> memref<1x128x128xf32, #tpu.memory_space<vmem>>
        %dma_start3A_905 = tpu.memref_squeeze %dma_start3A_904 : memref<1x128x128xf32, #tpu.memory_space<vmem>> -> memref<128x128xf32, #tpu.memory_space<vmem>>
        %dma_start3A_906 = arith.constant 0 : i32
        %dma_start3A_907 = tpu.memref_slice %arg7[%dma_start3A_899, %dma_start3A_900, %dma_start3A_906] : memref<4x2x128xi32, #tpu.memory_space<vmem>> -> memref<1x1x128xi32, #tpu.memory_space<vmem>>
        %dma_start3A_908 = tpu.memref_squeeze %dma_start3A_907 : memref<1x1x128xi32, #tpu.memory_space<vmem>> -> memref<128xi32, #tpu.memory_space<vmem>>
        %dma_start3A_909 = arith.constant 0 : i32
        %dma_start3A_910 = arith.constant 0 : i32
        %dma_start3A_911 = tpu.memref_slice %arg2[%dma_start3A_909, %dma_start3A_910] : memref<10240x128xf32, #tpu.memory_space<hbm>> -> memref<10240x128xf32, #tpu.memory_space<hbm>>
        tpu.enqueue_indirect_dma source(%dma_start3A_911 : memref<10240x128xf32, #tpu.memory_space<hbm>>) target(%dma_start3A_905 : memref<128x128xf32, #tpu.memory_space<vmem>>) offsets(%dma_start3A_908 : memref<128xi32, #tpu.memory_space<vmem>>) semaphore(%arg13 : memref<!tpu.dma_semaphore, #tpu.memory_space<semaphore_mem>>)
      } else {
      }
      %eq3A_844 = arith.constant 1 : i32
      %eq3A_845 = arith.cmpi eq, %arg0, %eq3A_844 : i32
      %convert_element_type3A_846 = arith.extui %eq3A_845 : i1 to i32
      %cond3A_847 = arith.constant 0 : i32
      %cond3A_848 = arith.cmpi ne, %convert_element_type3A_846, %cond3A_847 : i32
      scf.if %cond3A_848 {
        %dma_start3A_899 = arith.constant 0 : i32
        %dma_start3A_900 = arith.constant 0 : i32
        %dma_start3A_901 = arith.constant 0 : i32
        %dma_start3A_902 = arith.constant 0 : i32
        %dma_start3A_903 = arith.constant 0 : i32
        %dma_start3A_904 = tpu.memref_slice %arg8[%dma_start3A_901, %dma_start3A_902, %dma_start3A_903] : memref<2x128x128xf32, #tpu.memory_space<vmem>> -> memref<1x128x128xf32, #tpu.memory_space<vmem>>
        %dma_start3A_905 = tpu.memref_squeeze %dma_start3A_904 : memref<1x128x128xf32, #tpu.memory_space<vmem>> -> memref<128x128xf32, #tpu.memory_space<vmem>>
        %dma_start3A_906 = arith.constant 0 : i32
        %dma_start3A_907 = tpu.memref_slice %arg7[%dma_start3A_899, %dma_start3A_900, %dma_start3A_906] : memref<4x2x128xi32, #tpu.memory_space<vmem>> -> memref<1x1x128xi32, #tpu.memory_space<vmem>>
        %dma_start3A_908 = tpu.memref_squeeze %dma_start3A_907 : memref<1x1x128xi32, #tpu.memory_space<vmem>> -> memref<128xi32, #tpu.memory_space<vmem>>
        %dma_start3A_909 = arith.constant 0 : i32
        %dma_start3A_910 = arith.constant 0 : i32
        %dma_start3A_911 = tpu.memref_slice %arg3[%dma_start3A_909, %dma_start3A_910] : memref<10240x128xf32, #tpu.memory_space<hbm>> -> memref<10240x128xf32, #tpu.memory_space<hbm>>
        tpu.enqueue_indirect_dma source(%dma_start3A_911 : memref<10240x128xf32, #tpu.memory_space<hbm>>) target(%dma_start3A_905 : memref<128x128xf32, #tpu.memory_space<vmem>>) offsets(%dma_start3A_908 : memref<128xi32, #tpu.memory_space<vmem>>) semaphore(%arg13 : memref<!tpu.dma_semaphore, #tpu.memory_space<semaphore_mem>>)
      } else {
      }
      %add3A_849 = arith.constant 3 : i32
      %add3A_850 = arith.addi %add3A_805, %add3A_849 : i32
      %min3A_851 = arith.constant 159 : i32
      %min3A_852 = arith.minsi %add3A_850, %min3A_851 : i32
      %add3A_853 = arith.addi %mul3A_9, %min3A_852 : i32
      %dma_start3A_854 = arith.constant 2 : i32
      %dma_start3A_855 = arith.constant 0 : i32
      %dma_start3A_856 = arith.constant 0 : i32
      %dma_start3A_857 = tpu.memref_slice %arg7[%dma_start3A_854, %dma_start3A_855, %dma_start3A_856] : memref<4x2x128xi32, #tpu.memory_space<vmem>> -> memref<1x2x128xi32, #tpu.memory_space<vmem>>
      %dma_start3A_858 = tpu.memref_squeeze %dma_start3A_857 : memref<1x2x128xi32, #tpu.memory_space<vmem>> -> memref<2x128xi32, #tpu.memory_space<vmem>>
      %dma_start3A_859 = arith.constant 0 : i32
      %dma_start3A_860 = arith.constant 0 : i32
      %dma_start3A_861 = tpu.memref_slice %arg4[%add3A_853, %dma_start3A_859, %dma_start3A_860] : memref<2560x2x128xi32, #tpu.memory_space<hbm>> -> memref<1x2x128xi32, #tpu.memory_space<hbm>>
      %dma_start3A_862 = tpu.memref_squeeze %dma_start3A_861 : memref<1x2x128xi32, #tpu.memory_space<hbm>> -> memref<2x128xi32, #tpu.memory_space<hbm>>
      %dma_start3A_863 = arith.constant 0 : i32
      %dma_start3A_864 = arith.constant 0 : i32
      %dma_start3A_865 = tpu.memref_slice %arg7[%dma_start3A_854, %dma_start3A_863, %dma_start3A_864] : memref<4x2x128xi32, #tpu.memory_space<vmem>> -> memref<1x2x128xi32, #tpu.memory_space<vmem>>
      %dma_start3A_866 = tpu.memref_squeeze %dma_start3A_865 : memref<1x2x128xi32, #tpu.memory_space<vmem>> -> memref<2x128xi32, #tpu.memory_space<vmem>>
      %dma_start3A_867 = arith.constant 0 : i32
      %dma_start3A_868 = arith.constant 0 : i32
      %dma_start3A_869 = tpu.memref_slice %arg4[%add3A_853, %dma_start3A_867, %dma_start3A_868] : memref<2560x2x128xi32, #tpu.memory_space<hbm>> -> memref<1x2x128xi32, #tpu.memory_space<hbm>>
      %dma_start3A_870 = tpu.memref_squeeze %dma_start3A_869 : memref<1x2x128xi32, #tpu.memory_space<hbm>> -> memref<2x128xi32, #tpu.memory_space<hbm>>
      tpu.enqueue_dma source(%dma_start3A_870 : memref<2x128xi32, #tpu.memory_space<hbm>>) target(%dma_start3A_866 : memref<2x128xi32, #tpu.memory_space<vmem>>) target_semaphore(%arg11 : memref<!tpu.dma_semaphore, #tpu.memory_space<semaphore_mem>>)
      %dma_wait3A_871 = arith.constant 1 : i32
      %dma_wait3A_872 = arith.constant 0 : i32
      %dma_wait3A_873 = arith.constant 0 : i32
      %dma_wait3A_874 = tpu.memref_slice %arg8[%dma_wait3A_871, %dma_wait3A_872, %dma_wait3A_873] : memref<2x128x128xf32, #tpu.memory_space<vmem>> -> memref<1x128x128xf32, #tpu.memory_space<vmem>>
      %dma_wait3A_875 = tpu.memref_squeeze %dma_wait3A_874 : memref<1x128x128xf32, #tpu.memory_space<vmem>> -> memref<128x128xf32, #tpu.memory_space<vmem>>
      %dma_wait3A_876 = arith.constant 0 : i32
      %dma_wait3A_877 = arith.constant 0 : i32
      %dma_wait3A_878 = tpu.memref_slice %arg2[%dma_wait3A_876, %dma_wait3A_877] : memref<10240x128xf32, #tpu.memory_space<hbm>> -> memref<128x128xf32, #tpu.memory_space<hbm>>
      %dma_wait3A_879 = arith.constant 0 : i32
      %dma_wait3A_880 = arith.constant 0 : i32
      %dma_wait3A_881 = tpu.memref_slice %arg8[%dma_wait3A_871, %dma_wait3A_879, %dma_wait3A_880] : memref<2x128x128xf32, #tpu.memory_space<vmem>> -> memref<1x128x128xf32, #tpu.memory_space<vmem>>
      %dma_wait3A_882 = tpu.memref_squeeze %dma_wait3A_881 : memref<1x128x128xf32, #tpu.memory_space<vmem>> -> memref<128x128xf32, #tpu.memory_space<vmem>>
      %dma_wait3A_883 = arith.constant 0 : i32
      %dma_wait3A_884 = arith.constant 0 : i32
      %dma_wait3A_885 = tpu.memref_slice %arg2[%dma_wait3A_883, %dma_wait3A_884] : memref<10240x128xf32, #tpu.memory_space<hbm>> -> memref<128x128xf32, #tpu.memory_space<hbm>>
      tpu.wait_dma2 semaphore(%arg14 : memref<!tpu.dma_semaphore, #tpu.memory_space<semaphore_mem>>) src(%dma_wait3A_885 : memref<128x128xf32, #tpu.memory_space<hbm>>) dst(%dma_wait3A_882 : memref<128x128xf32, #tpu.memory_space<vmem>>)
      %dma_start3A_886 = arith.constant 1 : i32
      %dma_start3A_887 = arith.constant 3 : i32
      %dma_start3A_888 = arith.constant 1 : i32
      %dma_start3A_889 = arith.constant 0 : i32
      %dma_start3A_890 = arith.constant 0 : i32
      %dma_start3A_891 = tpu.memref_slice %arg8[%dma_start3A_886, %dma_start3A_889, %dma_start3A_890] : memref<2x128x128xf32, #tpu.memory_space<vmem>> -> memref<1x128x128xf32, #tpu.memory_space<vmem>>
      %dma_start3A_892 = tpu.memref_squeeze %dma_start3A_891 : memref<1x128x128xf32, #tpu.memory_space<vmem>> -> memref<128x128xf32, #tpu.memory_space<vmem>>
      %dma_start3A_893 = arith.constant 0 : i32
      %dma_start3A_894 = tpu.memref_slice %arg7[%dma_start3A_887, %dma_start3A_888, %dma_start3A_893] : memref<4x2x128xi32, #tpu.memory_space<vmem>> -> memref<1x1x128xi32, #tpu.memory_space<vmem>>
      %dma_start3A_895 = tpu.memref_squeeze %dma_start3A_894 : memref<1x1x128xi32, #tpu.memory_space<vmem>> -> memref<128xi32, #tpu.memory_space<vmem>>
      %dma_start3A_896 = arith.constant 0 : i32
      %dma_start3A_897 = arith.constant 0 : i32
      %dma_start3A_898 = tpu.memref_slice %arg6[%dma_start3A_896, %dma_start3A_897] : memref<10240x128xf32, #tpu.memory_space<vmem_shared>> -> memref<10240x128xf32, #tpu.memory_space<vmem_shared>>
      tpu.enqueue_indirect_dma source(%dma_start3A_892 : memref<128x128xf32, #tpu.memory_space<vmem>>) target(%dma_start3A_898 : memref<10240x128xf32, #tpu.memory_space<vmem_shared>>) offsets(%dma_start3A_895 : memref<128xi32, #tpu.memory_space<vmem>>) semaphore(%arg16 : memref<!tpu.dma_semaphore, #tpu.memory_space<semaphore_mem>>) {add = true}
    }
    %scan3A_448 = arith.constant 39 : i32
    %dma_wait3A_449 = arith.constant 1 : i32
    %dma_wait3A_450 = arith.constant 0 : i32
    %dma_wait3A_451 = arith.constant 0 : i32
    %dma_wait3A_452 = tpu.memref_slice %arg8[%dma_wait3A_449, %dma_wait3A_450, %dma_wait3A_451] : memref<2x128x128xf32, #tpu.memory_space<vmem>> -> memref<1x128x128xf32, #tpu.memory_space<vmem>>
    %dma_wait3A_453 = tpu.memref_squeeze %dma_wait3A_452 : memref<1x128x128xf32, #tpu.memory_space<vmem>> -> memref<128x128xf32, #tpu.memory_space<vmem>>
    %dma_wait3A_454 = arith.constant 0 : i32
    %dma_wait3A_455 = arith.constant 0 : i32
    %dma_wait3A_456 = tpu.memref_slice %arg2[%dma_wait3A_454, %dma_wait3A_455] : memref<10240x128xf32, #tpu.memory_space<hbm>> -> memref<128x128xf32, #tpu.memory_space<hbm>>
    %dma_wait3A_457 = arith.constant 0 : i32
    %dma_wait3A_458 = arith.constant 0 : i32
    %dma_wait3A_459 = tpu.memref_slice %arg8[%dma_wait3A_449, %dma_wait3A_457, %dma_wait3A_458] : memref<2x128x128xf32, #tpu.memory_space<vmem>> -> memref<1x128x128xf32, #tpu.memory_space<vmem>>
    %dma_wait3A_460 = tpu.memref_squeeze %dma_wait3A_459 : memref<1x128x128xf32, #tpu.memory_space<vmem>> -> memref<128x128xf32, #tpu.memory_space<vmem>>
    %dma_wait3A_461 = arith.constant 0 : i32
    %dma_wait3A_462 = arith.constant 0 : i32
    %dma_wait3A_463 = tpu.memref_slice %arg2[%dma_wait3A_461, %dma_wait3A_462] : memref<10240x128xf32, #tpu.memory_space<hbm>> -> memref<128x128xf32, #tpu.memory_space<hbm>>
    tpu.wait_dma2 semaphore(%arg16 : memref<!tpu.dma_semaphore, #tpu.memory_space<semaphore_mem>>) src(%dma_wait3A_463 : memref<128x128xf32, #tpu.memory_space<hbm>>) dst(%dma_wait3A_460 : memref<128x128xf32, #tpu.memory_space<vmem>>)
    %dma_wait3A_464 = arith.constant 0 : i32
    %dma_wait3A_465 = arith.constant 0 : i32
    %dma_wait3A_466 = arith.constant 0 : i32
    %dma_wait3A_467 = tpu.memref_slice %arg8[%dma_wait3A_464, %dma_wait3A_465, %dma_wait3A_466] : memref<2x128x128xf32, #tpu.memory_space<vmem>> -> memref<1x128x128xf32, #tpu.memory_space<vmem>>
    %dma_wait3A_468 = tpu.memref_squeeze %dma_wait3A_467 : memref<1x128x128xf32, #tpu.memory_space<vmem>> -> memref<128x128xf32, #tpu.memory_space<vmem>>
    %dma_wait3A_469 = arith.constant 0 : i32
    %dma_wait3A_470 = arith.constant 0 : i32
    %dma_wait3A_471 = tpu.memref_slice %arg2[%dma_wait3A_469, %dma_wait3A_470] : memref<10240x128xf32, #tpu.memory_space<hbm>> -> memref<128x128xf32, #tpu.memory_space<hbm>>
    %dma_wait3A_472 = arith.constant 0 : i32
    %dma_wait3A_473 = arith.constant 0 : i32
    %dma_wait3A_474 = tpu.memref_slice %arg8[%dma_wait3A_464, %dma_wait3A_472, %dma_wait3A_473] : memref<2x128x128xf32, #tpu.memory_space<vmem>> -> memref<1x128x128xf32, #tpu.memory_space<vmem>>
    %dma_wait3A_475 = tpu.memref_squeeze %dma_wait3A_474 : memref<1x128x128xf32, #tpu.memory_space<vmem>> -> memref<128x128xf32, #tpu.memory_space<vmem>>
    %dma_wait3A_476 = arith.constant 0 : i32
    %dma_wait3A_477 = arith.constant 0 : i32
    %dma_wait3A_478 = tpu.memref_slice %arg2[%dma_wait3A_476, %dma_wait3A_477] : memref<10240x128xf32, #tpu.memory_space<hbm>> -> memref<128x128xf32, #tpu.memory_space<hbm>>
    tpu.wait_dma2 semaphore(%arg13 : memref<!tpu.dma_semaphore, #tpu.memory_space<semaphore_mem>>) src(%dma_wait3A_478 : memref<128x128xf32, #tpu.memory_space<hbm>>) dst(%dma_wait3A_475 : memref<128x128xf32, #tpu.memory_space<vmem>>)
    %dma_wait3A_479 = arith.constant 0 : i32
    %dma_wait3A_480 = arith.constant 1 : i32
    %dma_wait3A_481 = arith.constant 0 : i32
    %dma_wait3A_482 = arith.constant 0 : i32
    %dma_wait3A_483 = tpu.memref_slice %arg7[%dma_wait3A_480, %dma_wait3A_481, %dma_wait3A_482] : memref<4x2x128xi32, #tpu.memory_space<vmem>> -> memref<1x2x128xi32, #tpu.memory_space<vmem>>
    %dma_wait3A_484 = tpu.memref_squeeze %dma_wait3A_483 : memref<1x2x128xi32, #tpu.memory_space<vmem>> -> memref<2x128xi32, #tpu.memory_space<vmem>>
    %dma_wait3A_485 = arith.constant 0 : i32
    %dma_wait3A_486 = arith.constant 0 : i32
    %dma_wait3A_487 = tpu.memref_slice %arg4[%dma_wait3A_479, %dma_wait3A_485, %dma_wait3A_486] : memref<2560x2x128xi32, #tpu.memory_space<hbm>> -> memref<1x2x128xi32, #tpu.memory_space<hbm>>
    %dma_wait3A_488 = tpu.memref_squeeze %dma_wait3A_487 : memref<1x2x128xi32, #tpu.memory_space<hbm>> -> memref<2x128xi32, #tpu.memory_space<hbm>>
    %dma_wait3A_489 = arith.constant 0 : i32
    %dma_wait3A_490 = arith.constant 0 : i32
    %dma_wait3A_491 = tpu.memref_slice %arg7[%dma_wait3A_480, %dma_wait3A_489, %dma_wait3A_490] : memref<4x2x128xi32, #tpu.memory_space<vmem>> -> memref<1x2x128xi32, #tpu.memory_space<vmem>>
    %dma_wait3A_492 = tpu.memref_squeeze %dma_wait3A_491 : memref<1x2x128xi32, #tpu.memory_space<vmem>> -> memref<2x128xi32, #tpu.memory_space<vmem>>
    %dma_wait3A_493 = arith.constant 0 : i32
    %dma_wait3A_494 = arith.constant 0 : i32
    %dma_wait3A_495 = tpu.memref_slice %arg4[%dma_wait3A_479, %dma_wait3A_493, %dma_wait3A_494] : memref<2560x2x128xi32, #tpu.memory_space<hbm>> -> memref<1x2x128xi32, #tpu.memory_space<hbm>>
    %dma_wait3A_496 = tpu.memref_squeeze %dma_wait3A_495 : memref<1x2x128xi32, #tpu.memory_space<hbm>> -> memref<2x128xi32, #tpu.memory_space<hbm>>
    tpu.wait_dma2 semaphore(%arg10 : memref<!tpu.dma_semaphore, #tpu.memory_space<semaphore_mem>>) src(%dma_wait3A_496 : memref<2x128xi32, #tpu.memory_space<hbm>>) dst(%dma_wait3A_492 : memref<2x128xi32, #tpu.memory_space<vmem>>)
    %dma_wait3A_497 = arith.constant 0 : i32
    %dma_wait3A_498 = arith.constant 2 : i32
    %dma_wait3A_499 = arith.constant 0 : i32
    %dma_wait3A_500 = arith.constant 0 : i32
    %dma_wait3A_501 = tpu.memref_slice %arg7[%dma_wait3A_498, %dma_wait3A_499, %dma_wait3A_500] : memref<4x2x128xi32, #tpu.memory_space<vmem>> -> memref<1x2x128xi32, #tpu.memory_space<vmem>>
    %dma_wait3A_502 = tpu.memref_squeeze %dma_wait3A_501 : memref<1x2x128xi32, #tpu.memory_space<vmem>> -> memref<2x128xi32, #tpu.memory_space<vmem>>
    %dma_wait3A_503 = arith.constant 0 : i32
    %dma_wait3A_504 = arith.constant 0 : i32
    %dma_wait3A_505 = tpu.memref_slice %arg4[%dma_wait3A_497, %dma_wait3A_503, %dma_wait3A_504] : memref<2560x2x128xi32, #tpu.memory_space<hbm>> -> memref<1x2x128xi32, #tpu.memory_space<hbm>>
    %dma_wait3A_506 = tpu.memref_squeeze %dma_wait3A_505 : memref<1x2x128xi32, #tpu.memory_space<hbm>> -> memref<2x128xi32, #tpu.memory_space<hbm>>
    %dma_wait3A_507 = arith.constant 0 : i32
    %dma_wait3A_508 = arith.constant 0 : i32
    %dma_wait3A_509 = tpu.memref_slice %arg7[%dma_wait3A_498, %dma_wait3A_507, %dma_wait3A_508] : memref<4x2x128xi32, #tpu.memory_space<vmem>> -> memref<1x2x128xi32, #tpu.memory_space<vmem>>
    %dma_wait3A_510 = tpu.memref_squeeze %dma_wait3A_509 : memref<1x2x128xi32, #tpu.memory_space<vmem>> -> memref<2x128xi32, #tpu.memory_space<vmem>>
    %dma_wait3A_511 = arith.constant 0 : i32
    %dma_wait3A_512 = arith.constant 0 : i32
    %dma_wait3A_513 = tpu.memref_slice %arg4[%dma_wait3A_497, %dma_wait3A_511, %dma_wait3A_512] : memref<2560x2x128xi32, #tpu.memory_space<hbm>> -> memref<1x2x128xi32, #tpu.memory_space<hbm>>
    %dma_wait3A_514 = tpu.memref_squeeze %dma_wait3A_513 : memref<1x2x128xi32, #tpu.memory_space<hbm>> -> memref<2x128xi32, #tpu.memory_space<hbm>>
    tpu.wait_dma2 semaphore(%arg11 : memref<!tpu.dma_semaphore, #tpu.memory_space<semaphore_mem>>) src(%dma_wait3A_514 : memref<2x128xi32, #tpu.memory_space<hbm>>) dst(%dma_wait3A_510 : memref<2x128xi32, #tpu.memory_space<vmem>>)
    %barrier3A_515 = arith.constant 0 : index
    tpu.barrier barrier_id(%barrier3A_515)
    "tpu.region"() ({
      %run_scoped3A = tpu.sem_alloc : memref<!tpu.dma_semaphore, #tpu.memory_space<semaphore_mem>>
      %dma_start3A_516 = arith.constant 0 : i32
      %dma_start3A_517 = tpu.memref_slice %arg5[%arg0, %mul3A_0, %dma_start3A_516] : memref<2x10240x128xf32, #tpu.memory_space<hbm>> -> memref<1x640x128xf32, #tpu.memory_space<hbm>>
      %dma_start3A_518 = tpu.memref_squeeze %dma_start3A_517 : memref<1x640x128xf32, #tpu.memory_space<hbm>> -> memref<640x128xf32, #tpu.memory_space<hbm>>
      %dma_start3A_519 = arith.constant 0 : i32
      %dma_start3A_520 = tpu.memref_slice %arg6[%mul3A_0, %dma_start3A_519] : memref<10240x128xf32, #tpu.memory_space<vmem_shared>> -> memref<640x128xf32, #tpu.memory_space<vmem_shared>>
      tpu.enqueue_dma source(%dma_start3A_520 : memref<640x128xf32, #tpu.memory_space<vmem_shared>>) target(%dma_start3A_518 : memref<640x128xf32, #tpu.memory_space<hbm>>) target_semaphore(%run_scoped3A : memref<!tpu.dma_semaphore, #tpu.memory_space<semaphore_mem>>)
      %dma_wait3A_521 = arith.constant 0 : i32
      %dma_wait3A_522 = tpu.memref_slice %arg5[%arg0, %mul3A_0, %dma_wait3A_521] : memref<2x10240x128xf32, #tpu.memory_space<hbm>> -> memref<1x640x128xf32, #tpu.memory_space<hbm>>
      %dma_wait3A_523 = tpu.memref_squeeze %dma_wait3A_522 : memref<1x640x128xf32, #tpu.memory_space<hbm>> -> memref<640x128xf32, #tpu.memory_space<hbm>>
      %dma_wait3A_524 = arith.constant 0 : i32
      %dma_wait3A_525 = tpu.memref_slice %arg6[%mul3A_0, %dma_wait3A_524] : memref<10240x128xf32, #tpu.memory_space<vmem_shared>> -> memref<640x128xf32, #tpu.memory_space<vmem_shared>>
      tpu.wait_dma2 semaphore(%run_scoped3A : memref<!tpu.dma_semaphore, #tpu.memory_space<semaphore_mem>>) src(%dma_wait3A_525 : memref<640x128xf32, #tpu.memory_space<vmem_shared>>) dst(%dma_wait3A_523 : memref<640x128xf32, #tpu.memory_space<hbm>>)
      tpu.yield
    }) : () -> ()
    return
  }
}

#map = affine_map<(d0, d1) -> (0, 0)>
#map1 = affine_map<(d0, d1) -> (0, 0, 0)>
module attributes {stable_mosaic.version = 14 : i64} {
  func.func @_sc_agg_body(%arg0: i32, %arg1: i32, %arg2: memref<10240x128xf32, #tpu.memory_space<hbm>>, %arg3: memref<10240x128xf32, #tpu.memory_space<hbm>>, %arg4: memref<2560x2x128xi32, #tpu.memory_space<hbm>>, %arg5: memref<2x10240x128xf32, #tpu.memory_space<hbm>>, %arg6: memref<10240x128xf32, #tpu.memory_space<vmem_shared>>, %arg7: memref<4x2x128xi32, #tpu.memory_space<vmem>>, %arg8: memref<2x128x128xf32, #tpu.memory_space<vmem>>, %arg9: memref<!tpu.dma_semaphore, #tpu.memory_space<semaphore_mem>>, %arg10: memref<!tpu.dma_semaphore, #tpu.memory_space<semaphore_mem>>, %arg11: memref<!tpu.dma_semaphore, #tpu.memory_space<semaphore_mem>>, %arg12: memref<!tpu.dma_semaphore, #tpu.memory_space<semaphore_mem>>, %arg13: memref<!tpu.dma_semaphore, #tpu.memory_space<semaphore_mem>>, %arg14: memref<!tpu.dma_semaphore, #tpu.memory_space<semaphore_mem>>, %arg15: memref<!tpu.dma_semaphore, #tpu.memory_space<semaphore_mem>>, %arg16: memref<!tpu.dma_semaphore, #tpu.memory_space<semaphore_mem>>) attributes {dimension_semantics = [#tpu.dimension_semantics<core_parallel>, #tpu.dimension_semantics<subcore_parallel>], iteration_bounds = array<i64: 2, 16>, scalar_prefetch = 0 : i64, scratch_operands = 11 : i64, tpu.core_type = #tpu.core_type<sc_vector_subcore>, window_params = [{transform_indices = #map}, {transform_indices = #map}, {transform_indices = #map1}, {transform_indices = #map1}]} {
    %mul3A = arith.constant 640 : i32
    %mul3A_0 = arith.muli %arg1, %mul3A : i32
    %eq3A = arith.constant 0 : i32
    %eq3A_1 = arith.cmpi eq, %arg0, %eq3A : i32
    %convert_element_type3A = arith.extui %eq3A_1 : i1 to i32
    %cond3A = arith.constant 0 : i32
    %cond3A_2 = arith.cmpi ne, %convert_element_type3A, %cond3A : i32
    scf.if %cond3A_2 {
      "tpu.region"() ({
        %run_scoped3A = tpu.sem_alloc : memref<!tpu.dma_semaphore, #tpu.memory_space<semaphore_mem>>
        %dma_start3A_516 = arith.constant 0 : i32
        %dma_start3A_517 = tpu.memref_slice %arg6[%mul3A_0, %dma_start3A_516] : memref<10240x128xf32, #tpu.memory_space<vmem_shared>> -> memref<640x128xf32, #tpu.memory_space<vmem_shared>>
        %dma_start3A_518 = arith.constant 0 : i32
        %dma_start3A_519 = tpu.memref_slice %arg2[%mul3A_0, %dma_start3A_518] : memref<10240x128xf32, #tpu.memory_space<hbm>> -> memref<640x128xf32, #tpu.memory_space<hbm>>
        tpu.enqueue_dma source(%dma_start3A_519 : memref<640x128xf32, #tpu.memory_space<hbm>>) target(%dma_start3A_517 : memref<640x128xf32, #tpu.memory_space<vmem_shared>>) target_semaphore(%run_scoped3A : memref<!tpu.dma_semaphore, #tpu.memory_space<semaphore_mem>>)
        %dma_wait3A_520 = arith.constant 0 : i32
        %dma_wait3A_521 = tpu.memref_slice %arg6[%mul3A_0, %dma_wait3A_520] : memref<10240x128xf32, #tpu.memory_space<vmem_shared>> -> memref<640x128xf32, #tpu.memory_space<vmem_shared>>
        %dma_wait3A_522 = arith.constant 0 : i32
        %dma_wait3A_523 = tpu.memref_slice %arg2[%mul3A_0, %dma_wait3A_522] : memref<10240x128xf32, #tpu.memory_space<hbm>> -> memref<640x128xf32, #tpu.memory_space<hbm>>
        tpu.wait_dma2 semaphore(%run_scoped3A : memref<!tpu.dma_semaphore, #tpu.memory_space<semaphore_mem>>) src(%dma_wait3A_523 : memref<640x128xf32, #tpu.memory_space<hbm>>) dst(%dma_wait3A_521 : memref<640x128xf32, #tpu.memory_space<vmem_shared>>)
        tpu.yield
      }) : () -> ()
    } else {
    }
    %eq3A_3 = arith.constant 1 : i32
    %eq3A_4 = arith.cmpi eq, %arg0, %eq3A_3 : i32
    %convert_element_type3A_5 = arith.extui %eq3A_4 : i1 to i32
    %cond3A_6 = arith.constant 0 : i32
    %cond3A_7 = arith.cmpi ne, %convert_element_type3A_5, %cond3A_6 : i32
    scf.if %cond3A_7 {
      "tpu.region"() ({
        %run_scoped3A = tpu.sem_alloc : memref<!tpu.dma_semaphore, #tpu.memory_space<semaphore_mem>>
        %dma_start3A_516 = arith.constant 0 : i32
        %dma_start3A_517 = tpu.memref_slice %arg6[%mul3A_0, %dma_start3A_516] : memref<10240x128xf32, #tpu.memory_space<vmem_shared>> -> memref<640x128xf32, #tpu.memory_space<vmem_shared>>
        %dma_start3A_518 = arith.constant 0 : i32
        %dma_start3A_519 = tpu.memref_slice %arg3[%mul3A_0, %dma_start3A_518] : memref<10240x128xf32, #tpu.memory_space<hbm>> -> memref<640x128xf32, #tpu.memory_space<hbm>>
        tpu.enqueue_dma source(%dma_start3A_519 : memref<640x128xf32, #tpu.memory_space<hbm>>) target(%dma_start3A_517 : memref<640x128xf32, #tpu.memory_space<vmem_shared>>) target_semaphore(%run_scoped3A : memref<!tpu.dma_semaphore, #tpu.memory_space<semaphore_mem>>)
        %dma_wait3A_520 = arith.constant 0 : i32
        %dma_wait3A_521 = tpu.memref_slice %arg6[%mul3A_0, %dma_wait3A_520] : memref<10240x128xf32, #tpu.memory_space<vmem_shared>> -> memref<640x128xf32, #tpu.memory_space<vmem_shared>>
        %dma_wait3A_522 = arith.constant 0 : i32
        %dma_wait3A_523 = tpu.memref_slice %arg3[%mul3A_0, %dma_wait3A_522] : memref<10240x128xf32, #tpu.memory_space<hbm>> -> memref<640x128xf32, #tpu.memory_space<hbm>>
        tpu.wait_dma2 semaphore(%run_scoped3A : memref<!tpu.dma_semaphore, #tpu.memory_space<semaphore_mem>>) src(%dma_wait3A_523 : memref<640x128xf32, #tpu.memory_space<hbm>>) dst(%dma_wait3A_521 : memref<640x128xf32, #tpu.memory_space<vmem_shared>>)
        tpu.yield
      }) : () -> ()
    } else {
    }
    %barrier3A = arith.constant 0 : index
    tpu.barrier barrier_id(%barrier3A)
    %mul3A_8 = arith.constant 160 : i32
    %mul3A_9 = arith.muli %arg1, %mul3A_8 : i32
    %add3A = arith.constant 0 : i32
    %add3A_10 = arith.addi %mul3A_9, %add3A : i32
    %dma_start3A = arith.constant 0 : i32
    %dma_start3A_11 = arith.constant 0 : i32
    %dma_start3A_12 = arith.constant 0 : i32
    %dma_start3A_13 = tpu.memref_slice %arg7[%dma_start3A, %dma_start3A_11, %dma_start3A_12] : memref<4x2x128xi32, #tpu.memory_space<vmem>> -> memref<1x2x128xi32, #tpu.memory_space<vmem>>
    %dma_start3A_14 = tpu.memref_squeeze %dma_start3A_13 : memref<1x2x128xi32, #tpu.memory_space<vmem>> -> memref<2x128xi32, #tpu.memory_space<vmem>>
    %dma_start3A_15 = arith.constant 0 : i32
    %dma_start3A_16 = arith.constant 0 : i32
    %dma_start3A_17 = tpu.memref_slice %arg4[%add3A_10, %dma_start3A_15, %dma_start3A_16] : memref<2560x2x128xi32, #tpu.memory_space<hbm>> -> memref<1x2x128xi32, #tpu.memory_space<hbm>>
    %dma_start3A_18 = tpu.memref_squeeze %dma_start3A_17 : memref<1x2x128xi32, #tpu.memory_space<hbm>> -> memref<2x128xi32, #tpu.memory_space<hbm>>
    %dma_start3A_19 = arith.constant 0 : i32
    %dma_start3A_20 = arith.constant 0 : i32
    %dma_start3A_21 = tpu.memref_slice %arg7[%dma_start3A, %dma_start3A_19, %dma_start3A_20] : memref<4x2x128xi32, #tpu.memory_space<vmem>> -> memref<1x2x128xi32, #tpu.memory_space<vmem>>
    %dma_start3A_22 = tpu.memref_squeeze %dma_start3A_21 : memref<1x2x128xi32, #tpu.memory_space<vmem>> -> memref<2x128xi32, #tpu.memory_space<vmem>>
    %dma_start3A_23 = arith.constant 0 : i32
    %dma_start3A_24 = arith.constant 0 : i32
    %dma_start3A_25 = tpu.memref_slice %arg4[%add3A_10, %dma_start3A_23, %dma_start3A_24] : memref<2560x2x128xi32, #tpu.memory_space<hbm>> -> memref<1x2x128xi32, #tpu.memory_space<hbm>>
    %dma_start3A_26 = tpu.memref_squeeze %dma_start3A_25 : memref<1x2x128xi32, #tpu.memory_space<hbm>> -> memref<2x128xi32, #tpu.memory_space<hbm>>
    tpu.enqueue_dma source(%dma_start3A_26 : memref<2x128xi32, #tpu.memory_space<hbm>>) target(%dma_start3A_22 : memref<2x128xi32, #tpu.memory_space<vmem>>) target_semaphore(%arg9 : memref<!tpu.dma_semaphore, #tpu.memory_space<semaphore_mem>>)
    %add3A_27 = arith.constant 1 : i32
    %add3A_28 = arith.addi %mul3A_9, %add3A_27 : i32
    %dma_start3A_29 = arith.constant 1 : i32
    %dma_start3A_30 = arith.constant 0 : i32
    %dma_start3A_31 = arith.constant 0 : i32
    %dma_start3A_32 = tpu.memref_slice %arg7[%dma_start3A_29, %dma_start3A_30, %dma_start3A_31] : memref<4x2x128xi32, #tpu.memory_space<vmem>> -> memref<1x2x128xi32, #tpu.memory_space<vmem>>
    %dma_start3A_33 = tpu.memref_squeeze %dma_start3A_32 : memref<1x2x128xi32, #tpu.memory_space<vmem>> -> memref<2x128xi32, #tpu.memory_space<vmem>>
    %dma_start3A_34 = arith.constant 0 : i32
    %dma_start3A_35 = arith.constant 0 : i32
    %dma_start3A_36 = tpu.memref_slice %arg4[%add3A_28, %dma_start3A_34, %dma_start3A_35] : memref<2560x2x128xi32, #tpu.memory_space<hbm>> -> memref<1x2x128xi32, #tpu.memory_space<hbm>>
    %dma_start3A_37 = tpu.memref_squeeze %dma_start3A_36 : memref<1x2x128xi32, #tpu.memory_space<hbm>> -> memref<2x128xi32, #tpu.memory_space<hbm>>
    %dma_start3A_38 = arith.constant 0 : i32
    %dma_start3A_39 = arith.constant 0 : i32
    %dma_start3A_40 = tpu.memref_slice %arg7[%dma_start3A_29, %dma_start3A_38, %dma_start3A_39] : memref<4x2x128xi32, #tpu.memory_space<vmem>> -> memref<1x2x128xi32, #tpu.memory_space<vmem>>
    %dma_start3A_41 = tpu.memref_squeeze %dma_start3A_40 : memref<1x2x128xi32, #tpu.memory_space<vmem>> -> memref<2x128xi32, #tpu.memory_space<vmem>>
    %dma_start3A_42 = arith.constant 0 : i32
    %dma_start3A_43 = arith.constant 0 : i32
    %dma_start3A_44 = tpu.memref_slice %arg4[%add3A_28, %dma_start3A_42, %dma_start3A_43] : memref<2560x2x128xi32, #tpu.memory_space<hbm>> -> memref<1x2x128xi32, #tpu.memory_space<hbm>>
    %dma_start3A_45 = tpu.memref_squeeze %dma_start3A_44 : memref<1x2x128xi32, #tpu.memory_space<hbm>> -> memref<2x128xi32, #tpu.memory_space<hbm>>
    tpu.enqueue_dma source(%dma_start3A_45 : memref<2x128xi32, #tpu.memory_space<hbm>>) target(%dma_start3A_41 : memref<2x128xi32, #tpu.memory_space<vmem>>) target_semaphore(%arg10 : memref<!tpu.dma_semaphore, #tpu.memory_space<semaphore_mem>>)
    %add3A_46 = arith.constant 2 : i32
    %add3A_47 = arith.addi %mul3A_9, %add3A_46 : i32
    %dma_start3A_48 = arith.constant 2 : i32
    %dma_start3A_49 = arith.constant 0 : i32
    %dma_start3A_50 = arith.constant 0 : i32
    %dma_start3A_51 = tpu.memref_slice %arg7[%dma_start3A_48, %dma_start3A_49, %dma_start3A_50] : memref<4x2x128xi32, #tpu.memory_space<vmem>> -> memref<1x2x128xi32, #tpu.memory_space<vmem>>
    %dma_start3A_52 = tpu.memref_squeeze %dma_start3A_51 : memref<1x2x128xi32, #tpu.memory_space<vmem>> -> memref<2x128xi32, #tpu.memory_space<vmem>>
    %dma_start3A_53 = arith.constant 0 : i32
    %dma_start3A_54 = arith.constant 0 : i32
    %dma_start3A_55 = tpu.memref_slice %arg4[%add3A_47, %dma_start3A_53, %dma_start3A_54] : memref<2560x2x128xi32, #tpu.memory_space<hbm>> -> memref<1x2x128xi32, #tpu.memory_space<hbm>>
    %dma_start3A_56 = tpu.memref_squeeze %dma_start3A_55 : memref<1x2x128xi32, #tpu.memory_space<hbm>> -> memref<2x128xi32, #tpu.memory_space<hbm>>
    %dma_start3A_57 = arith.constant 0 : i32
    %dma_start3A_58 = arith.constant 0 : i32
    %dma_start3A_59 = tpu.memref_slice %arg7[%dma_start3A_48, %dma_start3A_57, %dma_start3A_58] : memref<4x2x128xi32, #tpu.memory_space<vmem>> -> memref<1x2x128xi32, #tpu.memory_space<vmem>>
    %dma_start3A_60 = tpu.memref_squeeze %dma_start3A_59 : memref<1x2x128xi32, #tpu.memory_space<vmem>> -> memref<2x128xi32, #tpu.memory_space<vmem>>
    %dma_start3A_61 = arith.constant 0 : i32
    %dma_start3A_62 = arith.constant 0 : i32
    %dma_start3A_63 = tpu.memref_slice %arg4[%add3A_47, %dma_start3A_61, %dma_start3A_62] : memref<2560x2x128xi32, #tpu.memory_space<hbm>> -> memref<1x2x128xi32, #tpu.memory_space<hbm>>
    %dma_start3A_64 = tpu.memref_squeeze %dma_start3A_63 : memref<1x2x128xi32, #tpu.memory_space<hbm>> -> memref<2x128xi32, #tpu.memory_space<hbm>>
    tpu.enqueue_dma source(%dma_start3A_64 : memref<2x128xi32, #tpu.memory_space<hbm>>) target(%dma_start3A_60 : memref<2x128xi32, #tpu.memory_space<vmem>>) target_semaphore(%arg11 : memref<!tpu.dma_semaphore, #tpu.memory_space<semaphore_mem>>)
    %dma_wait3A = arith.constant 0 : i32
    %dma_wait3A_65 = arith.constant 0 : i32
    %dma_wait3A_66 = arith.constant 0 : i32
    %dma_wait3A_67 = arith.constant 0 : i32
    %dma_wait3A_68 = tpu.memref_slice %arg7[%dma_wait3A_65, %dma_wait3A_66, %dma_wait3A_67] : memref<4x2x128xi32, #tpu.memory_space<vmem>> -> memref<1x2x128xi32, #tpu.memory_space<vmem>>
    %dma_wait3A_69 = tpu.memref_squeeze %dma_wait3A_68 : memref<1x2x128xi32, #tpu.memory_space<vmem>> -> memref<2x128xi32, #tpu.memory_space<vmem>>
    %dma_wait3A_70 = arith.constant 0 : i32
    %dma_wait3A_71 = arith.constant 0 : i32
    %dma_wait3A_72 = tpu.memref_slice %arg4[%dma_wait3A, %dma_wait3A_70, %dma_wait3A_71] : memref<2560x2x128xi32, #tpu.memory_space<hbm>> -> memref<1x2x128xi32, #tpu.memory_space<hbm>>
    %dma_wait3A_73 = tpu.memref_squeeze %dma_wait3A_72 : memref<1x2x128xi32, #tpu.memory_space<hbm>> -> memref<2x128xi32, #tpu.memory_space<hbm>>
    %dma_wait3A_74 = arith.constant 0 : i32
    %dma_wait3A_75 = arith.constant 0 : i32
    %dma_wait3A_76 = tpu.memref_slice %arg7[%dma_wait3A_65, %dma_wait3A_74, %dma_wait3A_75] : memref<4x2x128xi32, #tpu.memory_space<vmem>> -> memref<1x2x128xi32, #tpu.memory_space<vmem>>
    %dma_wait3A_77 = tpu.memref_squeeze %dma_wait3A_76 : memref<1x2x128xi32, #tpu.memory_space<vmem>> -> memref<2x128xi32, #tpu.memory_space<vmem>>
    %dma_wait3A_78 = arith.constant 0 : i32
    %dma_wait3A_79 = arith.constant 0 : i32
    %dma_wait3A_80 = tpu.memref_slice %arg4[%dma_wait3A, %dma_wait3A_78, %dma_wait3A_79] : memref<2560x2x128xi32, #tpu.memory_space<hbm>> -> memref<1x2x128xi32, #tpu.memory_space<hbm>>
    %dma_wait3A_81 = tpu.memref_squeeze %dma_wait3A_80 : memref<1x2x128xi32, #tpu.memory_space<hbm>> -> memref<2x128xi32, #tpu.memory_space<hbm>>
    tpu.wait_dma2 semaphore(%arg9 : memref<!tpu.dma_semaphore, #tpu.memory_space<semaphore_mem>>) src(%dma_wait3A_81 : memref<2x128xi32, #tpu.memory_space<hbm>>) dst(%dma_wait3A_77 : memref<2x128xi32, #tpu.memory_space<vmem>>)
    %eq3A_82 = arith.constant 0 : i32
    %eq3A_83 = arith.cmpi eq, %arg0, %eq3A_82 : i32
    %convert_element_type3A_84 = arith.extui %eq3A_83 : i1 to i32
    %cond3A_85 = arith.constant 0 : i32
    %cond3A_86 = arith.cmpi ne, %convert_element_type3A_84, %cond3A_85 : i32
    scf.if %cond3A_86 {
      %dma_start3A_516 = arith.constant 0 : i32
      %dma_start3A_517 = arith.constant 0 : i32
      %dma_start3A_518 = arith.constant 0 : i32
      %dma_start3A_519 = arith.constant 0 : i32
      %dma_start3A_520 = arith.constant 0 : i32
      %dma_start3A_521 = tpu.memref_slice %arg8[%dma_start3A_518, %dma_start3A_519, %dma_start3A_520] : memref<2x128x128xf32, #tpu.memory_space<vmem>> -> memref<1x128x128xf32, #tpu.memory_space<vmem>>
      %dma_start3A_522 = tpu.memref_squeeze %dma_start3A_521 : memref<1x128x128xf32, #tpu.memory_space<vmem>> -> memref<128x128xf32, #tpu.memory_space<vmem>>
      %dma_start3A_523 = arith.constant 0 : i32
      %dma_start3A_524 = tpu.memref_slice %arg7[%dma_start3A_516, %dma_start3A_517, %dma_start3A_523] : memref<4x2x128xi32, #tpu.memory_space<vmem>> -> memref<1x1x128xi32, #tpu.memory_space<vmem>>
      %dma_start3A_525 = tpu.memref_squeeze %dma_start3A_524 : memref<1x1x128xi32, #tpu.memory_space<vmem>> -> memref<128xi32, #tpu.memory_space<vmem>>
      %dma_start3A_526 = arith.constant 0 : i32
      %dma_start3A_527 = arith.constant 0 : i32
      %dma_start3A_528 = tpu.memref_slice %arg2[%dma_start3A_526, %dma_start3A_527] : memref<10240x128xf32, #tpu.memory_space<hbm>> -> memref<10240x128xf32, #tpu.memory_space<hbm>>
      tpu.enqueue_indirect_dma source(%dma_start3A_528 : memref<10240x128xf32, #tpu.memory_space<hbm>>) target(%dma_start3A_522 : memref<128x128xf32, #tpu.memory_space<vmem>>) offsets(%dma_start3A_525 : memref<128xi32, #tpu.memory_space<vmem>>) semaphore(%arg13 : memref<!tpu.dma_semaphore, #tpu.memory_space<semaphore_mem>>)
    } else {
    }
    %eq3A_87 = arith.constant 1 : i32
    %eq3A_88 = arith.cmpi eq, %arg0, %eq3A_87 : i32
    %convert_element_type3A_89 = arith.extui %eq3A_88 : i1 to i32
    %cond3A_90 = arith.constant 0 : i32
    %cond3A_91 = arith.cmpi ne, %convert_element_type3A_89, %cond3A_90 : i32
    scf.if %cond3A_91 {
      %dma_start3A_516 = arith.constant 0 : i32
      %dma_start3A_517 = arith.constant 0 : i32
      %dma_start3A_518 = arith.constant 0 : i32
      %dma_start3A_519 = arith.constant 0 : i32
      %dma_start3A_520 = arith.constant 0 : i32
      %dma_start3A_521 = tpu.memref_slice %arg8[%dma_start3A_518, %dma_start3A_519, %dma_start3A_520] : memref<2x128x128xf32, #tpu.memory_space<vmem>> -> memref<1x128x128xf32, #tpu.memory_space<vmem>>
      %dma_start3A_522 = tpu.memref_squeeze %dma_start3A_521 : memref<1x128x128xf32, #tpu.memory_space<vmem>> -> memref<128x128xf32, #tpu.memory_space<vmem>>
      %dma_start3A_523 = arith.constant 0 : i32
      %dma_start3A_524 = tpu.memref_slice %arg7[%dma_start3A_516, %dma_start3A_517, %dma_start3A_523] : memref<4x2x128xi32, #tpu.memory_space<vmem>> -> memref<1x1x128xi32, #tpu.memory_space<vmem>>
      %dma_start3A_525 = tpu.memref_squeeze %dma_start3A_524 : memref<1x1x128xi32, #tpu.memory_space<vmem>> -> memref<128xi32, #tpu.memory_space<vmem>>
      %dma_start3A_526 = arith.constant 0 : i32
      %dma_start3A_527 = arith.constant 0 : i32
      %dma_start3A_528 = tpu.memref_slice %arg3[%dma_start3A_526, %dma_start3A_527] : memref<10240x128xf32, #tpu.memory_space<hbm>> -> memref<10240x128xf32, #tpu.memory_space<hbm>>
      tpu.enqueue_indirect_dma source(%dma_start3A_528 : memref<10240x128xf32, #tpu.memory_space<hbm>>) target(%dma_start3A_522 : memref<128x128xf32, #tpu.memory_space<vmem>>) offsets(%dma_start3A_525 : memref<128xi32, #tpu.memory_space<vmem>>) semaphore(%arg13 : memref<!tpu.dma_semaphore, #tpu.memory_space<semaphore_mem>>)
    } else {
    }
    %dma_wait3A_92 = arith.constant 0 : i32
    %dma_wait3A_93 = arith.constant 1 : i32
    %dma_wait3A_94 = arith.constant 0 : i32
    %dma_wait3A_95 = arith.constant 0 : i32
    %dma_wait3A_96 = tpu.memref_slice %arg7[%dma_wait3A_93, %dma_wait3A_94, %dma_wait3A_95] : memref<4x2x128xi32, #tpu.memory_space<vmem>> -> memref<1x2x128xi32, #tpu.memory_space<vmem>>
    %dma_wait3A_97 = tpu.memref_squeeze %dma_wait3A_96 : memref<1x2x128xi32, #tpu.memory_space<vmem>> -> memref<2x128xi32, #tpu.memory_space<vmem>>
    %dma_wait3A_98 = arith.constant 0 : i32
    %dma_wait3A_99 = arith.constant 0 : i32
    %dma_wait3A_100 = tpu.memref_slice %arg4[%dma_wait3A_92, %dma_wait3A_98, %dma_wait3A_99] : memref<2560x2x128xi32, #tpu.memory_space<hbm>> -> memref<1x2x128xi32, #tpu.memory_space<hbm>>
    %dma_wait3A_101 = tpu.memref_squeeze %dma_wait3A_100 : memref<1x2x128xi32, #tpu.memory_space<hbm>> -> memref<2x128xi32, #tpu.memory_space<hbm>>
    %dma_wait3A_102 = arith.constant 0 : i32
    %dma_wait3A_103 = arith.constant 0 : i32
    %dma_wait3A_104 = tpu.memref_slice %arg7[%dma_wait3A_93, %dma_wait3A_102, %dma_wait3A_103] : memref<4x2x128xi32, #tpu.memory_space<vmem>> -> memref<1x2x128xi32, #tpu.memory_space<vmem>>
    %dma_wait3A_105 = tpu.memref_squeeze %dma_wait3A_104 : memref<1x2x128xi32, #tpu.memory_space<vmem>> -> memref<2x128xi32, #tpu.memory_space<vmem>>
    %dma_wait3A_106 = arith.constant 0 : i32
    %dma_wait3A_107 = arith.constant 0 : i32
    %dma_wait3A_108 = tpu.memref_slice %arg4[%dma_wait3A_92, %dma_wait3A_106, %dma_wait3A_107] : memref<2560x2x128xi32, #tpu.memory_space<hbm>> -> memref<1x2x128xi32, #tpu.memory_space<hbm>>
    %dma_wait3A_109 = tpu.memref_squeeze %dma_wait3A_108 : memref<1x2x128xi32, #tpu.memory_space<hbm>> -> memref<2x128xi32, #tpu.memory_space<hbm>>
    tpu.wait_dma2 semaphore(%arg10 : memref<!tpu.dma_semaphore, #tpu.memory_space<semaphore_mem>>) src(%dma_wait3A_109 : memref<2x128xi32, #tpu.memory_space<hbm>>) dst(%dma_wait3A_105 : memref<2x128xi32, #tpu.memory_space<vmem>>)
    %eq3A_110 = arith.constant 0 : i32
    %eq3A_111 = arith.cmpi eq, %arg0, %eq3A_110 : i32
    %convert_element_type3A_112 = arith.extui %eq3A_111 : i1 to i32
    %cond3A_113 = arith.constant 0 : i32
    %cond3A_114 = arith.cmpi ne, %convert_element_type3A_112, %cond3A_113 : i32
    scf.if %cond3A_114 {
      %dma_start3A_516 = arith.constant 1 : i32
      %dma_start3A_517 = arith.constant 0 : i32
      %dma_start3A_518 = arith.constant 1 : i32
      %dma_start3A_519 = arith.constant 0 : i32
      %dma_start3A_520 = arith.constant 0 : i32
      %dma_start3A_521 = tpu.memref_slice %arg8[%dma_start3A_518, %dma_start3A_519, %dma_start3A_520] : memref<2x128x128xf32, #tpu.memory_space<vmem>> -> memref<1x128x128xf32, #tpu.memory_space<vmem>>
      %dma_start3A_522 = tpu.memref_squeeze %dma_start3A_521 : memref<1x128x128xf32, #tpu.memory_space<vmem>> -> memref<128x128xf32, #tpu.memory_space<vmem>>
      %dma_start3A_523 = arith.constant 0 : i32
      %dma_start3A_524 = tpu.memref_slice %arg7[%dma_start3A_516, %dma_start3A_517, %dma_start3A_523] : memref<4x2x128xi32, #tpu.memory_space<vmem>> -> memref<1x1x128xi32, #tpu.memory_space<vmem>>
      %dma_start3A_525 = tpu.memref_squeeze %dma_start3A_524 : memref<1x1x128xi32, #tpu.memory_space<vmem>> -> memref<128xi32, #tpu.memory_space<vmem>>
      %dma_start3A_526 = arith.constant 0 : i32
      %dma_start3A_527 = arith.constant 0 : i32
      %dma_start3A_528 = tpu.memref_slice %arg2[%dma_start3A_526, %dma_start3A_527] : memref<10240x128xf32, #tpu.memory_space<hbm>> -> memref<10240x128xf32, #tpu.memory_space<hbm>>
      tpu.enqueue_indirect_dma source(%dma_start3A_528 : memref<10240x128xf32, #tpu.memory_space<hbm>>) target(%dma_start3A_522 : memref<128x128xf32, #tpu.memory_space<vmem>>) offsets(%dma_start3A_525 : memref<128xi32, #tpu.memory_space<vmem>>) semaphore(%arg14 : memref<!tpu.dma_semaphore, #tpu.memory_space<semaphore_mem>>)
    } else {
    }
    %eq3A_115 = arith.constant 1 : i32
    %eq3A_116 = arith.cmpi eq, %arg0, %eq3A_115 : i32
    %convert_element_type3A_117 = arith.extui %eq3A_116 : i1 to i32
    %cond3A_118 = arith.constant 0 : i32
    %cond3A_119 = arith.cmpi ne, %convert_element_type3A_117, %cond3A_118 : i32
    scf.if %cond3A_119 {
      %dma_start3A_516 = arith.constant 1 : i32
      %dma_start3A_517 = arith.constant 0 : i32
      %dma_start3A_518 = arith.constant 1 : i32
      %dma_start3A_519 = arith.constant 0 : i32
      %dma_start3A_520 = arith.constant 0 : i32
      %dma_start3A_521 = tpu.memref_slice %arg8[%dma_start3A_518, %dma_start3A_519, %dma_start3A_520] : memref<2x128x128xf32, #tpu.memory_space<vmem>> -> memref<1x128x128xf32, #tpu.memory_space<vmem>>
      %dma_start3A_522 = tpu.memref_squeeze %dma_start3A_521 : memref<1x128x128xf32, #tpu.memory_space<vmem>> -> memref<128x128xf32, #tpu.memory_space<vmem>>
      %dma_start3A_523 = arith.constant 0 : i32
      %dma_start3A_524 = tpu.memref_slice %arg7[%dma_start3A_516, %dma_start3A_517, %dma_start3A_523] : memref<4x2x128xi32, #tpu.memory_space<vmem>> -> memref<1x1x128xi32, #tpu.memory_space<vmem>>
      %dma_start3A_525 = tpu.memref_squeeze %dma_start3A_524 : memref<1x1x128xi32, #tpu.memory_space<vmem>> -> memref<128xi32, #tpu.memory_space<vmem>>
      %dma_start3A_526 = arith.constant 0 : i32
      %dma_start3A_527 = arith.constant 0 : i32
      %dma_start3A_528 = tpu.memref_slice %arg3[%dma_start3A_526, %dma_start3A_527] : memref<10240x128xf32, #tpu.memory_space<hbm>> -> memref<10240x128xf32, #tpu.memory_space<hbm>>
      tpu.enqueue_indirect_dma source(%dma_start3A_528 : memref<10240x128xf32, #tpu.memory_space<hbm>>) target(%dma_start3A_522 : memref<128x128xf32, #tpu.memory_space<vmem>>) offsets(%dma_start3A_525 : memref<128xi32, #tpu.memory_space<vmem>>) semaphore(%arg14 : memref<!tpu.dma_semaphore, #tpu.memory_space<semaphore_mem>>)
    } else {
    }
    %min3A = arith.constant 3 : i32
    %min3A_120 = arith.constant 159 : i32
    %min3A_121 = arith.minsi %min3A, %min3A_120 : i32
    %add3A_122 = arith.addi %mul3A_9, %min3A_121 : i32
    %dma_start3A_123 = arith.constant 3 : i32
    %dma_start3A_124 = arith.constant 0 : i32
    %dma_start3A_125 = arith.constant 0 : i32
    %dma_start3A_126 = tpu.memref_slice %arg7[%dma_start3A_123, %dma_start3A_124, %dma_start3A_125] : memref<4x2x128xi32, #tpu.memory_space<vmem>> -> memref<1x2x128xi32, #tpu.memory_space<vmem>>
    %dma_start3A_127 = tpu.memref_squeeze %dma_start3A_126 : memref<1x2x128xi32, #tpu.memory_space<vmem>> -> memref<2x128xi32, #tpu.memory_space<vmem>>
    %dma_start3A_128 = arith.constant 0 : i32
    %dma_start3A_129 = arith.constant 0 : i32
    %dma_start3A_130 = tpu.memref_slice %arg4[%add3A_122, %dma_start3A_128, %dma_start3A_129] : memref<2560x2x128xi32, #tpu.memory_space<hbm>> -> memref<1x2x128xi32, #tpu.memory_space<hbm>>
    %dma_start3A_131 = tpu.memref_squeeze %dma_start3A_130 : memref<1x2x128xi32, #tpu.memory_space<hbm>> -> memref<2x128xi32, #tpu.memory_space<hbm>>
    %dma_start3A_132 = arith.constant 0 : i32
    %dma_start3A_133 = arith.constant 0 : i32
    %dma_start3A_134 = tpu.memref_slice %arg7[%dma_start3A_123, %dma_start3A_132, %dma_start3A_133] : memref<4x2x128xi32, #tpu.memory_space<vmem>> -> memref<1x2x128xi32, #tpu.memory_space<vmem>>
    %dma_start3A_135 = tpu.memref_squeeze %dma_start3A_134 : memref<1x2x128xi32, #tpu.memory_space<vmem>> -> memref<2x128xi32, #tpu.memory_space<vmem>>
    %dma_start3A_136 = arith.constant 0 : i32
    %dma_start3A_137 = arith.constant 0 : i32
    %dma_start3A_138 = tpu.memref_slice %arg4[%add3A_122, %dma_start3A_136, %dma_start3A_137] : memref<2560x2x128xi32, #tpu.memory_space<hbm>> -> memref<1x2x128xi32, #tpu.memory_space<hbm>>
    %dma_start3A_139 = tpu.memref_squeeze %dma_start3A_138 : memref<1x2x128xi32, #tpu.memory_space<hbm>> -> memref<2x128xi32, #tpu.memory_space<hbm>>
    tpu.enqueue_dma source(%dma_start3A_139 : memref<2x128xi32, #tpu.memory_space<hbm>>) target(%dma_start3A_135 : memref<2x128xi32, #tpu.memory_space<vmem>>) target_semaphore(%arg12 : memref<!tpu.dma_semaphore, #tpu.memory_space<semaphore_mem>>)
    %dma_wait3A_140 = arith.constant 0 : i32
    %dma_wait3A_141 = arith.constant 0 : i32
    %dma_wait3A_142 = arith.constant 0 : i32
    %dma_wait3A_143 = tpu.memref_slice %arg8[%dma_wait3A_140, %dma_wait3A_141, %dma_wait3A_142] : memref<2x128x128xf32, #tpu.memory_space<vmem>> -> memref<1x128x128xf32, #tpu.memory_space<vmem>>
    %dma_wait3A_144 = tpu.memref_squeeze %dma_wait3A_143 : memref<1x128x128xf32, #tpu.memory_space<vmem>> -> memref<128x128xf32, #tpu.memory_space<vmem>>
    %dma_wait3A_145 = arith.constant 0 : i32
    %dma_wait3A_146 = arith.constant 0 : i32
    %dma_wait3A_147 = tpu.memref_slice %arg2[%dma_wait3A_145, %dma_wait3A_146] : memref<10240x128xf32, #tpu.memory_space<hbm>> -> memref<128x128xf32, #tpu.memory_space<hbm>>
    %dma_wait3A_148 = arith.constant 0 : i32
    %dma_wait3A_149 = arith.constant 0 : i32
    %dma_wait3A_150 = tpu.memref_slice %arg8[%dma_wait3A_140, %dma_wait3A_148, %dma_wait3A_149] : memref<2x128x128xf32, #tpu.memory_space<vmem>> -> memref<1x128x128xf32, #tpu.memory_space<vmem>>
    %dma_wait3A_151 = tpu.memref_squeeze %dma_wait3A_150 : memref<1x128x128xf32, #tpu.memory_space<vmem>> -> memref<128x128xf32, #tpu.memory_space<vmem>>
    %dma_wait3A_152 = arith.constant 0 : i32
    %dma_wait3A_153 = arith.constant 0 : i32
    %dma_wait3A_154 = tpu.memref_slice %arg2[%dma_wait3A_152, %dma_wait3A_153] : memref<10240x128xf32, #tpu.memory_space<hbm>> -> memref<128x128xf32, #tpu.memory_space<hbm>>
    tpu.wait_dma2 semaphore(%arg13 : memref<!tpu.dma_semaphore, #tpu.memory_space<semaphore_mem>>) src(%dma_wait3A_154 : memref<128x128xf32, #tpu.memory_space<hbm>>) dst(%dma_wait3A_151 : memref<128x128xf32, #tpu.memory_space<vmem>>)
    %dma_start3A_155 = arith.constant 0 : i32
    %dma_start3A_156 = arith.constant 0 : i32
    %dma_start3A_157 = arith.constant 1 : i32
    %dma_start3A_158 = arith.constant 0 : i32
    %dma_start3A_159 = arith.constant 0 : i32
    %dma_start3A_160 = tpu.memref_slice %arg8[%dma_start3A_155, %dma_start3A_158, %dma_start3A_159] : memref<2x128x128xf32, #tpu.memory_space<vmem>> -> memref<1x128x128xf32, #tpu.memory_space<vmem>>
    %dma_start3A_161 = tpu.memref_squeeze %dma_start3A_160 : memref<1x128x128xf32, #tpu.memory_space<vmem>> -> memref<128x128xf32, #tpu.memory_space<vmem>>
    %dma_start3A_162 = arith.constant 0 : i32
    %dma_start3A_163 = tpu.memref_slice %arg7[%dma_start3A_156, %dma_start3A_157, %dma_start3A_162] : memref<4x2x128xi32, #tpu.memory_space<vmem>> -> memref<1x1x128xi32, #tpu.memory_space<vmem>>
    %dma_start3A_164 = tpu.memref_squeeze %dma_start3A_163 : memref<1x1x128xi32, #tpu.memory_space<vmem>> -> memref<128xi32, #tpu.memory_space<vmem>>
    %dma_start3A_165 = arith.constant 0 : i32
    %dma_start3A_166 = arith.constant 0 : i32
    %dma_start3A_167 = tpu.memref_slice %arg6[%dma_start3A_165, %dma_start3A_166] : memref<10240x128xf32, #tpu.memory_space<vmem_shared>> -> memref<10240x128xf32, #tpu.memory_space<vmem_shared>>
    tpu.enqueue_indirect_dma source(%dma_start3A_161 : memref<128x128xf32, #tpu.memory_space<vmem>>) target(%dma_start3A_167 : memref<10240x128xf32, #tpu.memory_space<vmem_shared>>) offsets(%dma_start3A_164 : memref<128xi32, #tpu.memory_space<vmem>>) semaphore(%arg15 : memref<!tpu.dma_semaphore, #tpu.memory_space<semaphore_mem>>) {add = true}
    %dma_wait3A_168 = arith.constant 0 : i32
    %dma_wait3A_169 = arith.constant 0 : i32
    %dma_wait3A_170 = arith.constant 0 : i32
    %dma_wait3A_171 = tpu.memref_slice %arg8[%dma_wait3A_168, %dma_wait3A_169, %dma_wait3A_170] : memref<2x128x128xf32, #tpu.memory_space<vmem>> -> memref<1x128x128xf32, #tpu.memory_space<vmem>>
    %dma_wait3A_172 = tpu.memref_squeeze %dma_wait3A_171 : memref<1x128x128xf32, #tpu.memory_space<vmem>> -> memref<128x128xf32, #tpu.memory_space<vmem>>
    %dma_wait3A_173 = arith.constant 0 : i32
    %dma_wait3A_174 = arith.constant 0 : i32
    %dma_wait3A_175 = tpu.memref_slice %arg2[%dma_wait3A_173, %dma_wait3A_174] : memref<10240x128xf32, #tpu.memory_space<hbm>> -> memref<128x128xf32, #tpu.memory_space<hbm>>
    %dma_wait3A_176 = arith.constant 0 : i32
    %dma_wait3A_177 = arith.constant 0 : i32
    %dma_wait3A_178 = tpu.memref_slice %arg8[%dma_wait3A_168, %dma_wait3A_176, %dma_wait3A_177] : memref<2x128x128xf32, #tpu.memory_space<vmem>> -> memref<1x128x128xf32, #tpu.memory_space<vmem>>
    %dma_wait3A_179 = tpu.memref_squeeze %dma_wait3A_178 : memref<1x128x128xf32, #tpu.memory_space<vmem>> -> memref<128x128xf32, #tpu.memory_space<vmem>>
    %dma_wait3A_180 = arith.constant 0 : i32
    %dma_wait3A_181 = arith.constant 0 : i32
    %dma_wait3A_182 = tpu.memref_slice %arg2[%dma_wait3A_180, %dma_wait3A_181] : memref<10240x128xf32, #tpu.memory_space<hbm>> -> memref<128x128xf32, #tpu.memory_space<hbm>>
    tpu.wait_dma2 semaphore(%arg15 : memref<!tpu.dma_semaphore, #tpu.memory_space<semaphore_mem>>) src(%dma_wait3A_182 : memref<128x128xf32, #tpu.memory_space<hbm>>) dst(%dma_wait3A_179 : memref<128x128xf32, #tpu.memory_space<vmem>>)
    %dma_wait3A_183 = arith.constant 0 : i32
    %dma_wait3A_184 = arith.constant 2 : i32
    %dma_wait3A_185 = arith.constant 0 : i32
    %dma_wait3A_186 = arith.constant 0 : i32
    %dma_wait3A_187 = tpu.memref_slice %arg7[%dma_wait3A_184, %dma_wait3A_185, %dma_wait3A_186] : memref<4x2x128xi32, #tpu.memory_space<vmem>> -> memref<1x2x128xi32, #tpu.memory_space<vmem>>
    %dma_wait3A_188 = tpu.memref_squeeze %dma_wait3A_187 : memref<1x2x128xi32, #tpu.memory_space<vmem>> -> memref<2x128xi32, #tpu.memory_space<vmem>>
    %dma_wait3A_189 = arith.constant 0 : i32
    %dma_wait3A_190 = arith.constant 0 : i32
    %dma_wait3A_191 = tpu.memref_slice %arg4[%dma_wait3A_183, %dma_wait3A_189, %dma_wait3A_190] : memref<2560x2x128xi32, #tpu.memory_space<hbm>> -> memref<1x2x128xi32, #tpu.memory_space<hbm>>
    %dma_wait3A_192 = tpu.memref_squeeze %dma_wait3A_191 : memref<1x2x128xi32, #tpu.memory_space<hbm>> -> memref<2x128xi32, #tpu.memory_space<hbm>>
    %dma_wait3A_193 = arith.constant 0 : i32
    %dma_wait3A_194 = arith.constant 0 : i32
    %dma_wait3A_195 = tpu.memref_slice %arg7[%dma_wait3A_184, %dma_wait3A_193, %dma_wait3A_194] : memref<4x2x128xi32, #tpu.memory_space<vmem>> -> memref<1x2x128xi32, #tpu.memory_space<vmem>>
    %dma_wait3A_196 = tpu.memref_squeeze %dma_wait3A_195 : memref<1x2x128xi32, #tpu.memory_space<vmem>> -> memref<2x128xi32, #tpu.memory_space<vmem>>
    %dma_wait3A_197 = arith.constant 0 : i32
    %dma_wait3A_198 = arith.constant 0 : i32
    %dma_wait3A_199 = tpu.memref_slice %arg4[%dma_wait3A_183, %dma_wait3A_197, %dma_wait3A_198] : memref<2560x2x128xi32, #tpu.memory_space<hbm>> -> memref<1x2x128xi32, #tpu.memory_space<hbm>>
    %dma_wait3A_200 = tpu.memref_squeeze %dma_wait3A_199 : memref<1x2x128xi32, #tpu.memory_space<hbm>> -> memref<2x128xi32, #tpu.memory_space<hbm>>
    tpu.wait_dma2 semaphore(%arg11 : memref<!tpu.dma_semaphore, #tpu.memory_space<semaphore_mem>>) src(%dma_wait3A_200 : memref<2x128xi32, #tpu.memory_space<hbm>>) dst(%dma_wait3A_196 : memref<2x128xi32, #tpu.memory_space<vmem>>)
    %eq3A_201 = arith.constant 0 : i32
    %eq3A_202 = arith.cmpi eq, %arg0, %eq3A_201 : i32
    %convert_element_type3A_203 = arith.extui %eq3A_202 : i1 to i32
    %cond3A_204 = arith.constant 0 : i32
    %cond3A_205 = arith.cmpi ne, %convert_element_type3A_203, %cond3A_204 : i32
    scf.if %cond3A_205 {
      %dma_start3A_516 = arith.constant 2 : i32
      %dma_start3A_517 = arith.constant 0 : i32
      %dma_start3A_518 = arith.constant 0 : i32
      %dma_start3A_519 = arith.constant 0 : i32
      %dma_start3A_520 = arith.constant 0 : i32
      %dma_start3A_521 = tpu.memref_slice %arg8[%dma_start3A_518, %dma_start3A_519, %dma_start3A_520] : memref<2x128x128xf32, #tpu.memory_space<vmem>> -> memref<1x128x128xf32, #tpu.memory_space<vmem>>
      %dma_start3A_522 = tpu.memref_squeeze %dma_start3A_521 : memref<1x128x128xf32, #tpu.memory_space<vmem>> -> memref<128x128xf32, #tpu.memory_space<vmem>>
      %dma_start3A_523 = arith.constant 0 : i32
      %dma_start3A_524 = tpu.memref_slice %arg7[%dma_start3A_516, %dma_start3A_517, %dma_start3A_523] : memref<4x2x128xi32, #tpu.memory_space<vmem>> -> memref<1x1x128xi32, #tpu.memory_space<vmem>>
      %dma_start3A_525 = tpu.memref_squeeze %dma_start3A_524 : memref<1x1x128xi32, #tpu.memory_space<vmem>> -> memref<128xi32, #tpu.memory_space<vmem>>
      %dma_start3A_526 = arith.constant 0 : i32
      %dma_start3A_527 = arith.constant 0 : i32
      %dma_start3A_528 = tpu.memref_slice %arg2[%dma_start3A_526, %dma_start3A_527] : memref<10240x128xf32, #tpu.memory_space<hbm>> -> memref<10240x128xf32, #tpu.memory_space<hbm>>
      tpu.enqueue_indirect_dma source(%dma_start3A_528 : memref<10240x128xf32, #tpu.memory_space<hbm>>) target(%dma_start3A_522 : memref<128x128xf32, #tpu.memory_space<vmem>>) offsets(%dma_start3A_525 : memref<128xi32, #tpu.memory_space<vmem>>) semaphore(%arg13 : memref<!tpu.dma_semaphore, #tpu.memory_space<semaphore_mem>>)
    } else {
    }
    %eq3A_206 = arith.constant 1 : i32
    %eq3A_207 = arith.cmpi eq, %arg0, %eq3A_206 : i32
    %convert_element_type3A_208 = arith.extui %eq3A_207 : i1 to i32
    %cond3A_209 = arith.constant 0 : i32
    %cond3A_210 = arith.cmpi ne, %convert_element_type3A_208, %cond3A_209 : i32
    scf.if %cond3A_210 {
      %dma_start3A_516 = arith.constant 2 : i32
      %dma_start3A_517 = arith.constant 0 : i32
      %dma_start3A_518 = arith.constant 0 : i32
      %dma_start3A_519 = arith.constant 0 : i32
      %dma_start3A_520 = arith.constant 0 : i32
      %dma_start3A_521 = tpu.memref_slice %arg8[%dma_start3A_518, %dma_start3A_519, %dma_start3A_520] : memref<2x128x128xf32, #tpu.memory_space<vmem>> -> memref<1x128x128xf32, #tpu.memory_space<vmem>>
      %dma_start3A_522 = tpu.memref_squeeze %dma_start3A_521 : memref<1x128x128xf32, #tpu.memory_space<vmem>> -> memref<128x128xf32, #tpu.memory_space<vmem>>
      %dma_start3A_523 = arith.constant 0 : i32
      %dma_start3A_524 = tpu.memref_slice %arg7[%dma_start3A_516, %dma_start3A_517, %dma_start3A_523] : memref<4x2x128xi32, #tpu.memory_space<vmem>> -> memref<1x1x128xi32, #tpu.memory_space<vmem>>
      %dma_start3A_525 = tpu.memref_squeeze %dma_start3A_524 : memref<1x1x128xi32, #tpu.memory_space<vmem>> -> memref<128xi32, #tpu.memory_space<vmem>>
      %dma_start3A_526 = arith.constant 0 : i32
      %dma_start3A_527 = arith.constant 0 : i32
      %dma_start3A_528 = tpu.memref_slice %arg3[%dma_start3A_526, %dma_start3A_527] : memref<10240x128xf32, #tpu.memory_space<hbm>> -> memref<10240x128xf32, #tpu.memory_space<hbm>>
      tpu.enqueue_indirect_dma source(%dma_start3A_528 : memref<10240x128xf32, #tpu.memory_space<hbm>>) target(%dma_start3A_522 : memref<128x128xf32, #tpu.memory_space<vmem>>) offsets(%dma_start3A_525 : memref<128xi32, #tpu.memory_space<vmem>>) semaphore(%arg13 : memref<!tpu.dma_semaphore, #tpu.memory_space<semaphore_mem>>)
    } else {
    }
    %min3A_211 = arith.constant 4 : i32
    %min3A_212 = arith.constant 159 : i32
    %min3A_213 = arith.minsi %min3A_211, %min3A_212 : i32
    %add3A_214 = arith.addi %mul3A_9, %min3A_213 : i32
    %dma_start3A_215 = arith.constant 0 : i32
    %dma_start3A_216 = arith.constant 0 : i32
    %dma_start3A_217 = arith.constant 0 : i32
    %dma_start3A_218 = tpu.memref_slice %arg7[%dma_start3A_215, %dma_start3A_216, %dma_start3A_217] : memref<4x2x128xi32, #tpu.memory_space<vmem>> -> memref<1x2x128xi32, #tpu.memory_space<vmem>>
    %dma_start3A_219 = tpu.memref_squeeze %dma_start3A_218 : memref<1x2x128xi32, #tpu.memory_space<vmem>> -> memref<2x128xi32, #tpu.memory_space<vmem>>
    %dma_start3A_220 = arith.constant 0 : i32
    %dma_start3A_221 = arith.constant 0 : i32
    %dma_start3A_222 = tpu.memref_slice %arg4[%add3A_214, %dma_start3A_220, %dma_start3A_221] : memref<2560x2x128xi32, #tpu.memory_space<hbm>> -> memref<1x2x128xi32, #tpu.memory_space<hbm>>
    %dma_start3A_223 = tpu.memref_squeeze %dma_start3A_222 : memref<1x2x128xi32, #tpu.memory_space<hbm>> -> memref<2x128xi32, #tpu.memory_space<hbm>>
    %dma_start3A_224 = arith.constant 0 : i32
    %dma_start3A_225 = arith.constant 0 : i32
    %dma_start3A_226 = tpu.memref_slice %arg7[%dma_start3A_215, %dma_start3A_224, %dma_start3A_225] : memref<4x2x128xi32, #tpu.memory_space<vmem>> -> memref<1x2x128xi32, #tpu.memory_space<vmem>>
    %dma_start3A_227 = tpu.memref_squeeze %dma_start3A_226 : memref<1x2x128xi32, #tpu.memory_space<vmem>> -> memref<2x128xi32, #tpu.memory_space<vmem>>
    %dma_start3A_228 = arith.constant 0 : i32
    %dma_start3A_229 = arith.constant 0 : i32
    %dma_start3A_230 = tpu.memref_slice %arg4[%add3A_214, %dma_start3A_228, %dma_start3A_229] : memref<2560x2x128xi32, #tpu.memory_space<hbm>> -> memref<1x2x128xi32, #tpu.memory_space<hbm>>
    %dma_start3A_231 = tpu.memref_squeeze %dma_start3A_230 : memref<1x2x128xi32, #tpu.memory_space<hbm>> -> memref<2x128xi32, #tpu.memory_space<hbm>>
    tpu.enqueue_dma source(%dma_start3A_231 : memref<2x128xi32, #tpu.memory_space<hbm>>) target(%dma_start3A_227 : memref<2x128xi32, #tpu.memory_space<vmem>>) target_semaphore(%arg9 : memref<!tpu.dma_semaphore, #tpu.memory_space<semaphore_mem>>)
    %dma_wait3A_232 = arith.constant 1 : i32
    %dma_wait3A_233 = arith.constant 0 : i32
    %dma_wait3A_234 = arith.constant 0 : i32
    %dma_wait3A_235 = tpu.memref_slice %arg8[%dma_wait3A_232, %dma_wait3A_233, %dma_wait3A_234] : memref<2x128x128xf32, #tpu.memory_space<vmem>> -> memref<1x128x128xf32, #tpu.memory_space<vmem>>
    %dma_wait3A_236 = tpu.memref_squeeze %dma_wait3A_235 : memref<1x128x128xf32, #tpu.memory_space<vmem>> -> memref<128x128xf32, #tpu.memory_space<vmem>>
    %dma_wait3A_237 = arith.constant 0 : i32
    %dma_wait3A_238 = arith.constant 0 : i32
    %dma_wait3A_239 = tpu.memref_slice %arg2[%dma_wait3A_237, %dma_wait3A_238] : memref<10240x128xf32, #tpu.memory_space<hbm>> -> memref<128x128xf32, #tpu.memory_space<hbm>>
    %dma_wait3A_240 = arith.constant 0 : i32
    %dma_wait3A_241 = arith.constant 0 : i32
    %dma_wait3A_242 = tpu.memref_slice %arg8[%dma_wait3A_232, %dma_wait3A_240, %dma_wait3A_241] : memref<2x128x128xf32, #tpu.memory_space<vmem>> -> memref<1x128x128xf32, #tpu.memory_space<vmem>>
    %dma_wait3A_243 = tpu.memref_squeeze %dma_wait3A_242 : memref<1x128x128xf32, #tpu.memory_space<vmem>> -> memref<128x128xf32, #tpu.memory_space<vmem>>
    %dma_wait3A_244 = arith.constant 0 : i32
    %dma_wait3A_245 = arith.constant 0 : i32
    %dma_wait3A_246 = tpu.memref_slice %arg2[%dma_wait3A_244, %dma_wait3A_245] : memref<10240x128xf32, #tpu.memory_space<hbm>> -> memref<128x128xf32, #tpu.memory_space<hbm>>
    tpu.wait_dma2 semaphore(%arg14 : memref<!tpu.dma_semaphore, #tpu.memory_space<semaphore_mem>>) src(%dma_wait3A_246 : memref<128x128xf32, #tpu.memory_space<hbm>>) dst(%dma_wait3A_243 : memref<128x128xf32, #tpu.memory_space<vmem>>)
    %dma_start3A_247 = arith.constant 1 : i32
    %dma_start3A_248 = arith.constant 1 : i32
    %dma_start3A_249 = arith.constant 1 : i32
    %dma_start3A_250 = arith.constant 0 : i32
    %dma_start3A_251 = arith.constant 0 : i32
    %dma_start3A_252 = tpu.memref_slice %arg8[%dma_start3A_247, %dma_start3A_250, %dma_start3A_251] : memref<2x128x128xf32, #tpu.memory_space<vmem>> -> memref<1x128x128xf32, #tpu.memory_space<vmem>>
    %dma_start3A_253 = tpu.memref_squeeze %dma_start3A_252 : memref<1x128x128xf32, #tpu.memory_space<vmem>> -> memref<128x128xf32, #tpu.memory_space<vmem>>
    %dma_start3A_254 = arith.constant 0 : i32
    %dma_start3A_255 = tpu.memref_slice %arg7[%dma_start3A_248, %dma_start3A_249, %dma_start3A_254] : memref<4x2x128xi32, #tpu.memory_space<vmem>> -> memref<1x1x128xi32, #tpu.memory_space<vmem>>
    %dma_start3A_256 = tpu.memref_squeeze %dma_start3A_255 : memref<1x1x128xi32, #tpu.memory_space<vmem>> -> memref<128xi32, #tpu.memory_space<vmem>>
    %dma_start3A_257 = arith.constant 0 : i32
    %dma_start3A_258 = arith.constant 0 : i32
    %dma_start3A_259 = tpu.memref_slice %arg6[%dma_start3A_257, %dma_start3A_258] : memref<10240x128xf32, #tpu.memory_space<vmem_shared>> -> memref<10240x128xf32, #tpu.memory_space<vmem_shared>>
    tpu.enqueue_indirect_dma source(%dma_start3A_253 : memref<128x128xf32, #tpu.memory_space<vmem>>) target(%dma_start3A_259 : memref<10240x128xf32, #tpu.memory_space<vmem_shared>>) offsets(%dma_start3A_256 : memref<128xi32, #tpu.memory_space<vmem>>) semaphore(%arg16 : memref<!tpu.dma_semaphore, #tpu.memory_space<semaphore_mem>>) {add = true}
    %dma_wait3A_260 = arith.constant 1 : i32
    %dma_wait3A_261 = arith.constant 0 : i32
    %dma_wait3A_262 = arith.constant 0 : i32
    %dma_wait3A_263 = tpu.memref_slice %arg8[%dma_wait3A_260, %dma_wait3A_261, %dma_wait3A_262] : memref<2x128x128xf32, #tpu.memory_space<vmem>> -> memref<1x128x128xf32, #tpu.memory_space<vmem>>
    %dma_wait3A_264 = tpu.memref_squeeze %dma_wait3A_263 : memref<1x128x128xf32, #tpu.memory_space<vmem>> -> memref<128x128xf32, #tpu.memory_space<vmem>>
    %dma_wait3A_265 = arith.constant 0 : i32
    %dma_wait3A_266 = arith.constant 0 : i32
    %dma_wait3A_267 = tpu.memref_slice %arg2[%dma_wait3A_265, %dma_wait3A_266] : memref<10240x128xf32, #tpu.memory_space<hbm>> -> memref<128x128xf32, #tpu.memory_space<hbm>>
    %dma_wait3A_268 = arith.constant 0 : i32
    %dma_wait3A_269 = arith.constant 0 : i32
    %dma_wait3A_270 = tpu.memref_slice %arg8[%dma_wait3A_260, %dma_wait3A_268, %dma_wait3A_269] : memref<2x128x128xf32, #tpu.memory_space<vmem>> -> memref<1x128x128xf32, #tpu.memory_space<vmem>>
    %dma_wait3A_271 = tpu.memref_squeeze %dma_wait3A_270 : memref<1x128x128xf32, #tpu.memory_space<vmem>> -> memref<128x128xf32, #tpu.memory_space<vmem>>
    %dma_wait3A_272 = arith.constant 0 : i32
    %dma_wait3A_273 = arith.constant 0 : i32
    %dma_wait3A_274 = tpu.memref_slice %arg2[%dma_wait3A_272, %dma_wait3A_273] : memref<10240x128xf32, #tpu.memory_space<hbm>> -> memref<128x128xf32, #tpu.memory_space<hbm>>
    tpu.wait_dma2 semaphore(%arg16 : memref<!tpu.dma_semaphore, #tpu.memory_space<semaphore_mem>>) src(%dma_wait3A_274 : memref<128x128xf32, #tpu.memory_space<hbm>>) dst(%dma_wait3A_271 : memref<128x128xf32, #tpu.memory_space<vmem>>)
    %dma_wait3A_275 = arith.constant 0 : i32
    %dma_wait3A_276 = arith.constant 3 : i32
    %dma_wait3A_277 = arith.constant 0 : i32
    %dma_wait3A_278 = arith.constant 0 : i32
    %dma_wait3A_279 = tpu.memref_slice %arg7[%dma_wait3A_276, %dma_wait3A_277, %dma_wait3A_278] : memref<4x2x128xi32, #tpu.memory_space<vmem>> -> memref<1x2x128xi32, #tpu.memory_space<vmem>>
    %dma_wait3A_280 = tpu.memref_squeeze %dma_wait3A_279 : memref<1x2x128xi32, #tpu.memory_space<vmem>> -> memref<2x128xi32, #tpu.memory_space<vmem>>
    %dma_wait3A_281 = arith.constant 0 : i32
    %dma_wait3A_282 = arith.constant 0 : i32
    %dma_wait3A_283 = tpu.memref_slice %arg4[%dma_wait3A_275, %dma_wait3A_281, %dma_wait3A_282] : memref<2560x2x128xi32, #tpu.memory_space<hbm>> -> memref<1x2x128xi32, #tpu.memory_space<hbm>>
    %dma_wait3A_284 = tpu.memref_squeeze %dma_wait3A_283 : memref<1x2x128xi32, #tpu.memory_space<hbm>> -> memref<2x128xi32, #tpu.memory_space<hbm>>
    %dma_wait3A_285 = arith.constant 0 : i32
    %dma_wait3A_286 = arith.constant 0 : i32
    %dma_wait3A_287 = tpu.memref_slice %arg7[%dma_wait3A_276, %dma_wait3A_285, %dma_wait3A_286] : memref<4x2x128xi32, #tpu.memory_space<vmem>> -> memref<1x2x128xi32, #tpu.memory_space<vmem>>
    %dma_wait3A_288 = tpu.memref_squeeze %dma_wait3A_287 : memref<1x2x128xi32, #tpu.memory_space<vmem>> -> memref<2x128xi32, #tpu.memory_space<vmem>>
    %dma_wait3A_289 = arith.constant 0 : i32
    %dma_wait3A_290 = arith.constant 0 : i32
    %dma_wait3A_291 = tpu.memref_slice %arg4[%dma_wait3A_275, %dma_wait3A_289, %dma_wait3A_290] : memref<2560x2x128xi32, #tpu.memory_space<hbm>> -> memref<1x2x128xi32, #tpu.memory_space<hbm>>
    %dma_wait3A_292 = tpu.memref_squeeze %dma_wait3A_291 : memref<1x2x128xi32, #tpu.memory_space<hbm>> -> memref<2x128xi32, #tpu.memory_space<hbm>>
    tpu.wait_dma2 semaphore(%arg12 : memref<!tpu.dma_semaphore, #tpu.memory_space<semaphore_mem>>) src(%dma_wait3A_292 : memref<2x128xi32, #tpu.memory_space<hbm>>) dst(%dma_wait3A_288 : memref<2x128xi32, #tpu.memory_space<vmem>>)
    %eq3A_293 = arith.constant 0 : i32
    %eq3A_294 = arith.cmpi eq, %arg0, %eq3A_293 : i32
    %convert_element_type3A_295 = arith.extui %eq3A_294 : i1 to i32
    %cond3A_296 = arith.constant 0 : i32
    %cond3A_297 = arith.cmpi ne, %convert_element_type3A_295, %cond3A_296 : i32
    scf.if %cond3A_297 {
      %dma_start3A_516 = arith.constant 3 : i32
      %dma_start3A_517 = arith.constant 0 : i32
      %dma_start3A_518 = arith.constant 1 : i32
      %dma_start3A_519 = arith.constant 0 : i32
      %dma_start3A_520 = arith.constant 0 : i32
      %dma_start3A_521 = tpu.memref_slice %arg8[%dma_start3A_518, %dma_start3A_519, %dma_start3A_520] : memref<2x128x128xf32, #tpu.memory_space<vmem>> -> memref<1x128x128xf32, #tpu.memory_space<vmem>>
      %dma_start3A_522 = tpu.memref_squeeze %dma_start3A_521 : memref<1x128x128xf32, #tpu.memory_space<vmem>> -> memref<128x128xf32, #tpu.memory_space<vmem>>
      %dma_start3A_523 = arith.constant 0 : i32
      %dma_start3A_524 = tpu.memref_slice %arg7[%dma_start3A_516, %dma_start3A_517, %dma_start3A_523] : memref<4x2x128xi32, #tpu.memory_space<vmem>> -> memref<1x1x128xi32, #tpu.memory_space<vmem>>
      %dma_start3A_525 = tpu.memref_squeeze %dma_start3A_524 : memref<1x1x128xi32, #tpu.memory_space<vmem>> -> memref<128xi32, #tpu.memory_space<vmem>>
      %dma_start3A_526 = arith.constant 0 : i32
      %dma_start3A_527 = arith.constant 0 : i32
      %dma_start3A_528 = tpu.memref_slice %arg2[%dma_start3A_526, %dma_start3A_527] : memref<10240x128xf32, #tpu.memory_space<hbm>> -> memref<10240x128xf32, #tpu.memory_space<hbm>>
      tpu.enqueue_indirect_dma source(%dma_start3A_528 : memref<10240x128xf32, #tpu.memory_space<hbm>>) target(%dma_start3A_522 : memref<128x128xf32, #tpu.memory_space<vmem>>) offsets(%dma_start3A_525 : memref<128xi32, #tpu.memory_space<vmem>>) semaphore(%arg14 : memref<!tpu.dma_semaphore, #tpu.memory_space<semaphore_mem>>)
    } else {
    }
    %eq3A_298 = arith.constant 1 : i32
    %eq3A_299 = arith.cmpi eq, %arg0, %eq3A_298 : i32
    %convert_element_type3A_300 = arith.extui %eq3A_299 : i1 to i32
    %cond3A_301 = arith.constant 0 : i32
    %cond3A_302 = arith.cmpi ne, %convert_element_type3A_300, %cond3A_301 : i32
    scf.if %cond3A_302 {
      %dma_start3A_516 = arith.constant 3 : i32
      %dma_start3A_517 = arith.constant 0 : i32
      %dma_start3A_518 = arith.constant 1 : i32
      %dma_start3A_519 = arith.constant 0 : i32
      %dma_start3A_520 = arith.constant 0 : i32
      %dma_start3A_521 = tpu.memref_slice %arg8[%dma_start3A_518, %dma_start3A_519, %dma_start3A_520] : memref<2x128x128xf32, #tpu.memory_space<vmem>> -> memref<1x128x128xf32, #tpu.memory_space<vmem>>
      %dma_start3A_522 = tpu.memref_squeeze %dma_start3A_521 : memref<1x128x128xf32, #tpu.memory_space<vmem>> -> memref<128x128xf32, #tpu.memory_space<vmem>>
      %dma_start3A_523 = arith.constant 0 : i32
      %dma_start3A_524 = tpu.memref_slice %arg7[%dma_start3A_516, %dma_start3A_517, %dma_start3A_523] : memref<4x2x128xi32, #tpu.memory_space<vmem>> -> memref<1x1x128xi32, #tpu.memory_space<vmem>>
      %dma_start3A_525 = tpu.memref_squeeze %dma_start3A_524 : memref<1x1x128xi32, #tpu.memory_space<vmem>> -> memref<128xi32, #tpu.memory_space<vmem>>
      %dma_start3A_526 = arith.constant 0 : i32
      %dma_start3A_527 = arith.constant 0 : i32
      %dma_start3A_528 = tpu.memref_slice %arg3[%dma_start3A_526, %dma_start3A_527] : memref<10240x128xf32, #tpu.memory_space<hbm>> -> memref<10240x128xf32, #tpu.memory_space<hbm>>
      tpu.enqueue_indirect_dma source(%dma_start3A_528 : memref<10240x128xf32, #tpu.memory_space<hbm>>) target(%dma_start3A_522 : memref<128x128xf32, #tpu.memory_space<vmem>>) offsets(%dma_start3A_525 : memref<128xi32, #tpu.memory_space<vmem>>) semaphore(%arg14 : memref<!tpu.dma_semaphore, #tpu.memory_space<semaphore_mem>>)
    } else {
    }
    %min3A_303 = arith.constant 5 : i32
    %min3A_304 = arith.constant 159 : i32
    %min3A_305 = arith.minsi %min3A_303, %min3A_304 : i32
    %add3A_306 = arith.addi %mul3A_9, %min3A_305 : i32
    %dma_start3A_307 = arith.constant 1 : i32
    %dma_start3A_308 = arith.constant 0 : i32
    %dma_start3A_309 = arith.constant 0 : i32
    %dma_start3A_310 = tpu.memref_slice %arg7[%dma_start3A_307, %dma_start3A_308, %dma_start3A_309] : memref<4x2x128xi32, #tpu.memory_space<vmem>> -> memref<1x2x128xi32, #tpu.memory_space<vmem>>
    %dma_start3A_311 = tpu.memref_squeeze %dma_start3A_310 : memref<1x2x128xi32, #tpu.memory_space<vmem>> -> memref<2x128xi32, #tpu.memory_space<vmem>>
    %dma_start3A_312 = arith.constant 0 : i32
    %dma_start3A_313 = arith.constant 0 : i32
    %dma_start3A_314 = tpu.memref_slice %arg4[%add3A_306, %dma_start3A_312, %dma_start3A_313] : memref<2560x2x128xi32, #tpu.memory_space<hbm>> -> memref<1x2x128xi32, #tpu.memory_space<hbm>>
    %dma_start3A_315 = tpu.memref_squeeze %dma_start3A_314 : memref<1x2x128xi32, #tpu.memory_space<hbm>> -> memref<2x128xi32, #tpu.memory_space<hbm>>
    %dma_start3A_316 = arith.constant 0 : i32
    %dma_start3A_317 = arith.constant 0 : i32
    %dma_start3A_318 = tpu.memref_slice %arg7[%dma_start3A_307, %dma_start3A_316, %dma_start3A_317] : memref<4x2x128xi32, #tpu.memory_space<vmem>> -> memref<1x2x128xi32, #tpu.memory_space<vmem>>
    %dma_start3A_319 = tpu.memref_squeeze %dma_start3A_318 : memref<1x2x128xi32, #tpu.memory_space<vmem>> -> memref<2x128xi32, #tpu.memory_space<vmem>>
    %dma_start3A_320 = arith.constant 0 : i32
    %dma_start3A_321 = arith.constant 0 : i32
    %dma_start3A_322 = tpu.memref_slice %arg4[%add3A_306, %dma_start3A_320, %dma_start3A_321] : memref<2560x2x128xi32, #tpu.memory_space<hbm>> -> memref<1x2x128xi32, #tpu.memory_space<hbm>>
    %dma_start3A_323 = tpu.memref_squeeze %dma_start3A_322 : memref<1x2x128xi32, #tpu.memory_space<hbm>> -> memref<2x128xi32, #tpu.memory_space<hbm>>
    tpu.enqueue_dma source(%dma_start3A_323 : memref<2x128xi32, #tpu.memory_space<hbm>>) target(%dma_start3A_319 : memref<2x128xi32, #tpu.memory_space<vmem>>) target_semaphore(%arg10 : memref<!tpu.dma_semaphore, #tpu.memory_space<semaphore_mem>>)
    %dma_wait3A_324 = arith.constant 0 : i32
    %dma_wait3A_325 = arith.constant 0 : i32
    %dma_wait3A_326 = arith.constant 0 : i32
    %dma_wait3A_327 = tpu.memref_slice %arg8[%dma_wait3A_324, %dma_wait3A_325, %dma_wait3A_326] : memref<2x128x128xf32, #tpu.memory_space<vmem>> -> memref<1x128x128xf32, #tpu.memory_space<vmem>>
    %dma_wait3A_328 = tpu.memref_squeeze %dma_wait3A_327 : memref<1x128x128xf32, #tpu.memory_space<vmem>> -> memref<128x128xf32, #tpu.memory_space<vmem>>
    %dma_wait3A_329 = arith.constant 0 : i32
    %dma_wait3A_330 = arith.constant 0 : i32
    %dma_wait3A_331 = tpu.memref_slice %arg2[%dma_wait3A_329, %dma_wait3A_330] : memref<10240x128xf32, #tpu.memory_space<hbm>> -> memref<128x128xf32, #tpu.memory_space<hbm>>
    %dma_wait3A_332 = arith.constant 0 : i32
    %dma_wait3A_333 = arith.constant 0 : i32
    %dma_wait3A_334 = tpu.memref_slice %arg8[%dma_wait3A_324, %dma_wait3A_332, %dma_wait3A_333] : memref<2x128x128xf32, #tpu.memory_space<vmem>> -> memref<1x128x128xf32, #tpu.memory_space<vmem>>
    %dma_wait3A_335 = tpu.memref_squeeze %dma_wait3A_334 : memref<1x128x128xf32, #tpu.memory_space<vmem>> -> memref<128x128xf32, #tpu.memory_space<vmem>>
    %dma_wait3A_336 = arith.constant 0 : i32
    %dma_wait3A_337 = arith.constant 0 : i32
    %dma_wait3A_338 = tpu.memref_slice %arg2[%dma_wait3A_336, %dma_wait3A_337] : memref<10240x128xf32, #tpu.memory_space<hbm>> -> memref<128x128xf32, #tpu.memory_space<hbm>>
    tpu.wait_dma2 semaphore(%arg13 : memref<!tpu.dma_semaphore, #tpu.memory_space<semaphore_mem>>) src(%dma_wait3A_338 : memref<128x128xf32, #tpu.memory_space<hbm>>) dst(%dma_wait3A_335 : memref<128x128xf32, #tpu.memory_space<vmem>>)
    %dma_start3A_339 = arith.constant 0 : i32
    %dma_start3A_340 = arith.constant 2 : i32
    %dma_start3A_341 = arith.constant 1 : i32
    %dma_start3A_342 = arith.constant 0 : i32
    %dma_start3A_343 = arith.constant 0 : i32
    %dma_start3A_344 = tpu.memref_slice %arg8[%dma_start3A_339, %dma_start3A_342, %dma_start3A_343] : memref<2x128x128xf32, #tpu.memory_space<vmem>> -> memref<1x128x128xf32, #tpu.memory_space<vmem>>
    %dma_start3A_345 = tpu.memref_squeeze %dma_start3A_344 : memref<1x128x128xf32, #tpu.memory_space<vmem>> -> memref<128x128xf32, #tpu.memory_space<vmem>>
    %dma_start3A_346 = arith.constant 0 : i32
    %dma_start3A_347 = tpu.memref_slice %arg7[%dma_start3A_340, %dma_start3A_341, %dma_start3A_346] : memref<4x2x128xi32, #tpu.memory_space<vmem>> -> memref<1x1x128xi32, #tpu.memory_space<vmem>>
    %dma_start3A_348 = tpu.memref_squeeze %dma_start3A_347 : memref<1x1x128xi32, #tpu.memory_space<vmem>> -> memref<128xi32, #tpu.memory_space<vmem>>
    %dma_start3A_349 = arith.constant 0 : i32
    %dma_start3A_350 = arith.constant 0 : i32
    %dma_start3A_351 = tpu.memref_slice %arg6[%dma_start3A_349, %dma_start3A_350] : memref<10240x128xf32, #tpu.memory_space<vmem_shared>> -> memref<10240x128xf32, #tpu.memory_space<vmem_shared>>
    tpu.enqueue_indirect_dma source(%dma_start3A_345 : memref<128x128xf32, #tpu.memory_space<vmem>>) target(%dma_start3A_351 : memref<10240x128xf32, #tpu.memory_space<vmem_shared>>) offsets(%dma_start3A_348 : memref<128xi32, #tpu.memory_space<vmem>>) semaphore(%arg15 : memref<!tpu.dma_semaphore, #tpu.memory_space<semaphore_mem>>) {add = true}
    %dma_wait3A_352 = arith.constant 0 : i32
    %dma_wait3A_353 = arith.constant 0 : i32
    %dma_wait3A_354 = arith.constant 0 : i32
    %dma_wait3A_355 = tpu.memref_slice %arg8[%dma_wait3A_352, %dma_wait3A_353, %dma_wait3A_354] : memref<2x128x128xf32, #tpu.memory_space<vmem>> -> memref<1x128x128xf32, #tpu.memory_space<vmem>>
    %dma_wait3A_356 = tpu.memref_squeeze %dma_wait3A_355 : memref<1x128x128xf32, #tpu.memory_space<vmem>> -> memref<128x128xf32, #tpu.memory_space<vmem>>
    %dma_wait3A_357 = arith.constant 0 : i32
    %dma_wait3A_358 = arith.constant 0 : i32
    %dma_wait3A_359 = tpu.memref_slice %arg2[%dma_wait3A_357, %dma_wait3A_358] : memref<10240x128xf32, #tpu.memory_space<hbm>> -> memref<128x128xf32, #tpu.memory_space<hbm>>
    %dma_wait3A_360 = arith.constant 0 : i32
    %dma_wait3A_361 = arith.constant 0 : i32
    %dma_wait3A_362 = tpu.memref_slice %arg8[%dma_wait3A_352, %dma_wait3A_360, %dma_wait3A_361] : memref<2x128x128xf32, #tpu.memory_space<vmem>> -> memref<1x128x128xf32, #tpu.memory_space<vmem>>
    %dma_wait3A_363 = tpu.memref_squeeze %dma_wait3A_362 : memref<1x128x128xf32, #tpu.memory_space<vmem>> -> memref<128x128xf32, #tpu.memory_space<vmem>>
    %dma_wait3A_364 = arith.constant 0 : i32
    %dma_wait3A_365 = arith.constant 0 : i32
    %dma_wait3A_366 = tpu.memref_slice %arg2[%dma_wait3A_364, %dma_wait3A_365] : memref<10240x128xf32, #tpu.memory_space<hbm>> -> memref<128x128xf32, #tpu.memory_space<hbm>>
    tpu.wait_dma2 semaphore(%arg15 : memref<!tpu.dma_semaphore, #tpu.memory_space<semaphore_mem>>) src(%dma_wait3A_366 : memref<128x128xf32, #tpu.memory_space<hbm>>) dst(%dma_wait3A_363 : memref<128x128xf32, #tpu.memory_space<vmem>>)
    %dma_wait3A_367 = arith.constant 0 : i32
    %dma_wait3A_368 = arith.constant 0 : i32
    %dma_wait3A_369 = arith.constant 0 : i32
    %dma_wait3A_370 = arith.constant 0 : i32
    %dma_wait3A_371 = tpu.memref_slice %arg7[%dma_wait3A_368, %dma_wait3A_369, %dma_wait3A_370] : memref<4x2x128xi32, #tpu.memory_space<vmem>> -> memref<1x2x128xi32, #tpu.memory_space<vmem>>
    %dma_wait3A_372 = tpu.memref_squeeze %dma_wait3A_371 : memref<1x2x128xi32, #tpu.memory_space<vmem>> -> memref<2x128xi32, #tpu.memory_space<vmem>>
    %dma_wait3A_373 = arith.constant 0 : i32
    %dma_wait3A_374 = arith.constant 0 : i32
    %dma_wait3A_375 = tpu.memref_slice %arg4[%dma_wait3A_367, %dma_wait3A_373, %dma_wait3A_374] : memref<2560x2x128xi32, #tpu.memory_space<hbm>> -> memref<1x2x128xi32, #tpu.memory_space<hbm>>
    %dma_wait3A_376 = tpu.memref_squeeze %dma_wait3A_375 : memref<1x2x128xi32, #tpu.memory_space<hbm>> -> memref<2x128xi32, #tpu.memory_space<hbm>>
    %dma_wait3A_377 = arith.constant 0 : i32
    %dma_wait3A_378 = arith.constant 0 : i32
    %dma_wait3A_379 = tpu.memref_slice %arg7[%dma_wait3A_368, %dma_wait3A_377, %dma_wait3A_378] : memref<4x2x128xi32, #tpu.memory_space<vmem>> -> memref<1x2x128xi32, #tpu.memory_space<vmem>>
    %dma_wait3A_380 = tpu.memref_squeeze %dma_wait3A_379 : memref<1x2x128xi32, #tpu.memory_space<vmem>> -> memref<2x128xi32, #tpu.memory_space<vmem>>
    %dma_wait3A_381 = arith.constant 0 : i32
    %dma_wait3A_382 = arith.constant 0 : i32
    %dma_wait3A_383 = tpu.memref_slice %arg4[%dma_wait3A_367, %dma_wait3A_381, %dma_wait3A_382] : memref<2560x2x128xi32, #tpu.memory_space<hbm>> -> memref<1x2x128xi32, #tpu.memory_space<hbm>>
    %dma_wait3A_384 = tpu.memref_squeeze %dma_wait3A_383 : memref<1x2x128xi32, #tpu.memory_space<hbm>> -> memref<2x128xi32, #tpu.memory_space<hbm>>
    tpu.wait_dma2 semaphore(%arg9 : memref<!tpu.dma_semaphore, #tpu.memory_space<semaphore_mem>>) src(%dma_wait3A_384 : memref<2x128xi32, #tpu.memory_space<hbm>>) dst(%dma_wait3A_380 : memref<2x128xi32, #tpu.memory_space<vmem>>)
    %eq3A_385 = arith.constant 0 : i32
    %eq3A_386 = arith.cmpi eq, %arg0, %eq3A_385 : i32
    %convert_element_type3A_387 = arith.extui %eq3A_386 : i1 to i32
    %cond3A_388 = arith.constant 0 : i32
    %cond3A_389 = arith.cmpi ne, %convert_element_type3A_387, %cond3A_388 : i32
    scf.if %cond3A_389 {
      %dma_start3A_516 = arith.constant 0 : i32
      %dma_start3A_517 = arith.constant 0 : i32
      %dma_start3A_518 = arith.constant 0 : i32
      %dma_start3A_519 = arith.constant 0 : i32
      %dma_start3A_520 = arith.constant 0 : i32
      %dma_start3A_521 = tpu.memref_slice %arg8[%dma_start3A_518, %dma_start3A_519, %dma_start3A_520] : memref<2x128x128xf32, #tpu.memory_space<vmem>> -> memref<1x128x128xf32, #tpu.memory_space<vmem>>
      %dma_start3A_522 = tpu.memref_squeeze %dma_start3A_521 : memref<1x128x128xf32, #tpu.memory_space<vmem>> -> memref<128x128xf32, #tpu.memory_space<vmem>>
      %dma_start3A_523 = arith.constant 0 : i32
      %dma_start3A_524 = tpu.memref_slice %arg7[%dma_start3A_516, %dma_start3A_517, %dma_start3A_523] : memref<4x2x128xi32, #tpu.memory_space<vmem>> -> memref<1x1x128xi32, #tpu.memory_space<vmem>>
      %dma_start3A_525 = tpu.memref_squeeze %dma_start3A_524 : memref<1x1x128xi32, #tpu.memory_space<vmem>> -> memref<128xi32, #tpu.memory_space<vmem>>
      %dma_start3A_526 = arith.constant 0 : i32
      %dma_start3A_527 = arith.constant 0 : i32
      %dma_start3A_528 = tpu.memref_slice %arg2[%dma_start3A_526, %dma_start3A_527] : memref<10240x128xf32, #tpu.memory_space<hbm>> -> memref<10240x128xf32, #tpu.memory_space<hbm>>
      tpu.enqueue_indirect_dma source(%dma_start3A_528 : memref<10240x128xf32, #tpu.memory_space<hbm>>) target(%dma_start3A_522 : memref<128x128xf32, #tpu.memory_space<vmem>>) offsets(%dma_start3A_525 : memref<128xi32, #tpu.memory_space<vmem>>) semaphore(%arg13 : memref<!tpu.dma_semaphore, #tpu.memory_space<semaphore_mem>>)
    } else {
    }
    %eq3A_390 = arith.constant 1 : i32
    %eq3A_391 = arith.cmpi eq, %arg0, %eq3A_390 : i32
    %convert_element_type3A_392 = arith.extui %eq3A_391 : i1 to i32
    %cond3A_393 = arith.constant 0 : i32
    %cond3A_394 = arith.cmpi ne, %convert_element_type3A_392, %cond3A_393 : i32
    scf.if %cond3A_394 {
      %dma_start3A_516 = arith.constant 0 : i32
      %dma_start3A_517 = arith.constant 0 : i32
      %dma_start3A_518 = arith.constant 0 : i32
      %dma_start3A_519 = arith.constant 0 : i32
      %dma_start3A_520 = arith.constant 0 : i32
      %dma_start3A_521 = tpu.memref_slice %arg8[%dma_start3A_518, %dma_start3A_519, %dma_start3A_520] : memref<2x128x128xf32, #tpu.memory_space<vmem>> -> memref<1x128x128xf32, #tpu.memory_space<vmem>>
      %dma_start3A_522 = tpu.memref_squeeze %dma_start3A_521 : memref<1x128x128xf32, #tpu.memory_space<vmem>> -> memref<128x128xf32, #tpu.memory_space<vmem>>
      %dma_start3A_523 = arith.constant 0 : i32
      %dma_start3A_524 = tpu.memref_slice %arg7[%dma_start3A_516, %dma_start3A_517, %dma_start3A_523] : memref<4x2x128xi32, #tpu.memory_space<vmem>> -> memref<1x1x128xi32, #tpu.memory_space<vmem>>
      %dma_start3A_525 = tpu.memref_squeeze %dma_start3A_524 : memref<1x1x128xi32, #tpu.memory_space<vmem>> -> memref<128xi32, #tpu.memory_space<vmem>>
      %dma_start3A_526 = arith.constant 0 : i32
      %dma_start3A_527 = arith.constant 0 : i32
      %dma_start3A_528 = tpu.memref_slice %arg3[%dma_start3A_526, %dma_start3A_527] : memref<10240x128xf32, #tpu.memory_space<hbm>> -> memref<10240x128xf32, #tpu.memory_space<hbm>>
      tpu.enqueue_indirect_dma source(%dma_start3A_528 : memref<10240x128xf32, #tpu.memory_space<hbm>>) target(%dma_start3A_522 : memref<128x128xf32, #tpu.memory_space<vmem>>) offsets(%dma_start3A_525 : memref<128xi32, #tpu.memory_space<vmem>>) semaphore(%arg13 : memref<!tpu.dma_semaphore, #tpu.memory_space<semaphore_mem>>)
    } else {
    }
    %min3A_395 = arith.constant 6 : i32
    %min3A_396 = arith.constant 159 : i32
    %min3A_397 = arith.minsi %min3A_395, %min3A_396 : i32
    %add3A_398 = arith.addi %mul3A_9, %min3A_397 : i32
    %dma_start3A_399 = arith.constant 2 : i32
    %dma_start3A_400 = arith.constant 0 : i32
    %dma_start3A_401 = arith.constant 0 : i32
    %dma_start3A_402 = tpu.memref_slice %arg7[%dma_start3A_399, %dma_start3A_400, %dma_start3A_401] : memref<4x2x128xi32, #tpu.memory_space<vmem>> -> memref<1x2x128xi32, #tpu.memory_space<vmem>>
    %dma_start3A_403 = tpu.memref_squeeze %dma_start3A_402 : memref<1x2x128xi32, #tpu.memory_space<vmem>> -> memref<2x128xi32, #tpu.memory_space<vmem>>
    %dma_start3A_404 = arith.constant 0 : i32
    %dma_start3A_405 = arith.constant 0 : i32
    %dma_start3A_406 = tpu.memref_slice %arg4[%add3A_398, %dma_start3A_404, %dma_start3A_405] : memref<2560x2x128xi32, #tpu.memory_space<hbm>> -> memref<1x2x128xi32, #tpu.memory_space<hbm>>
    %dma_start3A_407 = tpu.memref_squeeze %dma_start3A_406 : memref<1x2x128xi32, #tpu.memory_space<hbm>> -> memref<2x128xi32, #tpu.memory_space<hbm>>
    %dma_start3A_408 = arith.constant 0 : i32
    %dma_start3A_409 = arith.constant 0 : i32
    %dma_start3A_410 = tpu.memref_slice %arg7[%dma_start3A_399, %dma_start3A_408, %dma_start3A_409] : memref<4x2x128xi32, #tpu.memory_space<vmem>> -> memref<1x2x128xi32, #tpu.memory_space<vmem>>
    %dma_start3A_411 = tpu.memref_squeeze %dma_start3A_410 : memref<1x2x128xi32, #tpu.memory_space<vmem>> -> memref<2x128xi32, #tpu.memory_space<vmem>>
    %dma_start3A_412 = arith.constant 0 : i32
    %dma_start3A_413 = arith.constant 0 : i32
    %dma_start3A_414 = tpu.memref_slice %arg4[%add3A_398, %dma_start3A_412, %dma_start3A_413] : memref<2560x2x128xi32, #tpu.memory_space<hbm>> -> memref<1x2x128xi32, #tpu.memory_space<hbm>>
    %dma_start3A_415 = tpu.memref_squeeze %dma_start3A_414 : memref<1x2x128xi32, #tpu.memory_space<hbm>> -> memref<2x128xi32, #tpu.memory_space<hbm>>
    tpu.enqueue_dma source(%dma_start3A_415 : memref<2x128xi32, #tpu.memory_space<hbm>>) target(%dma_start3A_411 : memref<2x128xi32, #tpu.memory_space<vmem>>) target_semaphore(%arg11 : memref<!tpu.dma_semaphore, #tpu.memory_space<semaphore_mem>>)
    %dma_wait3A_416 = arith.constant 1 : i32
    %dma_wait3A_417 = arith.constant 0 : i32
    %dma_wait3A_418 = arith.constant 0 : i32
    %dma_wait3A_419 = tpu.memref_slice %arg8[%dma_wait3A_416, %dma_wait3A_417, %dma_wait3A_418] : memref<2x128x128xf32, #tpu.memory_space<vmem>> -> memref<1x128x128xf32, #tpu.memory_space<vmem>>
    %dma_wait3A_420 = tpu.memref_squeeze %dma_wait3A_419 : memref<1x128x128xf32, #tpu.memory_space<vmem>> -> memref<128x128xf32, #tpu.memory_space<vmem>>
    %dma_wait3A_421 = arith.constant 0 : i32
    %dma_wait3A_422 = arith.constant 0 : i32
    %dma_wait3A_423 = tpu.memref_slice %arg2[%dma_wait3A_421, %dma_wait3A_422] : memref<10240x128xf32, #tpu.memory_space<hbm>> -> memref<128x128xf32, #tpu.memory_space<hbm>>
    %dma_wait3A_424 = arith.constant 0 : i32
    %dma_wait3A_425 = arith.constant 0 : i32
    %dma_wait3A_426 = tpu.memref_slice %arg8[%dma_wait3A_416, %dma_wait3A_424, %dma_wait3A_425] : memref<2x128x128xf32, #tpu.memory_space<vmem>> -> memref<1x128x128xf32, #tpu.memory_space<vmem>>
    %dma_wait3A_427 = tpu.memref_squeeze %dma_wait3A_426 : memref<1x128x128xf32, #tpu.memory_space<vmem>> -> memref<128x128xf32, #tpu.memory_space<vmem>>
    %dma_wait3A_428 = arith.constant 0 : i32
    %dma_wait3A_429 = arith.constant 0 : i32
    %dma_wait3A_430 = tpu.memref_slice %arg2[%dma_wait3A_428, %dma_wait3A_429] : memref<10240x128xf32, #tpu.memory_space<hbm>> -> memref<128x128xf32, #tpu.memory_space<hbm>>
    tpu.wait_dma2 semaphore(%arg14 : memref<!tpu.dma_semaphore, #tpu.memory_space<semaphore_mem>>) src(%dma_wait3A_430 : memref<128x128xf32, #tpu.memory_space<hbm>>) dst(%dma_wait3A_427 : memref<128x128xf32, #tpu.memory_space<vmem>>)
    %dma_start3A_431 = arith.constant 1 : i32
    %dma_start3A_432 = arith.constant 3 : i32
    %dma_start3A_433 = arith.constant 1 : i32
    %dma_start3A_434 = arith.constant 0 : i32
    %dma_start3A_435 = arith.constant 0 : i32
    %dma_start3A_436 = tpu.memref_slice %arg8[%dma_start3A_431, %dma_start3A_434, %dma_start3A_435] : memref<2x128x128xf32, #tpu.memory_space<vmem>> -> memref<1x128x128xf32, #tpu.memory_space<vmem>>
    %dma_start3A_437 = tpu.memref_squeeze %dma_start3A_436 : memref<1x128x128xf32, #tpu.memory_space<vmem>> -> memref<128x128xf32, #tpu.memory_space<vmem>>
    %dma_start3A_438 = arith.constant 0 : i32
    %dma_start3A_439 = tpu.memref_slice %arg7[%dma_start3A_432, %dma_start3A_433, %dma_start3A_438] : memref<4x2x128xi32, #tpu.memory_space<vmem>> -> memref<1x1x128xi32, #tpu.memory_space<vmem>>
    %dma_start3A_440 = tpu.memref_squeeze %dma_start3A_439 : memref<1x1x128xi32, #tpu.memory_space<vmem>> -> memref<128xi32, #tpu.memory_space<vmem>>
    %dma_start3A_441 = arith.constant 0 : i32
    %dma_start3A_442 = arith.constant 0 : i32
    %dma_start3A_443 = tpu.memref_slice %arg6[%dma_start3A_441, %dma_start3A_442] : memref<10240x128xf32, #tpu.memory_space<vmem_shared>> -> memref<10240x128xf32, #tpu.memory_space<vmem_shared>>
    tpu.enqueue_indirect_dma source(%dma_start3A_437 : memref<128x128xf32, #tpu.memory_space<vmem>>) target(%dma_start3A_443 : memref<10240x128xf32, #tpu.memory_space<vmem_shared>>) offsets(%dma_start3A_440 : memref<128xi32, #tpu.memory_space<vmem>>) semaphore(%arg16 : memref<!tpu.dma_semaphore, #tpu.memory_space<semaphore_mem>>) {add = true}
    %scan3A = arith.constant 0 : i32
    %scan3A_444 = arith.constant 1 : i32
    %scan3A_445 = arith.constant 39 : i32
    %scan3A_446 = arith.addi %scan3A_444, %scan3A_445 : i32
    %scan3A_447 = arith.constant 1 : i32
    scf.for %scan3A_516 = %scan3A_444 to %scan3A_446 step %scan3A_447  : i32 {
      %mul3A_517 = arith.constant 4 : i32
      %mul3A_518 = arith.muli %scan3A_516, %mul3A_517 : i32
      %add3A_519 = arith.constant 0 : i32
      %add3A_520 = arith.addi %mul3A_518, %add3A_519 : i32
      %dma_wait3A_521 = arith.constant 1 : i32
      %dma_wait3A_522 = arith.constant 0 : i32
      %dma_wait3A_523 = arith.constant 0 : i32
      %dma_wait3A_524 = tpu.memref_slice %arg8[%dma_wait3A_521, %dma_wait3A_522, %dma_wait3A_523] : memref<2x128x128xf32, #tpu.memory_space<vmem>> -> memref<1x128x128xf32, #tpu.memory_space<vmem>>
      %dma_wait3A_525 = tpu.memref_squeeze %dma_wait3A_524 : memref<1x128x128xf32, #tpu.memory_space<vmem>> -> memref<128x128xf32, #tpu.memory_space<vmem>>
      %dma_wait3A_526 = arith.constant 0 : i32
      %dma_wait3A_527 = arith.constant 0 : i32
      %dma_wait3A_528 = tpu.memref_slice %arg2[%dma_wait3A_526, %dma_wait3A_527] : memref<10240x128xf32, #tpu.memory_space<hbm>> -> memref<128x128xf32, #tpu.memory_space<hbm>>
      %dma_wait3A_529 = arith.constant 0 : i32
      %dma_wait3A_530 = arith.constant 0 : i32
      %dma_wait3A_531 = tpu.memref_slice %arg8[%dma_wait3A_521, %dma_wait3A_529, %dma_wait3A_530] : memref<2x128x128xf32, #tpu.memory_space<vmem>> -> memref<1x128x128xf32, #tpu.memory_space<vmem>>
      %dma_wait3A_532 = tpu.memref_squeeze %dma_wait3A_531 : memref<1x128x128xf32, #tpu.memory_space<vmem>> -> memref<128x128xf32, #tpu.memory_space<vmem>>
      %dma_wait3A_533 = arith.constant 0 : i32
      %dma_wait3A_534 = arith.constant 0 : i32
      %dma_wait3A_535 = tpu.memref_slice %arg2[%dma_wait3A_533, %dma_wait3A_534] : memref<10240x128xf32, #tpu.memory_space<hbm>> -> memref<128x128xf32, #tpu.memory_space<hbm>>
      tpu.wait_dma2 semaphore(%arg16 : memref<!tpu.dma_semaphore, #tpu.memory_space<semaphore_mem>>) src(%dma_wait3A_535 : memref<128x128xf32, #tpu.memory_space<hbm>>) dst(%dma_wait3A_532 : memref<128x128xf32, #tpu.memory_space<vmem>>)
      %dma_wait3A_536 = arith.constant 0 : i32
      %dma_wait3A_537 = arith.constant 1 : i32
      %dma_wait3A_538 = arith.constant 0 : i32
      %dma_wait3A_539 = arith.constant 0 : i32
      %dma_wait3A_540 = tpu.memref_slice %arg7[%dma_wait3A_537, %dma_wait3A_538, %dma_wait3A_539] : memref<4x2x128xi32, #tpu.memory_space<vmem>> -> memref<1x2x128xi32, #tpu.memory_space<vmem>>
      %dma_wait3A_541 = tpu.memref_squeeze %dma_wait3A_540 : memref<1x2x128xi32, #tpu.memory_space<vmem>> -> memref<2x128xi32, #tpu.memory_space<vmem>>
      %dma_wait3A_542 = arith.constant 0 : i32
      %dma_wait3A_543 = arith.constant 0 : i32
      %dma_wait3A_544 = tpu.memref_slice %arg4[%dma_wait3A_536, %dma_wait3A_542, %dma_wait3A_543] : memref<2560x2x128xi32, #tpu.memory_space<hbm>> -> memref<1x2x128xi32, #tpu.memory_space<hbm>>
      %dma_wait3A_545 = tpu.memref_squeeze %dma_wait3A_544 : memref<1x2x128xi32, #tpu.memory_space<hbm>> -> memref<2x128xi32, #tpu.memory_space<hbm>>
      %dma_wait3A_546 = arith.constant 0 : i32
      %dma_wait3A_547 = arith.constant 0 : i32
      %dma_wait3A_548 = tpu.memref_slice %arg7[%dma_wait3A_537, %dma_wait3A_546, %dma_wait3A_547] : memref<4x2x128xi32, #tpu.memory_space<vmem>> -> memref<1x2x128xi32, #tpu.memory_space<vmem>>
      %dma_wait3A_549 = tpu.memref_squeeze %dma_wait3A_548 : memref<1x2x128xi32, #tpu.memory_space<vmem>> -> memref<2x128xi32, #tpu.memory_space<vmem>>
      %dma_wait3A_550 = arith.constant 0 : i32
      %dma_wait3A_551 = arith.constant 0 : i32
      %dma_wait3A_552 = tpu.memref_slice %arg4[%dma_wait3A_536, %dma_wait3A_550, %dma_wait3A_551] : memref<2560x2x128xi32, #tpu.memory_space<hbm>> -> memref<1x2x128xi32, #tpu.memory_space<hbm>>
      %dma_wait3A_553 = tpu.memref_squeeze %dma_wait3A_552 : memref<1x2x128xi32, #tpu.memory_space<hbm>> -> memref<2x128xi32, #tpu.memory_space<hbm>>
      tpu.wait_dma2 semaphore(%arg10 : memref<!tpu.dma_semaphore, #tpu.memory_space<semaphore_mem>>) src(%dma_wait3A_553 : memref<2x128xi32, #tpu.memory_space<hbm>>) dst(%dma_wait3A_549 : memref<2x128xi32, #tpu.memory_space<vmem>>)
      %eq3A_554 = arith.constant 0 : i32
      %eq3A_555 = arith.cmpi eq, %arg0, %eq3A_554 : i32
      %convert_element_type3A_556 = arith.extui %eq3A_555 : i1 to i32
      %cond3A_557 = arith.constant 0 : i32
      %cond3A_558 = arith.cmpi ne, %convert_element_type3A_556, %cond3A_557 : i32
      scf.if %cond3A_558 {
        %dma_start3A_899 = arith.constant 1 : i32
        %dma_start3A_900 = arith.constant 0 : i32
        %dma_start3A_901 = arith.constant 1 : i32
        %dma_start3A_902 = arith.constant 0 : i32
        %dma_start3A_903 = arith.constant 0 : i32
        %dma_start3A_904 = tpu.memref_slice %arg8[%dma_start3A_901, %dma_start3A_902, %dma_start3A_903] : memref<2x128x128xf32, #tpu.memory_space<vmem>> -> memref<1x128x128xf32, #tpu.memory_space<vmem>>
        %dma_start3A_905 = tpu.memref_squeeze %dma_start3A_904 : memref<1x128x128xf32, #tpu.memory_space<vmem>> -> memref<128x128xf32, #tpu.memory_space<vmem>>
        %dma_start3A_906 = arith.constant 0 : i32
        %dma_start3A_907 = tpu.memref_slice %arg7[%dma_start3A_899, %dma_start3A_900, %dma_start3A_906] : memref<4x2x128xi32, #tpu.memory_space<vmem>> -> memref<1x1x128xi32, #tpu.memory_space<vmem>>
        %dma_start3A_908 = tpu.memref_squeeze %dma_start3A_907 : memref<1x1x128xi32, #tpu.memory_space<vmem>> -> memref<128xi32, #tpu.memory_space<vmem>>
        %dma_start3A_909 = arith.constant 0 : i32
        %dma_start3A_910 = arith.constant 0 : i32
        %dma_start3A_911 = tpu.memref_slice %arg2[%dma_start3A_909, %dma_start3A_910] : memref<10240x128xf32, #tpu.memory_space<hbm>> -> memref<10240x128xf32, #tpu.memory_space<hbm>>
        tpu.enqueue_indirect_dma source(%dma_start3A_911 : memref<10240x128xf32, #tpu.memory_space<hbm>>) target(%dma_start3A_905 : memref<128x128xf32, #tpu.memory_space<vmem>>) offsets(%dma_start3A_908 : memref<128xi32, #tpu.memory_space<vmem>>) semaphore(%arg14 : memref<!tpu.dma_semaphore, #tpu.memory_space<semaphore_mem>>)
      } else {
      }
      %eq3A_559 = arith.constant 1 : i32
      %eq3A_560 = arith.cmpi eq, %arg0, %eq3A_559 : i32
      %convert_element_type3A_561 = arith.extui %eq3A_560 : i1 to i32
      %cond3A_562 = arith.constant 0 : i32
      %cond3A_563 = arith.cmpi ne, %convert_element_type3A_561, %cond3A_562 : i32
      scf.if %cond3A_563 {
        %dma_start3A_899 = arith.constant 1 : i32
        %dma_start3A_900 = arith.constant 0 : i32
        %dma_start3A_901 = arith.constant 1 : i32
        %dma_start3A_902 = arith.constant 0 : i32
        %dma_start3A_903 = arith.constant 0 : i32
        %dma_start3A_904 = tpu.memref_slice %arg8[%dma_start3A_901, %dma_start3A_902, %dma_start3A_903] : memref<2x128x128xf32, #tpu.memory_space<vmem>> -> memref<1x128x128xf32, #tpu.memory_space<vmem>>
        %dma_start3A_905 = tpu.memref_squeeze %dma_start3A_904 : memref<1x128x128xf32, #tpu.memory_space<vmem>> -> memref<128x128xf32, #tpu.memory_space<vmem>>
        %dma_start3A_906 = arith.constant 0 : i32
        %dma_start3A_907 = tpu.memref_slice %arg7[%dma_start3A_899, %dma_start3A_900, %dma_start3A_906] : memref<4x2x128xi32, #tpu.memory_space<vmem>> -> memref<1x1x128xi32, #tpu.memory_space<vmem>>
        %dma_start3A_908 = tpu.memref_squeeze %dma_start3A_907 : memref<1x1x128xi32, #tpu.memory_space<vmem>> -> memref<128xi32, #tpu.memory_space<vmem>>
        %dma_start3A_909 = arith.constant 0 : i32
        %dma_start3A_910 = arith.constant 0 : i32
        %dma_start3A_911 = tpu.memref_slice %arg3[%dma_start3A_909, %dma_start3A_910] : memref<10240x128xf32, #tpu.memory_space<hbm>> -> memref<10240x128xf32, #tpu.memory_space<hbm>>
        tpu.enqueue_indirect_dma source(%dma_start3A_911 : memref<10240x128xf32, #tpu.memory_space<hbm>>) target(%dma_start3A_905 : memref<128x128xf32, #tpu.memory_space<vmem>>) offsets(%dma_start3A_908 : memref<128xi32, #tpu.memory_space<vmem>>) semaphore(%arg14 : memref<!tpu.dma_semaphore, #tpu.memory_space<semaphore_mem>>)
      } else {
      }
      %add3A_564 = arith.constant 3 : i32
      %add3A_565 = arith.addi %add3A_520, %add3A_564 : i32
      %min3A_566 = arith.constant 159 : i32
      %min3A_567 = arith.minsi %add3A_565, %min3A_566 : i32
      %add3A_568 = arith.addi %mul3A_9, %min3A_567 : i32
      %dma_start3A_569 = arith.constant 3 : i32
      %dma_start3A_570 = arith.constant 0 : i32
      %dma_start3A_571 = arith.constant 0 : i32
      %dma_start3A_572 = tpu.memref_slice %arg7[%dma_start3A_569, %dma_start3A_570, %dma_start3A_571] : memref<4x2x128xi32, #tpu.memory_space<vmem>> -> memref<1x2x128xi32, #tpu.memory_space<vmem>>
      %dma_start3A_573 = tpu.memref_squeeze %dma_start3A_572 : memref<1x2x128xi32, #tpu.memory_space<vmem>> -> memref<2x128xi32, #tpu.memory_space<vmem>>
      %dma_start3A_574 = arith.constant 0 : i32
      %dma_start3A_575 = arith.constant 0 : i32
      %dma_start3A_576 = tpu.memref_slice %arg4[%add3A_568, %dma_start3A_574, %dma_start3A_575] : memref<2560x2x128xi32, #tpu.memory_space<hbm>> -> memref<1x2x128xi32, #tpu.memory_space<hbm>>
      %dma_start3A_577 = tpu.memref_squeeze %dma_start3A_576 : memref<1x2x128xi32, #tpu.memory_space<hbm>> -> memref<2x128xi32, #tpu.memory_space<hbm>>
      %dma_start3A_578 = arith.constant 0 : i32
      %dma_start3A_579 = arith.constant 0 : i32
      %dma_start3A_580 = tpu.memref_slice %arg7[%dma_start3A_569, %dma_start3A_578, %dma_start3A_579] : memref<4x2x128xi32, #tpu.memory_space<vmem>> -> memref<1x2x128xi32, #tpu.memory_space<vmem>>
      %dma_start3A_581 = tpu.memref_squeeze %dma_start3A_580 : memref<1x2x128xi32, #tpu.memory_space<vmem>> -> memref<2x128xi32, #tpu.memory_space<vmem>>
      %dma_start3A_582 = arith.constant 0 : i32
      %dma_start3A_583 = arith.constant 0 : i32
      %dma_start3A_584 = tpu.memref_slice %arg4[%add3A_568, %dma_start3A_582, %dma_start3A_583] : memref<2560x2x128xi32, #tpu.memory_space<hbm>> -> memref<1x2x128xi32, #tpu.memory_space<hbm>>
      %dma_start3A_585 = tpu.memref_squeeze %dma_start3A_584 : memref<1x2x128xi32, #tpu.memory_space<hbm>> -> memref<2x128xi32, #tpu.memory_space<hbm>>
      tpu.enqueue_dma source(%dma_start3A_585 : memref<2x128xi32, #tpu.memory_space<hbm>>) target(%dma_start3A_581 : memref<2x128xi32, #tpu.memory_space<vmem>>) target_semaphore(%arg12 : memref<!tpu.dma_semaphore, #tpu.memory_space<semaphore_mem>>)
      %dma_wait3A_586 = arith.constant 0 : i32
      %dma_wait3A_587 = arith.constant 0 : i32
      %dma_wait3A_588 = arith.constant 0 : i32
      %dma_wait3A_589 = tpu.memref_slice %arg8[%dma_wait3A_586, %dma_wait3A_587, %dma_wait3A_588] : memref<2x128x128xf32, #tpu.memory_space<vmem>> -> memref<1x128x128xf32, #tpu.memory_space<vmem>>
      %dma_wait3A_590 = tpu.memref_squeeze %dma_wait3A_589 : memref<1x128x128xf32, #tpu.memory_space<vmem>> -> memref<128x128xf32, #tpu.memory_space<vmem>>
      %dma_wait3A_591 = arith.constant 0 : i32
      %dma_wait3A_592 = arith.constant 0 : i32
      %dma_wait3A_593 = tpu.memref_slice %arg2[%dma_wait3A_591, %dma_wait3A_592] : memref<10240x128xf32, #tpu.memory_space<hbm>> -> memref<128x128xf32, #tpu.memory_space<hbm>>
      %dma_wait3A_594 = arith.constant 0 : i32
      %dma_wait3A_595 = arith.constant 0 : i32
      %dma_wait3A_596 = tpu.memref_slice %arg8[%dma_wait3A_586, %dma_wait3A_594, %dma_wait3A_595] : memref<2x128x128xf32, #tpu.memory_space<vmem>> -> memref<1x128x128xf32, #tpu.memory_space<vmem>>
      %dma_wait3A_597 = tpu.memref_squeeze %dma_wait3A_596 : memref<1x128x128xf32, #tpu.memory_space<vmem>> -> memref<128x128xf32, #tpu.memory_space<vmem>>
      %dma_wait3A_598 = arith.constant 0 : i32
      %dma_wait3A_599 = arith.constant 0 : i32
      %dma_wait3A_600 = tpu.memref_slice %arg2[%dma_wait3A_598, %dma_wait3A_599] : memref<10240x128xf32, #tpu.memory_space<hbm>> -> memref<128x128xf32, #tpu.memory_space<hbm>>
      tpu.wait_dma2 semaphore(%arg13 : memref<!tpu.dma_semaphore, #tpu.memory_space<semaphore_mem>>) src(%dma_wait3A_600 : memref<128x128xf32, #tpu.memory_space<hbm>>) dst(%dma_wait3A_597 : memref<128x128xf32, #tpu.memory_space<vmem>>)
      %dma_start3A_601 = arith.constant 0 : i32
      %dma_start3A_602 = arith.constant 0 : i32
      %dma_start3A_603 = arith.constant 1 : i32
      %dma_start3A_604 = arith.constant 0 : i32
      %dma_start3A_605 = arith.constant 0 : i32
      %dma_start3A_606 = tpu.memref_slice %arg8[%dma_start3A_601, %dma_start3A_604, %dma_start3A_605] : memref<2x128x128xf32, #tpu.memory_space<vmem>> -> memref<1x128x128xf32, #tpu.memory_space<vmem>>
      %dma_start3A_607 = tpu.memref_squeeze %dma_start3A_606 : memref<1x128x128xf32, #tpu.memory_space<vmem>> -> memref<128x128xf32, #tpu.memory_space<vmem>>
      %dma_start3A_608 = arith.constant 0 : i32
      %dma_start3A_609 = tpu.memref_slice %arg7[%dma_start3A_602, %dma_start3A_603, %dma_start3A_608] : memref<4x2x128xi32, #tpu.memory_space<vmem>> -> memref<1x1x128xi32, #tpu.memory_space<vmem>>
      %dma_start3A_610 = tpu.memref_squeeze %dma_start3A_609 : memref<1x1x128xi32, #tpu.memory_space<vmem>> -> memref<128xi32, #tpu.memory_space<vmem>>
      %dma_start3A_611 = arith.constant 0 : i32
      %dma_start3A_612 = arith.constant 0 : i32
      %dma_start3A_613 = tpu.memref_slice %arg6[%dma_start3A_611, %dma_start3A_612] : memref<10240x128xf32, #tpu.memory_space<vmem_shared>> -> memref<10240x128xf32, #tpu.memory_space<vmem_shared>>
      tpu.enqueue_indirect_dma source(%dma_start3A_607 : memref<128x128xf32, #tpu.memory_space<vmem>>) target(%dma_start3A_613 : memref<10240x128xf32, #tpu.memory_space<vmem_shared>>) offsets(%dma_start3A_610 : memref<128xi32, #tpu.memory_space<vmem>>) semaphore(%arg15 : memref<!tpu.dma_semaphore, #tpu.memory_space<semaphore_mem>>) {add = true}
      %add3A_614 = arith.constant 1 : i32
      %add3A_615 = arith.addi %mul3A_518, %add3A_614 : i32
      %dma_wait3A_616 = arith.constant 0 : i32
      %dma_wait3A_617 = arith.constant 0 : i32
      %dma_wait3A_618 = arith.constant 0 : i32
      %dma_wait3A_619 = tpu.memref_slice %arg8[%dma_wait3A_616, %dma_wait3A_617, %dma_wait3A_618] : memref<2x128x128xf32, #tpu.memory_space<vmem>> -> memref<1x128x128xf32, #tpu.memory_space<vmem>>
      %dma_wait3A_620 = tpu.memref_squeeze %dma_wait3A_619 : memref<1x128x128xf32, #tpu.memory_space<vmem>> -> memref<128x128xf32, #tpu.memory_space<vmem>>
      %dma_wait3A_621 = arith.constant 0 : i32
      %dma_wait3A_622 = arith.constant 0 : i32
      %dma_wait3A_623 = tpu.memref_slice %arg2[%dma_wait3A_621, %dma_wait3A_622] : memref<10240x128xf32, #tpu.memory_space<hbm>> -> memref<128x128xf32, #tpu.memory_space<hbm>>
      %dma_wait3A_624 = arith.constant 0 : i32
      %dma_wait3A_625 = arith.constant 0 : i32
      %dma_wait3A_626 = tpu.memref_slice %arg8[%dma_wait3A_616, %dma_wait3A_624, %dma_wait3A_625] : memref<2x128x128xf32, #tpu.memory_space<vmem>> -> memref<1x128x128xf32, #tpu.memory_space<vmem>>
      %dma_wait3A_627 = tpu.memref_squeeze %dma_wait3A_626 : memref<1x128x128xf32, #tpu.memory_space<vmem>> -> memref<128x128xf32, #tpu.memory_space<vmem>>
      %dma_wait3A_628 = arith.constant 0 : i32
      %dma_wait3A_629 = arith.constant 0 : i32
      %dma_wait3A_630 = tpu.memref_slice %arg2[%dma_wait3A_628, %dma_wait3A_629] : memref<10240x128xf32, #tpu.memory_space<hbm>> -> memref<128x128xf32, #tpu.memory_space<hbm>>
      tpu.wait_dma2 semaphore(%arg15 : memref<!tpu.dma_semaphore, #tpu.memory_space<semaphore_mem>>) src(%dma_wait3A_630 : memref<128x128xf32, #tpu.memory_space<hbm>>) dst(%dma_wait3A_627 : memref<128x128xf32, #tpu.memory_space<vmem>>)
      %dma_wait3A_631 = arith.constant 0 : i32
      %dma_wait3A_632 = arith.constant 2 : i32
      %dma_wait3A_633 = arith.constant 0 : i32
      %dma_wait3A_634 = arith.constant 0 : i32
      %dma_wait3A_635 = tpu.memref_slice %arg7[%dma_wait3A_632, %dma_wait3A_633, %dma_wait3A_634] : memref<4x2x128xi32, #tpu.memory_space<vmem>> -> memref<1x2x128xi32, #tpu.memory_space<vmem>>
      %dma_wait3A_636 = tpu.memref_squeeze %dma_wait3A_635 : memref<1x2x128xi32, #tpu.memory_space<vmem>> -> memref<2x128xi32, #tpu.memory_space<vmem>>
      %dma_wait3A_637 = arith.constant 0 : i32
      %dma_wait3A_638 = arith.constant 0 : i32
      %dma_wait3A_639 = tpu.memref_slice %arg4[%dma_wait3A_631, %dma_wait3A_637, %dma_wait3A_638] : memref<2560x2x128xi32, #tpu.memory_space<hbm>> -> memref<1x2x128xi32, #tpu.memory_space<hbm>>
      %dma_wait3A_640 = tpu.memref_squeeze %dma_wait3A_639 : memref<1x2x128xi32, #tpu.memory_space<hbm>> -> memref<2x128xi32, #tpu.memory_space<hbm>>
      %dma_wait3A_641 = arith.constant 0 : i32
      %dma_wait3A_642 = arith.constant 0 : i32
      %dma_wait3A_643 = tpu.memref_slice %arg7[%dma_wait3A_632, %dma_wait3A_641, %dma_wait3A_642] : memref<4x2x128xi32, #tpu.memory_space<vmem>> -> memref<1x2x128xi32, #tpu.memory_space<vmem>>
      %dma_wait3A_644 = tpu.memref_squeeze %dma_wait3A_643 : memref<1x2x128xi32, #tpu.memory_space<vmem>> -> memref<2x128xi32, #tpu.memory_space<vmem>>
      %dma_wait3A_645 = arith.constant 0 : i32
      %dma_wait3A_646 = arith.constant 0 : i32
      %dma_wait3A_647 = tpu.memref_slice %arg4[%dma_wait3A_631, %dma_wait3A_645, %dma_wait3A_646] : memref<2560x2x128xi32, #tpu.memory_space<hbm>> -> memref<1x2x128xi32, #tpu.memory_space<hbm>>
      %dma_wait3A_648 = tpu.memref_squeeze %dma_wait3A_647 : memref<1x2x128xi32, #tpu.memory_space<hbm>> -> memref<2x128xi32, #tpu.memory_space<hbm>>
      tpu.wait_dma2 semaphore(%arg11 : memref<!tpu.dma_semaphore, #tpu.memory_space<semaphore_mem>>) src(%dma_wait3A_648 : memref<2x128xi32, #tpu.memory_space<hbm>>) dst(%dma_wait3A_644 : memref<2x128xi32, #tpu.memory_space<vmem>>)
      %eq3A_649 = arith.constant 0 : i32
      %eq3A_650 = arith.cmpi eq, %arg0, %eq3A_649 : i32
      %convert_element_type3A_651 = arith.extui %eq3A_650 : i1 to i32
      %cond3A_652 = arith.constant 0 : i32
      %cond3A_653 = arith.cmpi ne, %convert_element_type3A_651, %cond3A_652 : i32
      scf.if %cond3A_653 {
        %dma_start3A_899 = arith.constant 2 : i32
        %dma_start3A_900 = arith.constant 0 : i32
        %dma_start3A_901 = arith.constant 0 : i32
        %dma_start3A_902 = arith.constant 0 : i32
        %dma_start3A_903 = arith.constant 0 : i32
        %dma_start3A_904 = tpu.memref_slice %arg8[%dma_start3A_901, %dma_start3A_902, %dma_start3A_903] : memref<2x128x128xf32, #tpu.memory_space<vmem>> -> memref<1x128x128xf32, #tpu.memory_space<vmem>>
        %dma_start3A_905 = tpu.memref_squeeze %dma_start3A_904 : memref<1x128x128xf32, #tpu.memory_space<vmem>> -> memref<128x128xf32, #tpu.memory_space<vmem>>
        %dma_start3A_906 = arith.constant 0 : i32
        %dma_start3A_907 = tpu.memref_slice %arg7[%dma_start3A_899, %dma_start3A_900, %dma_start3A_906] : memref<4x2x128xi32, #tpu.memory_space<vmem>> -> memref<1x1x128xi32, #tpu.memory_space<vmem>>
        %dma_start3A_908 = tpu.memref_squeeze %dma_start3A_907 : memref<1x1x128xi32, #tpu.memory_space<vmem>> -> memref<128xi32, #tpu.memory_space<vmem>>
        %dma_start3A_909 = arith.constant 0 : i32
        %dma_start3A_910 = arith.constant 0 : i32
        %dma_start3A_911 = tpu.memref_slice %arg2[%dma_start3A_909, %dma_start3A_910] : memref<10240x128xf32, #tpu.memory_space<hbm>> -> memref<10240x128xf32, #tpu.memory_space<hbm>>
        tpu.enqueue_indirect_dma source(%dma_start3A_911 : memref<10240x128xf32, #tpu.memory_space<hbm>>) target(%dma_start3A_905 : memref<128x128xf32, #tpu.memory_space<vmem>>) offsets(%dma_start3A_908 : memref<128xi32, #tpu.memory_space<vmem>>) semaphore(%arg13 : memref<!tpu.dma_semaphore, #tpu.memory_space<semaphore_mem>>)
      } else {
      }
      %eq3A_654 = arith.constant 1 : i32
      %eq3A_655 = arith.cmpi eq, %arg0, %eq3A_654 : i32
      %convert_element_type3A_656 = arith.extui %eq3A_655 : i1 to i32
      %cond3A_657 = arith.constant 0 : i32
      %cond3A_658 = arith.cmpi ne, %convert_element_type3A_656, %cond3A_657 : i32
      scf.if %cond3A_658 {
        %dma_start3A_899 = arith.constant 2 : i32
        %dma_start3A_900 = arith.constant 0 : i32
        %dma_start3A_901 = arith.constant 0 : i32
        %dma_start3A_902 = arith.constant 0 : i32
        %dma_start3A_903 = arith.constant 0 : i32
        %dma_start3A_904 = tpu.memref_slice %arg8[%dma_start3A_901, %dma_start3A_902, %dma_start3A_903] : memref<2x128x128xf32, #tpu.memory_space<vmem>> -> memref<1x128x128xf32, #tpu.memory_space<vmem>>
        %dma_start3A_905 = tpu.memref_squeeze %dma_start3A_904 : memref<1x128x128xf32, #tpu.memory_space<vmem>> -> memref<128x128xf32, #tpu.memory_space<vmem>>
        %dma_start3A_906 = arith.constant 0 : i32
        %dma_start3A_907 = tpu.memref_slice %arg7[%dma_start3A_899, %dma_start3A_900, %dma_start3A_906] : memref<4x2x128xi32, #tpu.memory_space<vmem>> -> memref<1x1x128xi32, #tpu.memory_space<vmem>>
        %dma_start3A_908 = tpu.memref_squeeze %dma_start3A_907 : memref<1x1x128xi32, #tpu.memory_space<vmem>> -> memref<128xi32, #tpu.memory_space<vmem>>
        %dma_start3A_909 = arith.constant 0 : i32
        %dma_start3A_910 = arith.constant 0 : i32
        %dma_start3A_911 = tpu.memref_slice %arg3[%dma_start3A_909, %dma_start3A_910] : memref<10240x128xf32, #tpu.memory_space<hbm>> -> memref<10240x128xf32, #tpu.memory_space<hbm>>
        tpu.enqueue_indirect_dma source(%dma_start3A_911 : memref<10240x128xf32, #tpu.memory_space<hbm>>) target(%dma_start3A_905 : memref<128x128xf32, #tpu.memory_space<vmem>>) offsets(%dma_start3A_908 : memref<128xi32, #tpu.memory_space<vmem>>) semaphore(%arg13 : memref<!tpu.dma_semaphore, #tpu.memory_space<semaphore_mem>>)
      } else {
      }
      %add3A_659 = arith.constant 3 : i32
      %add3A_660 = arith.addi %add3A_615, %add3A_659 : i32
      %min3A_661 = arith.constant 159 : i32
      %min3A_662 = arith.minsi %add3A_660, %min3A_661 : i32
      %add3A_663 = arith.addi %mul3A_9, %min3A_662 : i32
      %dma_start3A_664 = arith.constant 0 : i32
      %dma_start3A_665 = arith.constant 0 : i32
      %dma_start3A_666 = arith.constant 0 : i32
      %dma_start3A_667 = tpu.memref_slice %arg7[%dma_start3A_664, %dma_start3A_665, %dma_start3A_666] : memref<4x2x128xi32, #tpu.memory_space<vmem>> -> memref<1x2x128xi32, #tpu.memory_space<vmem>>
      %dma_start3A_668 = tpu.memref_squeeze %dma_start3A_667 : memref<1x2x128xi32, #tpu.memory_space<vmem>> -> memref<2x128xi32, #tpu.memory_space<vmem>>
      %dma_start3A_669 = arith.constant 0 : i32
      %dma_start3A_670 = arith.constant 0 : i32
      %dma_start3A_671 = tpu.memref_slice %arg4[%add3A_663, %dma_start3A_669, %dma_start3A_670] : memref<2560x2x128xi32, #tpu.memory_space<hbm>> -> memref<1x2x128xi32, #tpu.memory_space<hbm>>
      %dma_start3A_672 = tpu.memref_squeeze %dma_start3A_671 : memref<1x2x128xi32, #tpu.memory_space<hbm>> -> memref<2x128xi32, #tpu.memory_space<hbm>>
      %dma_start3A_673 = arith.constant 0 : i32
      %dma_start3A_674 = arith.constant 0 : i32
      %dma_start3A_675 = tpu.memref_slice %arg7[%dma_start3A_664, %dma_start3A_673, %dma_start3A_674] : memref<4x2x128xi32, #tpu.memory_space<vmem>> -> memref<1x2x128xi32, #tpu.memory_space<vmem>>
      %dma_start3A_676 = tpu.memref_squeeze %dma_start3A_675 : memref<1x2x128xi32, #tpu.memory_space<vmem>> -> memref<2x128xi32, #tpu.memory_space<vmem>>
      %dma_start3A_677 = arith.constant 0 : i32
      %dma_start3A_678 = arith.constant 0 : i32
      %dma_start3A_679 = tpu.memref_slice %arg4[%add3A_663, %dma_start3A_677, %dma_start3A_678] : memref<2560x2x128xi32, #tpu.memory_space<hbm>> -> memref<1x2x128xi32, #tpu.memory_space<hbm>>
      %dma_start3A_680 = tpu.memref_squeeze %dma_start3A_679 : memref<1x2x128xi32, #tpu.memory_space<hbm>> -> memref<2x128xi32, #tpu.memory_space<hbm>>
      tpu.enqueue_dma source(%dma_start3A_680 : memref<2x128xi32, #tpu.memory_space<hbm>>) target(%dma_start3A_676 : memref<2x128xi32, #tpu.memory_space<vmem>>) target_semaphore(%arg9 : memref<!tpu.dma_semaphore, #tpu.memory_space<semaphore_mem>>)
      %dma_wait3A_681 = arith.constant 1 : i32
      %dma_wait3A_682 = arith.constant 0 : i32
      %dma_wait3A_683 = arith.constant 0 : i32
      %dma_wait3A_684 = tpu.memref_slice %arg8[%dma_wait3A_681, %dma_wait3A_682, %dma_wait3A_683] : memref<2x128x128xf32, #tpu.memory_space<vmem>> -> memref<1x128x128xf32, #tpu.memory_space<vmem>>
      %dma_wait3A_685 = tpu.memref_squeeze %dma_wait3A_684 : memref<1x128x128xf32, #tpu.memory_space<vmem>> -> memref<128x128xf32, #tpu.memory_space<vmem>>
      %dma_wait3A_686 = arith.constant 0 : i32
      %dma_wait3A_687 = arith.constant 0 : i32
      %dma_wait3A_688 = tpu.memref_slice %arg2[%dma_wait3A_686, %dma_wait3A_687] : memref<10240x128xf32, #tpu.memory_space<hbm>> -> memref<128x128xf32, #tpu.memory_space<hbm>>
      %dma_wait3A_689 = arith.constant 0 : i32
      %dma_wait3A_690 = arith.constant 0 : i32
      %dma_wait3A_691 = tpu.memref_slice %arg8[%dma_wait3A_681, %dma_wait3A_689, %dma_wait3A_690] : memref<2x128x128xf32, #tpu.memory_space<vmem>> -> memref<1x128x128xf32, #tpu.memory_space<vmem>>
      %dma_wait3A_692 = tpu.memref_squeeze %dma_wait3A_691 : memref<1x128x128xf32, #tpu.memory_space<vmem>> -> memref<128x128xf32, #tpu.memory_space<vmem>>
      %dma_wait3A_693 = arith.constant 0 : i32
      %dma_wait3A_694 = arith.constant 0 : i32
      %dma_wait3A_695 = tpu.memref_slice %arg2[%dma_wait3A_693, %dma_wait3A_694] : memref<10240x128xf32, #tpu.memory_space<hbm>> -> memref<128x128xf32, #tpu.memory_space<hbm>>
      tpu.wait_dma2 semaphore(%arg14 : memref<!tpu.dma_semaphore, #tpu.memory_space<semaphore_mem>>) src(%dma_wait3A_695 : memref<128x128xf32, #tpu.memory_space<hbm>>) dst(%dma_wait3A_692 : memref<128x128xf32, #tpu.memory_space<vmem>>)
      %dma_start3A_696 = arith.constant 1 : i32
      %dma_start3A_697 = arith.constant 1 : i32
      %dma_start3A_698 = arith.constant 1 : i32
      %dma_start3A_699 = arith.constant 0 : i32
      %dma_start3A_700 = arith.constant 0 : i32
      %dma_start3A_701 = tpu.memref_slice %arg8[%dma_start3A_696, %dma_start3A_699, %dma_start3A_700] : memref<2x128x128xf32, #tpu.memory_space<vmem>> -> memref<1x128x128xf32, #tpu.memory_space<vmem>>
      %dma_start3A_702 = tpu.memref_squeeze %dma_start3A_701 : memref<1x128x128xf32, #tpu.memory_space<vmem>> -> memref<128x128xf32, #tpu.memory_space<vmem>>
      %dma_start3A_703 = arith.constant 0 : i32
      %dma_start3A_704 = tpu.memref_slice %arg7[%dma_start3A_697, %dma_start3A_698, %dma_start3A_703] : memref<4x2x128xi32, #tpu.memory_space<vmem>> -> memref<1x1x128xi32, #tpu.memory_space<vmem>>
      %dma_start3A_705 = tpu.memref_squeeze %dma_start3A_704 : memref<1x1x128xi32, #tpu.memory_space<vmem>> -> memref<128xi32, #tpu.memory_space<vmem>>
      %dma_start3A_706 = arith.constant 0 : i32
      %dma_start3A_707 = arith.constant 0 : i32
      %dma_start3A_708 = tpu.memref_slice %arg6[%dma_start3A_706, %dma_start3A_707] : memref<10240x128xf32, #tpu.memory_space<vmem_shared>> -> memref<10240x128xf32, #tpu.memory_space<vmem_shared>>
      tpu.enqueue_indirect_dma source(%dma_start3A_702 : memref<128x128xf32, #tpu.memory_space<vmem>>) target(%dma_start3A_708 : memref<10240x128xf32, #tpu.memory_space<vmem_shared>>) offsets(%dma_start3A_705 : memref<128xi32, #tpu.memory_space<vmem>>) semaphore(%arg16 : memref<!tpu.dma_semaphore, #tpu.memory_space<semaphore_mem>>) {add = true}
      %add3A_709 = arith.constant 2 : i32
      %add3A_710 = arith.addi %mul3A_518, %add3A_709 : i32
      %dma_wait3A_711 = arith.constant 1 : i32
      %dma_wait3A_712 = arith.constant 0 : i32
      %dma_wait3A_713 = arith.constant 0 : i32
      %dma_wait3A_714 = tpu.memref_slice %arg8[%dma_wait3A_711, %dma_wait3A_712, %dma_wait3A_713] : memref<2x128x128xf32, #tpu.memory_space<vmem>> -> memref<1x128x128xf32, #tpu.memory_space<vmem>>
      %dma_wait3A_715 = tpu.memref_squeeze %dma_wait3A_714 : memref<1x128x128xf32, #tpu.memory_space<vmem>> -> memref<128x128xf32, #tpu.memory_space<vmem>>
      %dma_wait3A_716 = arith.constant 0 : i32
      %dma_wait3A_717 = arith.constant 0 : i32
      %dma_wait3A_718 = tpu.memref_slice %arg2[%dma_wait3A_716, %dma_wait3A_717] : memref<10240x128xf32, #tpu.memory_space<hbm>> -> memref<128x128xf32, #tpu.memory_space<hbm>>
      %dma_wait3A_719 = arith.constant 0 : i32
      %dma_wait3A_720 = arith.constant 0 : i32
      %dma_wait3A_721 = tpu.memref_slice %arg8[%dma_wait3A_711, %dma_wait3A_719, %dma_wait3A_720] : memref<2x128x128xf32, #tpu.memory_space<vmem>> -> memref<1x128x128xf32, #tpu.memory_space<vmem>>
      %dma_wait3A_722 = tpu.memref_squeeze %dma_wait3A_721 : memref<1x128x128xf32, #tpu.memory_space<vmem>> -> memref<128x128xf32, #tpu.memory_space<vmem>>
      %dma_wait3A_723 = arith.constant 0 : i32
      %dma_wait3A_724 = arith.constant 0 : i32
      %dma_wait3A_725 = tpu.memref_slice %arg2[%dma_wait3A_723, %dma_wait3A_724] : memref<10240x128xf32, #tpu.memory_space<hbm>> -> memref<128x128xf32, #tpu.memory_space<hbm>>
      tpu.wait_dma2 semaphore(%arg16 : memref<!tpu.dma_semaphore, #tpu.memory_space<semaphore_mem>>) src(%dma_wait3A_725 : memref<128x128xf32, #tpu.memory_space<hbm>>) dst(%dma_wait3A_722 : memref<128x128xf32, #tpu.memory_space<vmem>>)
      %dma_wait3A_726 = arith.constant 0 : i32
      %dma_wait3A_727 = arith.constant 3 : i32
      %dma_wait3A_728 = arith.constant 0 : i32
      %dma_wait3A_729 = arith.constant 0 : i32
      %dma_wait3A_730 = tpu.memref_slice %arg7[%dma_wait3A_727, %dma_wait3A_728, %dma_wait3A_729] : memref<4x2x128xi32, #tpu.memory_space<vmem>> -> memref<1x2x128xi32, #tpu.memory_space<vmem>>
      %dma_wait3A_731 = tpu.memref_squeeze %dma_wait3A_730 : memref<1x2x128xi32, #tpu.memory_space<vmem>> -> memref<2x128xi32, #tpu.memory_space<vmem>>
      %dma_wait3A_732 = arith.constant 0 : i32
      %dma_wait3A_733 = arith.constant 0 : i32
      %dma_wait3A_734 = tpu.memref_slice %arg4[%dma_wait3A_726, %dma_wait3A_732, %dma_wait3A_733] : memref<2560x2x128xi32, #tpu.memory_space<hbm>> -> memref<1x2x128xi32, #tpu.memory_space<hbm>>
      %dma_wait3A_735 = tpu.memref_squeeze %dma_wait3A_734 : memref<1x2x128xi32, #tpu.memory_space<hbm>> -> memref<2x128xi32, #tpu.memory_space<hbm>>
      %dma_wait3A_736 = arith.constant 0 : i32
      %dma_wait3A_737 = arith.constant 0 : i32
      %dma_wait3A_738 = tpu.memref_slice %arg7[%dma_wait3A_727, %dma_wait3A_736, %dma_wait3A_737] : memref<4x2x128xi32, #tpu.memory_space<vmem>> -> memref<1x2x128xi32, #tpu.memory_space<vmem>>
      %dma_wait3A_739 = tpu.memref_squeeze %dma_wait3A_738 : memref<1x2x128xi32, #tpu.memory_space<vmem>> -> memref<2x128xi32, #tpu.memory_space<vmem>>
      %dma_wait3A_740 = arith.constant 0 : i32
      %dma_wait3A_741 = arith.constant 0 : i32
      %dma_wait3A_742 = tpu.memref_slice %arg4[%dma_wait3A_726, %dma_wait3A_740, %dma_wait3A_741] : memref<2560x2x128xi32, #tpu.memory_space<hbm>> -> memref<1x2x128xi32, #tpu.memory_space<hbm>>
      %dma_wait3A_743 = tpu.memref_squeeze %dma_wait3A_742 : memref<1x2x128xi32, #tpu.memory_space<hbm>> -> memref<2x128xi32, #tpu.memory_space<hbm>>
      tpu.wait_dma2 semaphore(%arg12 : memref<!tpu.dma_semaphore, #tpu.memory_space<semaphore_mem>>) src(%dma_wait3A_743 : memref<2x128xi32, #tpu.memory_space<hbm>>) dst(%dma_wait3A_739 : memref<2x128xi32, #tpu.memory_space<vmem>>)
      %eq3A_744 = arith.constant 0 : i32
      %eq3A_745 = arith.cmpi eq, %arg0, %eq3A_744 : i32
      %convert_element_type3A_746 = arith.extui %eq3A_745 : i1 to i32
      %cond3A_747 = arith.constant 0 : i32
      %cond3A_748 = arith.cmpi ne, %convert_element_type3A_746, %cond3A_747 : i32
      scf.if %cond3A_748 {
        %dma_start3A_899 = arith.constant 3 : i32
        %dma_start3A_900 = arith.constant 0 : i32
        %dma_start3A_901 = arith.constant 1 : i32
        %dma_start3A_902 = arith.constant 0 : i32
        %dma_start3A_903 = arith.constant 0 : i32
        %dma_start3A_904 = tpu.memref_slice %arg8[%dma_start3A_901, %dma_start3A_902, %dma_start3A_903] : memref<2x128x128xf32, #tpu.memory_space<vmem>> -> memref<1x128x128xf32, #tpu.memory_space<vmem>>
        %dma_start3A_905 = tpu.memref_squeeze %dma_start3A_904 : memref<1x128x128xf32, #tpu.memory_space<vmem>> -> memref<128x128xf32, #tpu.memory_space<vmem>>
        %dma_start3A_906 = arith.constant 0 : i32
        %dma_start3A_907 = tpu.memref_slice %arg7[%dma_start3A_899, %dma_start3A_900, %dma_start3A_906] : memref<4x2x128xi32, #tpu.memory_space<vmem>> -> memref<1x1x128xi32, #tpu.memory_space<vmem>>
        %dma_start3A_908 = tpu.memref_squeeze %dma_start3A_907 : memref<1x1x128xi32, #tpu.memory_space<vmem>> -> memref<128xi32, #tpu.memory_space<vmem>>
        %dma_start3A_909 = arith.constant 0 : i32
        %dma_start3A_910 = arith.constant 0 : i32
        %dma_start3A_911 = tpu.memref_slice %arg2[%dma_start3A_909, %dma_start3A_910] : memref<10240x128xf32, #tpu.memory_space<hbm>> -> memref<10240x128xf32, #tpu.memory_space<hbm>>
        tpu.enqueue_indirect_dma source(%dma_start3A_911 : memref<10240x128xf32, #tpu.memory_space<hbm>>) target(%dma_start3A_905 : memref<128x128xf32, #tpu.memory_space<vmem>>) offsets(%dma_start3A_908 : memref<128xi32, #tpu.memory_space<vmem>>) semaphore(%arg14 : memref<!tpu.dma_semaphore, #tpu.memory_space<semaphore_mem>>)
      } else {
      }
      %eq3A_749 = arith.constant 1 : i32
      %eq3A_750 = arith.cmpi eq, %arg0, %eq3A_749 : i32
      %convert_element_type3A_751 = arith.extui %eq3A_750 : i1 to i32
      %cond3A_752 = arith.constant 0 : i32
      %cond3A_753 = arith.cmpi ne, %convert_element_type3A_751, %cond3A_752 : i32
      scf.if %cond3A_753 {
        %dma_start3A_899 = arith.constant 3 : i32
        %dma_start3A_900 = arith.constant 0 : i32
        %dma_start3A_901 = arith.constant 1 : i32
        %dma_start3A_902 = arith.constant 0 : i32
        %dma_start3A_903 = arith.constant 0 : i32
        %dma_start3A_904 = tpu.memref_slice %arg8[%dma_start3A_901, %dma_start3A_902, %dma_start3A_903] : memref<2x128x128xf32, #tpu.memory_space<vmem>> -> memref<1x128x128xf32, #tpu.memory_space<vmem>>
        %dma_start3A_905 = tpu.memref_squeeze %dma_start3A_904 : memref<1x128x128xf32, #tpu.memory_space<vmem>> -> memref<128x128xf32, #tpu.memory_space<vmem>>
        %dma_start3A_906 = arith.constant 0 : i32
        %dma_start3A_907 = tpu.memref_slice %arg7[%dma_start3A_899, %dma_start3A_900, %dma_start3A_906] : memref<4x2x128xi32, #tpu.memory_space<vmem>> -> memref<1x1x128xi32, #tpu.memory_space<vmem>>
        %dma_start3A_908 = tpu.memref_squeeze %dma_start3A_907 : memref<1x1x128xi32, #tpu.memory_space<vmem>> -> memref<128xi32, #tpu.memory_space<vmem>>
        %dma_start3A_909 = arith.constant 0 : i32
        %dma_start3A_910 = arith.constant 0 : i32
        %dma_start3A_911 = tpu.memref_slice %arg3[%dma_start3A_909, %dma_start3A_910] : memref<10240x128xf32, #tpu.memory_space<hbm>> -> memref<10240x128xf32, #tpu.memory_space<hbm>>
        tpu.enqueue_indirect_dma source(%dma_start3A_911 : memref<10240x128xf32, #tpu.memory_space<hbm>>) target(%dma_start3A_905 : memref<128x128xf32, #tpu.memory_space<vmem>>) offsets(%dma_start3A_908 : memref<128xi32, #tpu.memory_space<vmem>>) semaphore(%arg14 : memref<!tpu.dma_semaphore, #tpu.memory_space<semaphore_mem>>)
      } else {
      }
      %add3A_754 = arith.constant 3 : i32
      %add3A_755 = arith.addi %add3A_710, %add3A_754 : i32
      %min3A_756 = arith.constant 159 : i32
      %min3A_757 = arith.minsi %add3A_755, %min3A_756 : i32
      %add3A_758 = arith.addi %mul3A_9, %min3A_757 : i32
      %dma_start3A_759 = arith.constant 1 : i32
      %dma_start3A_760 = arith.constant 0 : i32
      %dma_start3A_761 = arith.constant 0 : i32
      %dma_start3A_762 = tpu.memref_slice %arg7[%dma_start3A_759, %dma_start3A_760, %dma_start3A_761] : memref<4x2x128xi32, #tpu.memory_space<vmem>> -> memref<1x2x128xi32, #tpu.memory_space<vmem>>
      %dma_start3A_763 = tpu.memref_squeeze %dma_start3A_762 : memref<1x2x128xi32, #tpu.memory_space<vmem>> -> memref<2x128xi32, #tpu.memory_space<vmem>>
      %dma_start3A_764 = arith.constant 0 : i32
      %dma_start3A_765 = arith.constant 0 : i32
      %dma_start3A_766 = tpu.memref_slice %arg4[%add3A_758, %dma_start3A_764, %dma_start3A_765] : memref<2560x2x128xi32, #tpu.memory_space<hbm>> -> memref<1x2x128xi32, #tpu.memory_space<hbm>>
      %dma_start3A_767 = tpu.memref_squeeze %dma_start3A_766 : memref<1x2x128xi32, #tpu.memory_space<hbm>> -> memref<2x128xi32, #tpu.memory_space<hbm>>
      %dma_start3A_768 = arith.constant 0 : i32
      %dma_start3A_769 = arith.constant 0 : i32
      %dma_start3A_770 = tpu.memref_slice %arg7[%dma_start3A_759, %dma_start3A_768, %dma_start3A_769] : memref<4x2x128xi32, #tpu.memory_space<vmem>> -> memref<1x2x128xi32, #tpu.memory_space<vmem>>
      %dma_start3A_771 = tpu.memref_squeeze %dma_start3A_770 : memref<1x2x128xi32, #tpu.memory_space<vmem>> -> memref<2x128xi32, #tpu.memory_space<vmem>>
      %dma_start3A_772 = arith.constant 0 : i32
      %dma_start3A_773 = arith.constant 0 : i32
      %dma_start3A_774 = tpu.memref_slice %arg4[%add3A_758, %dma_start3A_772, %dma_start3A_773] : memref<2560x2x128xi32, #tpu.memory_space<hbm>> -> memref<1x2x128xi32, #tpu.memory_space<hbm>>
      %dma_start3A_775 = tpu.memref_squeeze %dma_start3A_774 : memref<1x2x128xi32, #tpu.memory_space<hbm>> -> memref<2x128xi32, #tpu.memory_space<hbm>>
      tpu.enqueue_dma source(%dma_start3A_775 : memref<2x128xi32, #tpu.memory_space<hbm>>) target(%dma_start3A_771 : memref<2x128xi32, #tpu.memory_space<vmem>>) target_semaphore(%arg10 : memref<!tpu.dma_semaphore, #tpu.memory_space<semaphore_mem>>)
      %dma_wait3A_776 = arith.constant 0 : i32
      %dma_wait3A_777 = arith.constant 0 : i32
      %dma_wait3A_778 = arith.constant 0 : i32
      %dma_wait3A_779 = tpu.memref_slice %arg8[%dma_wait3A_776, %dma_wait3A_777, %dma_wait3A_778] : memref<2x128x128xf32, #tpu.memory_space<vmem>> -> memref<1x128x128xf32, #tpu.memory_space<vmem>>
      %dma_wait3A_780 = tpu.memref_squeeze %dma_wait3A_779 : memref<1x128x128xf32, #tpu.memory_space<vmem>> -> memref<128x128xf32, #tpu.memory_space<vmem>>
      %dma_wait3A_781 = arith.constant 0 : i32
      %dma_wait3A_782 = arith.constant 0 : i32
      %dma_wait3A_783 = tpu.memref_slice %arg2[%dma_wait3A_781, %dma_wait3A_782] : memref<10240x128xf32, #tpu.memory_space<hbm>> -> memref<128x128xf32, #tpu.memory_space<hbm>>
      %dma_wait3A_784 = arith.constant 0 : i32
      %dma_wait3A_785 = arith.constant 0 : i32
      %dma_wait3A_786 = tpu.memref_slice %arg8[%dma_wait3A_776, %dma_wait3A_784, %dma_wait3A_785] : memref<2x128x128xf32, #tpu.memory_space<vmem>> -> memref<1x128x128xf32, #tpu.memory_space<vmem>>
      %dma_wait3A_787 = tpu.memref_squeeze %dma_wait3A_786 : memref<1x128x128xf32, #tpu.memory_space<vmem>> -> memref<128x128xf32, #tpu.memory_space<vmem>>
      %dma_wait3A_788 = arith.constant 0 : i32
      %dma_wait3A_789 = arith.constant 0 : i32
      %dma_wait3A_790 = tpu.memref_slice %arg2[%dma_wait3A_788, %dma_wait3A_789] : memref<10240x128xf32, #tpu.memory_space<hbm>> -> memref<128x128xf32, #tpu.memory_space<hbm>>
      tpu.wait_dma2 semaphore(%arg13 : memref<!tpu.dma_semaphore, #tpu.memory_space<semaphore_mem>>) src(%dma_wait3A_790 : memref<128x128xf32, #tpu.memory_space<hbm>>) dst(%dma_wait3A_787 : memref<128x128xf32, #tpu.memory_space<vmem>>)
      %dma_start3A_791 = arith.constant 0 : i32
      %dma_start3A_792 = arith.constant 2 : i32
      %dma_start3A_793 = arith.constant 1 : i32
      %dma_start3A_794 = arith.constant 0 : i32
      %dma_start3A_795 = arith.constant 0 : i32
      %dma_start3A_796 = tpu.memref_slice %arg8[%dma_start3A_791, %dma_start3A_794, %dma_start3A_795] : memref<2x128x128xf32, #tpu.memory_space<vmem>> -> memref<1x128x128xf32, #tpu.memory_space<vmem>>
      %dma_start3A_797 = tpu.memref_squeeze %dma_start3A_796 : memref<1x128x128xf32, #tpu.memory_space<vmem>> -> memref<128x128xf32, #tpu.memory_space<vmem>>
      %dma_start3A_798 = arith.constant 0 : i32
      %dma_start3A_799 = tpu.memref_slice %arg7[%dma_start3A_792, %dma_start3A_793, %dma_start3A_798] : memref<4x2x128xi32, #tpu.memory_space<vmem>> -> memref<1x1x128xi32, #tpu.memory_space<vmem>>
      %dma_start3A_800 = tpu.memref_squeeze %dma_start3A_799 : memref<1x1x128xi32, #tpu.memory_space<vmem>> -> memref<128xi32, #tpu.memory_space<vmem>>
      %dma_start3A_801 = arith.constant 0 : i32
      %dma_start3A_802 = arith.constant 0 : i32
      %dma_start3A_803 = tpu.memref_slice %arg6[%dma_start3A_801, %dma_start3A_802] : memref<10240x128xf32, #tpu.memory_space<vmem_shared>> -> memref<10240x128xf32, #tpu.memory_space<vmem_shared>>
      tpu.enqueue_indirect_dma source(%dma_start3A_797 : memref<128x128xf32, #tpu.memory_space<vmem>>) target(%dma_start3A_803 : memref<10240x128xf32, #tpu.memory_space<vmem_shared>>) offsets(%dma_start3A_800 : memref<128xi32, #tpu.memory_space<vmem>>) semaphore(%arg15 : memref<!tpu.dma_semaphore, #tpu.memory_space<semaphore_mem>>) {add = true}
      %add3A_804 = arith.constant 3 : i32
      %add3A_805 = arith.addi %mul3A_518, %add3A_804 : i32
      %dma_wait3A_806 = arith.constant 0 : i32
      %dma_wait3A_807 = arith.constant 0 : i32
      %dma_wait3A_808 = arith.constant 0 : i32
      %dma_wait3A_809 = tpu.memref_slice %arg8[%dma_wait3A_806, %dma_wait3A_807, %dma_wait3A_808] : memref<2x128x128xf32, #tpu.memory_space<vmem>> -> memref<1x128x128xf32, #tpu.memory_space<vmem>>
      %dma_wait3A_810 = tpu.memref_squeeze %dma_wait3A_809 : memref<1x128x128xf32, #tpu.memory_space<vmem>> -> memref<128x128xf32, #tpu.memory_space<vmem>>
      %dma_wait3A_811 = arith.constant 0 : i32
      %dma_wait3A_812 = arith.constant 0 : i32
      %dma_wait3A_813 = tpu.memref_slice %arg2[%dma_wait3A_811, %dma_wait3A_812] : memref<10240x128xf32, #tpu.memory_space<hbm>> -> memref<128x128xf32, #tpu.memory_space<hbm>>
      %dma_wait3A_814 = arith.constant 0 : i32
      %dma_wait3A_815 = arith.constant 0 : i32
      %dma_wait3A_816 = tpu.memref_slice %arg8[%dma_wait3A_806, %dma_wait3A_814, %dma_wait3A_815] : memref<2x128x128xf32, #tpu.memory_space<vmem>> -> memref<1x128x128xf32, #tpu.memory_space<vmem>>
      %dma_wait3A_817 = tpu.memref_squeeze %dma_wait3A_816 : memref<1x128x128xf32, #tpu.memory_space<vmem>> -> memref<128x128xf32, #tpu.memory_space<vmem>>
      %dma_wait3A_818 = arith.constant 0 : i32
      %dma_wait3A_819 = arith.constant 0 : i32
      %dma_wait3A_820 = tpu.memref_slice %arg2[%dma_wait3A_818, %dma_wait3A_819] : memref<10240x128xf32, #tpu.memory_space<hbm>> -> memref<128x128xf32, #tpu.memory_space<hbm>>
      tpu.wait_dma2 semaphore(%arg15 : memref<!tpu.dma_semaphore, #tpu.memory_space<semaphore_mem>>) src(%dma_wait3A_820 : memref<128x128xf32, #tpu.memory_space<hbm>>) dst(%dma_wait3A_817 : memref<128x128xf32, #tpu.memory_space<vmem>>)
      %dma_wait3A_821 = arith.constant 0 : i32
      %dma_wait3A_822 = arith.constant 0 : i32
      %dma_wait3A_823 = arith.constant 0 : i32
      %dma_wait3A_824 = arith.constant 0 : i32
      %dma_wait3A_825 = tpu.memref_slice %arg7[%dma_wait3A_822, %dma_wait3A_823, %dma_wait3A_824] : memref<4x2x128xi32, #tpu.memory_space<vmem>> -> memref<1x2x128xi32, #tpu.memory_space<vmem>>
      %dma_wait3A_826 = tpu.memref_squeeze %dma_wait3A_825 : memref<1x2x128xi32, #tpu.memory_space<vmem>> -> memref<2x128xi32, #tpu.memory_space<vmem>>
      %dma_wait3A_827 = arith.constant 0 : i32
      %dma_wait3A_828 = arith.constant 0 : i32
      %dma_wait3A_829 = tpu.memref_slice %arg4[%dma_wait3A_821, %dma_wait3A_827, %dma_wait3A_828] : memref<2560x2x128xi32, #tpu.memory_space<hbm>> -> memref<1x2x128xi32, #tpu.memory_space<hbm>>
      %dma_wait3A_830 = tpu.memref_squeeze %dma_wait3A_829 : memref<1x2x128xi32, #tpu.memory_space<hbm>> -> memref<2x128xi32, #tpu.memory_space<hbm>>
      %dma_wait3A_831 = arith.constant 0 : i32
      %dma_wait3A_832 = arith.constant 0 : i32
      %dma_wait3A_833 = tpu.memref_slice %arg7[%dma_wait3A_822, %dma_wait3A_831, %dma_wait3A_832] : memref<4x2x128xi32, #tpu.memory_space<vmem>> -> memref<1x2x128xi32, #tpu.memory_space<vmem>>
      %dma_wait3A_834 = tpu.memref_squeeze %dma_wait3A_833 : memref<1x2x128xi32, #tpu.memory_space<vmem>> -> memref<2x128xi32, #tpu.memory_space<vmem>>
      %dma_wait3A_835 = arith.constant 0 : i32
      %dma_wait3A_836 = arith.constant 0 : i32
      %dma_wait3A_837 = tpu.memref_slice %arg4[%dma_wait3A_821, %dma_wait3A_835, %dma_wait3A_836] : memref<2560x2x128xi32, #tpu.memory_space<hbm>> -> memref<1x2x128xi32, #tpu.memory_space<hbm>>
      %dma_wait3A_838 = tpu.memref_squeeze %dma_wait3A_837 : memref<1x2x128xi32, #tpu.memory_space<hbm>> -> memref<2x128xi32, #tpu.memory_space<hbm>>
      tpu.wait_dma2 semaphore(%arg9 : memref<!tpu.dma_semaphore, #tpu.memory_space<semaphore_mem>>) src(%dma_wait3A_838 : memref<2x128xi32, #tpu.memory_space<hbm>>) dst(%dma_wait3A_834 : memref<2x128xi32, #tpu.memory_space<vmem>>)
      %eq3A_839 = arith.constant 0 : i32
      %eq3A_840 = arith.cmpi eq, %arg0, %eq3A_839 : i32
      %convert_element_type3A_841 = arith.extui %eq3A_840 : i1 to i32
      %cond3A_842 = arith.constant 0 : i32
      %cond3A_843 = arith.cmpi ne, %convert_element_type3A_841, %cond3A_842 : i32
      scf.if %cond3A_843 {
        %dma_start3A_899 = arith.constant 0 : i32
        %dma_start3A_900 = arith.constant 0 : i32
        %dma_start3A_901 = arith.constant 0 : i32
        %dma_start3A_902 = arith.constant 0 : i32
        %dma_start3A_903 = arith.constant 0 : i32
        %dma_start3A_904 = tpu.memref_slice %arg8[%dma_start3A_901, %dma_start3A_902, %dma_start3A_903] : memref<2x128x128xf32, #tpu.memory_space<vmem>> -> memref<1x128x128xf32, #tpu.memory_space<vmem>>
        %dma_start3A_905 = tpu.memref_squeeze %dma_start3A_904 : memref<1x128x128xf32, #tpu.memory_space<vmem>> -> memref<128x128xf32, #tpu.memory_space<vmem>>
        %dma_start3A_906 = arith.constant 0 : i32
        %dma_start3A_907 = tpu.memref_slice %arg7[%dma_start3A_899, %dma_start3A_900, %dma_start3A_906] : memref<4x2x128xi32, #tpu.memory_space<vmem>> -> memref<1x1x128xi32, #tpu.memory_space<vmem>>
        %dma_start3A_908 = tpu.memref_squeeze %dma_start3A_907 : memref<1x1x128xi32, #tpu.memory_space<vmem>> -> memref<128xi32, #tpu.memory_space<vmem>>
        %dma_start3A_909 = arith.constant 0 : i32
        %dma_start3A_910 = arith.constant 0 : i32
        %dma_start3A_911 = tpu.memref_slice %arg2[%dma_start3A_909, %dma_start3A_910] : memref<10240x128xf32, #tpu.memory_space<hbm>> -> memref<10240x128xf32, #tpu.memory_space<hbm>>
        tpu.enqueue_indirect_dma source(%dma_start3A_911 : memref<10240x128xf32, #tpu.memory_space<hbm>>) target(%dma_start3A_905 : memref<128x128xf32, #tpu.memory_space<vmem>>) offsets(%dma_start3A_908 : memref<128xi32, #tpu.memory_space<vmem>>) semaphore(%arg13 : memref<!tpu.dma_semaphore, #tpu.memory_space<semaphore_mem>>)
      } else {
      }
      %eq3A_844 = arith.constant 1 : i32
      %eq3A_845 = arith.cmpi eq, %arg0, %eq3A_844 : i32
      %convert_element_type3A_846 = arith.extui %eq3A_845 : i1 to i32
      %cond3A_847 = arith.constant 0 : i32
      %cond3A_848 = arith.cmpi ne, %convert_element_type3A_846, %cond3A_847 : i32
      scf.if %cond3A_848 {
        %dma_start3A_899 = arith.constant 0 : i32
        %dma_start3A_900 = arith.constant 0 : i32
        %dma_start3A_901 = arith.constant 0 : i32
        %dma_start3A_902 = arith.constant 0 : i32
        %dma_start3A_903 = arith.constant 0 : i32
        %dma_start3A_904 = tpu.memref_slice %arg8[%dma_start3A_901, %dma_start3A_902, %dma_start3A_903] : memref<2x128x128xf32, #tpu.memory_space<vmem>> -> memref<1x128x128xf32, #tpu.memory_space<vmem>>
        %dma_start3A_905 = tpu.memref_squeeze %dma_start3A_904 : memref<1x128x128xf32, #tpu.memory_space<vmem>> -> memref<128x128xf32, #tpu.memory_space<vmem>>
        %dma_start3A_906 = arith.constant 0 : i32
        %dma_start3A_907 = tpu.memref_slice %arg7[%dma_start3A_899, %dma_start3A_900, %dma_start3A_906] : memref<4x2x128xi32, #tpu.memory_space<vmem>> -> memref<1x1x128xi32, #tpu.memory_space<vmem>>
        %dma_start3A_908 = tpu.memref_squeeze %dma_start3A_907 : memref<1x1x128xi32, #tpu.memory_space<vmem>> -> memref<128xi32, #tpu.memory_space<vmem>>
        %dma_start3A_909 = arith.constant 0 : i32
        %dma_start3A_910 = arith.constant 0 : i32
        %dma_start3A_911 = tpu.memref_slice %arg3[%dma_start3A_909, %dma_start3A_910] : memref<10240x128xf32, #tpu.memory_space<hbm>> -> memref<10240x128xf32, #tpu.memory_space<hbm>>
        tpu.enqueue_indirect_dma source(%dma_start3A_911 : memref<10240x128xf32, #tpu.memory_space<hbm>>) target(%dma_start3A_905 : memref<128x128xf32, #tpu.memory_space<vmem>>) offsets(%dma_start3A_908 : memref<128xi32, #tpu.memory_space<vmem>>) semaphore(%arg13 : memref<!tpu.dma_semaphore, #tpu.memory_space<semaphore_mem>>)
      } else {
      }
      %add3A_849 = arith.constant 3 : i32
      %add3A_850 = arith.addi %add3A_805, %add3A_849 : i32
      %min3A_851 = arith.constant 159 : i32
      %min3A_852 = arith.minsi %add3A_850, %min3A_851 : i32
      %add3A_853 = arith.addi %mul3A_9, %min3A_852 : i32
      %dma_start3A_854 = arith.constant 2 : i32
      %dma_start3A_855 = arith.constant 0 : i32
      %dma_start3A_856 = arith.constant 0 : i32
      %dma_start3A_857 = tpu.memref_slice %arg7[%dma_start3A_854, %dma_start3A_855, %dma_start3A_856] : memref<4x2x128xi32, #tpu.memory_space<vmem>> -> memref<1x2x128xi32, #tpu.memory_space<vmem>>
      %dma_start3A_858 = tpu.memref_squeeze %dma_start3A_857 : memref<1x2x128xi32, #tpu.memory_space<vmem>> -> memref<2x128xi32, #tpu.memory_space<vmem>>
      %dma_start3A_859 = arith.constant 0 : i32
      %dma_start3A_860 = arith.constant 0 : i32
      %dma_start3A_861 = tpu.memref_slice %arg4[%add3A_853, %dma_start3A_859, %dma_start3A_860] : memref<2560x2x128xi32, #tpu.memory_space<hbm>> -> memref<1x2x128xi32, #tpu.memory_space<hbm>>
      %dma_start3A_862 = tpu.memref_squeeze %dma_start3A_861 : memref<1x2x128xi32, #tpu.memory_space<hbm>> -> memref<2x128xi32, #tpu.memory_space<hbm>>
      %dma_start3A_863 = arith.constant 0 : i32
      %dma_start3A_864 = arith.constant 0 : i32
      %dma_start3A_865 = tpu.memref_slice %arg7[%dma_start3A_854, %dma_start3A_863, %dma_start3A_864] : memref<4x2x128xi32, #tpu.memory_space<vmem>> -> memref<1x2x128xi32, #tpu.memory_space<vmem>>
      %dma_start3A_866 = tpu.memref_squeeze %dma_start3A_865 : memref<1x2x128xi32, #tpu.memory_space<vmem>> -> memref<2x128xi32, #tpu.memory_space<vmem>>
      %dma_start3A_867 = arith.constant 0 : i32
      %dma_start3A_868 = arith.constant 0 : i32
      %dma_start3A_869 = tpu.memref_slice %arg4[%add3A_853, %dma_start3A_867, %dma_start3A_868] : memref<2560x2x128xi32, #tpu.memory_space<hbm>> -> memref<1x2x128xi32, #tpu.memory_space<hbm>>
      %dma_start3A_870 = tpu.memref_squeeze %dma_start3A_869 : memref<1x2x128xi32, #tpu.memory_space<hbm>> -> memref<2x128xi32, #tpu.memory_space<hbm>>
      tpu.enqueue_dma source(%dma_start3A_870 : memref<2x128xi32, #tpu.memory_space<hbm>>) target(%dma_start3A_866 : memref<2x128xi32, #tpu.memory_space<vmem>>) target_semaphore(%arg11 : memref<!tpu.dma_semaphore, #tpu.memory_space<semaphore_mem>>)
      %dma_wait3A_871 = arith.constant 1 : i32
      %dma_wait3A_872 = arith.constant 0 : i32
      %dma_wait3A_873 = arith.constant 0 : i32
      %dma_wait3A_874 = tpu.memref_slice %arg8[%dma_wait3A_871, %dma_wait3A_872, %dma_wait3A_873] : memref<2x128x128xf32, #tpu.memory_space<vmem>> -> memref<1x128x128xf32, #tpu.memory_space<vmem>>
      %dma_wait3A_875 = tpu.memref_squeeze %dma_wait3A_874 : memref<1x128x128xf32, #tpu.memory_space<vmem>> -> memref<128x128xf32, #tpu.memory_space<vmem>>
      %dma_wait3A_876 = arith.constant 0 : i32
      %dma_wait3A_877 = arith.constant 0 : i32
      %dma_wait3A_878 = tpu.memref_slice %arg2[%dma_wait3A_876, %dma_wait3A_877] : memref<10240x128xf32, #tpu.memory_space<hbm>> -> memref<128x128xf32, #tpu.memory_space<hbm>>
      %dma_wait3A_879 = arith.constant 0 : i32
      %dma_wait3A_880 = arith.constant 0 : i32
      %dma_wait3A_881 = tpu.memref_slice %arg8[%dma_wait3A_871, %dma_wait3A_879, %dma_wait3A_880] : memref<2x128x128xf32, #tpu.memory_space<vmem>> -> memref<1x128x128xf32, #tpu.memory_space<vmem>>
      %dma_wait3A_882 = tpu.memref_squeeze %dma_wait3A_881 : memref<1x128x128xf32, #tpu.memory_space<vmem>> -> memref<128x128xf32, #tpu.memory_space<vmem>>
      %dma_wait3A_883 = arith.constant 0 : i32
      %dma_wait3A_884 = arith.constant 0 : i32
      %dma_wait3A_885 = tpu.memref_slice %arg2[%dma_wait3A_883, %dma_wait3A_884] : memref<10240x128xf32, #tpu.memory_space<hbm>> -> memref<128x128xf32, #tpu.memory_space<hbm>>
      tpu.wait_dma2 semaphore(%arg14 : memref<!tpu.dma_semaphore, #tpu.memory_space<semaphore_mem>>) src(%dma_wait3A_885 : memref<128x128xf32, #tpu.memory_space<hbm>>) dst(%dma_wait3A_882 : memref<128x128xf32, #tpu.memory_space<vmem>>)
      %dma_start3A_886 = arith.constant 1 : i32
      %dma_start3A_887 = arith.constant 3 : i32
      %dma_start3A_888 = arith.constant 1 : i32
      %dma_start3A_889 = arith.constant 0 : i32
      %dma_start3A_890 = arith.constant 0 : i32
      %dma_start3A_891 = tpu.memref_slice %arg8[%dma_start3A_886, %dma_start3A_889, %dma_start3A_890] : memref<2x128x128xf32, #tpu.memory_space<vmem>> -> memref<1x128x128xf32, #tpu.memory_space<vmem>>
      %dma_start3A_892 = tpu.memref_squeeze %dma_start3A_891 : memref<1x128x128xf32, #tpu.memory_space<vmem>> -> memref<128x128xf32, #tpu.memory_space<vmem>>
      %dma_start3A_893 = arith.constant 0 : i32
      %dma_start3A_894 = tpu.memref_slice %arg7[%dma_start3A_887, %dma_start3A_888, %dma_start3A_893] : memref<4x2x128xi32, #tpu.memory_space<vmem>> -> memref<1x1x128xi32, #tpu.memory_space<vmem>>
      %dma_start3A_895 = tpu.memref_squeeze %dma_start3A_894 : memref<1x1x128xi32, #tpu.memory_space<vmem>> -> memref<128xi32, #tpu.memory_space<vmem>>
      %dma_start3A_896 = arith.constant 0 : i32
      %dma_start3A_897 = arith.constant 0 : i32
      %dma_start3A_898 = tpu.memref_slice %arg6[%dma_start3A_896, %dma_start3A_897] : memref<10240x128xf32, #tpu.memory_space<vmem_shared>> -> memref<10240x128xf32, #tpu.memory_space<vmem_shared>>
      tpu.enqueue_indirect_dma source(%dma_start3A_892 : memref<128x128xf32, #tpu.memory_space<vmem>>) target(%dma_start3A_898 : memref<10240x128xf32, #tpu.memory_space<vmem_shared>>) offsets(%dma_start3A_895 : memref<128xi32, #tpu.memory_space<vmem>>) semaphore(%arg16 : memref<!tpu.dma_semaphore, #tpu.memory_space<semaphore_mem>>) {add = true}
    }
    %scan3A_448 = arith.constant 39 : i32
    %dma_wait3A_449 = arith.constant 1 : i32
    %dma_wait3A_450 = arith.constant 0 : i32
    %dma_wait3A_451 = arith.constant 0 : i32
    %dma_wait3A_452 = tpu.memref_slice %arg8[%dma_wait3A_449, %dma_wait3A_450, %dma_wait3A_451] : memref<2x128x128xf32, #tpu.memory_space<vmem>> -> memref<1x128x128xf32, #tpu.memory_space<vmem>>
    %dma_wait3A_453 = tpu.memref_squeeze %dma_wait3A_452 : memref<1x128x128xf32, #tpu.memory_space<vmem>> -> memref<128x128xf32, #tpu.memory_space<vmem>>
    %dma_wait3A_454 = arith.constant 0 : i32
    %dma_wait3A_455 = arith.constant 0 : i32
    %dma_wait3A_456 = tpu.memref_slice %arg2[%dma_wait3A_454, %dma_wait3A_455] : memref<10240x128xf32, #tpu.memory_space<hbm>> -> memref<128x128xf32, #tpu.memory_space<hbm>>
    %dma_wait3A_457 = arith.constant 0 : i32
    %dma_wait3A_458 = arith.constant 0 : i32
    %dma_wait3A_459 = tpu.memref_slice %arg8[%dma_wait3A_449, %dma_wait3A_457, %dma_wait3A_458] : memref<2x128x128xf32, #tpu.memory_space<vmem>> -> memref<1x128x128xf32, #tpu.memory_space<vmem>>
    %dma_wait3A_460 = tpu.memref_squeeze %dma_wait3A_459 : memref<1x128x128xf32, #tpu.memory_space<vmem>> -> memref<128x128xf32, #tpu.memory_space<vmem>>
    %dma_wait3A_461 = arith.constant 0 : i32
    %dma_wait3A_462 = arith.constant 0 : i32
    %dma_wait3A_463 = tpu.memref_slice %arg2[%dma_wait3A_461, %dma_wait3A_462] : memref<10240x128xf32, #tpu.memory_space<hbm>> -> memref<128x128xf32, #tpu.memory_space<hbm>>
    tpu.wait_dma2 semaphore(%arg16 : memref<!tpu.dma_semaphore, #tpu.memory_space<semaphore_mem>>) src(%dma_wait3A_463 : memref<128x128xf32, #tpu.memory_space<hbm>>) dst(%dma_wait3A_460 : memref<128x128xf32, #tpu.memory_space<vmem>>)
    %dma_wait3A_464 = arith.constant 0 : i32
    %dma_wait3A_465 = arith.constant 0 : i32
    %dma_wait3A_466 = arith.constant 0 : i32
    %dma_wait3A_467 = tpu.memref_slice %arg8[%dma_wait3A_464, %dma_wait3A_465, %dma_wait3A_466] : memref<2x128x128xf32, #tpu.memory_space<vmem>> -> memref<1x128x128xf32, #tpu.memory_space<vmem>>
    %dma_wait3A_468 = tpu.memref_squeeze %dma_wait3A_467 : memref<1x128x128xf32, #tpu.memory_space<vmem>> -> memref<128x128xf32, #tpu.memory_space<vmem>>
    %dma_wait3A_469 = arith.constant 0 : i32
    %dma_wait3A_470 = arith.constant 0 : i32
    %dma_wait3A_471 = tpu.memref_slice %arg2[%dma_wait3A_469, %dma_wait3A_470] : memref<10240x128xf32, #tpu.memory_space<hbm>> -> memref<128x128xf32, #tpu.memory_space<hbm>>
    %dma_wait3A_472 = arith.constant 0 : i32
    %dma_wait3A_473 = arith.constant 0 : i32
    %dma_wait3A_474 = tpu.memref_slice %arg8[%dma_wait3A_464, %dma_wait3A_472, %dma_wait3A_473] : memref<2x128x128xf32, #tpu.memory_space<vmem>> -> memref<1x128x128xf32, #tpu.memory_space<vmem>>
    %dma_wait3A_475 = tpu.memref_squeeze %dma_wait3A_474 : memref<1x128x128xf32, #tpu.memory_space<vmem>> -> memref<128x128xf32, #tpu.memory_space<vmem>>
    %dma_wait3A_476 = arith.constant 0 : i32
    %dma_wait3A_477 = arith.constant 0 : i32
    %dma_wait3A_478 = tpu.memref_slice %arg2[%dma_wait3A_476, %dma_wait3A_477] : memref<10240x128xf32, #tpu.memory_space<hbm>> -> memref<128x128xf32, #tpu.memory_space<hbm>>
    tpu.wait_dma2 semaphore(%arg13 : memref<!tpu.dma_semaphore, #tpu.memory_space<semaphore_mem>>) src(%dma_wait3A_478 : memref<128x128xf32, #tpu.memory_space<hbm>>) dst(%dma_wait3A_475 : memref<128x128xf32, #tpu.memory_space<vmem>>)
    %dma_wait3A_479 = arith.constant 0 : i32
    %dma_wait3A_480 = arith.constant 1 : i32
    %dma_wait3A_481 = arith.constant 0 : i32
    %dma_wait3A_482 = arith.constant 0 : i32
    %dma_wait3A_483 = tpu.memref_slice %arg7[%dma_wait3A_480, %dma_wait3A_481, %dma_wait3A_482] : memref<4x2x128xi32, #tpu.memory_space<vmem>> -> memref<1x2x128xi32, #tpu.memory_space<vmem>>
    %dma_wait3A_484 = tpu.memref_squeeze %dma_wait3A_483 : memref<1x2x128xi32, #tpu.memory_space<vmem>> -> memref<2x128xi32, #tpu.memory_space<vmem>>
    %dma_wait3A_485 = arith.constant 0 : i32
    %dma_wait3A_486 = arith.constant 0 : i32
    %dma_wait3A_487 = tpu.memref_slice %arg4[%dma_wait3A_479, %dma_wait3A_485, %dma_wait3A_486] : memref<2560x2x128xi32, #tpu.memory_space<hbm>> -> memref<1x2x128xi32, #tpu.memory_space<hbm>>
    %dma_wait3A_488 = tpu.memref_squeeze %dma_wait3A_487 : memref<1x2x128xi32, #tpu.memory_space<hbm>> -> memref<2x128xi32, #tpu.memory_space<hbm>>
    %dma_wait3A_489 = arith.constant 0 : i32
    %dma_wait3A_490 = arith.constant 0 : i32
    %dma_wait3A_491 = tpu.memref_slice %arg7[%dma_wait3A_480, %dma_wait3A_489, %dma_wait3A_490] : memref<4x2x128xi32, #tpu.memory_space<vmem>> -> memref<1x2x128xi32, #tpu.memory_space<vmem>>
    %dma_wait3A_492 = tpu.memref_squeeze %dma_wait3A_491 : memref<1x2x128xi32, #tpu.memory_space<vmem>> -> memref<2x128xi32, #tpu.memory_space<vmem>>
    %dma_wait3A_493 = arith.constant 0 : i32
    %dma_wait3A_494 = arith.constant 0 : i32
    %dma_wait3A_495 = tpu.memref_slice %arg4[%dma_wait3A_479, %dma_wait3A_493, %dma_wait3A_494] : memref<2560x2x128xi32, #tpu.memory_space<hbm>> -> memref<1x2x128xi32, #tpu.memory_space<hbm>>
    %dma_wait3A_496 = tpu.memref_squeeze %dma_wait3A_495 : memref<1x2x128xi32, #tpu.memory_space<hbm>> -> memref<2x128xi32, #tpu.memory_space<hbm>>
    tpu.wait_dma2 semaphore(%arg10 : memref<!tpu.dma_semaphore, #tpu.memory_space<semaphore_mem>>) src(%dma_wait3A_496 : memref<2x128xi32, #tpu.memory_space<hbm>>) dst(%dma_wait3A_492 : memref<2x128xi32, #tpu.memory_space<vmem>>)
    %dma_wait3A_497 = arith.constant 0 : i32
    %dma_wait3A_498 = arith.constant 2 : i32
    %dma_wait3A_499 = arith.constant 0 : i32
    %dma_wait3A_500 = arith.constant 0 : i32
    %dma_wait3A_501 = tpu.memref_slice %arg7[%dma_wait3A_498, %dma_wait3A_499, %dma_wait3A_500] : memref<4x2x128xi32, #tpu.memory_space<vmem>> -> memref<1x2x128xi32, #tpu.memory_space<vmem>>
    %dma_wait3A_502 = tpu.memref_squeeze %dma_wait3A_501 : memref<1x2x128xi32, #tpu.memory_space<vmem>> -> memref<2x128xi32, #tpu.memory_space<vmem>>
    %dma_wait3A_503 = arith.constant 0 : i32
    %dma_wait3A_504 = arith.constant 0 : i32
    %dma_wait3A_505 = tpu.memref_slice %arg4[%dma_wait3A_497, %dma_wait3A_503, %dma_wait3A_504] : memref<2560x2x128xi32, #tpu.memory_space<hbm>> -> memref<1x2x128xi32, #tpu.memory_space<hbm>>
    %dma_wait3A_506 = tpu.memref_squeeze %dma_wait3A_505 : memref<1x2x128xi32, #tpu.memory_space<hbm>> -> memref<2x128xi32, #tpu.memory_space<hbm>>
    %dma_wait3A_507 = arith.constant 0 : i32
    %dma_wait3A_508 = arith.constant 0 : i32
    %dma_wait3A_509 = tpu.memref_slice %arg7[%dma_wait3A_498, %dma_wait3A_507, %dma_wait3A_508] : memref<4x2x128xi32, #tpu.memory_space<vmem>> -> memref<1x2x128xi32, #tpu.memory_space<vmem>>
    %dma_wait3A_510 = tpu.memref_squeeze %dma_wait3A_509 : memref<1x2x128xi32, #tpu.memory_space<vmem>> -> memref<2x128xi32, #tpu.memory_space<vmem>>
    %dma_wait3A_511 = arith.constant 0 : i32
    %dma_wait3A_512 = arith.constant 0 : i32
    %dma_wait3A_513 = tpu.memref_slice %arg4[%dma_wait3A_497, %dma_wait3A_511, %dma_wait3A_512] : memref<2560x2x128xi32, #tpu.memory_space<hbm>> -> memref<1x2x128xi32, #tpu.memory_space<hbm>>
    %dma_wait3A_514 = tpu.memref_squeeze %dma_wait3A_513 : memref<1x2x128xi32, #tpu.memory_space<hbm>> -> memref<2x128xi32, #tpu.memory_space<hbm>>
    tpu.wait_dma2 semaphore(%arg11 : memref<!tpu.dma_semaphore, #tpu.memory_space<semaphore_mem>>) src(%dma_wait3A_514 : memref<2x128xi32, #tpu.memory_space<hbm>>) dst(%dma_wait3A_510 : memref<2x128xi32, #tpu.memory_space<vmem>>)
    %barrier3A_515 = arith.constant 0 : index
    tpu.barrier barrier_id(%barrier3A_515)
    "tpu.region"() ({
      %run_scoped3A = tpu.sem_alloc : memref<!tpu.dma_semaphore, #tpu.memory_space<semaphore_mem>>
      %dma_start3A_516 = arith.constant 0 : i32
      %dma_start3A_517 = tpu.memref_slice %arg5[%arg0, %mul3A_0, %dma_start3A_516] : memref<2x10240x128xf32, #tpu.memory_space<hbm>> -> memref<1x640x128xf32, #tpu.memory_space<hbm>>
      %dma_start3A_518 = tpu.memref_squeeze %dma_start3A_517 : memref<1x640x128xf32, #tpu.memory_space<hbm>> -> memref<640x128xf32, #tpu.memory_space<hbm>>
      %dma_start3A_519 = arith.constant 0 : i32
      %dma_start3A_520 = tpu.memref_slice %arg6[%mul3A_0, %dma_start3A_519] : memref<10240x128xf32, #tpu.memory_space<vmem_shared>> -> memref<640x128xf32, #tpu.memory_space<vmem_shared>>
      tpu.enqueue_dma source(%dma_start3A_520 : memref<640x128xf32, #tpu.memory_space<vmem_shared>>) target(%dma_start3A_518 : memref<640x128xf32, #tpu.memory_space<hbm>>) target_semaphore(%run_scoped3A : memref<!tpu.dma_semaphore, #tpu.memory_space<semaphore_mem>>)
      %dma_wait3A_521 = arith.constant 0 : i32
      %dma_wait3A_522 = tpu.memref_slice %arg5[%arg0, %mul3A_0, %dma_wait3A_521] : memref<2x10240x128xf32, #tpu.memory_space<hbm>> -> memref<1x640x128xf32, #tpu.memory_space<hbm>>
      %dma_wait3A_523 = tpu.memref_squeeze %dma_wait3A_522 : memref<1x640x128xf32, #tpu.memory_space<hbm>> -> memref<640x128xf32, #tpu.memory_space<hbm>>
      %dma_wait3A_524 = arith.constant 0 : i32
      %dma_wait3A_525 = tpu.memref_slice %arg6[%mul3A_0, %dma_wait3A_524] : memref<10240x128xf32, #tpu.memory_space<vmem_shared>> -> memref<640x128xf32, #tpu.memory_space<vmem_shared>>
      tpu.wait_dma2 semaphore(%run_scoped3A : memref<!tpu.dma_semaphore, #tpu.memory_space<semaphore_mem>>) src(%dma_wait3A_525 : memref<640x128xf32, #tpu.memory_space<vmem_shared>>) dst(%dma_wait3A_523 : memref<640x128xf32, #tpu.memory_space<hbm>>)
      tpu.yield
    }) : () -> ()
    return
  }
}

module attributes {stable_mosaic.version = 14 : i64} {
  func.func @_tc_mlp_body(%arg0: memref<2x10240x128xf32, #tpu.memory_space<vmem>>, %arg1: memref<128x256xf32, #tpu.memory_space<vmem>>, %arg2: memref<256xf32, #tpu.memory_space<vmem>>, %arg3: memref<256xf32, #tpu.memory_space<vmem>>, %arg4: memref<256xf32, #tpu.memory_space<vmem>>, %arg5: memref<256x256xf32, #tpu.memory_space<vmem>>, %arg6: memref<256xf32, #tpu.memory_space<vmem>>, %arg7: memref<10000x64xi32, #tpu.memory_space<vmem>>, %arg8: memref<256x128xf32, #tpu.memory_space<vmem>>, %arg9: memref<64x128xf32, #tpu.memory_space<vmem>>, %arg10: memref<10240x128xf32, #tpu.memory_space<vmem>>, %arg11: memref<10240x128xf32, #tpu.memory_space<vmem>>, %arg12: memref<64x128xf32, #tpu.memory_space<vmem>>) attributes {dimension_semantics = [], scalar_prefetch = 0 : i64, scratch_operands = 0 : i64, tpu.core_type = #tpu.core_type<tc>} {
    %get3A = arith.constant 0 : index
    %get3A_0 = arith.constant 0 : index
    %get3A_1 = arith.constant 0 : index
    %get3A_2 = vector.load %arg0[%get3A, %get3A_0, %get3A_1] : memref<2x10240x128xf32, #tpu.memory_space<vmem>>, vector<1x10240x128xf32>
    %get3A_3 = vector.shape_cast %get3A_2 : vector<1x10240x128xf32> to vector<10240x128xf32>
    %get3A_4 = arith.constant 1 : index
    %get3A_5 = arith.constant 0 : index
    %get3A_6 = arith.constant 0 : index
    %get3A_7 = vector.load %arg0[%get3A_4, %get3A_5, %get3A_6] : memref<2x10240x128xf32, #tpu.memory_space<vmem>>, vector<1x10240x128xf32>
    %get3A_8 = vector.shape_cast %get3A_7 : vector<1x10240x128xf32> to vector<10240x128xf32>
    %add3A = arith.addf %get3A_3, %get3A_8 : vector<10240x128xf32>
    %get3A_9 = arith.constant 0 : index
    %get3A_10 = arith.constant 0 : index
    %get3A_11 = vector.load %arg1[%get3A_9, %get3A_10] : memref<128x256xf32, #tpu.memory_space<vmem>>, vector<128x256xf32>
    %dot_general3A = arith.constant dense<0.000000e+00> : vector<10240x256xf32>
    %dot_general3A_12 = tpu.matmul %add3A, %get3A_11, %dot_general3A {dimension_numbers = #tpu.dot_dimension_numbers<[1], [0], [0], [1], [0, 0, 1, 1], [], []>, transpose_lhs_hint = false} : vector<10240x128xf32>, vector<128x256xf32>, vector<10240x256xf32> -> vector<10240x256xf32>
    %get3A_13 = arith.constant 0 : index
    %get3A_14 = vector.load %arg2[%get3A_13] : memref<256xf32, #tpu.memory_space<vmem>>, vector<256xf32>
    %broadcast_in_dim3A = vector.shape_cast %get3A_14 : vector<256xf32> to vector<1x256xf32>
    %add3A_15 = vector.broadcast %broadcast_in_dim3A : vector<1x256xf32> to vector<10240x256xf32>
    %add3A_16 = arith.addf %dot_general3A_12, %add3A_15 : vector<10240x256xf32>
    %slice3A = vector.extract_strided_slice %add3A_16 {offsets = [0, 0], sizes = [10000, 256], strides = [1, 1]} : vector<10240x256xf32> to vector<10000x256xf32>
    %reduce_sum3A = arith.constant dense<0.000000e+00> : vector<256xf32>
    %reduce_sum3A_17 = vector.multi_reduction <add>, %slice3A, %reduce_sum3A [0] : vector<10000x256xf32> to vector<256xf32>
    %div3A = arith.constant 1.000000e+04 : f32
    %div3A_18 = vector.broadcast %div3A : f32 to vector<256xf32>
    %div3A_19 = arith.divf %reduce_sum3A_17, %div3A_18 : vector<256xf32>
    %broadcast_in_dim3A_20 = vector.shape_cast %div3A_19 : vector<256xf32> to vector<1x256xf32>
    %sub3A = vector.broadcast %broadcast_in_dim3A_20 : vector<1x256xf32> to vector<10000x256xf32>
    %sub3A_21 = arith.subf %slice3A, %sub3A : vector<10000x256xf32>
    %mul3A = arith.mulf %sub3A_21, %sub3A_21 : vector<10000x256xf32>
    %reduce_sum3A_22 = arith.constant dense<0.000000e+00> : vector<256xf32>
    %reduce_sum3A_23 = vector.multi_reduction <add>, %mul3A, %reduce_sum3A_22 [0] : vector<10000x256xf32> to vector<256xf32>
    %div3A_24 = arith.constant 1.000000e+04 : f32
    %div3A_25 = vector.broadcast %div3A_24 : f32 to vector<256xf32>
    %div3A_26 = arith.divf %reduce_sum3A_23, %div3A_25 : vector<256xf32>
    %broadcast_in_dim3A_27 = vector.shape_cast %div3A_19 : vector<256xf32> to vector<1x256xf32>
    %sub3A_28 = vector.broadcast %broadcast_in_dim3A_27 : vector<1x256xf32> to vector<10240x256xf32>
    %sub3A_29 = arith.subf %add3A_16, %sub3A_28 : vector<10240x256xf32>
    %add3A_30 = arith.constant 9.99999974E-6 : f32
    %add3A_31 = vector.broadcast %add3A_30 : f32 to vector<256xf32>
    %add3A_32 = arith.addf %div3A_26, %add3A_31 : vector<256xf32>
    %rsqrt3A = math.rsqrt %add3A_32 : vector<256xf32>
    %broadcast_in_dim3A_33 = vector.shape_cast %rsqrt3A : vector<256xf32> to vector<1x256xf32>
    %mul3A_34 = vector.broadcast %broadcast_in_dim3A_33 : vector<1x256xf32> to vector<10240x256xf32>
    %mul3A_35 = arith.mulf %sub3A_29, %mul3A_34 : vector<10240x256xf32>
    %get3A_36 = arith.constant 0 : index
    %get3A_37 = vector.load %arg3[%get3A_36] : memref<256xf32, #tpu.memory_space<vmem>>, vector<256xf32>
    %broadcast_in_dim3A_38 = vector.shape_cast %get3A_37 : vector<256xf32> to vector<1x256xf32>
    %mul3A_39 = vector.broadcast %broadcast_in_dim3A_38 : vector<1x256xf32> to vector<10240x256xf32>
    %mul3A_40 = arith.mulf %mul3A_35, %mul3A_39 : vector<10240x256xf32>
    %get3A_41 = arith.constant 0 : index
    %get3A_42 = vector.load %arg4[%get3A_41] : memref<256xf32, #tpu.memory_space<vmem>>, vector<256xf32>
    %broadcast_in_dim3A_43 = vector.shape_cast %get3A_42 : vector<256xf32> to vector<1x256xf32>
    %add3A_44 = vector.broadcast %broadcast_in_dim3A_43 : vector<1x256xf32> to vector<10240x256xf32>
    %add3A_45 = arith.addf %mul3A_40, %add3A_44 : vector<10240x256xf32>
    %max3A = arith.constant 0.000000e+00 : f32
    %max3A_46 = vector.broadcast %max3A : f32 to vector<10240x256xf32>
    %max3A_47 = arith.maximumf %add3A_45, %max3A_46 : vector<10240x256xf32>
    %get3A_48 = arith.constant 0 : index
    %get3A_49 = arith.constant 0 : index
    %get3A_50 = vector.load %arg5[%get3A_48, %get3A_49] : memref<256x256xf32, #tpu.memory_space<vmem>>, vector<256x256xf32>
    %dot_general3A_51 = arith.constant dense<0.000000e+00> : vector<10240x256xf32>
    %dot_general3A_52 = tpu.matmul %max3A_47, %get3A_50, %dot_general3A_51 {dimension_numbers = #tpu.dot_dimension_numbers<[1], [0], [0], [1], [0, 0, 1, 1], [], []>, transpose_lhs_hint = false} : vector<10240x256xf32>, vector<256x256xf32>, vector<10240x256xf32> -> vector<10240x256xf32>
    %get3A_53 = arith.constant 0 : index
    %get3A_54 = vector.load %arg6[%get3A_53] : memref<256xf32, #tpu.memory_space<vmem>>, vector<256xf32>
    %broadcast_in_dim3A_55 = vector.shape_cast %get3A_54 : vector<256xf32> to vector<1x256xf32>
    %add3A_56 = vector.broadcast %broadcast_in_dim3A_55 : vector<1x256xf32> to vector<10240x256xf32>
    %add3A_57 = arith.addf %dot_general3A_52, %add3A_56 : vector<10240x256xf32>
    %max3A_58 = arith.constant 0.000000e+00 : f32
    %max3A_59 = vector.broadcast %max3A_58 : f32 to vector<10240x256xf32>
    %max3A_60 = arith.maximumf %add3A_57, %max3A_59 : vector<10240x256xf32>
    %iota3A = tpu.iota {dimensions = array<i32: 1>} : vector<10000x64xi32>
    %get3A_61 = arith.constant 0 : index
    %get3A_62 = arith.constant 0 : index
    %get3A_63 = vector.load %arg7[%get3A_61, %get3A_62] : memref<10000x64xi32, #tpu.memory_space<vmem>>, vector<10000x64xi32>
    %eq3A = arith.cmpi eq, %get3A_63, %iota3A : vector<10000x64xi32>
    %jit3A = arith.constant 1.000000e+00 : f32
    %jit3A_64 = arith.constant 0.000000e+00 : f32
    %broadcast_in_dim3A_65 = vector.broadcast %jit3A : f32 to vector<10000x64xf32>
    %broadcast_in_dim3A_66 = vector.broadcast %jit3A_64 : f32 to vector<10000x64xf32>
    %select_n3A = arith.select %eq3A, %broadcast_in_dim3A_65, %broadcast_in_dim3A_66 : vector<10000x64xi1>, vector<10000x64xf32>
    %slice3A_67 = vector.extract_strided_slice %max3A_60 {offsets = [0, 0], sizes = [10000, 256], strides = [1, 1]} : vector<10240x256xf32> to vector<10000x256xf32>
    %dot_general3A_68 = arith.constant dense<0.000000e+00> : vector<64x256xf32>
    %dot_general3A_69 = tpu.matmul %select_n3A, %slice3A_67, %dot_general3A_68 {dimension_numbers = #tpu.dot_dimension_numbers<[0], [0], [1], [1], [0, 1, 1, 1], [], []>, transpose_lhs_hint = false} : vector<10000x64xf32>, vector<10000x256xf32>, vector<64x256xf32> -> vector<64x256xf32>
    %get3A_70 = arith.constant 0 : index
    %get3A_71 = arith.constant 0 : index
    %get3A_72 = vector.load %arg9[%get3A_70, %get3A_71] : memref<64x128xf32, #tpu.memory_space<vmem>>, vector<64x128xf32>
    %get3A_73 = arith.constant 0 : index
    %get3A_74 = arith.constant 0 : index
    %get3A_75 = vector.load %arg8[%get3A_73, %get3A_74] : memref<256x128xf32, #tpu.memory_space<vmem>>, vector<256x128xf32>
    %dot_general3A_76 = arith.constant dense<0.000000e+00> : vector<64x128xf32>
    %dot_general3A_77 = tpu.matmul %dot_general3A_69, %get3A_75, %dot_general3A_76 {dimension_numbers = #tpu.dot_dimension_numbers<[1], [0], [0], [1], [0, 0, 1, 1], [], []>, transpose_lhs_hint = false} : vector<64x256xf32>, vector<256x128xf32>, vector<64x128xf32> -> vector<64x128xf32>
    %add3A_78 = arith.addf %get3A_72, %dot_general3A_77 : vector<64x128xf32>
    %slice3A_79 = vector.extract_strided_slice %max3A_60 {offsets = [0, 0], sizes = [10240, 128], strides = [1, 1]} : vector<10240x256xf32> to vector<10240x128xf32>
    %swap3A = arith.constant 0 : index
    %swap3A_80 = arith.constant 0 : index
    %swap3A_81 = vector.load %arg10[%swap3A, %swap3A_80] : memref<10240x128xf32, #tpu.memory_space<vmem>>, vector<10240x128xf32>
    tpu.vector_store %arg10[%swap3A, %swap3A_80], %slice3A_79 {strides = array<i32>} : memref<10240x128xf32, #tpu.memory_space<vmem>>, vector<10240x128xf32>,
    %slice3A_82 = vector.extract_strided_slice %max3A_60 {offsets = [0, 128], sizes = [10240, 128], strides = [1, 1]} : vector<10240x256xf32> to vector<10240x128xf32>
    %swap3A_83 = arith.constant 0 : index
    %swap3A_84 = arith.constant 0 : index
    %swap3A_85 = vector.load %arg11[%swap3A_83, %swap3A_84] : memref<10240x128xf32, #tpu.memory_space<vmem>>, vector<10240x128xf32>
    tpu.vector_store %arg11[%swap3A_83, %swap3A_84], %slice3A_82 {strides = array<i32>} : memref<10240x128xf32, #tpu.memory_space<vmem>>, vector<10240x128xf32>,
    %swap3A_86 = arith.constant 0 : index
    %swap3A_87 = arith.constant 0 : index
    %swap3A_88 = vector.load %arg12[%swap3A_86, %swap3A_87] : memref<64x128xf32, #tpu.memory_space<vmem>>, vector<64x128xf32>
    tpu.vector_store %arg12[%swap3A_86, %swap3A_87], %add3A_78 {strides = array<i32>} : memref<64x128xf32, #tpu.memory_space<vmem>>, vector<64x128xf32>,
    return
  }
}

module attributes {stable_mosaic.version = 14 : i64} {
  func.func @_tc_mlp_body(%arg0: memref<2x10240x128xf32, #tpu.memory_space<vmem>>, %arg1: memref<256x256xf32, #tpu.memory_space<vmem>>, %arg2: memref<256xf32, #tpu.memory_space<vmem>>, %arg3: memref<256xf32, #tpu.memory_space<vmem>>, %arg4: memref<256xf32, #tpu.memory_space<vmem>>, %arg5: memref<256x256xf32, #tpu.memory_space<vmem>>, %arg6: memref<256xf32, #tpu.memory_space<vmem>>, %arg7: memref<10000x64xi32, #tpu.memory_space<vmem>>, %arg8: memref<256x128xf32, #tpu.memory_space<vmem>>, %arg9: memref<64x128xf32, #tpu.memory_space<vmem>>, %arg10: memref<10240x128xf32, #tpu.memory_space<vmem>>, %arg11: memref<10240x128xf32, #tpu.memory_space<vmem>>, %arg12: memref<64x128xf32, #tpu.memory_space<vmem>>) attributes {dimension_semantics = [], scalar_prefetch = 0 : i64, scratch_operands = 0 : i64, tpu.core_type = #tpu.core_type<tc>} {
    %get3A = arith.constant 0 : index
    %get3A_0 = arith.constant 0 : index
    %get3A_1 = arith.constant 0 : index
    %get3A_2 = vector.load %arg0[%get3A, %get3A_0, %get3A_1] : memref<2x10240x128xf32, #tpu.memory_space<vmem>>, vector<1x10240x128xf32>
    %get3A_3 = vector.shape_cast %get3A_2 : vector<1x10240x128xf32> to vector<10240x128xf32>
    %get3A_4 = arith.constant 0 : index
    %get3A_5 = arith.constant 0 : index
    %get3A_6 = vector.load %arg1[%get3A_4, %get3A_5] : memref<256x256xf32, #tpu.memory_space<vmem>>, vector<128x256xf32>
    %dot_general3A = arith.constant dense<0.000000e+00> : vector<10240x256xf32>
    %dot_general3A_7 = tpu.matmul %get3A_3, %get3A_6, %dot_general3A {dimension_numbers = #tpu.dot_dimension_numbers<[1], [0], [0], [1], [0, 0, 1, 1], [], []>, transpose_lhs_hint = false} : vector<10240x128xf32>, vector<128x256xf32>, vector<10240x256xf32> -> vector<10240x256xf32>
    %get3A_8 = arith.constant 1 : index
    %get3A_9 = arith.constant 0 : index
    %get3A_10 = arith.constant 0 : index
    %get3A_11 = vector.load %arg0[%get3A_8, %get3A_9, %get3A_10] : memref<2x10240x128xf32, #tpu.memory_space<vmem>>, vector<1x10240x128xf32>
    %get3A_12 = vector.shape_cast %get3A_11 : vector<1x10240x128xf32> to vector<10240x128xf32>
    %get3A_13 = arith.constant 128 : index
    %get3A_14 = arith.constant 0 : index
    %get3A_15 = vector.load %arg1[%get3A_13, %get3A_14] : memref<256x256xf32, #tpu.memory_space<vmem>>, vector<128x256xf32>
    %dot_general3A_16 = arith.constant dense<0.000000e+00> : vector<10240x256xf32>
    %dot_general3A_17 = tpu.matmul %get3A_12, %get3A_15, %dot_general3A_16 {dimension_numbers = #tpu.dot_dimension_numbers<[1], [0], [0], [1], [0, 0, 1, 1], [], []>, transpose_lhs_hint = false} : vector<10240x128xf32>, vector<128x256xf32>, vector<10240x256xf32> -> vector<10240x256xf32>
    %add3A = arith.addf %dot_general3A_7, %dot_general3A_17 : vector<10240x256xf32>
    %get3A_18 = arith.constant 0 : index
    %get3A_19 = vector.load %arg2[%get3A_18] : memref<256xf32, #tpu.memory_space<vmem>>, vector<256xf32>
    %broadcast_in_dim3A = vector.shape_cast %get3A_19 : vector<256xf32> to vector<1x256xf32>
    %add3A_20 = vector.broadcast %broadcast_in_dim3A : vector<1x256xf32> to vector<10240x256xf32>
    %add3A_21 = arith.addf %add3A, %add3A_20 : vector<10240x256xf32>
    %slice3A = vector.extract_strided_slice %add3A_21 {offsets = [0, 0], sizes = [10000, 256], strides = [1, 1]} : vector<10240x256xf32> to vector<10000x256xf32>
    %reduce_sum3A = arith.constant dense<0.000000e+00> : vector<256xf32>
    %reduce_sum3A_22 = vector.multi_reduction <add>, %slice3A, %reduce_sum3A [0] : vector<10000x256xf32> to vector<256xf32>
    %div3A = arith.constant 1.000000e+04 : f32
    %div3A_23 = vector.broadcast %div3A : f32 to vector<256xf32>
    %div3A_24 = arith.divf %reduce_sum3A_22, %div3A_23 : vector<256xf32>
    %broadcast_in_dim3A_25 = vector.shape_cast %div3A_24 : vector<256xf32> to vector<1x256xf32>
    %sub3A = vector.broadcast %broadcast_in_dim3A_25 : vector<1x256xf32> to vector<10000x256xf32>
    %sub3A_26 = arith.subf %slice3A, %sub3A : vector<10000x256xf32>
    %mul3A = arith.mulf %sub3A_26, %sub3A_26 : vector<10000x256xf32>
    %reduce_sum3A_27 = arith.constant dense<0.000000e+00> : vector<256xf32>
    %reduce_sum3A_28 = vector.multi_reduction <add>, %mul3A, %reduce_sum3A_27 [0] : vector<10000x256xf32> to vector<256xf32>
    %div3A_29 = arith.constant 1.000000e+04 : f32
    %div3A_30 = vector.broadcast %div3A_29 : f32 to vector<256xf32>
    %div3A_31 = arith.divf %reduce_sum3A_28, %div3A_30 : vector<256xf32>
    %broadcast_in_dim3A_32 = vector.shape_cast %div3A_24 : vector<256xf32> to vector<1x256xf32>
    %sub3A_33 = vector.broadcast %broadcast_in_dim3A_32 : vector<1x256xf32> to vector<10240x256xf32>
    %sub3A_34 = arith.subf %add3A_21, %sub3A_33 : vector<10240x256xf32>
    %add3A_35 = arith.constant 9.99999974E-6 : f32
    %add3A_36 = vector.broadcast %add3A_35 : f32 to vector<256xf32>
    %add3A_37 = arith.addf %div3A_31, %add3A_36 : vector<256xf32>
    %rsqrt3A = math.rsqrt %add3A_37 : vector<256xf32>
    %broadcast_in_dim3A_38 = vector.shape_cast %rsqrt3A : vector<256xf32> to vector<1x256xf32>
    %mul3A_39 = vector.broadcast %broadcast_in_dim3A_38 : vector<1x256xf32> to vector<10240x256xf32>
    %mul3A_40 = arith.mulf %sub3A_34, %mul3A_39 : vector<10240x256xf32>
    %get3A_41 = arith.constant 0 : index
    %get3A_42 = vector.load %arg3[%get3A_41] : memref<256xf32, #tpu.memory_space<vmem>>, vector<256xf32>
    %broadcast_in_dim3A_43 = vector.shape_cast %get3A_42 : vector<256xf32> to vector<1x256xf32>
    %mul3A_44 = vector.broadcast %broadcast_in_dim3A_43 : vector<1x256xf32> to vector<10240x256xf32>
    %mul3A_45 = arith.mulf %mul3A_40, %mul3A_44 : vector<10240x256xf32>
    %get3A_46 = arith.constant 0 : index
    %get3A_47 = vector.load %arg4[%get3A_46] : memref<256xf32, #tpu.memory_space<vmem>>, vector<256xf32>
    %broadcast_in_dim3A_48 = vector.shape_cast %get3A_47 : vector<256xf32> to vector<1x256xf32>
    %add3A_49 = vector.broadcast %broadcast_in_dim3A_48 : vector<1x256xf32> to vector<10240x256xf32>
    %add3A_50 = arith.addf %mul3A_45, %add3A_49 : vector<10240x256xf32>
    %max3A = arith.constant 0.000000e+00 : f32
    %max3A_51 = vector.broadcast %max3A : f32 to vector<10240x256xf32>
    %max3A_52 = arith.maximumf %add3A_50, %max3A_51 : vector<10240x256xf32>
    %get3A_53 = arith.constant 0 : index
    %get3A_54 = arith.constant 0 : index
    %get3A_55 = vector.load %arg5[%get3A_53, %get3A_54] : memref<256x256xf32, #tpu.memory_space<vmem>>, vector<256x256xf32>
    %dot_general3A_56 = arith.constant dense<0.000000e+00> : vector<10240x256xf32>
    %dot_general3A_57 = tpu.matmul %max3A_52, %get3A_55, %dot_general3A_56 {dimension_numbers = #tpu.dot_dimension_numbers<[1], [0], [0], [1], [0, 0, 1, 1], [], []>, transpose_lhs_hint = false} : vector<10240x256xf32>, vector<256x256xf32>, vector<10240x256xf32> -> vector<10240x256xf32>
    %get3A_58 = arith.constant 0 : index
    %get3A_59 = vector.load %arg6[%get3A_58] : memref<256xf32, #tpu.memory_space<vmem>>, vector<256xf32>
    %broadcast_in_dim3A_60 = vector.shape_cast %get3A_59 : vector<256xf32> to vector<1x256xf32>
    %add3A_61 = vector.broadcast %broadcast_in_dim3A_60 : vector<1x256xf32> to vector<10240x256xf32>
    %add3A_62 = arith.addf %dot_general3A_57, %add3A_61 : vector<10240x256xf32>
    %max3A_63 = arith.constant 0.000000e+00 : f32
    %max3A_64 = vector.broadcast %max3A_63 : f32 to vector<10240x256xf32>
    %max3A_65 = arith.maximumf %add3A_62, %max3A_64 : vector<10240x256xf32>
    %iota3A = tpu.iota {dimensions = array<i32: 1>} : vector<10000x64xi32>
    %get3A_66 = arith.constant 0 : index
    %get3A_67 = arith.constant 0 : index
    %get3A_68 = vector.load %arg7[%get3A_66, %get3A_67] : memref<10000x64xi32, #tpu.memory_space<vmem>>, vector<10000x64xi32>
    %eq3A = arith.cmpi eq, %get3A_68, %iota3A : vector<10000x64xi32>
    %jit3A = arith.constant 1.000000e+00 : f32
    %jit3A_69 = arith.constant 0.000000e+00 : f32
    %broadcast_in_dim3A_70 = vector.broadcast %jit3A : f32 to vector<10000x64xf32>
    %broadcast_in_dim3A_71 = vector.broadcast %jit3A_69 : f32 to vector<10000x64xf32>
    %select_n3A = arith.select %eq3A, %broadcast_in_dim3A_70, %broadcast_in_dim3A_71 : vector<10000x64xi1>, vector<10000x64xf32>
    %slice3A_72 = vector.extract_strided_slice %max3A_65 {offsets = [0, 0], sizes = [10000, 256], strides = [1, 1]} : vector<10240x256xf32> to vector<10000x256xf32>
    %dot_general3A_73 = arith.constant dense<0.000000e+00> : vector<64x256xf32>
    %dot_general3A_74 = tpu.matmul %select_n3A, %slice3A_72, %dot_general3A_73 {dimension_numbers = #tpu.dot_dimension_numbers<[0], [0], [1], [1], [0, 1, 1, 1], [], []>, transpose_lhs_hint = false} : vector<10000x64xf32>, vector<10000x256xf32>, vector<64x256xf32> -> vector<64x256xf32>
    %get3A_75 = arith.constant 0 : index
    %get3A_76 = arith.constant 0 : index
    %get3A_77 = vector.load %arg9[%get3A_75, %get3A_76] : memref<64x128xf32, #tpu.memory_space<vmem>>, vector<64x128xf32>
    %get3A_78 = arith.constant 0 : index
    %get3A_79 = arith.constant 0 : index
    %get3A_80 = vector.load %arg8[%get3A_78, %get3A_79] : memref<256x128xf32, #tpu.memory_space<vmem>>, vector<256x128xf32>
    %dot_general3A_81 = arith.constant dense<0.000000e+00> : vector<64x128xf32>
    %dot_general3A_82 = tpu.matmul %dot_general3A_74, %get3A_80, %dot_general3A_81 {dimension_numbers = #tpu.dot_dimension_numbers<[1], [0], [0], [1], [0, 0, 1, 1], [], []>, transpose_lhs_hint = false} : vector<64x256xf32>, vector<256x128xf32>, vector<64x128xf32> -> vector<64x128xf32>
    %add3A_83 = arith.addf %get3A_77, %dot_general3A_82 : vector<64x128xf32>
    %slice3A_84 = vector.extract_strided_slice %max3A_65 {offsets = [0, 0], sizes = [10240, 128], strides = [1, 1]} : vector<10240x256xf32> to vector<10240x128xf32>
    %swap3A = arith.constant 0 : index
    %swap3A_85 = arith.constant 0 : index
    %swap3A_86 = vector.load %arg10[%swap3A, %swap3A_85] : memref<10240x128xf32, #tpu.memory_space<vmem>>, vector<10240x128xf32>
    tpu.vector_store %arg10[%swap3A, %swap3A_85], %slice3A_84 {strides = array<i32>} : memref<10240x128xf32, #tpu.memory_space<vmem>>, vector<10240x128xf32>,
    %slice3A_87 = vector.extract_strided_slice %max3A_65 {offsets = [0, 128], sizes = [10240, 128], strides = [1, 1]} : vector<10240x256xf32> to vector<10240x128xf32>
    %swap3A_88 = arith.constant 0 : index
    %swap3A_89 = arith.constant 0 : index
    %swap3A_90 = vector.load %arg11[%swap3A_88, %swap3A_89] : memref<10240x128xf32, #tpu.memory_space<vmem>>, vector<10240x128xf32>
    tpu.vector_store %arg11[%swap3A_88, %swap3A_89], %slice3A_87 {strides = array<i32>} : memref<10240x128xf32, #tpu.memory_space<vmem>>, vector<10240x128xf32>,
    %swap3A_91 = arith.constant 0 : index
    %swap3A_92 = arith.constant 0 : index
    %swap3A_93 = vector.load %arg12[%swap3A_91, %swap3A_92] : memref<64x128xf32, #tpu.memory_space<vmem>>, vector<64x128xf32>
    tpu.vector_store %arg12[%swap3A_91, %swap3A_92], %add3A_83 {strides = array<i32>} : memref<64x128xf32, #tpu.memory_space<vmem>>, vector<64x128xf32>,
    return
  }
}

module attributes {stable_mosaic.version = 14 : i64} {
  func.func @_tc_mlp_body(%arg0: memref<2x10240x128xf32, #tpu.memory_space<vmem>>, %arg1: memref<256x256xf32, #tpu.memory_space<vmem>>, %arg2: memref<256xf32, #tpu.memory_space<vmem>>, %arg3: memref<256xf32, #tpu.memory_space<vmem>>, %arg4: memref<256xf32, #tpu.memory_space<vmem>>, %arg5: memref<256x256xf32, #tpu.memory_space<vmem>>, %arg6: memref<256xf32, #tpu.memory_space<vmem>>, %arg7: memref<10000x64xi32, #tpu.memory_space<vmem>>, %arg8: memref<256x128xf32, #tpu.memory_space<vmem>>, %arg9: memref<64x128xf32, #tpu.memory_space<vmem>>, %arg10: memref<64x128xf32, #tpu.memory_space<vmem>>) attributes {dimension_semantics = [], scalar_prefetch = 0 : i64, scratch_operands = 0 : i64, tpu.core_type = #tpu.core_type<tc>} {
    %get3A = arith.constant 0 : index
    %get3A_0 = arith.constant 0 : index
    %get3A_1 = arith.constant 0 : index
    %get3A_2 = vector.load %arg0[%get3A, %get3A_0, %get3A_1] : memref<2x10240x128xf32, #tpu.memory_space<vmem>>, vector<1x10240x128xf32>
    %get3A_3 = vector.shape_cast %get3A_2 : vector<1x10240x128xf32> to vector<10240x128xf32>
    %get3A_4 = arith.constant 0 : index
    %get3A_5 = arith.constant 0 : index
    %get3A_6 = vector.load %arg1[%get3A_4, %get3A_5] : memref<256x256xf32, #tpu.memory_space<vmem>>, vector<128x256xf32>
    %dot_general3A = arith.constant dense<0.000000e+00> : vector<10240x256xf32>
    %dot_general3A_7 = tpu.matmul %get3A_3, %get3A_6, %dot_general3A {dimension_numbers = #tpu.dot_dimension_numbers<[1], [0], [0], [1], [0, 0, 1, 1], [], []>, transpose_lhs_hint = false} : vector<10240x128xf32>, vector<128x256xf32>, vector<10240x256xf32> -> vector<10240x256xf32>
    %get3A_8 = arith.constant 1 : index
    %get3A_9 = arith.constant 0 : index
    %get3A_10 = arith.constant 0 : index
    %get3A_11 = vector.load %arg0[%get3A_8, %get3A_9, %get3A_10] : memref<2x10240x128xf32, #tpu.memory_space<vmem>>, vector<1x10240x128xf32>
    %get3A_12 = vector.shape_cast %get3A_11 : vector<1x10240x128xf32> to vector<10240x128xf32>
    %get3A_13 = arith.constant 128 : index
    %get3A_14 = arith.constant 0 : index
    %get3A_15 = vector.load %arg1[%get3A_13, %get3A_14] : memref<256x256xf32, #tpu.memory_space<vmem>>, vector<128x256xf32>
    %dot_general3A_16 = arith.constant dense<0.000000e+00> : vector<10240x256xf32>
    %dot_general3A_17 = tpu.matmul %get3A_12, %get3A_15, %dot_general3A_16 {dimension_numbers = #tpu.dot_dimension_numbers<[1], [0], [0], [1], [0, 0, 1, 1], [], []>, transpose_lhs_hint = false} : vector<10240x128xf32>, vector<128x256xf32>, vector<10240x256xf32> -> vector<10240x256xf32>
    %add3A = arith.addf %dot_general3A_7, %dot_general3A_17 : vector<10240x256xf32>
    %get3A_18 = arith.constant 0 : index
    %get3A_19 = vector.load %arg2[%get3A_18] : memref<256xf32, #tpu.memory_space<vmem>>, vector<256xf32>
    %broadcast_in_dim3A = vector.shape_cast %get3A_19 : vector<256xf32> to vector<1x256xf32>
    %add3A_20 = vector.broadcast %broadcast_in_dim3A : vector<1x256xf32> to vector<10240x256xf32>
    %add3A_21 = arith.addf %add3A, %add3A_20 : vector<10240x256xf32>
    %slice3A = vector.extract_strided_slice %add3A_21 {offsets = [0, 0], sizes = [10000, 256], strides = [1, 1]} : vector<10240x256xf32> to vector<10000x256xf32>
    %reduce_sum3A = arith.constant dense<0.000000e+00> : vector<256xf32>
    %reduce_sum3A_22 = vector.multi_reduction <add>, %slice3A, %reduce_sum3A [0] : vector<10000x256xf32> to vector<256xf32>
    %div3A = arith.constant 1.000000e+04 : f32
    %div3A_23 = vector.broadcast %div3A : f32 to vector<256xf32>
    %div3A_24 = arith.divf %reduce_sum3A_22, %div3A_23 : vector<256xf32>
    %broadcast_in_dim3A_25 = vector.shape_cast %div3A_24 : vector<256xf32> to vector<1x256xf32>
    %sub3A = vector.broadcast %broadcast_in_dim3A_25 : vector<1x256xf32> to vector<10000x256xf32>
    %sub3A_26 = arith.subf %slice3A, %sub3A : vector<10000x256xf32>
    %mul3A = arith.mulf %sub3A_26, %sub3A_26 : vector<10000x256xf32>
    %reduce_sum3A_27 = arith.constant dense<0.000000e+00> : vector<256xf32>
    %reduce_sum3A_28 = vector.multi_reduction <add>, %mul3A, %reduce_sum3A_27 [0] : vector<10000x256xf32> to vector<256xf32>
    %div3A_29 = arith.constant 1.000000e+04 : f32
    %div3A_30 = vector.broadcast %div3A_29 : f32 to vector<256xf32>
    %div3A_31 = arith.divf %reduce_sum3A_28, %div3A_30 : vector<256xf32>
    %broadcast_in_dim3A_32 = vector.shape_cast %div3A_24 : vector<256xf32> to vector<1x256xf32>
    %sub3A_33 = vector.broadcast %broadcast_in_dim3A_32 : vector<1x256xf32> to vector<10240x256xf32>
    %sub3A_34 = arith.subf %add3A_21, %sub3A_33 : vector<10240x256xf32>
    %add3A_35 = arith.constant 9.99999974E-6 : f32
    %add3A_36 = vector.broadcast %add3A_35 : f32 to vector<256xf32>
    %add3A_37 = arith.addf %div3A_31, %add3A_36 : vector<256xf32>
    %rsqrt3A = math.rsqrt %add3A_37 : vector<256xf32>
    %broadcast_in_dim3A_38 = vector.shape_cast %rsqrt3A : vector<256xf32> to vector<1x256xf32>
    %mul3A_39 = vector.broadcast %broadcast_in_dim3A_38 : vector<1x256xf32> to vector<10240x256xf32>
    %mul3A_40 = arith.mulf %sub3A_34, %mul3A_39 : vector<10240x256xf32>
    %get3A_41 = arith.constant 0 : index
    %get3A_42 = vector.load %arg3[%get3A_41] : memref<256xf32, #tpu.memory_space<vmem>>, vector<256xf32>
    %broadcast_in_dim3A_43 = vector.shape_cast %get3A_42 : vector<256xf32> to vector<1x256xf32>
    %mul3A_44 = vector.broadcast %broadcast_in_dim3A_43 : vector<1x256xf32> to vector<10240x256xf32>
    %mul3A_45 = arith.mulf %mul3A_40, %mul3A_44 : vector<10240x256xf32>
    %get3A_46 = arith.constant 0 : index
    %get3A_47 = vector.load %arg4[%get3A_46] : memref<256xf32, #tpu.memory_space<vmem>>, vector<256xf32>
    %broadcast_in_dim3A_48 = vector.shape_cast %get3A_47 : vector<256xf32> to vector<1x256xf32>
    %add3A_49 = vector.broadcast %broadcast_in_dim3A_48 : vector<1x256xf32> to vector<10240x256xf32>
    %add3A_50 = arith.addf %mul3A_45, %add3A_49 : vector<10240x256xf32>
    %max3A = arith.constant 0.000000e+00 : f32
    %max3A_51 = vector.broadcast %max3A : f32 to vector<10240x256xf32>
    %max3A_52 = arith.maximumf %add3A_50, %max3A_51 : vector<10240x256xf32>
    %get3A_53 = arith.constant 0 : index
    %get3A_54 = arith.constant 0 : index
    %get3A_55 = vector.load %arg5[%get3A_53, %get3A_54] : memref<256x256xf32, #tpu.memory_space<vmem>>, vector<256x256xf32>
    %dot_general3A_56 = arith.constant dense<0.000000e+00> : vector<10240x256xf32>
    %dot_general3A_57 = tpu.matmul %max3A_52, %get3A_55, %dot_general3A_56 {dimension_numbers = #tpu.dot_dimension_numbers<[1], [0], [0], [1], [0, 0, 1, 1], [], []>, transpose_lhs_hint = false} : vector<10240x256xf32>, vector<256x256xf32>, vector<10240x256xf32> -> vector<10240x256xf32>
    %get3A_58 = arith.constant 0 : index
    %get3A_59 = vector.load %arg6[%get3A_58] : memref<256xf32, #tpu.memory_space<vmem>>, vector<256xf32>
    %broadcast_in_dim3A_60 = vector.shape_cast %get3A_59 : vector<256xf32> to vector<1x256xf32>
    %add3A_61 = vector.broadcast %broadcast_in_dim3A_60 : vector<1x256xf32> to vector<10240x256xf32>
    %add3A_62 = arith.addf %dot_general3A_57, %add3A_61 : vector<10240x256xf32>
    %max3A_63 = arith.constant 0.000000e+00 : f32
    %max3A_64 = vector.broadcast %max3A_63 : f32 to vector<10240x256xf32>
    %max3A_65 = arith.maximumf %add3A_62, %max3A_64 : vector<10240x256xf32>
    %iota3A = tpu.iota {dimensions = array<i32: 1>} : vector<10000x64xi32>
    %get3A_66 = arith.constant 0 : index
    %get3A_67 = arith.constant 0 : index
    %get3A_68 = vector.load %arg7[%get3A_66, %get3A_67] : memref<10000x64xi32, #tpu.memory_space<vmem>>, vector<10000x64xi32>
    %eq3A = arith.cmpi eq, %get3A_68, %iota3A : vector<10000x64xi32>
    %jit3A = arith.constant 1.000000e+00 : f32
    %jit3A_69 = arith.constant 0.000000e+00 : f32
    %broadcast_in_dim3A_70 = vector.broadcast %jit3A : f32 to vector<10000x64xf32>
    %broadcast_in_dim3A_71 = vector.broadcast %jit3A_69 : f32 to vector<10000x64xf32>
    %select_n3A = arith.select %eq3A, %broadcast_in_dim3A_70, %broadcast_in_dim3A_71 : vector<10000x64xi1>, vector<10000x64xf32>
    %slice3A_72 = vector.extract_strided_slice %max3A_65 {offsets = [0, 0], sizes = [10000, 256], strides = [1, 1]} : vector<10240x256xf32> to vector<10000x256xf32>
    %dot_general3A_73 = arith.constant dense<0.000000e+00> : vector<64x256xf32>
    %dot_general3A_74 = tpu.matmul %select_n3A, %slice3A_72, %dot_general3A_73 {dimension_numbers = #tpu.dot_dimension_numbers<[0], [0], [1], [1], [0, 1, 1, 1], [], []>, transpose_lhs_hint = false} : vector<10000x64xf32>, vector<10000x256xf32>, vector<64x256xf32> -> vector<64x256xf32>
    %get3A_75 = arith.constant 0 : index
    %get3A_76 = arith.constant 0 : index
    %get3A_77 = vector.load %arg9[%get3A_75, %get3A_76] : memref<64x128xf32, #tpu.memory_space<vmem>>, vector<64x128xf32>
    %get3A_78 = arith.constant 0 : index
    %get3A_79 = arith.constant 0 : index
    %get3A_80 = vector.load %arg8[%get3A_78, %get3A_79] : memref<256x128xf32, #tpu.memory_space<vmem>>, vector<256x128xf32>
    %dot_general3A_81 = arith.constant dense<0.000000e+00> : vector<64x128xf32>
    %dot_general3A_82 = tpu.matmul %dot_general3A_74, %get3A_80, %dot_general3A_81 {dimension_numbers = #tpu.dot_dimension_numbers<[1], [0], [0], [1], [0, 0, 1, 1], [], []>, transpose_lhs_hint = false} : vector<64x256xf32>, vector<256x128xf32>, vector<64x128xf32> -> vector<64x128xf32>
    %add3A_83 = arith.addf %get3A_77, %dot_general3A_82 : vector<64x128xf32>
    %swap3A = arith.constant 0 : index
    %swap3A_84 = arith.constant 0 : index
    %swap3A_85 = vector.load %arg10[%swap3A, %swap3A_84] : memref<64x128xf32, #tpu.memory_space<vmem>>, vector<64x128xf32>
    tpu.vector_store %arg10[%swap3A, %swap3A_84], %add3A_83 {strides = array<i32>} : memref<64x128xf32, #tpu.memory_space<vmem>>, vector<64x128xf32>,
    return
  }
}

</mosaic_0001>

<sc_bundles>
// kernel: kernel.11.cloned.1.call-start
scs
__scs_entry_jumppad:
0x0: {  	(pc) =	sbr.rel $0x88, $3  }
0x1: {  	(tag) =	ssettag $0x0;
	lr =	simm.s32 $0x1  }
0x2: {  	[smem:$0x3F8A] =	sst lr;
	_ =	strace $0xD0000000  }
0x3: {  	_ = 	snop  }
0x4: {  	_ = 	snop  }
0x5: {  	_ = 	snop  }
0x6: {  	_ = 	snop  }
0x7: {  	_ = 	snop  }
__scs_overlays_trampoline_lowered:
0x8: {  	[smem:$0x3F99] =	sst s0  }
0x9: {  	[smem:$0x3F9A] =	sst s1  }
0xa: {  	[smem:$0x3F9B] =	sst s2  }
0xb: {  	[smem:$0x3F9C] =	sst s3  }
0xc: {  	[smem:$0x3F9D] =	sst s4  }
0xd: {  	[smem:$0x3F9E] =	sst s5  }
0xe: {  	[smem:$0x3F9F] =	sst s6  }
0xf: {  	[smem:$0x3FA0] =	sst s7  }
0x10: {  	[smem:$0x3FA1] =	sst s8  }
0x11: {  	[smem:$0x3FA2] =	sst s9;
	s0 =	simm.s32 @!p0 $0x0  }
0x12: {  	s1 =	sld [smem:$0x3F88];
	s0 =	simm.s32 @p0 $0x1  }
0x13: {  	[smem:$0x3FA3] =	sst s0;
	s0 =	simm.s32 @!p1 $0x0  }
0x14: {  	s2 =	sld [smem:$0x3F87];
	s0 =	simm.s32 @p1 $0x1  }
0x15: {  	[smem:$0x3FA4] =	sst s0;
	s0 =	simm.s32 @!p2 $0x0  }
0x16: {  	s3 =	sld [smem:$0x3FDB];
	s0 =	simm.s32 @p2 $0x1  }
0x17: {  	s4 =	simm.s32 $0x1BF5;
	[smem:$0x3FA6] =	sst s0  }
0x18: {  	s0 =	sld [smem:$0x3F89];
	_ =	swait.ge [sflag:s4], $0x0  }
0x19: {  	s7 =	sld [smem:$0x3F8A]  }
0x1a: {  	s8 =	sadd.s32 $0xFFFFE003, lr  }
0x1b: {  	s9 =	sadd.s32 $0xFFFFFEF7, lr;
	s5 =	simm.s32 $0xFFFFFFFF;
	p2 =	slt.u32 s8, $0xFFFFF086  }
0x1c: {  	p1 =	slt.u32 s9, $0xF7A;
	s5 =	simm.s32 @!p2 $0x0  }
0x1d: {  	s5 =	simm.s32 @p1 $0x1;
	p0 =	seq.s32 s7, s2  }
0x1e: {  	s7 =	smul.u32 @!p0 $0xF7A, s2;
	p2 =	seq.s32 @!p0 s5, $0x0  }
0x1f: {  	s9 =	smul.u32 $0xF7A, s1;
	s8 =	simm.s32 @!p0 $0x1BF5;
	p2 =	por !p2, p0  }
0x20: {  	[sflag:s8] =	ssyncset.s32 @!p0 $0xFFFFF086;
	s6 =	sadd.s32 @!p0 s3, s7;
	s7 =	simm.s32 @!p0 $0x108  }
0x21: {  	s3 =	sadd.s32 s3, s9;
	s6 =	sadd.s32 @!p0 $0x88, s6;
	s7 =	simm.s32 @p2 $0x1082  }
0x22: {  	[simem:s7], [sflag:s8] =	dma.local @!p0 [hbm:s6], $0xF7A  }
0x23: {  	s9 =	sor.u32 $0xD0000000, s2;
	s6 =	simm.s32 $0x108;
	_ =	swait.ge @!p0 [sflag:s8], $0x0  }
0x24: {  	s3 =	sadd.s32 $0x88, s3;
	s6 =	simm.s32 @!p1 $0x1082;
	[sflag:s4] =	ssyncset.s32 $0xFFFFF086  }
0x25: {  	[simem:s6], [sflag:s4] =	dma.local [hbm:s3], $0xF7A  }
0x26: {  	[smem:$0x3F8A] =	sst s1;
	(tag) =	ssettag s2;
	_ =	strace s9  }
0x27: {  	s1 =	sld [smem:$0x3F9A]  }
0x28: {  	s2 =	sld [smem:$0x3F9B]  }
0x29: {  	s4 =	sld [smem:$0x3F9D]  }
0x2a: {  	p0 =	seq.s32 s5, $0x0;
	s5 =	sld [smem:$0x3F9E]  }
0x2b: {  	s6 =	sld [smem:$0x3F9F]  }
0x2c: {  	s7 =	sld [smem:$0x3FA0]  }
0x2d: {  	s3 =	simm.s32 $0x108;
	s8 =	sld [smem:$0x3FA1]  }
0x2e: {  	s3 =	simm.s32 @!p0 $0x1082;
	s9 =	sld [smem:$0x3FA2]  }
0x2f: {  	lr =	sadd.s32 s0, s3;
	s0 =	sld [smem:$0x3F99]  }
0x30: {  	s3 =	sld [smem:$0x3F9C]  }
0x31: {  	[smem:$0x3FA5] =	sst s10  }
0x32: {  	s10 =	sld [smem:$0x3FA3];
	_ =	sdelay $0x3  }
0x33: {  	p0 =	seq.s32 s10, $0x1;
	s10 =	sld [smem:$0x3FA5];
	_ =	sdelay $0x3  }
0x34: {  	[smem:$0x3FA5] =	sst s10  }
0x35: {  	s10 =	sld [smem:$0x3FA4];
	_ =	sdelay $0x3  }
0x36: {  	p1 =	seq.s32 s10, $0x1;
	s10 =	sld [smem:$0x3FA5];
	_ =	sdelay $0x3  }
0x37: {  	[smem:$0x3FA5] =	sst s10  }
0x38: {  	s10 =	sld [smem:$0x3FA6]  }
0x39: {  	_ = 	snop;
	(pc) =	sbr.ind lr, $3  }
0x3a: {  	_ = 	snop  }
0x3b: {  	_ = 	snop  }
0x3c: {  	p2 =	seq.s32 s10, $0x1;
	s10 =	sld [smem:$0x3FA5]  }
0x3d: {  	_ =	shalt  }
0x3e: {  	_ =	shalt  }
0x3f: {  	_ =	shalt  }
0x40: {  	_ =	shalt  }
0x41: {  	_ =	shalt  }
0x42: {  	_ =	shalt  }
0x43: {  	_ =	shalt  }
0x44: {  	_ =	shalt  }
0x45: {  	_ =	shalt  }
0x46: {  	_ =	shalt  }
0x47: {  	_ =	shalt  }
0x48: {  	_ =	shalt  }
0x49: {  	_ =	shalt  }
0x4a: {  	_ =	shalt  }
0x4b: {  	_ =	shalt  }
0x4c: {  	_ =	shalt  }
0x4d: {  	_ =	shalt  }
0x4e: {  	_ =	shalt  }
0x4f: {  	_ =	shalt  }
0x50: {  	_ =	shalt  }
0x51: {  	_ =	shalt  }
0x52: {  	_ =	shalt  }
0x53: {  	_ =	shalt  }
0x54: {  	_ =	shalt  }
0x55: {  	_ =	shalt  }
0x56: {  	_ =	shalt  }
0x57: {  	_ =	shalt  }
0x58: {  	_ =	shalt  }
0x59: {  	_ =	shalt  }
0x5a: {  	_ =	shalt  }
0x5b: {  	_ =	shalt  }
0x5c: {  	_ =	shalt  }
0x5d: {  	_ =	shalt  }
0x5e: {  	_ =	shalt  }
0x5f: {  	_ =	shalt  }
0x60: {  	_ =	shalt  }
0x61: {  	_ =	shalt  }
0x62: {  	_ =	shalt  }
0x63: {  	_ =	shalt  }
0x64: {  	_ =	shalt  }
0x65: {  	_ =	shalt  }
0x66: {  	_ =	shalt  }
0x67: {  	_ =	shalt  }
0x68: {  	_ =	shalt  }
0x69: {  	_ =	shalt  }
0x6a: {  	_ =	shalt  }
0x6b: {  	_ =	shalt  }
0x6c: {  	_ =	shalt  }
0x6d: {  	_ =	shalt  }
0x6e: {  	_ =	shalt  }
0x6f: {  	_ =	shalt  }
0x70: {  	_ =	shalt  }
0x71: {  	_ =	shalt  }
0x72: {  	_ =	shalt  }
0x73: {  	_ =	shalt  }
0x74: {  	_ =	shalt  }
0x75: {  	_ =	shalt  }
0x76: {  	_ =	shalt  }
0x77: {  	_ =	shalt  }
0x78: {  	_ =	shalt  }
0x79: {  	_ =	shalt  }
0x7a: {  	_ =	shalt  }
0x7b: {  	_ =	shalt  }
0x7c: {  	_ =	shalt  }
0x7d: {  	_ =	shalt  }
0x7e: {  	_ =	shalt  }
0x7f: {  	_ =	shalt  }
0x80: {  	_ =	shalt  }
0x81: {  	_ =	shalt  }
0x82: {  	_ =	shalt  }
0x83: {  	_ =	shalt  }
0x84: {  	_ =	shalt  }
0x85: {  	_ =	shalt  }
0x86: {  	_ =	shalt  }
0x87: {  	_ =	shalt  }
.Lfunc_end0:
.L_simem_size_0:
called_computation.1_lowered:
.L_overlay_start_0:
0x88: {  	s2 =	sld [smem:$0x3FD9]  }
0x89: {  	s3 =	sld [smem:$0x3FFE];
	_ =	sdelay $0x1  }
0x8a: {  	s1 =	srdreg.scid  }
0x8b: {  	s0 =	sand.u32 $0x1, s1  }
0x8c: {  	s16 =	sshll.u32 s0, $0xA;
	s2 =	sadd.s32 s3, s2  }
0x8d: {  	s2 =	sadd.s32 s2, s16  }
0x8e: {  	[smem:$0x3FB1] =	sst s2  }
0x8f: {  	_ = 	snop  }
0x90: {  	(tm) =	ssettm $0x1  }
0x91: {  	s17 =	sld [smem:$0x3FFB];
	_ =	sdelay $0x3  }
0x92: {  	_ =	strace s17  }
0x93: {  	s2 =	sld [smem:$0x3FFC];
	_ =	sdelay $0x3  }
0x94: {  	_ =	strace s2  }
0x95: {  	s2 =	sld [smem:$0x3FFD];
	_ =	sdelay $0x3  }
0x96: {  	_ =	strace s2  }
0x97: {  	_ =	strace $0x8FFFFFFF  }
0x98: {  	s18 =	sld [smem:$0x3FDB];
	_ =	sdelay $0x1  }
0x99: {  	s19 =	simm.s32 $_scs_section_size  }
0x9a: {  	s4 =	simm.s32 $_size__tile_overlayer_lowered;
	s5 =	simm.s32 $_tile_overlayer_lowered  }
0x9b: {  	s22 =	simm.s32 $0x1BFF;
	s21 =	sshll.u32 s5, $0x1;
	s2 =	sadd.s32 s19, s18  }
0x9c: {  	s6 =	simm.s32 $0x0;
	s20 =	sshll.u32 s4, $0x1;
	s4 =	sadd.s32 s21, s2  }
0x9d: {  	[timem:s6], [sflag:s22] =	dma.local [hbm:s4], s20  }
0x9e: {  	_ =	swait.ge [sflag:s22], s20  }
0x9f: {  	s3 =	ssub.s32 $0x0, s20;
	[sflag:s22] =	ssyncset.done $0x0  }
0xa0: {  	[sflag:s22] =	ssyncadd.s32 s3;
	_ =	sdelay $0x1  }
0xa1: {  	s23 =	simm.s32 $0x1B8B  }
0xa2: {  	_ =	swait.ge [sflag:s23], $0x1  }
0xa3: {  	[sflag:s23] =	ssyncset.done $0x0  }
0xa4: {  	s25 =	simm.s32 $0x1B8E;
	s24 =	sld [smem:$0x3FFE];
	[sflag:s23] =	ssyncadd.s32 $0xFFFFFFFF  }
0xa5: {  	s26 =	simm.s32 $execute0_lowered;
	[smem:$0x3FD2] =	sst s25  }
0xa6: {  	s4 =	sshll.u32 s26, $0x1;
	_ =	strace $0x80000049;
	[dreg:$0x1] =	wrdreg $0xFFFFFFFF  }
0xa7: {  	s28 =	simm.s32 $_size_execute0_lowered;
	s2 =	sadd.s32 s2, s4;
	[dreg:$0x0] =	wrdreg $0x0  }
0xa8: {  	s4 =	sshll.u32 s28, $0x1;
	[dreg:$0x2] =	wrdreg s2  }
0xa9: {  	[dreg:$0x3] =	wrdreg s4  }
0xaa: {  	[dreg:$0x4] =	wrdreg $0xC0  }
0xab: {  	_ =	task [dreg:s6], $0x5FFFF  }
0xac: {  	[dreg:$0x1] =	wrdreg $0xFFFFFFFF  }
0xad: {  	[dreg:$0x0] =	wrdreg $0x60  }
0xae: {  	[dreg:$0x2] =	wrdreg s24  }
0xaf: {  	[dreg:$0x3] =	wrdreg $0x0  }
0xb0: {  	[dreg:$0x4] =	wrdreg $0x9  }
0xb1: {  	_ =	task.clear_ibuf [dreg:s6], $0x5FFFF;
	_ =	strace $0x90000049  }
0xb2: {  	s29 =	simm.s32 $0x9;
	_ =	strace $0x8000004B  }
0xb3: {  	_ =	swait.ge [sflag:s29], $0x1  }
0xb4: {  	[sflag:s29] =	ssyncadd.s32 $0xFFFFFFFF  }
0xb5: {  	_ =	strace $0x9000004B  }
0xb6: {  	_ =	sfence  }
0xb7: {  	s30 =	sld [smem:$0x0];
	_ =	sdelay $0x2  }
0xb8: {  	s31 =	sshll.u32 s1, $0xD;
	s1 =	sshrl.u32 s1, $0x2  }
0xb9: {  	s3 =	sand.u32 $0x4000, s31;
	s1 =	sadd.s32 s1, s30  }
0xba: {  	s0 =	sor.u32 s3, s0;
	s1 =	sshll.u32 s1, $0x11  }
0xbb: {  	s0 =	sor.u32 s1, s0  }
0xbc: {  	s0 =	sadd.s32 $0x8F2B, s0  }
0xbd: {  	[sflag:s0] =	ssyncadd.remote.s32 $0x1  }
0xbe: {  	_ =	sfence.sel $0xFFFF  }
0xbf: {  	[dreg:$0x0] =	wrdreg $0xFFFFFFFF;
	(pc) =	sbr.abs _section_cstart, $3  }
0xc0: {  	[dreg:$0x1] =	wrdreg $0xFFFFFFFF  }
0xc1: {  	_ =	task.clear_ibuf [dreg:s6], $0x2FFFF;
	_ =	strace $0x9FFFFFFF  }
0xc2: {  	(tm) =	ssettm $0x7FFFFFFF  }
0xc3: {  	_ =	shalt  }
tec
execute0_lowered:
.L_overlay_start_1:
0x0: {  	(tag) =	ssettag $0x1  }
0x1: {  	s0 =	rddreg [dreg:$0x0]  }
0x2: {  	s1 =	rddreg [dreg:$0x1]  }
0x3: {  	s2 =	srdreg.scid;
	s3 =	simm.s32 $0x0;
	s11 =	stileid.u32  }
0x4: {  	s10 =	simm.s32 $0x18800;
	s28 =	simm.s32 $0x18400;
	s6 =	smul.u32 $0x14000, s11  }
0x5: {  	s29 =	simm.s32 $0x14300;
	s30 =	simm.s32 $0x5;
	s7 =	smul.u32 $0x50000, s11  }
0x6: {  	s31 =	simm.s32 $0x14080;
	s2 =	sand.u32 $0x1, s2;
	s9 =	smul.u32 $0x1400, s11  }
0x7: {  	[smem:$0x7FF] =	sst s3;
	s4 =	sadd.s32 $0x4800, s0;
	s14 =	smul.u32 $0x2800, s11  }
0x8: {  	s15 =	smul.u32 $0xA0, s11;
	s25 =	sshll.u32 s11, $0x6;
	s11 =	simm.s32 $0x4  }
0x9: {  	s5 =	smul.u32 $0x140000, s2;
	_ =	strace $0x8000004A;
	s12 =	ssub.s32 $0x2, s2  }
0xa: {  	p0 =	seq.s32 s2, $0x0;
	s8 =	sshrl.u32 s12, $0x1;
	s13 =	sshrl.u32 s7, $0x2  }
0xb: {  	s21 =	sor.u32 $0x4, s15;
	s22 =	sor.u32 $0x5, s15;
	s10 =	simm.s32 @!p0 $0x40800  }
0xc: {  	s7 =	simm.s32 $0x14180;
	s5 =	sadd.s32 s6, s5;
	[dreg:$0x3] =	wrdreg s21  }
0xd: {  	s6 =	ssub.s32 s12, s8;
	[dreg:$0x4] =	wrdreg s22;
	s8 =	sor.u32 $0x6, s15  }
0xe: {  	s12 =	sadd.s32 s4, s9;
	s2 =	sadd.s32 s13, s1;
	[dreg:$0x5] =	wrdreg s8  }
0xf: {  	s13 =	sadd.s32 s10, s0;
	s9 =	sadd.s32 $0x20, s12;
	[dreg:$0x6] =	wrdreg s12  }
0x10: {  	s21 =	simm.s32 $0x14100;
	s16 =	sadd.s32 $0x40, s12;
	[dreg:$0x7] =	wrdreg s9  }
0x11: {  	s22 =	simm.s32 $0x14200;
	s17 =	sadd.s32 $0x60, s12;
	[dreg:$0x8] =	wrdreg s16  }
0x12: {  	s10 =	simm.s32 $0x14380;
	s18 =	sadd.s32 $0x80, s12;
	[dreg:$0x9] =	wrdreg s17  }
0x13: {  	s5 =	sshrl.u32 s5, $0x3;
	s19 =	sadd.s32 $0xA0, s12;
	[dreg:$0xa] =	wrdreg s18  }
0x14: {  	s20 =	sadd.s32 $0xC0, s12;
	s23 =	smax.u32 s6, $0x1;
	[dreg:$0xb] =	wrdreg s19  }
0x15: {  	s24 =	sadd.s32 s13, s14;
	s14 =	sor.u32 $0x1C09, s25;
	[dreg:$0xc] =	wrdreg s20  }
0x16: {  	s26 =	sadd.s32 $0xE0, s12;
	s25 =	simm.s32 $0x14400;
	[dreg:$0xe] =	wrdreg s23  }
0x17: {  	s6 =	simm.s32 $0x6;
	s8 =	simm.s32 $0x8;
	[dreg:$0xf] =	wrdreg s24  }
0x18: {  	s12 =	simm.s32 $0x0;
	s5 =	sadd.s32 s5, s0;
	[dreg:$0x10] =	wrdreg s26  }
0x19: {  	s16 =	sshrl.u32 s2, $0x3;
	s19 =	simm.s32 $0x9;
	s20 =	simm.s32 $0x14000  }
0x1a: {  	s23 =	simm.s32 $0x1;
	s24 =	simm.s32 $0x80;
	s26 =	simm.s32 $0x2  }
0x1b: {  	s0 =	simm.s32 $0x7;
	s5 =	sadd.s32 $0x68800, s5;
	[dreg:$0x11] =	wrdreg s16  }
0x1c: {  	s2 =	simm.s32 $0x3;
	s9 =	simm.s32 $0x14280;
	[dreg:$0xd] =	wrdreg s5  }
.LBB2_1:
0x1d: {  	s5 =	rddreg [dreg:$0xf]  }
0x1e: {  	[spmem:s16], [sflag:s14] =	dma.local [hbm:s5], $0x2800  }
0x1f: {  	_ =	swait.ge [sflag:s19], $0x2800  }
0x20: {  	[sflag:s19] =	ssyncset.done $0x0  }
0x21: {  	[sflag:s19] =	ssyncadd.s32 $0xFFFFD800  }
0x22: {  	[bflag:$0x0] =	sbarrier.arrive $0xFFFF  }
0x23: {  	s17 =	rddreg [dreg:$0x6]  }
0x24: {  	[tilespmem:s20], [sflag:$0x1] =	stream.linear.gather [hbm4b:s17+s3], $0x100, $0x38;
	[tilespmem:$0x1C400] =	vst v63  }
0x25: {  	s18 =	rddreg [dreg:$0x7]  }
0x26: {  	[tilespmem:s21], [sflag:$0x2] =	stream.linear.gather [hbm4b:s18+s3], $0x100, $0x38;
	[tilespmem:$0x1C400] =	vst v63  }
0x27: {  	s15 =	smov.u32 s14;
	s14 =	rddreg [dreg:$0x8]  }
0x28: {  	[tilespmem:s22], [sflag:$0x3] =	stream.linear.gather [hbm4b:s14+s3], $0x100, $0x38;
	[tilespmem:$0x1C400] =	vst v63  }
0x29: {  	_ =	swait.ge [sflag:s23], $0x100  }
0x2a: {  	[sflag:s23] =	ssyncset.done $0x0  }
0x2b: {  	[sflag:s23] =	ssyncadd.s32 $0xFFFFFF00  }
0x2c: {  	[tilespmem:s25], [sflag:$0x5] =	stream.indirect.gather [hbm4b:s13+s24], $0x80, s20, s24, $0xb8;
	[tilespmem:$0x1C400] =	vst v63  }
0x2d: {  	_ =	swait.ge [sflag:s26], $0x100  }
0x2e: {  	[sflag:s26] =	ssyncset.done $0x0  }
0x2f: {  	[sflag:s26] =	ssyncadd.s32 $0xFFFFFF00  }
0x30: {  	[tilespmem:s28], [sflag:$0x6] =	stream.indirect.gather [hbm4b:s13+s24], $0x80, s21, s24, $0xb8;
	[tilespmem:$0x1C400] =	vst v63  }
0x31: {  	s16 =	rddreg [dreg:$0x9]  }
0x32: {  	[tilespmem:s29], [sflag:$0x4] =	stream.linear.gather [hbm4b:s16+s3], $0x100, $0x38;
	[tilespmem:$0x1C400] =	vst v63  }
0x33: {  	_ =	swait.ge [sflag:s30], $0x4000  }
0x34: {  	[sflag:s30] =	ssyncset.done $0x0  }
0x35: {  	[sflag:s30] =	ssyncadd.s32 $0xFFFFC000  }
0x36: {  	[spmem:s1] =	stream.indirect.scatter.add.f32 [tilespmem:s25], [sflag:$0x7], $0x80, s31, s24, $0xb8;
	[tilespmem:$0x1C400] =	vst v63  }
0x37: {  	_ =	swait.ge [sflag:s0], $0x4000  }
0x38: {  	[sflag:s0] =	ssyncset.done $0x0  }
0x39: {  	[sflag:s0] =	ssyncadd.s32 $0xFFFFC000  }
0x3a: {  	_ =	swait.ge [sflag:s2], $0x100  }
0x3b: {  	[sflag:s2] =	ssyncset.done $0x0  }
0x3c: {  	[sflag:s2] =	ssyncadd.s32 $0xFFFFFF00  }
0x3d: {  	[tilespmem:s25], [sflag:$0x5] =	stream.indirect.gather [hbm4b:s13+s24], $0x80, s22, s24, $0xb8;
	[tilespmem:$0x1C400] =	vst v63  }
0x3e: {  	s17 =	rddreg [dreg:$0xa]  }
0x3f: {  	[tilespmem:s20], [sflag:$0x1] =	stream.linear.gather [hbm4b:s17+s3], $0x100, $0x38;
	[tilespmem:$0x1C400] =	vst v63  }
0x40: {  	_ =	swait.ge [sflag:s6], $0x4000  }
0x41: {  	[sflag:s6] =	ssyncset.done $0x0  }
0x42: {  	[sflag:s6] =	ssyncadd.s32 $0xFFFFC000  }
0x43: {  	[spmem:s1] =	stream.indirect.scatter.add.f32 [tilespmem:s28], [sflag:$0x8], $0x80, s7, s24, $0xb8;
	[tilespmem:$0x1C400] =	vst v63  }
0x44: {  	_ =	swait.ge [sflag:s8], $0x4000  }
0x45: {  	[sflag:s8] =	ssyncset.done $0x0  }
0x46: {  	[sflag:s8] =	ssyncadd.s32 $0xFFFFC000  }
0x47: {  	_ =	swait.ge [sflag:s11], $0x100  }
0x48: {  	[sflag:s11] =	ssyncset.done $0x0  }
0x49: {  	[sflag:s11] =	ssyncadd.s32 $0xFFFFFF00  }
0x4a: {  	[tilespmem:s28], [sflag:$0x6] =	stream.indirect.gather [hbm4b:s13+s24], $0x80, s29, s24, $0xb8;
	[tilespmem:$0x1C400] =	vst v63  }
0x4b: {  	s18 =	rddreg [dreg:$0xb]  }
0x4c: {  	[tilespmem:s21], [sflag:$0x2] =	stream.linear.gather [hbm4b:s18+s3], $0x100, $0x38;
	[tilespmem:$0x1C400] =	vst v63  }
0x4d: {  	_ =	swait.ge [sflag:s30], $0x4000  }
0x4e: {  	[sflag:s30] =	ssyncset.done $0x0  }
0x4f: {  	[sflag:s30] =	ssyncadd.s32 $0xFFFFC000  }
0x50: {  	[spmem:s1] =	stream.indirect.scatter.add.f32 [tilespmem:s25], [sflag:$0x7], $0x80, s9, s24, $0xb8;
	[tilespmem:$0x1C400] =	vst v63  }
0x51: {  	_ =	swait.ge [sflag:s0], $0x4000  }
0x52: {  	[sflag:s0] =	ssyncset.done $0x0  }
0x53: {  	[sflag:s0] =	ssyncadd.s32 $0xFFFFC000  }
0x54: {  	_ =	swait.ge [sflag:s23], $0x100  }
0x55: {  	[sflag:s23] =	ssyncset.done $0x0  }
0x56: {  	[sflag:s23] =	ssyncadd.s32 $0xFFFFFF00  }
0x57: {  	[tilespmem:s25], [sflag:$0x5] =	stream.indirect.gather [hbm4b:s13+s24], $0x80, s20, s24, $0xb8;
	[tilespmem:$0x1C400] =	vst v63  }
0x58: {  	s14 =	rddreg [dreg:$0xc]  }
0x59: {  	[tilespmem:s22], [sflag:$0x3] =	stream.linear.gather [hbm4b:s14+s3], $0x100, $0x38;
	[tilespmem:$0x1C400] =	vst v63  }
0x5a: {  	_ =	swait.ge [sflag:s6], $0x4000  }
0x5b: {  	[sflag:s6] =	ssyncset.done $0x0  }
0x5c: {  	[sflag:s6] =	ssyncadd.s32 $0xFFFFC000  }
0x5d: {  	[spmem:s1] =	stream.indirect.scatter.add.f32 [tilespmem:s28], [sflag:$0x8], $0x80, s10, s24, $0xb8;
	[tilespmem:$0x1C400] =	vst v63  }
0x5e: {  	_ =	swait.ge [sflag:s8], $0x4000  }
0x5f: {  	[sflag:s8] =	ssyncset.done $0x0  }
0x60: {  	[sflag:s8] =	ssyncadd.s32 $0xFFFFC000  }
0x61: {  	_ =	swait.ge [sflag:s26], $0x100  }
0x62: {  	[sflag:s26] =	ssyncset.done $0x0  }
0x63: {  	[sflag:s26] =	ssyncadd.s32 $0xFFFFFF00  }
0x64: {  	[tilespmem:s28], [sflag:$0x6] =	stream.indirect.gather [hbm4b:s13+s24], $0x80, s21, s24, $0xb8;
	[tilespmem:$0x1C400] =	vst v63  }
0x65: {  	s17 =	rddreg [dreg:$0x10]  }
0x66: {  	[tilespmem:s29], [sflag:$0x4] =	stream.linear.gather [hbm4b:s17+s3], $0x100, $0x38;
	[tilespmem:$0x1C400] =	vst v63  }
0x67: {  	_ =	swait.ge [sflag:s30], $0x4000  }
0x68: {  	[sflag:s30] =	ssyncset.done $0x0  }
0x69: {  	[sflag:s30] =	ssyncadd.s32 $0xFFFFC000  }
0x6a: {  	[spmem:s1] =	stream.indirect.scatter.add.f32 [tilespmem:s25], [sflag:$0x7], $0x80, s31, s24, $0xb8;
	[tilespmem:$0x1C400] =	vst v63  }
0x6b: {  	_ =	swait.ge [sflag:s0], $0x4000  }
0x6c: {  	[sflag:s0] =	ssyncset.done $0x0  }
0x6d: {  	[sflag:s0] =	ssyncadd.s32 $0xFFFFC000  }
0x6e: {  	_ =	swait.ge [sflag:s2], $0x100  }
0x6f: {  	s18 =	smin.u32 s11, $0x9B;
	[sflag:s2] =	ssyncset.done $0x0;
	s16 =	rddreg [dreg:$0x3]  }
0x70: {  	[sflag:s2] =	ssyncadd.s32 $0xFFFFFF00;
	s5 =	sadd.s32 s18, s16  }
0x71: {  	[tilespmem:s25], [sflag:$0x5] =	stream.indirect.gather [hbm4b:s13+s24], $0x80, s22, s24, $0xb8;
	[tilespmem:$0x1C400] =	vst v63  }
0x72: {  	s5 =	sshll.u32 s5, $0x5  }
0x73: {  	s5 =	sadd.s32 s4, s5  }
0x74: {  	[tilespmem:s20], [sflag:$0x1] =	stream.linear.gather [hbm4b:s5+s3], $0x100, $0x38;
	[tilespmem:$0x1C400] =	vst v63  }
0x75: {  	_ =	swait.ge [sflag:s6], $0x4000  }
0x76: {  	[sflag:s6] =	ssyncset.done $0x0  }
0x77: {  	[sflag:s6] =	ssyncadd.s32 $0xFFFFC000  }
0x78: {  	[spmem:s1] =	stream.indirect.scatter.add.f32 [tilespmem:s28], [sflag:$0x8], $0x80, s7, s24, $0xb8;
	[tilespmem:$0x1C400] =	vst v63  }
0x79: {  	_ =	swait.ge [sflag:s8], $0x4000  }
0x7a: {  	[sflag:s8] =	ssyncset.done $0x0  }
0x7b: {  	[sflag:s8] =	ssyncadd.s32 $0xFFFFC000  }
0x7c: {  	_ =	swait.ge [sflag:s11], $0x100  }
0x7d: {  	s18 =	smin.u32 s11, $0x9A;
	[sflag:s11] =	ssyncset.done $0x0;
	s16 =	rddreg [dreg:$0x4]  }
0x7e: {  	[sflag:s11] =	ssyncadd.s32 $0xFFFFFF00;
	s5 =	sadd.s32 s18, s16  }
0x7f: {  	[tilespmem:s28], [sflag:$0x6] =	stream.indirect.gather [hbm4b:s13+s24], $0x80, s29, s24, $0xb8;
	[tilespmem:$0x1C400] =	vst v63  }
0x80: {  	s5 =	sshll.u32 s5, $0x5  }
0x81: {  	s5 =	sadd.s32 s4, s5  }
0x82: {  	[tilespmem:s21], [sflag:$0x2] =	stream.linear.gather [hbm4b:s5+s3], $0x100, $0x38;
	[tilespmem:$0x1C400] =	vst v63  }
0x83: {  	_ =	swait.ge [sflag:s30], $0x4000  }
0x84: {  	[sflag:s30] =	ssyncset.done $0x0  }
0x85: {  	[sflag:s30] =	ssyncadd.s32 $0xFFFFC000  }
0x86: {  	[spmem:s1] =	stream.indirect.scatter.add.f32 [tilespmem:s25], [sflag:$0x7], $0x80, s9, s24, $0xb8;
	[tilespmem:$0x1C400] =	vst v63  }
0x87: {  	_ =	swait.ge [sflag:s0], $0x4000  }
0x88: {  	[sflag:s0] =	ssyncset.done $0x0  }
0x89: {  	[sflag:s0] =	ssyncadd.s32 $0xFFFFC000  }
0x8a: {  	_ =	swait.ge [sflag:s23], $0x100  }
0x8b: {  	s18 =	smin.u32 s11, $0x99;
	[sflag:s23] =	ssyncset.done $0x0;
	s16 =	rddreg [dreg:$0x5]  }
0x8c: {  	[sflag:s23] =	ssyncadd.s32 $0xFFFFFF00;
	s5 =	sadd.s32 s18, s16  }
0x8d: {  	[tilespmem:s25], [sflag:$0x5] =	stream.indirect.gather [hbm4b:s13+s24], $0x80, s20, s24, $0xb8;
	[tilespmem:$0x1C400] =	vst v63  }
0x8e: {  	s5 =	sshll.u32 s5, $0x5  }
0x8f: {  	s5 =	sadd.s32 s4, s5  }
0x90: {  	[tilespmem:s22], [sflag:$0x3] =	stream.linear.gather [hbm4b:s5+s3], $0x100, $0x38;
	[tilespmem:$0x1C400] =	vst v63  }
0x91: {  	s14 =	simm.s32 $0x8;
	_ =	swait.ge [sflag:s6], $0x4000  }
.LBB2_2:
0x92: {  	[sflag:s6] =	ssyncset.done $0x0  }
0x93: {  	[sflag:s6] =	ssyncadd.s32 $0xFFFFC000  }
0x94: {  	[spmem:s1] =	stream.indirect.scatter.add.f32 [tilespmem:s28], [sflag:$0x8], $0x80, s10, s24, $0xb8;
	[tilespmem:$0x1C400] =	vst v63  }
0x95: {  	_ =	swait.ge [sflag:s8], $0x4000  }
0x96: {  	[sflag:s8] =	ssyncset.done $0x0  }
0x97: {  	[sflag:s8] =	ssyncadd.s32 $0xFFFFC000  }
0x98: {  	_ =	swait.ge [sflag:s26], $0x100  }
0x99: {  	[sflag:s26] =	ssyncset.done $0x0  }
0x9a: {  	[sflag:s26] =	ssyncadd.s32 $0xFFFFFF00  }
0x9b: {  	[tilespmem:s28], [sflag:$0x6] =	stream.indirect.gather [hbm4b:s13+s24], $0x80, s21, s24, $0xb8;
	[tilespmem:$0x1C400] =	vst v63  }
0x9c: {  	s17 =	sadd.s32 $0x80, s17  }
0x9d: {  	[tilespmem:s29], [sflag:$0x4] =	stream.linear.gather [hbm4b:s17+s3], $0x100, $0x38;
	[tilespmem:$0x1C400] =	vst v63  }
0x9e: {  	_ =	swait.ge [sflag:s30], $0x4000  }
0x9f: {  	[sflag:s30] =	ssyncset.done $0x0  }
0xa0: {  	[sflag:s30] =	ssyncadd.s32 $0xFFFFC000  }
0xa1: {  	[spmem:s1] =	stream.indirect.scatter.add.f32 [tilespmem:s25], [sflag:$0x7], $0x80, s31, s24, $0xb8;
	[tilespmem:$0x1C400] =	vst v63  }
0xa2: {  	_ =	swait.ge [sflag:s0], $0x4000  }
0xa3: {  	[sflag:s0] =	ssyncset.done $0x0  }
0xa4: {  	[sflag:s0] =	ssyncadd.s32 $0xFFFFC000  }
0xa5: {  	s5 =	smov.u32 s14;
	_ =	swait.ge [sflag:s2], $0x100  }
0xa6: {  	s18 =	smin.u32 s5, $0x9B;
	[sflag:s2] =	ssyncset.done $0x0;
	s16 =	rddreg [dreg:$0x3]  }
0xa7: {  	[sflag:s2] =	ssyncadd.s32 $0xFFFFFF00;
	s16 =	sadd.s32 s18, s16  }
0xa8: {  	[tilespmem:s25], [sflag:$0x5] =	stream.indirect.gather [hbm4b:s13+s24], $0x80, s22, s24, $0xb8;
	[tilespmem:$0x1C400] =	vst v63  }
0xa9: {  	s16 =	sshll.u32 s16, $0x5  }
0xaa: {  	s16 =	sadd.s32 s4, s16  }
0xab: {  	[tilespmem:s20], [sflag:$0x1] =	stream.linear.gather [hbm4b:s16+s3], $0x100, $0x38;
	[tilespmem:$0x1C400] =	vst v63  }
0xac: {  	_ =	swait.ge [sflag:s6], $0x4000  }
0xad: {  	[sflag:s6] =	ssyncset.done $0x0  }
0xae: {  	[sflag:s6] =	ssyncadd.s32 $0xFFFFC000  }
0xaf: {  	[spmem:s1] =	stream.indirect.scatter.add.f32 [tilespmem:s28], [sflag:$0x8], $0x80, s7, s24, $0xb8;
	[tilespmem:$0x1C400] =	vst v63  }
0xb0: {  	_ =	swait.ge [sflag:s8], $0x4000  }
0xb1: {  	[sflag:s8] =	ssyncset.done $0x0  }
0xb2: {  	[sflag:s8] =	ssyncadd.s32 $0xFFFFC000  }
0xb3: {  	_ =	swait.ge [sflag:s11], $0x100  }
0xb4: {  	s16 =	smin.u32 s5, $0x9A;
	[sflag:s11] =	ssyncset.done $0x0;
	s18 =	rddreg [dreg:$0x4]  }
0xb5: {  	[sflag:s11] =	ssyncadd.s32 $0xFFFFFF00;
	s16 =	sadd.s32 s16, s18  }
0xb6: {  	[tilespmem:s28], [sflag:$0x6] =	stream.indirect.gather [hbm4b:s13+s24], $0x80, s29, s24, $0xb8;
	[tilespmem:$0x1C400] =	vst v63  }
0xb7: {  	s16 =	sshll.u32 s16, $0x5  }
0xb8: {  	s16 =	sadd.s32 s4, s16  }
0xb9: {  	[tilespmem:s21], [sflag:$0x2] =	stream.linear.gather [hbm4b:s16+s3], $0x100, $0x38;
	[tilespmem:$0x1C400] =	vst v63  }
0xba: {  	_ =	swait.ge [sflag:s30], $0x4000  }
0xbb: {  	[sflag:s30] =	ssyncset.done $0x0  }
0xbc: {  	[sflag:s30] =	ssyncadd.s32 $0xFFFFC000  }
0xbd: {  	[spmem:s1] =	stream.indirect.scatter.add.f32 [tilespmem:s25], [sflag:$0x7], $0x80, s9, s24, $0xb8;
	[tilespmem:$0x1C400] =	vst v63  }
0xbe: {  	_ =	swait.ge [sflag:s0], $0x4000  }
0xbf: {  	[sflag:s0] =	ssyncset.done $0x0  }
0xc0: {  	[sflag:s0] =	ssyncadd.s32 $0xFFFFC000  }
0xc1: {  	_ =	swait.ge [sflag:s23], $0x100  }
0xc2: {  	p0 =	sne.s32 s14, $0x9C;
	[sflag:s23] =	ssyncset.done $0x0  }
0xc3: {  	s5 =	smin.u32 s5, $0x99;
	s18 =	rddreg [dreg:$0x5];
	[sflag:s23] =	ssyncadd.s32 $0xFFFFFF00  }
0xc4: {  	[tilespmem:s25], [sflag:$0x5] =	stream.indirect.gather [hbm4b:s13+s24], $0x80, s20, s24, $0xb8;
	[tilespmem:$0x1C400] =	vst v63  }
.Ltmp0:
0xc5: {  	s5 =	sadd.s32 s5, s18;
	(pc) =	sbr.rel @p0 .LBB2_2-.Ltmp0, $4  }
0xc6: {  	s5 =	sshll.u32 s5, $0x5  }
0xc7: {  	s5 =	sadd.s32 s4, s5  }
0xc8: {  	[tilespmem:s22], [sflag:$0x3] =	stream.linear.gather [hbm4b:s5+s3], $0x100, $0x38;
	[tilespmem:$0x1C400] =	vst v63  }
0xc9: {  	s14 =	sadd.s32 $0x4, s14;
	_ =	swait.ge [sflag:s6], $0x4000  }
0xca: {  	[sflag:s6] =	ssyncset.done $0x0  }
0xcb: {  	[sflag:s6] =	ssyncadd.s32 $0xFFFFC000  }
0xcc: {  	[spmem:s1] =	stream.indirect.scatter.add.f32 [tilespmem:s28], [sflag:$0x8], $0x80, s10, s24, $0xb8;
	[tilespmem:$0x1C400] =	vst v63  }
0xcd: {  	_ =	swait.ge [sflag:s8], $0x4000  }
0xce: {  	[sflag:s8] =	ssyncset.done $0x0  }
0xcf: {  	[sflag:s8] =	ssyncadd.s32 $0xFFFFC000  }
0xd0: {  	_ =	swait.ge [sflag:s30], $0x4000  }
0xd1: {  	[sflag:s30] =	ssyncset.done $0x0  }
0xd2: {  	[sflag:s30] =	ssyncadd.s32 $0xFFFFC000  }
0xd3: {  	_ =	swait.ge [sflag:s26], $0x100  }
0xd4: {  	[sflag:s26] =	ssyncset.done $0x0  }
0xd5: {  	[sflag:s26] =	ssyncadd.s32 $0xFFFFFF00  }
0xd6: {  	_ =	swait.ge [sflag:s2], $0x100  }
0xd7: {  	[sflag:s2] =	ssyncset.done $0x0  }
0xd8: {  	[sflag:s2] =	ssyncadd.s32 $0xFFFFFF00  }
0xd9: {  	[bflag:$0x0] =	sbarrier.arrive $0xFFFF  }
0xda: {  	s5 =	rddreg [dreg:$0xd]  }
0xdb: {  	s16 =	rddreg [dreg:$0x11]  }
0xdc: {  	[hbm:s5], [sflag:s15] =	dma.local [spmem:s16], $0x2800  }
0xdd: {  	_ =	swait.ge [sflag:s19], $0x2800  }
0xde: {  	s12 =	sadd.s32 $0x1, s12;
	s18 =	rddreg [dreg:$0xe]  }
0xdf: {  	p0 =	sne.s32 s12, s18  }
.Ltmp1:
0xe0: {  	_ = 	snop;
	(pc) =	sbr.rel @p0 .LBB2_1-.Ltmp1, $3  }
0xe1: {  	_ =	sdelay $0x1  }
0xe2: {  	[sflag:s19] =	ssyncset.done $0x0  }
0xe3: {  	s14 =	smov.u32 s15;
	[sflag:s19] =	ssyncadd.s32 $0xFFFFD800  }
0xe4: {  	_ =	sfence.sel $0x180000  }
0xe5: {  	[bflag:$0x0] =	sbarrier.arrive $0xFFFF  }
0xe6: {  	_ =	strace $0x9000004A  }
0xe7: {  	s0 =	stileid.u32;
	[bflag:$0x2] =	sbarrier.arrive $0xFFFF  }
0xe8: {  	p0 =	sne.s32 s0, $0x0;
	s0 =	rddreg [dreg:$0x2]  }
0xe9: {  	s0 =	sadd.s32 @!p0 $0x100000, s0  }
0xea: {  	[sflag:s0] =	ssyncadd.tile.s32 @!p0 $0x1;
	_ =	shalt  }
.Lfunc_end2:
_tile_overlayer_lowered:
.L_overlay_start_2:
0xeb: {  	(tag) =	ssettag $0x2  }
0xec: {  	s0 =	rddreg [dreg:$0x0];
	s2 =	stileid.u32  }
0xed: {  	s1 =	rddreg [dreg:$0x1];
	p0 =	sne.s32 s2, $0x0  }
0xee: {  	s3 =	rddreg [dreg:$0x2];
	[bflag:$0x3] =	sbarrier.arrive $0xFFFF;
	s2 =	simm.s32 @!p0 $0x1C09  }
0xef: {  	[timem:s3], [sflag:s2] =	dma.local @!p0 [hbm:s0], s1  }
0xf0: {  	s0 =	simm.s32 @!p0 $0x9  }
0xf1: {  	_ =	swait.ge @!p0 [sflag:s0], s1  }
0xf2: {  	s1 =	ssub.s32 @!p0 $0x0, s1;
	[sflag:s0] =	ssyncset.done @!p0 $0x0  }
0xf3: {  	[sflag:s0] =	ssyncadd.s32 @!p0 s1  }
0xf4: {  	[bflag:$0x3] =	sbarrier.arrive $0xFFFF  }
0xf5: {  	_ =	shalt  }

// kernel: kernel.14.cloned.1.call-start
scs
__scs_entry_jumppad:
0x0: {  	(pc) =	sbr.rel $0x88, $3  }
0x1: {  	(tag) =	ssettag $0x0;
	lr =	simm.s32 $0x1  }
0x2: {  	[smem:$0x3F8A] =	sst lr;
	_ =	strace $0xD0000000  }
0x3: {  	_ = 	snop  }
0x4: {  	_ = 	snop  }
0x5: {  	_ = 	snop  }
0x6: {  	_ = 	snop  }
0x7: {  	_ = 	snop  }
__scs_overlays_trampoline_lowered:
0x8: {  	[smem:$0x3F99] =	sst s0  }
0x9: {  	[smem:$0x3F9A] =	sst s1  }
0xa: {  	[smem:$0x3F9B] =	sst s2  }
0xb: {  	[smem:$0x3F9C] =	sst s3  }
0xc: {  	[smem:$0x3F9D] =	sst s4  }
0xd: {  	[smem:$0x3F9E] =	sst s5  }
0xe: {  	[smem:$0x3F9F] =	sst s6  }
0xf: {  	[smem:$0x3FA0] =	sst s7  }
0x10: {  	[smem:$0x3FA1] =	sst s8  }
0x11: {  	[smem:$0x3FA2] =	sst s9;
	s0 =	simm.s32 @!p0 $0x0  }
0x12: {  	s1 =	sld [smem:$0x3F88];
	s0 =	simm.s32 @p0 $0x1  }
0x13: {  	[smem:$0x3FA3] =	sst s0;
	s0 =	simm.s32 @!p1 $0x0  }
0x14: {  	s2 =	sld [smem:$0x3F87];
	s0 =	simm.s32 @p1 $0x1  }
0x15: {  	[smem:$0x3FA4] =	sst s0;
	s0 =	simm.s32 @!p2 $0x0  }
0x16: {  	s3 =	sld [smem:$0x3FDB];
	s0 =	simm.s32 @p2 $0x1  }
0x17: {  	s4 =	simm.s32 $0x1BF5;
	[smem:$0x3FA6] =	sst s0  }
0x18: {  	s0 =	sld [smem:$0x3F89];
	_ =	swait.ge [sflag:s4], $0x0  }
0x19: {  	s7 =	sld [smem:$0x3F8A]  }
0x1a: {  	s8 =	sadd.s32 $0xFFFFE003, lr  }
0x1b: {  	s9 =	sadd.s32 $0xFFFFFEF7, lr;
	s5 =	simm.s32 $0xFFFFFFFF;
	p2 =	slt.u32 s8, $0xFFFFF086  }
0x1c: {  	p1 =	slt.u32 s9, $0xF7A;
	s5 =	simm.s32 @!p2 $0x0  }
0x1d: {  	s5 =	simm.s32 @p1 $0x1;
	p0 =	seq.s32 s7, s2  }
0x1e: {  	s7 =	smul.u32 @!p0 $0xF7A, s2;
	p2 =	seq.s32 @!p0 s5, $0x0  }
0x1f: {  	s9 =	smul.u32 $0xF7A, s1;
	s8 =	simm.s32 @!p0 $0x1BF5;
	p2 =	por !p2, p0  }
0x20: {  	[sflag:s8] =	ssyncset.s32 @!p0 $0xFFFFF086;
	s6 =	sadd.s32 @!p0 s3, s7;
	s7 =	simm.s32 @!p0 $0x108  }
0x21: {  	s3 =	sadd.s32 s3, s9;
	s6 =	sadd.s32 @!p0 $0x88, s6;
	s7 =	simm.s32 @p2 $0x1082  }
0x22: {  	[simem:s7], [sflag:s8] =	dma.local @!p0 [hbm:s6], $0xF7A  }
0x23: {  	s9 =	sor.u32 $0xD0000000, s2;
	s6 =	simm.s32 $0x108;
	_ =	swait.ge @!p0 [sflag:s8], $0x0  }
0x24: {  	s3 =	sadd.s32 $0x88, s3;
	s6 =	simm.s32 @!p1 $0x1082;
	[sflag:s4] =	ssyncset.s32 $0xFFFFF086  }
0x25: {  	[simem:s6], [sflag:s4] =	dma.local [hbm:s3], $0xF7A  }
0x26: {  	[smem:$0x3F8A] =	sst s1;
	(tag) =	ssettag s2;
	_ =	strace s9  }
0x27: {  	s1 =	sld [smem:$0x3F9A]  }
0x28: {  	s2 =	sld [smem:$0x3F9B]  }
0x29: {  	s4 =	sld [smem:$0x3F9D]  }
0x2a: {  	p0 =	seq.s32 s5, $0x0;
	s5 =	sld [smem:$0x3F9E]  }
0x2b: {  	s6 =	sld [smem:$0x3F9F]  }
0x2c: {  	s7 =	sld [smem:$0x3FA0]  }
0x2d: {  	s3 =	simm.s32 $0x108;
	s8 =	sld [smem:$0x3FA1]  }
0x2e: {  	s3 =	simm.s32 @!p0 $0x1082;
	s9 =	sld [smem:$0x3FA2]  }
0x2f: {  	lr =	sadd.s32 s0, s3;
	s0 =	sld [smem:$0x3F99]  }
0x30: {  	s3 =	sld [smem:$0x3F9C]  }
0x31: {  	[smem:$0x3FA5] =	sst s10  }
0x32: {  	s10 =	sld [smem:$0x3FA3];
	_ =	sdelay $0x3  }
0x33: {  	p0 =	seq.s32 s10, $0x1;
	s10 =	sld [smem:$0x3FA5];
	_ =	sdelay $0x3  }
0x34: {  	[smem:$0x3FA5] =	sst s10  }
0x35: {  	s10 =	sld [smem:$0x3FA4];
	_ =	sdelay $0x3  }
0x36: {  	p1 =	seq.s32 s10, $0x1;
	s10 =	sld [smem:$0x3FA5];
	_ =	sdelay $0x3  }
0x37: {  	[smem:$0x3FA5] =	sst s10  }
0x38: {  	s10 =	sld [smem:$0x3FA6]  }
0x39: {  	_ = 	snop;
	(pc) =	sbr.ind lr, $3  }
0x3a: {  	_ = 	snop  }
0x3b: {  	_ = 	snop  }
0x3c: {  	p2 =	seq.s32 s10, $0x1;
	s10 =	sld [smem:$0x3FA5]  }
0x3d: {  	_ =	shalt  }
0x3e: {  	_ =	shalt  }
0x3f: {  	_ =	shalt  }
0x40: {  	_ =	shalt  }
0x41: {  	_ =	shalt  }
0x42: {  	_ =	shalt  }
0x43: {  	_ =	shalt  }
0x44: {  	_ =	shalt  }
0x45: {  	_ =	shalt  }
0x46: {  	_ =	shalt  }
0x47: {  	_ =	shalt  }
0x48: {  	_ =	shalt  }
0x49: {  	_ =	shalt  }
0x4a: {  	_ =	shalt  }
0x4b: {  	_ =	shalt  }
0x4c: {  	_ =	shalt  }
0x4d: {  	_ =	shalt  }
0x4e: {  	_ =	shalt  }
0x4f: {  	_ =	shalt  }
0x50: {  	_ =	shalt  }
0x51: {  	_ =	shalt  }
0x52: {  	_ =	shalt  }
0x53: {  	_ =	shalt  }
0x54: {  	_ =	shalt  }
0x55: {  	_ =	shalt  }
0x56: {  	_ =	shalt  }
0x57: {  	_ =	shalt  }
0x58: {  	_ =	shalt  }
0x59: {  	_ =	shalt  }
0x5a: {  	_ =	shalt  }
0x5b: {  	_ =	shalt  }
0x5c: {  	_ =	shalt  }
0x5d: {  	_ =	shalt  }
0x5e: {  	_ =	shalt  }
0x5f: {  	_ =	shalt  }
0x60: {  	_ =	shalt  }
0x61: {  	_ =	shalt  }
0x62: {  	_ =	shalt  }
0x63: {  	_ =	shalt  }
0x64: {  	_ =	shalt  }
0x65: {  	_ =	shalt  }
0x66: {  	_ =	shalt  }
0x67: {  	_ =	shalt  }
0x68: {  	_ =	shalt  }
0x69: {  	_ =	shalt  }
0x6a: {  	_ =	shalt  }
0x6b: {  	_ =	shalt  }
0x6c: {  	_ =	shalt  }
0x6d: {  	_ =	shalt  }
0x6e: {  	_ =	shalt  }
0x6f: {  	_ =	shalt  }
0x70: {  	_ =	shalt  }
0x71: {  	_ =	shalt  }
0x72: {  	_ =	shalt  }
0x73: {  	_ =	shalt  }
0x74: {  	_ =	shalt  }
0x75: {  	_ =	shalt  }
0x76: {  	_ =	shalt  }
0x77: {  	_ =	shalt  }
0x78: {  	_ =	shalt  }
0x79: {  	_ =	shalt  }
0x7a: {  	_ =	shalt  }
0x7b: {  	_ =	shalt  }
0x7c: {  	_ =	shalt  }
0x7d: {  	_ =	shalt  }
0x7e: {  	_ =	shalt  }
0x7f: {  	_ =	shalt  }
0x80: {  	_ =	shalt  }
0x81: {  	_ =	shalt  }
0x82: {  	_ =	shalt  }
0x83: {  	_ =	shalt  }
0x84: {  	_ =	shalt  }
0x85: {  	_ =	shalt  }
0x86: {  	_ =	shalt  }
0x87: {  	_ =	shalt  }
.Lfunc_end0:
.L_simem_size_0:
called_computation.2_lowered:
.L_overlay_start_0:
0x88: {  	s2 =	sld [smem:$0x3FD9]  }
0x89: {  	s3 =	sld [smem:$0x3FFE];
	_ =	sdelay $0x1  }
0x8a: {  	s1 =	srdreg.scid  }
0x8b: {  	s0 =	sand.u32 $0x1, s1  }
0x8c: {  	s16 =	sshll.u32 s0, $0xA;
	s2 =	sadd.s32 s3, s2  }
0x8d: {  	s2 =	sadd.s32 s2, s16  }
0x8e: {  	[smem:$0x3FB1] =	sst s2  }
0x8f: {  	_ = 	snop  }
0x90: {  	(tm) =	ssettm $0x1  }
0x91: {  	s17 =	sld [smem:$0x3FFB];
	_ =	sdelay $0x3  }
0x92: {  	_ =	strace s17  }
0x93: {  	s2 =	sld [smem:$0x3FFC];
	_ =	sdelay $0x3  }
0x94: {  	_ =	strace s2  }
0x95: {  	s2 =	sld [smem:$0x3FFD];
	_ =	sdelay $0x3  }
0x96: {  	_ =	strace s2  }
0x97: {  	_ =	strace $0x8FFFFFFF  }
0x98: {  	s18 =	sld [smem:$0x3FDB];
	_ =	sdelay $0x1  }
0x99: {  	s19 =	simm.s32 $_scs_section_size  }
0x9a: {  	s4 =	simm.s32 $_size__tile_overlayer_lowered;
	s5 =	simm.s32 $_tile_overlayer_lowered  }
0x9b: {  	s22 =	simm.s32 $0x1BFF;
	s21 =	sshll.u32 s5, $0x1;
	s2 =	sadd.s32 s19, s18  }
0x9c: {  	s6 =	simm.s32 $0x0;
	s20 =	sshll.u32 s4, $0x1;
	s4 =	sadd.s32 s21, s2  }
0x9d: {  	[timem:s6], [sflag:s22] =	dma.local [hbm:s4], s20  }
0x9e: {  	_ =	swait.ge [sflag:s22], s20  }
0x9f: {  	s3 =	ssub.s32 $0x0, s20;
	[sflag:s22] =	ssyncset.done $0x0  }
0xa0: {  	[sflag:s22] =	ssyncadd.s32 s3;
	_ =	sdelay $0x1  }
0xa1: {  	s23 =	simm.s32 $0x1B8B  }
0xa2: {  	_ =	swait.ge [sflag:s23], $0x1  }
0xa3: {  	[sflag:s23] =	ssyncset.done $0x0  }
0xa4: {  	s25 =	simm.s32 $0x1B8E;
	s24 =	sld [smem:$0x3FFE];
	[sflag:s23] =	ssyncadd.s32 $0xFFFFFFFF  }
0xa5: {  	s26 =	simm.s32 $execute0_lowered;
	[smem:$0x3FD2] =	sst s25  }
0xa6: {  	s4 =	sshll.u32 s26, $0x1;
	_ =	strace $0x8000004C;
	[dreg:$0x1] =	wrdreg $0xFFFFFFFF  }
0xa7: {  	s28 =	simm.s32 $_size_execute0_lowered;
	s2 =	sadd.s32 s2, s4;
	[dreg:$0x0] =	wrdreg $0x0  }
0xa8: {  	s4 =	sshll.u32 s28, $0x1;
	[dreg:$0x2] =	wrdreg s2  }
0xa9: {  	[dreg:$0x3] =	wrdreg s4  }
0xaa: {  	[dreg:$0x4] =	wrdreg $0xC0  }
0xab: {  	_ =	task [dreg:s6], $0x5FFFF  }
0xac: {  	[dreg:$0x1] =	wrdreg $0xFFFFFFFF  }
0xad: {  	[dreg:$0x0] =	wrdreg $0x60  }
0xae: {  	[dreg:$0x2] =	wrdreg s24  }
0xaf: {  	[dreg:$0x3] =	wrdreg $0x0  }
0xb0: {  	[dreg:$0x4] =	wrdreg $0x9  }
0xb1: {  	_ =	task.clear_ibuf [dreg:s6], $0x5FFFF;
	_ =	strace $0x9000004C  }
0xb2: {  	s29 =	simm.s32 $0x9;
	_ =	strace $0x8000004E  }
0xb3: {  	_ =	swait.ge [sflag:s29], $0x1  }
0xb4: {  	[sflag:s29] =	ssyncadd.s32 $0xFFFFFFFF  }
0xb5: {  	_ =	strace $0x9000004E  }
0xb6: {  	_ =	sfence  }
0xb7: {  	s30 =	sld [smem:$0x0];
	_ =	sdelay $0x2  }
0xb8: {  	s31 =	sshll.u32 s1, $0xD;
	s1 =	sshrl.u32 s1, $0x2  }
0xb9: {  	s3 =	sand.u32 $0x4000, s31;
	s1 =	sadd.s32 s1, s30  }
0xba: {  	s0 =	sor.u32 s3, s0;
	s1 =	sshll.u32 s1, $0x11  }
0xbb: {  	s0 =	sor.u32 s1, s0  }
0xbc: {  	s0 =	sadd.s32 $0x8F2B, s0  }
0xbd: {  	[sflag:s0] =	ssyncadd.remote.s32 $0x1  }
0xbe: {  	_ =	sfence.sel $0xFFFF  }
0xbf: {  	[dreg:$0x0] =	wrdreg $0xFFFFFFFF;
	(pc) =	sbr.abs _section_cstart, $3  }
0xc0: {  	[dreg:$0x1] =	wrdreg $0xFFFFFFFF  }
0xc1: {  	_ =	task.clear_ibuf [dreg:s6], $0x2FFFF;
	_ =	strace $0x9FFFFFFF  }
0xc2: {  	(tm) =	ssettm $0x7FFFFFFF  }
0xc3: {  	_ =	shalt  }
tec
execute0_lowered:
.L_overlay_start_1:
0x0: {  	(tag) =	ssettag $0x1  }
0x1: {  	s0 =	rddreg [dreg:$0x0]  }
0x2: {  	s1 =	rddreg [dreg:$0x1]  }
0x3: {  	s2 =	srdreg.scid;
	s3 =	simm.s32 $0x0;
	s11 =	stileid.u32  }
0x4: {  	s10 =	simm.s32 $0x18800;
	s28 =	simm.s32 $0x18400;
	s6 =	smul.u32 $0x14000, s11  }
0x5: {  	s29 =	simm.s32 $0x14300;
	s30 =	simm.s32 $0x5;
	s7 =	smul.u32 $0x50000, s11  }
0x6: {  	s31 =	simm.s32 $0x14080;
	s2 =	sand.u32 $0x1, s2;
	s9 =	smul.u32 $0x1400, s11  }
0x7: {  	[smem:$0x7FF] =	sst s3;
	s4 =	sadd.s32 $0x4800, s0;
	s14 =	smul.u32 $0x2800, s11  }
0x8: {  	s15 =	smul.u32 $0xA0, s11;
	s25 =	sshll.u32 s11, $0x6;
	s11 =	simm.s32 $0x4  }
0x9: {  	s5 =	smul.u32 $0x140000, s2;
	_ =	strace $0x8000004D;
	s12 =	ssub.s32 $0x2, s2  }
0xa: {  	p0 =	seq.s32 s2, $0x0;
	s8 =	sshrl.u32 s12, $0x1;
	s13 =	sshrl.u32 s7, $0x2  }
0xb: {  	s21 =	sor.u32 $0x4, s15;
	s22 =	sor.u32 $0x5, s15;
	s10 =	simm.s32 @!p0 $0x40800  }
0xc: {  	s7 =	simm.s32 $0x14180;
	s5 =	sadd.s32 s6, s5;
	[dreg:$0x3] =	wrdreg s21  }
0xd: {  	s6 =	ssub.s32 s12, s8;
	[dreg:$0x4] =	wrdreg s22;
	s8 =	sor.u32 $0x6, s15  }
0xe: {  	s12 =	sadd.s32 s4, s9;
	s2 =	sadd.s32 s13, s1;
	[dreg:$0x5] =	wrdreg s8  }
0xf: {  	s13 =	sadd.s32 s10, s0;
	s9 =	sadd.s32 $0x20, s12;
	[dreg:$0x6] =	wrdreg s12  }
0x10: {  	s21 =	simm.s32 $0x14100;
	s16 =	sadd.s32 $0x40, s12;
	[dreg:$0x7] =	wrdreg s9  }
0x11: {  	s22 =	simm.s32 $0x14200;
	s17 =	sadd.s32 $0x60, s12;
	[dreg:$0x8] =	wrdreg s16  }
0x12: {  	s10 =	simm.s32 $0x14380;
	s18 =	sadd.s32 $0x80, s12;
	[dreg:$0x9] =	wrdreg s17  }
0x13: {  	s5 =	sshrl.u32 s5, $0x3;
	s19 =	sadd.s32 $0xA0, s12;
	[dreg:$0xa] =	wrdreg s18  }
0x14: {  	s20 =	sadd.s32 $0xC0, s12;
	s23 =	smax.u32 s6, $0x1;
	[dreg:$0xb] =	wrdreg s19  }
0x15: {  	s24 =	sadd.s32 s13, s14;
	s14 =	sor.u32 $0x1C09, s25;
	[dreg:$0xc] =	wrdreg s20  }
0x16: {  	s26 =	sadd.s32 $0xE0, s12;
	s25 =	simm.s32 $0x14400;
	[dreg:$0xe] =	wrdreg s23  }
0x17: {  	s6 =	simm.s32 $0x6;
	s8 =	simm.s32 $0x8;
	[dreg:$0xf] =	wrdreg s24  }
0x18: {  	s12 =	simm.s32 $0x0;
	s5 =	sadd.s32 s5, s0;
	[dreg:$0x10] =	wrdreg s26  }
0x19: {  	s16 =	sshrl.u32 s2, $0x3;
	s19 =	simm.s32 $0x9;
	s20 =	simm.s32 $0x14000  }
0x1a: {  	s23 =	simm.s32 $0x1;
	s24 =	simm.s32 $0x80;
	s26 =	simm.s32 $0x2  }
0x1b: {  	s0 =	simm.s32 $0x7;
	s5 =	sadd.s32 $0x68800, s5;
	[dreg:$0x11] =	wrdreg s16  }
0x1c: {  	s2 =	simm.s32 $0x3;
	s9 =	simm.s32 $0x14280;
	[dreg:$0xd] =	wrdreg s5  }
.LBB2_1:
0x1d: {  	s5 =	rddreg [dreg:$0xf]  }
0x1e: {  	[spmem:s16], [sflag:s14] =	dma.local [hbm:s5], $0x2800  }
0x1f: {  	_ =	swait.ge [sflag:s19], $0x2800  }
0x20: {  	[sflag:s19] =	ssyncset.done $0x0  }
0x21: {  	[sflag:s19] =	ssyncadd.s32 $0xFFFFD800  }
0x22: {  	[bflag:$0x0] =	sbarrier.arrive $0xFFFF  }
0x23: {  	s17 =	rddreg [dreg:$0x6]  }
0x24: {  	[tilespmem:s20], [sflag:$0x1] =	stream.linear.gather [hbm4b:s17+s3], $0x100, $0x38;
	[tilespmem:$0x1C400] =	vst v63  }
0x25: {  	s18 =	rddreg [dreg:$0x7]  }
0x26: {  	[tilespmem:s21], [sflag:$0x2] =	stream.linear.gather [hbm4b:s18+s3], $0x100, $0x38;
	[tilespmem:$0x1C400] =	vst v63  }
0x27: {  	s15 =	smov.u32 s14;
	s14 =	rddreg [dreg:$0x8]  }
0x28: {  	[tilespmem:s22], [sflag:$0x3] =	stream.linear.gather [hbm4b:s14+s3], $0x100, $0x38;
	[tilespmem:$0x1C400] =	vst v63  }
0x29: {  	_ =	swait.ge [sflag:s23], $0x100  }
0x2a: {  	[sflag:s23] =	ssyncset.done $0x0  }
0x2b: {  	[sflag:s23] =	ssyncadd.s32 $0xFFFFFF00  }
0x2c: {  	[tilespmem:s25], [sflag:$0x5] =	stream.indirect.gather [hbm4b:s13+s24], $0x80, s20, s24, $0xb8;
	[tilespmem:$0x1C400] =	vst v63  }
0x2d: {  	_ =	swait.ge [sflag:s26], $0x100  }
0x2e: {  	[sflag:s26] =	ssyncset.done $0x0  }
0x2f: {  	[sflag:s26] =	ssyncadd.s32 $0xFFFFFF00  }
0x30: {  	[tilespmem:s28], [sflag:$0x6] =	stream.indirect.gather [hbm4b:s13+s24], $0x80, s21, s24, $0xb8;
	[tilespmem:$0x1C400] =	vst v63  }
0x31: {  	s16 =	rddreg [dreg:$0x9]  }
0x32: {  	[tilespmem:s29], [sflag:$0x4] =	stream.linear.gather [hbm4b:s16+s3], $0x100, $0x38;
	[tilespmem:$0x1C400] =	vst v63  }
0x33: {  	_ =	swait.ge [sflag:s30], $0x4000  }
0x34: {  	[sflag:s30] =	ssyncset.done $0x0  }
0x35: {  	[sflag:s30] =	ssyncadd.s32 $0xFFFFC000  }
0x36: {  	[spmem:s1] =	stream.indirect.scatter.add.f32 [tilespmem:s25], [sflag:$0x7], $0x80, s31, s24, $0xb8;
	[tilespmem:$0x1C400] =	vst v63  }
0x37: {  	_ =	swait.ge [sflag:s0], $0x4000  }
0x38: {  	[sflag:s0] =	ssyncset.done $0x0  }
0x39: {  	[sflag:s0] =	ssyncadd.s32 $0xFFFFC000  }
0x3a: {  	_ =	swait.ge [sflag:s2], $0x100  }
0x3b: {  	[sflag:s2] =	ssyncset.done $0x0  }
0x3c: {  	[sflag:s2] =	ssyncadd.s32 $0xFFFFFF00  }
0x3d: {  	[tilespmem:s25], [sflag:$0x5] =	stream.indirect.gather [hbm4b:s13+s24], $0x80, s22, s24, $0xb8;
	[tilespmem:$0x1C400] =	vst v63  }
0x3e: {  	s17 =	rddreg [dreg:$0xa]  }
0x3f: {  	[tilespmem:s20], [sflag:$0x1] =	stream.linear.gather [hbm4b:s17+s3], $0x100, $0x38;
	[tilespmem:$0x1C400] =	vst v63  }
0x40: {  	_ =	swait.ge [sflag:s6], $0x4000  }
0x41: {  	[sflag:s6] =	ssyncset.done $0x0  }
0x42: {  	[sflag:s6] =	ssyncadd.s32 $0xFFFFC000  }
0x43: {  	[spmem:s1] =	stream.indirect.scatter.add.f32 [tilespmem:s28], [sflag:$0x8], $0x80, s7, s24, $0xb8;
	[tilespmem:$0x1C400] =	vst v63  }
0x44: {  	_ =	swait.ge [sflag:s8], $0x4000  }
0x45: {  	[sflag:s8] =	ssyncset.done $0x0  }
0x46: {  	[sflag:s8] =	ssyncadd.s32 $0xFFFFC000  }
0x47: {  	_ =	swait.ge [sflag:s11], $0x100  }
0x48: {  	[sflag:s11] =	ssyncset.done $0x0  }
0x49: {  	[sflag:s11] =	ssyncadd.s32 $0xFFFFFF00  }
0x4a: {  	[tilespmem:s28], [sflag:$0x6] =	stream.indirect.gather [hbm4b:s13+s24], $0x80, s29, s24, $0xb8;
	[tilespmem:$0x1C400] =	vst v63  }
0x4b: {  	s18 =	rddreg [dreg:$0xb]  }
0x4c: {  	[tilespmem:s21], [sflag:$0x2] =	stream.linear.gather [hbm4b:s18+s3], $0x100, $0x38;
	[tilespmem:$0x1C400] =	vst v63  }
0x4d: {  	_ =	swait.ge [sflag:s30], $0x4000  }
0x4e: {  	[sflag:s30] =	ssyncset.done $0x0  }
0x4f: {  	[sflag:s30] =	ssyncadd.s32 $0xFFFFC000  }
0x50: {  	[spmem:s1] =	stream.indirect.scatter.add.f32 [tilespmem:s25], [sflag:$0x7], $0x80, s9, s24, $0xb8;
	[tilespmem:$0x1C400] =	vst v63  }
0x51: {  	_ =	swait.ge [sflag:s0], $0x4000  }
0x52: {  	[sflag:s0] =	ssyncset.done $0x0  }
0x53: {  	[sflag:s0] =	ssyncadd.s32 $0xFFFFC000  }
0x54: {  	_ =	swait.ge [sflag:s23], $0x100  }
0x55: {  	[sflag:s23] =	ssyncset.done $0x0  }
0x56: {  	[sflag:s23] =	ssyncadd.s32 $0xFFFFFF00  }
0x57: {  	[tilespmem:s25], [sflag:$0x5] =	stream.indirect.gather [hbm4b:s13+s24], $0x80, s20, s24, $0xb8;
	[tilespmem:$0x1C400] =	vst v63  }
0x58: {  	s14 =	rddreg [dreg:$0xc]  }
0x59: {  	[tilespmem:s22], [sflag:$0x3] =	stream.linear.gather [hbm4b:s14+s3], $0x100, $0x38;
	[tilespmem:$0x1C400] =	vst v63  }
0x5a: {  	_ =	swait.ge [sflag:s6], $0x4000  }
0x5b: {  	[sflag:s6] =	ssyncset.done $0x0  }
0x5c: {  	[sflag:s6] =	ssyncadd.s32 $0xFFFFC000  }
0x5d: {  	[spmem:s1] =	stream.indirect.scatter.add.f32 [tilespmem:s28], [sflag:$0x8], $0x80, s10, s24, $0xb8;
	[tilespmem:$0x1C400] =	vst v63  }
0x5e: {  	_ =	swait.ge [sflag:s8], $0x4000  }
0x5f: {  	[sflag:s8] =	ssyncset.done $0x0  }
0x60: {  	[sflag:s8] =	ssyncadd.s32 $0xFFFFC000  }
0x61: {  	_ =	swait.ge [sflag:s26], $0x100  }
0x62: {  	[sflag:s26] =	ssyncset.done $0x0  }
0x63: {  	[sflag:s26] =	ssyncadd.s32 $0xFFFFFF00  }
0x64: {  	[tilespmem:s28], [sflag:$0x6] =	stream.indirect.gather [hbm4b:s13+s24], $0x80, s21, s24, $0xb8;
	[tilespmem:$0x1C400] =	vst v63  }
0x65: {  	s17 =	rddreg [dreg:$0x10]  }
0x66: {  	[tilespmem:s29], [sflag:$0x4] =	stream.linear.gather [hbm4b:s17+s3], $0x100, $0x38;
	[tilespmem:$0x1C400] =	vst v63  }
0x67: {  	_ =	swait.ge [sflag:s30], $0x4000  }
0x68: {  	[sflag:s30] =	ssyncset.done $0x0  }
0x69: {  	[sflag:s30] =	ssyncadd.s32 $0xFFFFC000  }
0x6a: {  	[spmem:s1] =	stream.indirect.scatter.add.f32 [tilespmem:s25], [sflag:$0x7], $0x80, s31, s24, $0xb8;
	[tilespmem:$0x1C400] =	vst v63  }
0x6b: {  	_ =	swait.ge [sflag:s0], $0x4000  }
0x6c: {  	[sflag:s0] =	ssyncset.done $0x0  }
0x6d: {  	[sflag:s0] =	ssyncadd.s32 $0xFFFFC000  }
0x6e: {  	_ =	swait.ge [sflag:s2], $0x100  }
0x6f: {  	s18 =	smin.u32 s11, $0x9B;
	[sflag:s2] =	ssyncset.done $0x0;
	s16 =	rddreg [dreg:$0x3]  }
0x70: {  	[sflag:s2] =	ssyncadd.s32 $0xFFFFFF00;
	s5 =	sadd.s32 s18, s16  }
0x71: {  	[tilespmem:s25], [sflag:$0x5] =	stream.indirect.gather [hbm4b:s13+s24], $0x80, s22, s24, $0xb8;
	[tilespmem:$0x1C400] =	vst v63  }
0x72: {  	s5 =	sshll.u32 s5, $0x5  }
0x73: {  	s5 =	sadd.s32 s4, s5  }
0x74: {  	[tilespmem:s20], [sflag:$0x1] =	stream.linear.gather [hbm4b:s5+s3], $0x100, $0x38;
	[tilespmem:$0x1C400] =	vst v63  }
0x75: {  	_ =	swait.ge [sflag:s6], $0x4000  }
0x76: {  	[sflag:s6] =	ssyncset.done $0x0  }
0x77: {  	[sflag:s6] =	ssyncadd.s32 $0xFFFFC000  }
0x78: {  	[spmem:s1] =	stream.indirect.scatter.add.f32 [tilespmem:s28], [sflag:$0x8], $0x80, s7, s24, $0xb8;
	[tilespmem:$0x1C400] =	vst v63  }
0x79: {  	_ =	swait.ge [sflag:s8], $0x4000  }
0x7a: {  	[sflag:s8] =	ssyncset.done $0x0  }
0x7b: {  	[sflag:s8] =	ssyncadd.s32 $0xFFFFC000  }
0x7c: {  	_ =	swait.ge [sflag:s11], $0x100  }
0x7d: {  	s18 =	smin.u32 s11, $0x9A;
	[sflag:s11] =	ssyncset.done $0x0;
	s16 =	rddreg [dreg:$0x4]  }
0x7e: {  	[sflag:s11] =	ssyncadd.s32 $0xFFFFFF00;
	s5 =	sadd.s32 s18, s16  }
0x7f: {  	[tilespmem:s28], [sflag:$0x6] =	stream.indirect.gather [hbm4b:s13+s24], $0x80, s29, s24, $0xb8;
	[tilespmem:$0x1C400] =	vst v63  }
0x80: {  	s5 =	sshll.u32 s5, $0x5  }
0x81: {  	s5 =	sadd.s32 s4, s5  }
0x82: {  	[tilespmem:s21], [sflag:$0x2] =	stream.linear.gather [hbm4b:s5+s3], $0x100, $0x38;
	[tilespmem:$0x1C400] =	vst v63  }
0x83: {  	_ =	swait.ge [sflag:s30], $0x4000  }
0x84: {  	[sflag:s30] =	ssyncset.done $0x0  }
0x85: {  	[sflag:s30] =	ssyncadd.s32 $0xFFFFC000  }
0x86: {  	[spmem:s1] =	stream.indirect.scatter.add.f32 [tilespmem:s25], [sflag:$0x7], $0x80, s9, s24, $0xb8;
	[tilespmem:$0x1C400] =	vst v63  }
0x87: {  	_ =	swait.ge [sflag:s0], $0x4000  }
0x88: {  	[sflag:s0] =	ssyncset.done $0x0  }
0x89: {  	[sflag:s0] =	ssyncadd.s32 $0xFFFFC000  }
0x8a: {  	_ =	swait.ge [sflag:s23], $0x100  }
0x8b: {  	s18 =	smin.u32 s11, $0x99;
	[sflag:s23] =	ssyncset.done $0x0;
	s16 =	rddreg [dreg:$0x5]  }
0x8c: {  	[sflag:s23] =	ssyncadd.s32 $0xFFFFFF00;
	s5 =	sadd.s32 s18, s16  }
0x8d: {  	[tilespmem:s25], [sflag:$0x5] =	stream.indirect.gather [hbm4b:s13+s24], $0x80, s20, s24, $0xb8;
	[tilespmem:$0x1C400] =	vst v63  }
0x8e: {  	s5 =	sshll.u32 s5, $0x5  }
0x8f: {  	s5 =	sadd.s32 s4, s5  }
0x90: {  	[tilespmem:s22], [sflag:$0x3] =	stream.linear.gather [hbm4b:s5+s3], $0x100, $0x38;
	[tilespmem:$0x1C400] =	vst v63  }
0x91: {  	s14 =	simm.s32 $0x8;
	_ =	swait.ge [sflag:s6], $0x4000  }
.LBB2_2:
0x92: {  	[sflag:s6] =	ssyncset.done $0x0  }
0x93: {  	[sflag:s6] =	ssyncadd.s32 $0xFFFFC000  }
0x94: {  	[spmem:s1] =	stream.indirect.scatter.add.f32 [tilespmem:s28], [sflag:$0x8], $0x80, s10, s24, $0xb8;
	[tilespmem:$0x1C400] =	vst v63  }
0x95: {  	_ =	swait.ge [sflag:s8], $0x4000  }
0x96: {  	[sflag:s8] =	ssyncset.done $0x0  }
0x97: {  	[sflag:s8] =	ssyncadd.s32 $0xFFFFC000  }
0x98: {  	_ =	swait.ge [sflag:s26], $0x100  }
0x99: {  	[sflag:s26] =	ssyncset.done $0x0  }
0x9a: {  	[sflag:s26] =	ssyncadd.s32 $0xFFFFFF00  }
0x9b: {  	[tilespmem:s28], [sflag:$0x6] =	stream.indirect.gather [hbm4b:s13+s24], $0x80, s21, s24, $0xb8;
	[tilespmem:$0x1C400] =	vst v63  }
0x9c: {  	s17 =	sadd.s32 $0x80, s17  }
0x9d: {  	[tilespmem:s29], [sflag:$0x4] =	stream.linear.gather [hbm4b:s17+s3], $0x100, $0x38;
	[tilespmem:$0x1C400] =	vst v63  }
0x9e: {  	_ =	swait.ge [sflag:s30], $0x4000  }
0x9f: {  	[sflag:s30] =	ssyncset.done $0x0  }
0xa0: {  	[sflag:s30] =	ssyncadd.s32 $0xFFFFC000  }
0xa1: {  	[spmem:s1] =	stream.indirect.scatter.add.f32 [tilespmem:s25], [sflag:$0x7], $0x80, s31, s24, $0xb8;
	[tilespmem:$0x1C400] =	vst v63  }
0xa2: {  	_ =	swait.ge [sflag:s0], $0x4000  }
0xa3: {  	[sflag:s0] =	ssyncset.done $0x0  }
0xa4: {  	[sflag:s0] =	ssyncadd.s32 $0xFFFFC000  }
0xa5: {  	s5 =	smov.u32 s14;
	_ =	swait.ge [sflag:s2], $0x100  }
0xa6: {  	s18 =	smin.u32 s5, $0x9B;
	[sflag:s2] =	ssyncset.done $0x0;
	s16 =	rddreg [dreg:$0x3]  }
0xa7: {  	[sflag:s2] =	ssyncadd.s32 $0xFFFFFF00;
	s16 =	sadd.s32 s18, s16  }
0xa8: {  	[tilespmem:s25], [sflag:$0x5] =	stream.indirect.gather [hbm4b:s13+s24], $0x80, s22, s24, $0xb8;
	[tilespmem:$0x1C400] =	vst v63  }
0xa9: {  	s16 =	sshll.u32 s16, $0x5  }
0xaa: {  	s16 =	sadd.s32 s4, s16  }
0xab: {  	[tilespmem:s20], [sflag:$0x1] =	stream.linear.gather [hbm4b:s16+s3], $0x100, $0x38;
	[tilespmem:$0x1C400] =	vst v63  }
0xac: {  	_ =	swait.ge [sflag:s6], $0x4000  }
0xad: {  	[sflag:s6] =	ssyncset.done $0x0  }
0xae: {  	[sflag:s6] =	ssyncadd.s32 $0xFFFFC000  }
0xaf: {  	[spmem:s1] =	stream.indirect.scatter.add.f32 [tilespmem:s28], [sflag:$0x8], $0x80, s7, s24, $0xb8;
	[tilespmem:$0x1C400] =	vst v63  }
0xb0: {  	_ =	swait.ge [sflag:s8], $0x4000  }
0xb1: {  	[sflag:s8] =	ssyncset.done $0x0  }
0xb2: {  	[sflag:s8] =	ssyncadd.s32 $0xFFFFC000  }
0xb3: {  	_ =	swait.ge [sflag:s11], $0x100  }
0xb4: {  	s16 =	smin.u32 s5, $0x9A;
	[sflag:s11] =	ssyncset.done $0x0;
	s18 =	rddreg [dreg:$0x4]  }
0xb5: {  	[sflag:s11] =	ssyncadd.s32 $0xFFFFFF00;
	s16 =	sadd.s32 s16, s18  }
0xb6: {  	[tilespmem:s28], [sflag:$0x6] =	stream.indirect.gather [hbm4b:s13+s24], $0x80, s29, s24, $0xb8;
	[tilespmem:$0x1C400] =	vst v63  }
0xb7: {  	s16 =	sshll.u32 s16, $0x5  }
0xb8: {  	s16 =	sadd.s32 s4, s16  }
0xb9: {  	[tilespmem:s21], [sflag:$0x2] =	stream.linear.gather [hbm4b:s16+s3], $0x100, $0x38;
	[tilespmem:$0x1C400] =	vst v63  }
0xba: {  	_ =	swait.ge [sflag:s30], $0x4000  }
0xbb: {  	[sflag:s30] =	ssyncset.done $0x0  }
0xbc: {  	[sflag:s30] =	ssyncadd.s32 $0xFFFFC000  }
0xbd: {  	[spmem:s1] =	stream.indirect.scatter.add.f32 [tilespmem:s25], [sflag:$0x7], $0x80, s9, s24, $0xb8;
	[tilespmem:$0x1C400] =	vst v63  }
0xbe: {  	_ =	swait.ge [sflag:s0], $0x4000  }
0xbf: {  	[sflag:s0] =	ssyncset.done $0x0  }
0xc0: {  	[sflag:s0] =	ssyncadd.s32 $0xFFFFC000  }
0xc1: {  	_ =	swait.ge [sflag:s23], $0x100  }
0xc2: {  	p0 =	sne.s32 s14, $0x9C;
	[sflag:s23] =	ssyncset.done $0x0  }
0xc3: {  	s5 =	smin.u32 s5, $0x99;
	s18 =	rddreg [dreg:$0x5];
	[sflag:s23] =	ssyncadd.s32 $0xFFFFFF00  }
0xc4: {  	[tilespmem:s25], [sflag:$0x5] =	stream.indirect.gather [hbm4b:s13+s24], $0x80, s20, s24, $0xb8;
	[tilespmem:$0x1C400] =	vst v63  }
.Ltmp0:
0xc5: {  	s5 =	sadd.s32 s5, s18;
	(pc) =	sbr.rel @p0 .LBB2_2-.Ltmp0, $4  }
0xc6: {  	s5 =	sshll.u32 s5, $0x5  }
0xc7: {  	s5 =	sadd.s32 s4, s5  }
0xc8: {  	[tilespmem:s22], [sflag:$0x3] =	stream.linear.gather [hbm4b:s5+s3], $0x100, $0x38;
	[tilespmem:$0x1C400] =	vst v63  }
0xc9: {  	s14 =	sadd.s32 $0x4, s14;
	_ =	swait.ge [sflag:s6], $0x4000  }
0xca: {  	[sflag:s6] =	ssyncset.done $0x0  }
0xcb: {  	[sflag:s6] =	ssyncadd.s32 $0xFFFFC000  }
0xcc: {  	[spmem:s1] =	stream.indirect.scatter.add.f32 [tilespmem:s28], [sflag:$0x8], $0x80, s10, s24, $0xb8;
	[tilespmem:$0x1C400] =	vst v63  }
0xcd: {  	_ =	swait.ge [sflag:s8], $0x4000  }
0xce: {  	[sflag:s8] =	ssyncset.done $0x0  }
0xcf: {  	[sflag:s8] =	ssyncadd.s32 $0xFFFFC000  }
0xd0: {  	_ =	swait.ge [sflag:s30], $0x4000  }
0xd1: {  	[sflag:s30] =	ssyncset.done $0x0  }
0xd2: {  	[sflag:s30] =	ssyncadd.s32 $0xFFFFC000  }
0xd3: {  	_ =	swait.ge [sflag:s26], $0x100  }
0xd4: {  	[sflag:s26] =	ssyncset.done $0x0  }
0xd5: {  	[sflag:s26] =	ssyncadd.s32 $0xFFFFFF00  }
0xd6: {  	_ =	swait.ge [sflag:s2], $0x100  }
0xd7: {  	[sflag:s2] =	ssyncset.done $0x0  }
0xd8: {  	[sflag:s2] =	ssyncadd.s32 $0xFFFFFF00  }
0xd9: {  	[bflag:$0x0] =	sbarrier.arrive $0xFFFF  }
0xda: {  	s5 =	rddreg [dreg:$0xd]  }
0xdb: {  	s16 =	rddreg [dreg:$0x11]  }
0xdc: {  	[hbm:s5], [sflag:s15] =	dma.local [spmem:s16], $0x2800  }
0xdd: {  	_ =	swait.ge [sflag:s19], $0x2800  }
0xde: {  	s12 =	sadd.s32 $0x1, s12;
	s18 =	rddreg [dreg:$0xe]  }
0xdf: {  	p0 =	sne.s32 s12, s18  }
.Ltmp1:
0xe0: {  	_ = 	snop;
	(pc) =	sbr.rel @p0 .LBB2_1-.Ltmp1, $3  }
0xe1: {  	_ =	sdelay $0x1  }
0xe2: {  	[sflag:s19] =	ssyncset.done $0x0  }
0xe3: {  	s14 =	smov.u32 s15;
	[sflag:s19] =	ssyncadd.s32 $0xFFFFD800  }
0xe4: {  	_ =	sfence.sel $0x180000  }
0xe5: {  	[bflag:$0x0] =	sbarrier.arrive $0xFFFF  }
0xe6: {  	_ =	strace $0x9000004D  }
0xe7: {  	s0 =	stileid.u32;
	[bflag:$0x2] =	sbarrier.arrive $0xFFFF  }
0xe8: {  	p0 =	sne.s32 s0, $0x0;
	s0 =	rddreg [dreg:$0x2]  }
0xe9: {  	s0 =	sadd.s32 @!p0 $0x100000, s0  }
0xea: {  	[sflag:s0] =	ssyncadd.tile.s32 @!p0 $0x1;
	_ =	shalt  }
.Lfunc_end2:
_tile_overlayer_lowered:
.L_overlay_start_2:
0xeb: {  	(tag) =	ssettag $0x2  }
0xec: {  	s0 =	rddreg [dreg:$0x0];
	s2 =	stileid.u32  }
0xed: {  	s1 =	rddreg [dreg:$0x1];
	p0 =	sne.s32 s2, $0x0  }
0xee: {  	s3 =	rddreg [dreg:$0x2];
	[bflag:$0x3] =	sbarrier.arrive $0xFFFF;
	s2 =	simm.s32 @!p0 $0x1C09  }
0xef: {  	[timem:s3], [sflag:s2] =	dma.local @!p0 [hbm:s0], s1  }
0xf0: {  	s0 =	simm.s32 @!p0 $0x9  }
0xf1: {  	_ =	swait.ge @!p0 [sflag:s0], s1  }
0xf2: {  	s1 =	ssub.s32 @!p0 $0x0, s1;
	[sflag:s0] =	ssyncset.done @!p0 $0x0  }
0xf3: {  	[sflag:s0] =	ssyncadd.s32 @!p0 s1  }
0xf4: {  	[bflag:$0x3] =	sbarrier.arrive $0xFFFF  }
0xf5: {  	_ =	shalt  }

// kernel: kernel.8.cloned.1.call-start
scs
__scs_entry_jumppad:
0x0: {  	(pc) =	sbr.rel $0x88, $3  }
0x1: {  	(tag) =	ssettag $0x0;
	lr =	simm.s32 $0x1  }
0x2: {  	[smem:$0x3F8A] =	sst lr;
	_ =	strace $0xD0000000  }
0x3: {  	_ = 	snop  }
0x4: {  	_ = 	snop  }
0x5: {  	_ = 	snop  }
0x6: {  	_ = 	snop  }
0x7: {  	_ = 	snop  }
__scs_overlays_trampoline_lowered:
0x8: {  	[smem:$0x3F99] =	sst s0  }
0x9: {  	[smem:$0x3F9A] =	sst s1  }
0xa: {  	[smem:$0x3F9B] =	sst s2  }
0xb: {  	[smem:$0x3F9C] =	sst s3  }
0xc: {  	[smem:$0x3F9D] =	sst s4  }
0xd: {  	[smem:$0x3F9E] =	sst s5  }
0xe: {  	[smem:$0x3F9F] =	sst s6  }
0xf: {  	[smem:$0x3FA0] =	sst s7  }
0x10: {  	[smem:$0x3FA1] =	sst s8  }
0x11: {  	[smem:$0x3FA2] =	sst s9;
	s0 =	simm.s32 @!p0 $0x0  }
0x12: {  	s1 =	sld [smem:$0x3F88];
	s0 =	simm.s32 @p0 $0x1  }
0x13: {  	[smem:$0x3FA3] =	sst s0;
	s0 =	simm.s32 @!p1 $0x0  }
0x14: {  	s2 =	sld [smem:$0x3F87];
	s0 =	simm.s32 @p1 $0x1  }
0x15: {  	[smem:$0x3FA4] =	sst s0;
	s0 =	simm.s32 @!p2 $0x0  }
0x16: {  	s3 =	sld [smem:$0x3FDB];
	s0 =	simm.s32 @p2 $0x1  }
0x17: {  	s4 =	simm.s32 $0x1BF5;
	[smem:$0x3FA6] =	sst s0  }
0x18: {  	s0 =	sld [smem:$0x3F89];
	_ =	swait.ge [sflag:s4], $0x0  }
0x19: {  	s7 =	sld [smem:$0x3F8A]  }
0x1a: {  	s8 =	sadd.s32 $0xFFFFE003, lr  }
0x1b: {  	s9 =	sadd.s32 $0xFFFFFEF7, lr;
	s5 =	simm.s32 $0xFFFFFFFF;
	p2 =	slt.u32 s8, $0xFFFFF086  }
0x1c: {  	p1 =	slt.u32 s9, $0xF7A;
	s5 =	simm.s32 @!p2 $0x0  }
0x1d: {  	s5 =	simm.s32 @p1 $0x1;
	p0 =	seq.s32 s7, s2  }
0x1e: {  	s7 =	smul.u32 @!p0 $0xF7A, s2;
	p2 =	seq.s32 @!p0 s5, $0x0  }
0x1f: {  	s9 =	smul.u32 $0xF7A, s1;
	s8 =	simm.s32 @!p0 $0x1BF5;
	p2 =	por !p2, p0  }
0x20: {  	[sflag:s8] =	ssyncset.s32 @!p0 $0xFFFFF086;
	s6 =	sadd.s32 @!p0 s3, s7;
	s7 =	simm.s32 @!p0 $0x108  }
0x21: {  	s3 =	sadd.s32 s3, s9;
	s6 =	sadd.s32 @!p0 $0x88, s6;
	s7 =	simm.s32 @p2 $0x1082  }
0x22: {  	[simem:s7], [sflag:s8] =	dma.local @!p0 [hbm:s6], $0xF7A  }
0x23: {  	s9 =	sor.u32 $0xD0000000, s2;
	s6 =	simm.s32 $0x108;
	_ =	swait.ge @!p0 [sflag:s8], $0x0  }
0x24: {  	s3 =	sadd.s32 $0x88, s3;
	s6 =	simm.s32 @!p1 $0x1082;
	[sflag:s4] =	ssyncset.s32 $0xFFFFF086  }
0x25: {  	[simem:s6], [sflag:s4] =	dma.local [hbm:s3], $0xF7A  }
0x26: {  	[smem:$0x3F8A] =	sst s1;
	(tag) =	ssettag s2;
	_ =	strace s9  }
0x27: {  	s1 =	sld [smem:$0x3F9A]  }
0x28: {  	s2 =	sld [smem:$0x3F9B]  }
0x29: {  	s4 =	sld [smem:$0x3F9D]  }
0x2a: {  	p0 =	seq.s32 s5, $0x0;
	s5 =	sld [smem:$0x3F9E]  }
0x2b: {  	s6 =	sld [smem:$0x3F9F]  }
0x2c: {  	s7 =	sld [smem:$0x3FA0]  }
0x2d: {  	s3 =	simm.s32 $0x108;
	s8 =	sld [smem:$0x3FA1]  }
0x2e: {  	s3 =	simm.s32 @!p0 $0x1082;
	s9 =	sld [smem:$0x3FA2]  }
0x2f: {  	lr =	sadd.s32 s0, s3;
	s0 =	sld [smem:$0x3F99]  }
0x30: {  	s3 =	sld [smem:$0x3F9C]  }
0x31: {  	[smem:$0x3FA5] =	sst s10  }
0x32: {  	s10 =	sld [smem:$0x3FA3];
	_ =	sdelay $0x3  }
0x33: {  	p0 =	seq.s32 s10, $0x1;
	s10 =	sld [smem:$0x3FA5];
	_ =	sdelay $0x3  }
0x34: {  	[smem:$0x3FA5] =	sst s10  }
0x35: {  	s10 =	sld [smem:$0x3FA4];
	_ =	sdelay $0x3  }
0x36: {  	p1 =	seq.s32 s10, $0x1;
	s10 =	sld [smem:$0x3FA5];
	_ =	sdelay $0x3  }
0x37: {  	[smem:$0x3FA5] =	sst s10  }
0x38: {  	s10 =	sld [smem:$0x3FA6]  }
0x39: {  	_ = 	snop;
	(pc) =	sbr.ind lr, $3  }
0x3a: {  	_ = 	snop  }
0x3b: {  	_ = 	snop  }
0x3c: {  	p2 =	seq.s32 s10, $0x1;
	s10 =	sld [smem:$0x3FA5]  }
0x3d: {  	_ =	shalt  }
0x3e: {  	_ =	shalt  }
0x3f: {  	_ =	shalt  }
0x40: {  	_ =	shalt  }
0x41: {  	_ =	shalt  }
0x42: {  	_ =	shalt  }
0x43: {  	_ =	shalt  }
0x44: {  	_ =	shalt  }
0x45: {  	_ =	shalt  }
0x46: {  	_ =	shalt  }
0x47: {  	_ =	shalt  }
0x48: {  	_ =	shalt  }
0x49: {  	_ =	shalt  }
0x4a: {  	_ =	shalt  }
0x4b: {  	_ =	shalt  }
0x4c: {  	_ =	shalt  }
0x4d: {  	_ =	shalt  }
0x4e: {  	_ =	shalt  }
0x4f: {  	_ =	shalt  }
0x50: {  	_ =	shalt  }
0x51: {  	_ =	shalt  }
0x52: {  	_ =	shalt  }
0x53: {  	_ =	shalt  }
0x54: {  	_ =	shalt  }
0x55: {  	_ =	shalt  }
0x56: {  	_ =	shalt  }
0x57: {  	_ =	shalt  }
0x58: {  	_ =	shalt  }
0x59: {  	_ =	shalt  }
0x5a: {  	_ =	shalt  }
0x5b: {  	_ =	shalt  }
0x5c: {  	_ =	shalt  }
0x5d: {  	_ =	shalt  }
0x5e: {  	_ =	shalt  }
0x5f: {  	_ =	shalt  }
0x60: {  	_ =	shalt  }
0x61: {  	_ =	shalt  }
0x62: {  	_ =	shalt  }
0x63: {  	_ =	shalt  }
0x64: {  	_ =	shalt  }
0x65: {  	_ =	shalt  }
0x66: {  	_ =	shalt  }
0x67: {  	_ =	shalt  }
0x68: {  	_ =	shalt  }
0x69: {  	_ =	shalt  }
0x6a: {  	_ =	shalt  }
0x6b: {  	_ =	shalt  }
0x6c: {  	_ =	shalt  }
0x6d: {  	_ =	shalt  }
0x6e: {  	_ =	shalt  }
0x6f: {  	_ =	shalt  }
0x70: {  	_ =	shalt  }
0x71: {  	_ =	shalt  }
0x72: {  	_ =	shalt  }
0x73: {  	_ =	shalt  }
0x74: {  	_ =	shalt  }
0x75: {  	_ =	shalt  }
0x76: {  	_ =	shalt  }
0x77: {  	_ =	shalt  }
0x78: {  	_ =	shalt  }
0x79: {  	_ =	shalt  }
0x7a: {  	_ =	shalt  }
0x7b: {  	_ =	shalt  }
0x7c: {  	_ =	shalt  }
0x7d: {  	_ =	shalt  }
0x7e: {  	_ =	shalt  }
0x7f: {  	_ =	shalt  }
0x80: {  	_ =	shalt  }
0x81: {  	_ =	shalt  }
0x82: {  	_ =	shalt  }
0x83: {  	_ =	shalt  }
0x84: {  	_ =	shalt  }
0x85: {  	_ =	shalt  }
0x86: {  	_ =	shalt  }
0x87: {  	_ =	shalt  }
.Lfunc_end0:
.L_simem_size_0:
called_computation_lowered:
.L_overlay_start_0:
0x88: {  	s2 =	sld [smem:$0x3FD9]  }
0x89: {  	s3 =	sld [smem:$0x3FFE];
	_ =	sdelay $0x1  }
0x8a: {  	s1 =	srdreg.scid  }
0x8b: {  	s0 =	sand.u32 $0x1, s1  }
0x8c: {  	s16 =	sshll.u32 s0, $0xA;
	s2 =	sadd.s32 s3, s2  }
0x8d: {  	s2 =	sadd.s32 s2, s16  }
0x8e: {  	[smem:$0x3FB1] =	sst s2  }
0x8f: {  	_ = 	snop  }
0x90: {  	(tm) =	ssettm $0x1  }
0x91: {  	s17 =	sld [smem:$0x3FFB];
	_ =	sdelay $0x3  }
0x92: {  	_ =	strace s17  }
0x93: {  	s2 =	sld [smem:$0x3FFC];
	_ =	sdelay $0x3  }
0x94: {  	_ =	strace s2  }
0x95: {  	s2 =	sld [smem:$0x3FFD];
	_ =	sdelay $0x3  }
0x96: {  	_ =	strace s2  }
0x97: {  	_ =	strace $0x8FFFFFFF  }
0x98: {  	s18 =	sld [smem:$0x3FDB];
	_ =	sdelay $0x1  }
0x99: {  	s19 =	simm.s32 $_scs_section_size  }
0x9a: {  	s4 =	simm.s32 $_size__tile_overlayer_lowered;
	s5 =	simm.s32 $_tile_overlayer_lowered  }
0x9b: {  	s22 =	simm.s32 $0x1BFF;
	s21 =	sshll.u32 s5, $0x1;
	s2 =	sadd.s32 s19, s18  }
0x9c: {  	s6 =	simm.s32 $0x0;
	s20 =	sshll.u32 s4, $0x1;
	s4 =	sadd.s32 s21, s2  }
0x9d: {  	[timem:s6], [sflag:s22] =	dma.local [hbm:s4], s20  }
0x9e: {  	_ =	swait.ge [sflag:s22], s20  }
0x9f: {  	s3 =	ssub.s32 $0x0, s20;
	[sflag:s22] =	ssyncset.done $0x0  }
0xa0: {  	[sflag:s22] =	ssyncadd.s32 s3;
	_ =	sdelay $0x1  }
0xa1: {  	s23 =	simm.s32 $0x1B8B  }
0xa2: {  	_ =	swait.ge [sflag:s23], $0x1  }
0xa3: {  	[sflag:s23] =	ssyncset.done $0x0  }
0xa4: {  	s25 =	simm.s32 $0x1B8E;
	s24 =	sld [smem:$0x3FFE];
	[sflag:s23] =	ssyncadd.s32 $0xFFFFFFFF  }
0xa5: {  	s26 =	simm.s32 $execute0_lowered;
	[smem:$0x3FD2] =	sst s25  }
0xa6: {  	s4 =	sshll.u32 s26, $0x1;
	_ =	strace $0x80000046;
	[dreg:$0x1] =	wrdreg $0xFFFFFFFF  }
0xa7: {  	s28 =	simm.s32 $_size_execute0_lowered;
	s2 =	sadd.s32 s2, s4;
	[dreg:$0x0] =	wrdreg $0x0  }
0xa8: {  	s4 =	sshll.u32 s28, $0x1;
	[dreg:$0x2] =	wrdreg s2  }
0xa9: {  	[dreg:$0x3] =	wrdreg s4  }
0xaa: {  	[dreg:$0x4] =	wrdreg $0xC0  }
0xab: {  	_ =	task [dreg:s6], $0x5FFFF  }
0xac: {  	[dreg:$0x1] =	wrdreg $0xFFFFFFFF  }
0xad: {  	[dreg:$0x0] =	wrdreg $0x60  }
0xae: {  	[dreg:$0x2] =	wrdreg s24  }
0xaf: {  	[dreg:$0x3] =	wrdreg $0x0  }
0xb0: {  	[dreg:$0x4] =	wrdreg $0x9  }
0xb1: {  	_ =	task.clear_ibuf [dreg:s6], $0x5FFFF;
	_ =	strace $0x90000046  }
0xb2: {  	s29 =	simm.s32 $0x9;
	_ =	strace $0x80000048  }
0xb3: {  	_ =	swait.ge [sflag:s29], $0x1  }
0xb4: {  	[sflag:s29] =	ssyncadd.s32 $0xFFFFFFFF  }
0xb5: {  	_ =	strace $0x90000048  }
0xb6: {  	_ =	sfence  }
0xb7: {  	s30 =	sld [smem:$0x0];
	_ =	sdelay $0x2  }
0xb8: {  	s31 =	sshll.u32 s1, $0xD;
	s1 =	sshrl.u32 s1, $0x2  }
0xb9: {  	s3 =	sand.u32 $0x4000, s31;
	s1 =	sadd.s32 s1, s30  }
0xba: {  	s0 =	sor.u32 s3, s0;
	s1 =	sshll.u32 s1, $0x11  }
0xbb: {  	s0 =	sor.u32 s1, s0  }
0xbc: {  	s0 =	sadd.s32 $0x8F2B, s0  }
0xbd: {  	[sflag:s0] =	ssyncadd.remote.s32 $0x1  }
0xbe: {  	_ =	sfence.sel $0xFFFF  }
0xbf: {  	[dreg:$0x0] =	wrdreg $0xFFFFFFFF;
	(pc) =	sbr.abs _section_cstart, $3  }
0xc0: {  	[dreg:$0x1] =	wrdreg $0xFFFFFFFF  }
0xc1: {  	_ =	task.clear_ibuf [dreg:s6], $0x2FFFF;
	_ =	strace $0x9FFFFFFF  }
0xc2: {  	(tm) =	ssettm $0x7FFFFFFF  }
0xc3: {  	_ =	shalt  }
tec
execute0_lowered:
.L_overlay_start_1:
0x0: {  	(tag) =	ssettag $0x1  }
0x1: {  	s0 =	rddreg [dreg:$0x0]  }
0x2: {  	s1 =	rddreg [dreg:$0x1]  }
0x3: {  	s2 =	srdreg.scid;
	s13 =	stileid.u32  }
0x4: {  	s3 =	simm.s32 $0x0;
	s28 =	simm.s32 $0x18400;
	s7 =	smul.u32 $0x14000, s13  }
0x5: {  	s29 =	simm.s32 $0x14300;
	s30 =	simm.s32 $0x5;
	s10 =	smul.u32 $0x50000, s13  }
0x6: {  	s31 =	simm.s32 $0x14080;
	s2 =	sand.u32 $0x1, s2;
	s16 =	smul.u32 $0x2800, s13  }
0x7: {  	[smem:$0x7FF] =	sst s3;
	s4 =	sadd.s32 $0x18800, s0;
	s24 =	smul.u32 $0x50, s13  }
0x8: {  	s8 =	sadd.s32 $0x40800, s0;
	s5 =	sadd.s32 $0x4800, s0;
	s6 =	smul.u32 $0x140000, s2  }
0x9: {  	_ =	strace $0x80000047;
	s25 =	sshll.u32 s2, $0x4;
	s9 =	ssub.s32 $0x2, s2  }
0xa: {  	p0 =	seq.s32 s2, $0x1;
	s2 =	smul.u32 $0x500, s2;
	s11 =	sshrl.u32 s9, $0x1  }
0xb: {  	s15 =	sshrl.u32 s10, $0x2;
	s6 =	sadd.s32 s7, s6;
	s7 =	sor.u32 s13, s25  }
0xc: {  	s10 =	simm.s32 $0x14280;
	s26 =	ssub.s32 s9, s11;
	s12 =	smul.u32 $0xA00, s7  }
0xd: {  	s9 =	sadd.s32 s15, s1;
	s6 =	sshrl.u32 s6, $0x3;
	s7 =	smul.u32 $0x50, s7  }
0xe: {  	s2 =	sadd.s32 s24, s2;
	s0 =	sadd.s32 s6, s0;
	s6 =	smax.u32 s26, $0x1  }
0xf: {  	s25 =	sshll.u32 s13, $0x6;
	s22 =	sor.u32 $0x4, s7;
	[dreg:$0xe] =	wrdreg s6  }
0x10: {  	s24 =	simm.s32 $0x80;
	s14 =	sadd.s32 s5, s12;
	[dreg:$0x3] =	wrdreg s22  }
0x11: {  	s11 =	simm.s32 $0x14380;
	s23 =	sor.u32 $0x5, s7;
	[dreg:$0x6] =	wrdreg s14  }
0x12: {  	s2 =	sshll.u32 s2, $0x5;
	s7 =	sor.u32 $0x6, s7;
	[dreg:$0x4] =	wrdreg s23  }
0x13: {  	s2 =	sadd.s32 s2, s5;
	s0 =	sadd.s32 $0x68800, s0;
	[dreg:$0x5] =	wrdreg s7  }
0x14: {  	s13 =	simm.s32 $0x0;
	s26 =	sadd.s32 $0xE0, s2;
	[dreg:$0xd] =	wrdreg s0  }
0x15: {  	s2 =	simm.s32 $0x3;
	s17 =	sadd.s32 $0x20, s14;
	[dreg:$0x10] =	wrdreg s26  }
0x16: {  	s12 =	simm.s32 $0x4;
	s18 =	sadd.s32 $0x40, s14;
	[dreg:$0x7] =	wrdreg s17  }
0x17: {  	s19 =	sadd.s32 $0x60, s14;
	s20 =	sadd.s32 $0x80, s14;
	[dreg:$0x8] =	wrdreg s18  }
0x18: {  	s21 =	sadd.s32 $0xA0, s14;
	s14 =	sadd.s32 $0xC0, s14;
	[dreg:$0x9] =	wrdreg s19  }
0x19: {  	s0 =	smov.u32 s4;
	s22 =	simm.s32 $0x14200;
	[dreg:$0xa] =	wrdreg s20  }
0x1a: {  	s23 =	simm.s32 $0x1;
	s26 =	simm.s32 $0x2;
	[dreg:$0xb] =	wrdreg s21  }
0x1b: {  	s7 =	simm.s32 $0x6;
	[dreg:$0xc] =	wrdreg s14;
	s0 =	smov.u32 @p0 s8  }
0x1c: {  	s14 =	sor.u32 $0x1C09, s25;
	s19 =	simm.s32 $0x9;
	s20 =	simm.s32 $0x14000  }
0x1d: {  	s21 =	simm.s32 $0x14100;
	s25 =	simm.s32 $0x14400;
	s0 =	sadd.s32 s0, s16  }
0x1e: {  	s8 =	simm.s32 $0x14180;
	s16 =	sshrl.u32 s9, $0x3;
	[dreg:$0xf] =	wrdreg s0  }
0x1f: {  	s9 =	simm.s32 $0x8;
	s0 =	simm.s32 $0x7;
	[dreg:$0x11] =	wrdreg s16  }
.LBB2_1:
0x20: {  	s6 =	rddreg [dreg:$0xf]  }
0x21: {  	[spmem:s16], [sflag:s14] =	dma.local [hbm:s6], $0x2800  }
0x22: {  	_ =	swait.ge [sflag:s19], $0x2800  }
0x23: {  	[sflag:s19] =	ssyncset.done $0x0  }
0x24: {  	[sflag:s19] =	ssyncadd.s32 $0xFFFFD800  }
0x25: {  	[bflag:$0x0] =	sbarrier.arrive $0xFFFF  }
0x26: {  	s17 =	rddreg [dreg:$0x6]  }
0x27: {  	[tilespmem:s20], [sflag:$0x1] =	stream.linear.gather [hbm4b:s17+s3], $0x100, $0x38;
	[tilespmem:$0x1C400] =	vst v63  }
0x28: {  	s18 =	rddreg [dreg:$0x7]  }
0x29: {  	[tilespmem:s21], [sflag:$0x2] =	stream.linear.gather [hbm4b:s18+s3], $0x100, $0x38;
	[tilespmem:$0x1C400] =	vst v63  }
0x2a: {  	s15 =	smov.u32 s14;
	s14 =	rddreg [dreg:$0x8]  }
0x2b: {  	[tilespmem:s22], [sflag:$0x3] =	stream.linear.gather [hbm4b:s14+s3], $0x100, $0x38;
	[tilespmem:$0x1C400] =	vst v63  }
0x2c: {  	_ =	swait.ge [sflag:s23], $0x100  }
0x2d: {  	[sflag:s23] =	ssyncset.done $0x0  }
0x2e: {  	[sflag:s23] =	ssyncadd.s32 $0xFFFFFF00  }
0x2f: {  	[tilespmem:s25], [sflag:$0x5] =	stream.indirect.gather [hbm4b:s4+s24], $0x80, s20, s24, $0xb8;
	[tilespmem:$0x1C400] =	vst v63  }
0x30: {  	_ =	swait.ge [sflag:s26], $0x100  }
0x31: {  	[sflag:s26] =	ssyncset.done $0x0  }
0x32: {  	[sflag:s26] =	ssyncadd.s32 $0xFFFFFF00  }
0x33: {  	[tilespmem:s28], [sflag:$0x6] =	stream.indirect.gather [hbm4b:s4+s24], $0x80, s21, s24, $0xb8;
	[tilespmem:$0x1C400] =	vst v63  }
0x34: {  	s16 =	rddreg [dreg:$0x9]  }
0x35: {  	[tilespmem:s29], [sflag:$0x4] =	stream.linear.gather [hbm4b:s16+s3], $0x100, $0x38;
	[tilespmem:$0x1C400] =	vst v63  }
0x36: {  	_ =	swait.ge [sflag:s30], $0x4000  }
0x37: {  	[sflag:s30] =	ssyncset.done $0x0  }
0x38: {  	[sflag:s30] =	ssyncadd.s32 $0xFFFFC000  }
0x39: {  	[spmem:s1] =	stream.indirect.scatter.add.f32 [tilespmem:s25], [sflag:$0x7], $0x80, s31, s24, $0xb8;
	[tilespmem:$0x1C400] =	vst v63  }
0x3a: {  	_ =	swait.ge [sflag:s0], $0x4000  }
0x3b: {  	[sflag:s0] =	ssyncset.done $0x0  }
0x3c: {  	[sflag:s0] =	ssyncadd.s32 $0xFFFFC000  }
0x3d: {  	_ =	swait.ge [sflag:s2], $0x100  }
0x3e: {  	[sflag:s2] =	ssyncset.done $0x0  }
0x3f: {  	[sflag:s2] =	ssyncadd.s32 $0xFFFFFF00  }
0x40: {  	[tilespmem:s25], [sflag:$0x5] =	stream.indirect.gather [hbm4b:s4+s24], $0x80, s22, s24, $0xb8;
	[tilespmem:$0x1C400] =	vst v63  }
0x41: {  	s17 =	rddreg [dreg:$0xa]  }
0x42: {  	[tilespmem:s20], [sflag:$0x1] =	stream.linear.gather [hbm4b:s17+s3], $0x100, $0x38;
	[tilespmem:$0x1C400] =	vst v63  }
0x43: {  	_ =	swait.ge [sflag:s7], $0x4000  }
0x44: {  	[sflag:s7] =	ssyncset.done $0x0  }
0x45: {  	[sflag:s7] =	ssyncadd.s32 $0xFFFFC000  }
0x46: {  	[spmem:s1] =	stream.indirect.scatter.add.f32 [tilespmem:s28], [sflag:$0x8], $0x80, s8, s24, $0xb8;
	[tilespmem:$0x1C400] =	vst v63  }
0x47: {  	_ =	swait.ge [sflag:s9], $0x4000  }
0x48: {  	[sflag:s9] =	ssyncset.done $0x0  }
0x49: {  	[sflag:s9] =	ssyncadd.s32 $0xFFFFC000  }
0x4a: {  	_ =	swait.ge [sflag:s12], $0x100  }
0x4b: {  	[sflag:s12] =	ssyncset.done $0x0  }
0x4c: {  	[sflag:s12] =	ssyncadd.s32 $0xFFFFFF00  }
0x4d: {  	[tilespmem:s28], [sflag:$0x6] =	stream.indirect.gather [hbm4b:s4+s24], $0x80, s29, s24, $0xb8;
	[tilespmem:$0x1C400] =	vst v63  }
0x4e: {  	s18 =	rddreg [dreg:$0xb]  }
0x4f: {  	[tilespmem:s21], [sflag:$0x2] =	stream.linear.gather [hbm4b:s18+s3], $0x100, $0x38;
	[tilespmem:$0x1C400] =	vst v63  }
0x50: {  	_ =	swait.ge [sflag:s30], $0x4000  }
0x51: {  	[sflag:s30] =	ssyncset.done $0x0  }
0x52: {  	[sflag:s30] =	ssyncadd.s32 $0xFFFFC000  }
0x53: {  	[spmem:s1] =	stream.indirect.scatter.add.f32 [tilespmem:s25], [sflag:$0x7], $0x80, s10, s24, $0xb8;
	[tilespmem:$0x1C400] =	vst v63  }
0x54: {  	_ =	swait.ge [sflag:s0], $0x4000  }
0x55: {  	[sflag:s0] =	ssyncset.done $0x0  }
0x56: {  	[sflag:s0] =	ssyncadd.s32 $0xFFFFC000  }
0x57: {  	_ =	swait.ge [sflag:s23], $0x100  }
0x58: {  	[sflag:s23] =	ssyncset.done $0x0  }
0x59: {  	[sflag:s23] =	ssyncadd.s32 $0xFFFFFF00  }
0x5a: {  	[tilespmem:s25], [sflag:$0x5] =	stream.indirect.gather [hbm4b:s4+s24], $0x80, s20, s24, $0xb8;
	[tilespmem:$0x1C400] =	vst v63  }
0x5b: {  	s14 =	rddreg [dreg:$0xc]  }
0x5c: {  	[tilespmem:s22], [sflag:$0x3] =	stream.linear.gather [hbm4b:s14+s3], $0x100, $0x38;
	[tilespmem:$0x1C400] =	vst v63  }
0x5d: {  	_ =	swait.ge [sflag:s7], $0x4000  }
0x5e: {  	[sflag:s7] =	ssyncset.done $0x0  }
0x5f: {  	[sflag:s7] =	ssyncadd.s32 $0xFFFFC000  }
0x60: {  	[spmem:s1] =	stream.indirect.scatter.add.f32 [tilespmem:s28], [sflag:$0x8], $0x80, s11, s24, $0xb8;
	[tilespmem:$0x1C400] =	vst v63  }
0x61: {  	_ =	swait.ge [sflag:s9], $0x4000  }
0x62: {  	[sflag:s9] =	ssyncset.done $0x0  }
0x63: {  	[sflag:s9] =	ssyncadd.s32 $0xFFFFC000  }
0x64: {  	_ =	swait.ge [sflag:s26], $0x100  }
0x65: {  	[sflag:s26] =	ssyncset.done $0x0  }
0x66: {  	[sflag:s26] =	ssyncadd.s32 $0xFFFFFF00  }
0x67: {  	[tilespmem:s28], [sflag:$0x6] =	stream.indirect.gather [hbm4b:s4+s24], $0x80, s21, s24, $0xb8;
	[tilespmem:$0x1C400] =	vst v63  }
0x68: {  	s17 =	rddreg [dreg:$0x10]  }
0x69: {  	[tilespmem:s29], [sflag:$0x4] =	stream.linear.gather [hbm4b:s17+s3], $0x100, $0x38;
	[tilespmem:$0x1C400] =	vst v63  }
0x6a: {  	_ =	swait.ge [sflag:s30], $0x4000  }
0x6b: {  	[sflag:s30] =	ssyncset.done $0x0  }
0x6c: {  	[sflag:s30] =	ssyncadd.s32 $0xFFFFC000  }
0x6d: {  	[spmem:s1] =	stream.indirect.scatter.add.f32 [tilespmem:s25], [sflag:$0x7], $0x80, s31, s24, $0xb8;
	[tilespmem:$0x1C400] =	vst v63  }
0x6e: {  	_ =	swait.ge [sflag:s0], $0x4000  }
0x6f: {  	[sflag:s0] =	ssyncset.done $0x0  }
0x70: {  	[sflag:s0] =	ssyncadd.s32 $0xFFFFC000  }
0x71: {  	_ =	swait.ge [sflag:s2], $0x100  }
0x72: {  	s18 =	smin.u32 s12, $0x4B;
	[sflag:s2] =	ssyncset.done $0x0;
	s16 =	rddreg [dreg:$0x3]  }
0x73: {  	[sflag:s2] =	ssyncadd.s32 $0xFFFFFF00;
	s6 =	sadd.s32 s18, s16  }
0x74: {  	[tilespmem:s25], [sflag:$0x5] =	stream.indirect.gather [hbm4b:s4+s24], $0x80, s22, s24, $0xb8;
	[tilespmem:$0x1C400] =	vst v63  }
0x75: {  	s6 =	sshll.u32 s6, $0x5  }
0x76: {  	s6 =	sadd.s32 s5, s6  }
0x77: {  	[tilespmem:s20], [sflag:$0x1] =	stream.linear.gather [hbm4b:s6+s3], $0x100, $0x38;
	[tilespmem:$0x1C400] =	vst v63  }
0x78: {  	_ =	swait.ge [sflag:s7], $0x4000  }
0x79: {  	[sflag:s7] =	ssyncset.done $0x0  }
0x7a: {  	[sflag:s7] =	ssyncadd.s32 $0xFFFFC000  }
0x7b: {  	[spmem:s1] =	stream.indirect.scatter.add.f32 [tilespmem:s28], [sflag:$0x8], $0x80, s8, s24, $0xb8;
	[tilespmem:$0x1C400] =	vst v63  }
0x7c: {  	_ =	swait.ge [sflag:s9], $0x4000  }
0x7d: {  	[sflag:s9] =	ssyncset.done $0x0  }
0x7e: {  	[sflag:s9] =	ssyncadd.s32 $0xFFFFC000  }
0x7f: {  	_ =	swait.ge [sflag:s12], $0x100  }
0x80: {  	s18 =	smin.u32 s12, $0x4A;
	[sflag:s12] =	ssyncset.done $0x0;
	s16 =	rddreg [dreg:$0x4]  }
0x81: {  	[sflag:s12] =	ssyncadd.s32 $0xFFFFFF00;
	s6 =	sadd.s32 s18, s16  }
0x82: {  	[tilespmem:s28], [sflag:$0x6] =	stream.indirect.gather [hbm4b:s4+s24], $0x80, s29, s24, $0xb8;
	[tilespmem:$0x1C400] =	vst v63  }
0x83: {  	s6 =	sshll.u32 s6, $0x5  }
0x84: {  	s6 =	sadd.s32 s5, s6  }
0x85: {  	[tilespmem:s21], [sflag:$0x2] =	stream.linear.gather [hbm4b:s6+s3], $0x100, $0x38;
	[tilespmem:$0x1C400] =	vst v63  }
0x86: {  	_ =	swait.ge [sflag:s30], $0x4000  }
0x87: {  	[sflag:s30] =	ssyncset.done $0x0  }
0x88: {  	[sflag:s30] =	ssyncadd.s32 $0xFFFFC000  }
0x89: {  	[spmem:s1] =	stream.indirect.scatter.add.f32 [tilespmem:s25], [sflag:$0x7], $0x80, s10, s24, $0xb8;
	[tilespmem:$0x1C400] =	vst v63  }
0x8a: {  	_ =	swait.ge [sflag:s0], $0x4000  }
0x8b: {  	[sflag:s0] =	ssyncset.done $0x0  }
0x8c: {  	[sflag:s0] =	ssyncadd.s32 $0xFFFFC000  }
0x8d: {  	_ =	swait.ge [sflag:s23], $0x100  }
0x8e: {  	s18 =	smin.u32 s12, $0x49;
	[sflag:s23] =	ssyncset.done $0x0;
	s16 =	rddreg [dreg:$0x5]  }
0x8f: {  	[sflag:s23] =	ssyncadd.s32 $0xFFFFFF00;
	s6 =	sadd.s32 s18, s16  }
0x90: {  	[tilespmem:s25], [sflag:$0x5] =	stream.indirect.gather [hbm4b:s4+s24], $0x80, s20, s24, $0xb8;
	[tilespmem:$0x1C400] =	vst v63  }
0x91: {  	s6 =	sshll.u32 s6, $0x5  }
0x92: {  	s6 =	sadd.s32 s5, s6  }
0x93: {  	[tilespmem:s22], [sflag:$0x3] =	stream.linear.gather [hbm4b:s6+s3], $0x100, $0x38;
	[tilespmem:$0x1C400] =	vst v63  }
0x94: {  	s14 =	simm.s32 $0x8;
	_ =	swait.ge [sflag:s7], $0x4000  }
.LBB2_2:
0x95: {  	[sflag:s7] =	ssyncset.done $0x0  }
0x96: {  	[sflag:s7] =	ssyncadd.s32 $0xFFFFC000  }
0x97: {  	[spmem:s1] =	stream.indirect.scatter.add.f32 [tilespmem:s28], [sflag:$0x8], $0x80, s11, s24, $0xb8;
	[tilespmem:$0x1C400] =	vst v63  }
0x98: {  	_ =	swait.ge [sflag:s9], $0x4000  }
0x99: {  	[sflag:s9] =	ssyncset.done $0x0  }
0x9a: {  	[sflag:s9] =	ssyncadd.s32 $0xFFFFC000  }
0x9b: {  	_ =	swait.ge [sflag:s26], $0x100  }
0x9c: {  	[sflag:s26] =	ssyncset.done $0x0  }
0x9d: {  	[sflag:s26] =	ssyncadd.s32 $0xFFFFFF00  }
0x9e: {  	[tilespmem:s28], [sflag:$0x6] =	stream.indirect.gather [hbm4b:s4+s24], $0x80, s21, s24, $0xb8;
	[tilespmem:$0x1C400] =	vst v63  }
0x9f: {  	s17 =	sadd.s32 $0x80, s17  }
0xa0: {  	[tilespmem:s29], [sflag:$0x4] =	stream.linear.gather [hbm4b:s17+s3], $0x100, $0x38;
	[tilespmem:$0x1C400] =	vst v63  }
0xa1: {  	_ =	swait.ge [sflag:s30], $0x4000  }
0xa2: {  	[sflag:s30] =	ssyncset.done $0x0  }
0xa3: {  	[sflag:s30] =	ssyncadd.s32 $0xFFFFC000  }
0xa4: {  	[spmem:s1] =	stream.indirect.scatter.add.f32 [tilespmem:s25], [sflag:$0x7], $0x80, s31, s24, $0xb8;
	[tilespmem:$0x1C400] =	vst v63  }
0xa5: {  	_ =	swait.ge [sflag:s0], $0x4000  }
0xa6: {  	[sflag:s0] =	ssyncset.done $0x0  }
0xa7: {  	[sflag:s0] =	ssyncadd.s32 $0xFFFFC000  }
0xa8: {  	s6 =	smov.u32 s14;
	_ =	swait.ge [sflag:s2], $0x100  }
0xa9: {  	s18 =	smin.u32 s6, $0x4B;
	[sflag:s2] =	ssyncset.done $0x0;
	s16 =	rddreg [dreg:$0x3]  }
0xaa: {  	[sflag:s2] =	ssyncadd.s32 $0xFFFFFF00;
	s16 =	sadd.s32 s18, s16  }
0xab: {  	[tilespmem:s25], [sflag:$0x5] =	stream.indirect.gather [hbm4b:s4+s24], $0x80, s22, s24, $0xb8;
	[tilespmem:$0x1C400] =	vst v63  }
0xac: {  	s16 =	sshll.u32 s16, $0x5  }
0xad: {  	s16 =	sadd.s32 s5, s16  }
0xae: {  	[tilespmem:s20], [sflag:$0x1] =	stream.linear.gather [hbm4b:s16+s3], $0x100, $0x38;
	[tilespmem:$0x1C400] =	vst v63  }
0xaf: {  	_ =	swait.ge [sflag:s7], $0x4000  }
0xb0: {  	[sflag:s7] =	ssyncset.done $0x0  }
0xb1: {  	[sflag:s7] =	ssyncadd.s32 $0xFFFFC000  }
0xb2: {  	[spmem:s1] =	stream.indirect.scatter.add.f32 [tilespmem:s28], [sflag:$0x8], $0x80, s8, s24, $0xb8;
	[tilespmem:$0x1C400] =	vst v63  }
0xb3: {  	_ =	swait.ge [sflag:s9], $0x4000  }
0xb4: {  	[sflag:s9] =	ssyncset.done $0x0  }
0xb5: {  	[sflag:s9] =	ssyncadd.s32 $0xFFFFC000  }
0xb6: {  	_ =	swait.ge [sflag:s12], $0x100  }
0xb7: {  	s16 =	smin.u32 s6, $0x4A;
	[sflag:s12] =	ssyncset.done $0x0;
	s18 =	rddreg [dreg:$0x4]  }
0xb8: {  	[sflag:s12] =	ssyncadd.s32 $0xFFFFFF00;
	s16 =	sadd.s32 s16, s18  }
0xb9: {  	[tilespmem:s28], [sflag:$0x6] =	stream.indirect.gather [hbm4b:s4+s24], $0x80, s29, s24, $0xb8;
	[tilespmem:$0x1C400] =	vst v63  }
0xba: {  	s16 =	sshll.u32 s16, $0x5  }
0xbb: {  	s16 =	sadd.s32 s5, s16  }
0xbc: {  	[tilespmem:s21], [sflag:$0x2] =	stream.linear.gather [hbm4b:s16+s3], $0x100, $0x38;
	[tilespmem:$0x1C400] =	vst v63  }
0xbd: {  	_ =	swait.ge [sflag:s30], $0x4000  }
0xbe: {  	[sflag:s30] =	ssyncset.done $0x0  }
0xbf: {  	[sflag:s30] =	ssyncadd.s32 $0xFFFFC000  }
0xc0: {  	[spmem:s1] =	stream.indirect.scatter.add.f32 [tilespmem:s25], [sflag:$0x7], $0x80, s10, s24, $0xb8;
	[tilespmem:$0x1C400] =	vst v63  }
0xc1: {  	_ =	swait.ge [sflag:s0], $0x4000  }
0xc2: {  	[sflag:s0] =	ssyncset.done $0x0  }
0xc3: {  	[sflag:s0] =	ssyncadd.s32 $0xFFFFC000  }
0xc4: {  	_ =	swait.ge [sflag:s23], $0x100  }
0xc5: {  	p0 =	sne.s32 s14, $0x4C;
	[sflag:s23] =	ssyncset.done $0x0  }
0xc6: {  	s6 =	smin.u32 s6, $0x49;
	s18 =	rddreg [dreg:$0x5];
	[sflag:s23] =	ssyncadd.s32 $0xFFFFFF00  }
0xc7: {  	[tilespmem:s25], [sflag:$0x5] =	stream.indirect.gather [hbm4b:s4+s24], $0x80, s20, s24, $0xb8;
	[tilespmem:$0x1C400] =	vst v63  }
.Ltmp0:
0xc8: {  	s6 =	sadd.s32 s6, s18;
	(pc) =	sbr.rel @p0 .LBB2_2-.Ltmp0, $4  }
0xc9: {  	s6 =	sshll.u32 s6, $0x5  }
0xca: {  	s6 =	sadd.s32 s5, s6  }
0xcb: {  	[tilespmem:s22], [sflag:$0x3] =	stream.linear.gather [hbm4b:s6+s3], $0x100, $0x38;
	[tilespmem:$0x1C400] =	vst v63  }
0xcc: {  	s14 =	sadd.s32 $0x4, s14;
	_ =	swait.ge [sflag:s7], $0x4000  }
0xcd: {  	[sflag:s7] =	ssyncset.done $0x0  }
0xce: {  	[sflag:s7] =	ssyncadd.s32 $0xFFFFC000  }
0xcf: {  	[spmem:s1] =	stream.indirect.scatter.add.f32 [tilespmem:s28], [sflag:$0x8], $0x80, s11, s24, $0xb8;
	[tilespmem:$0x1C400] =	vst v63  }
0xd0: {  	_ =	swait.ge [sflag:s9], $0x4000  }
0xd1: {  	[sflag:s9] =	ssyncset.done $0x0  }
0xd2: {  	[sflag:s9] =	ssyncadd.s32 $0xFFFFC000  }
0xd3: {  	_ =	swait.ge [sflag:s30], $0x4000  }
0xd4: {  	[sflag:s30] =	ssyncset.done $0x0  }
0xd5: {  	[sflag:s30] =	ssyncadd.s32 $0xFFFFC000  }
0xd6: {  	_ =	swait.ge [sflag:s26], $0x100  }
0xd7: {  	[sflag:s26] =	ssyncset.done $0x0  }
0xd8: {  	[sflag:s26] =	ssyncadd.s32 $0xFFFFFF00  }
0xd9: {  	_ =	swait.ge [sflag:s2], $0x100  }
0xda: {  	[sflag:s2] =	ssyncset.done $0x0  }
0xdb: {  	[sflag:s2] =	ssyncadd.s32 $0xFFFFFF00  }
0xdc: {  	[bflag:$0x0] =	sbarrier.arrive $0xFFFF  }
0xdd: {  	s6 =	rddreg [dreg:$0xd]  }
0xde: {  	s16 =	rddreg [dreg:$0x11]  }
0xdf: {  	[hbm:s6], [sflag:s15] =	dma.local [spmem:s16], $0x2800  }
0xe0: {  	_ =	swait.ge [sflag:s19], $0x2800  }
0xe1: {  	s13 =	sadd.s32 $0x1, s13;
	s18 =	rddreg [dreg:$0xe]  }
0xe2: {  	p0 =	sne.s32 s13, s18  }
.Ltmp1:
0xe3: {  	_ = 	snop;
	(pc) =	sbr.rel @p0 .LBB2_1-.Ltmp1, $3  }
0xe4: {  	_ =	sdelay $0x1  }
0xe5: {  	[sflag:s19] =	ssyncset.done $0x0  }
0xe6: {  	s14 =	smov.u32 s15;
	[sflag:s19] =	ssyncadd.s32 $0xFFFFD800  }
0xe7: {  	_ =	sfence.sel $0x180000  }
0xe8: {  	[bflag:$0x0] =	sbarrier.arrive $0xFFFF  }
0xe9: {  	_ =	strace $0x90000047  }
0xea: {  	s0 =	stileid.u32;
	[bflag:$0x2] =	sbarrier.arrive $0xFFFF  }
0xeb: {  	p0 =	sne.s32 s0, $0x0;
	s0 =	rddreg [dreg:$0x2]  }
0xec: {  	s0 =	sadd.s32 @!p0 $0x100000, s0  }
0xed: {  	[sflag:s0] =	ssyncadd.tile.s32 @!p0 $0x1;
	_ =	shalt  }
.Lfunc_end2:
_tile_overlayer_lowered:
.L_overlay_start_2:
0xee: {  	(tag) =	ssettag $0x2  }
0xef: {  	s0 =	rddreg [dreg:$0x0];
	s2 =	stileid.u32  }
0xf0: {  	s1 =	rddreg [dreg:$0x1];
	p0 =	sne.s32 s2, $0x0  }
0xf1: {  	s3 =	rddreg [dreg:$0x2];
	[bflag:$0x3] =	sbarrier.arrive $0xFFFF;
	s2 =	simm.s32 @!p0 $0x1C09  }
0xf2: {  	[timem:s3], [sflag:s2] =	dma.local @!p0 [hbm:s0], s1  }
0xf3: {  	s0 =	simm.s32 @!p0 $0x9  }
0xf4: {  	_ =	swait.ge @!p0 [sflag:s0], s1  }
0xf5: {  	s1 =	ssub.s32 @!p0 $0x0, s1;
	[sflag:s0] =	ssyncset.done @!p0 $0x0  }
0xf6: {  	[sflag:s0] =	ssyncadd.s32 @!p0 s1  }
0xf7: {  	[bflag:$0x3] =	sbarrier.arrive $0xFFFF  }
0xf8: {  	_ =	shalt  }

</sc_bundles>
